<compile_context>
chip_gen: v7x
topology: tpu7x:2x2x1
jax: 0.10.2.dev20260603
libtpu: 0.0.44.dev20260713+nightly
codegen_flags: <defaults>
</compile_context>

<pallas_src>
import dataclasses
import functools

import jax
import jax.numpy as jnp
from jax import lax
from jax.experimental import pallas as pl
from jax.experimental.pallas import tpu as pltpu
from jax.experimental.pallas import tpu_sc as plsc

N = 10000
E = 160000
F = 256
FH = F // 2

NC = 2
NS = 16
HALF = N // NC
EPW = E // NS
K = 128
NB_MAX = (EPW + K) // K + 1
ACC_ROWS = 5008

_f32 = jnp.float32
_i32 = jnp.int32


def _vgather(vec, idx):
    dn = lax.GatherDimensionNumbers(offset_dims=(), collapsed_slice_dims=(0,),
                                    start_index_map=(0,))
    return lax.gather(vec, idx[:, None], dn, slice_sizes=(1,),
                      mode=lax.GatherScatterMode.PROMISE_IN_BOUNDS)


def _compiler_params():
    cp = pltpu.CompilerParams()
    if "needs_layout_passes" in pltpu.CompilerParams.__dataclass_fields__:
        cp = dataclasses.replace(cp, needs_layout_passes=False)
    return cp


def _make_sc_agg(with_deg):
    mesh = plsc.VectorSubcoreMesh(core_axis_name="c", subcore_axis_name="s")
    if with_deg:
        out_type = (jax.ShapeDtypeStruct((N, F), _f32),
                    jax.ShapeDtypeStruct((NC * 40, K), _f32))
    else:
        out_type = jax.ShapeDtypeStruct((N, F), _f32)

    scratch = [
        pltpu.VMEM((EPW,), _i32),
        pltpu.VMEM((EPW,), _i32),
        pltpu.VMEM((NB_MAX, K), _i32),
        pltpu.VMEM((NB_MAX, K), _i32),
        pltpu.VMEM((NB_MAX, K), _i32),
        pltpu.VMEM((K, FH), _f32),
        pltpu.VMEM((K, FH), _f32),
        pltpu.VMEM((16, FH), _f32),
        pltpu.VMEM_SHARED((ACC_ROWS, FH), _f32),
        pltpu.SMEM((1,), _i32),
        pltpu.SemaphoreType.DMA,
        pltpu.SemaphoreType.DMA,
        pltpu.SemaphoreType.DMA,
    ]
    if with_deg:
        scratch += [
            pltpu.VMEM((40, K), _f32),
            pltpu.VMEM((40,), _i32),
            pltpu.VMEM_SHARED((40, K), _f32),
        ]

    @functools.partial(pl.kernel, out_type=out_type, mesh=mesh,
                       scratch_types=scratch,
                       compiler_params=_compiler_params())
    def body(x2_hbm, esrc_hbm, edst_hbm, *rest):
        if with_deg:
            (summed_hbm, deg_hbm, src_stage, dst_stage, sel0, sel1, dst_sel,
             rows0, rows1, zbuf, acc, cnt_ref, gsem, ssem0, ssem1,
             hist, idx40, degacc) = rest
        else:
            (summed_hbm, src_stage, dst_stage, sel0, sel1, dst_sel,
             rows0, rows1, zbuf, acc, cnt_ref, gsem, ssem0, ssem1) = rest
        c_idx = lax.axis_index("c")
        s_idx = lax.axis_index("s")
        iota16 = lax.iota(_i32, 16)
        zero16 = jnp.zeros((16,), _f32)

        @pl.loop(0, 16)
        def _(r):
            @pl.loop(0, FH, step=16)
            def _(k):
                zbuf[r, pl.ds(k, 16)] = zero16

        if with_deg:
            @pl.loop(0, 40)
            def _(r):
                @pl.loop(0, K, step=16)
                def _(k):
                    hist[r, pl.ds(k, 16)] = zero16

            idx40[pl.ds(0, 16)] = iota16
            idx40[pl.ds(16, 16)] = iota16 + 16
            idx40[pl.ds(24, 16)] = iota16 + 24

            @pl.when(s_idx == 0)
            def _():
                pltpu.sync_copy(hist, degacc)

        lo = s_idx * EPW
        pltpu.sync_copy(esrc_hbm.at[pl.ds(lo, EPW)], src_stage)
        pltpu.sync_copy(edst_hbm.at[pl.ds(lo, EPW)], dst_stage)

        base = c_idx * HALF
        cnt_ref[0] = 0

        @pl.loop(0, EPW, step=16)
        def _(i):
            sv = src_stage[pl.ds(i, 16)]
            dv = dst_stage[pl.ds(i, 16)]
            dl = dv - base
            mask = (dl >= 0) & (dl < HALF)
            mi = mask.astype(_i32)
            cnt = cnt_ref[0]
            pos = cnt + plsc.cumsum(mi) - 1
            row = lax.shift_right_logical(pos, 7)
            col = pos & (K - 1)
            sv2 = sv + sv
            plsc.store_scatter(sel0, [row, col], sv2, mask=mask)
            plsc.store_scatter(sel1, [row, col], sv2 + 1, mask=mask)
            plsc.store_scatter(dst_sel, [row, col], dl, mask=mask)
            cnt_ref[0] = cnt + jnp.sum(mi)
            if with_deg:
                dm = jnp.where(mask, dl, HALF + iota16)
                s, _unused = plsc.sort_key_val(dm, dm)
                prev = _vgather(s, jnp.maximum(iota16 - 1, 0))
                is_head = (iota16 == 0) | (s != prev)
                a = jnp.where(is_head, iota16, 16)
                nxt = _vgather(a, jnp.minimum(iota16 + 1, 15))
                a2 = jnp.where(iota16 == 15, 16, nxt)
                m = 31 - a2
                nh = 31 - lax.rev(plsc.cummax(lax.rev(m, (0,))), (0,))
                counts = (nh - iota16).astype(_f32)
                plsc.addupdate_scatter(
                    hist, [lax.shift_right_logical(s, 7), s & (K - 1)],
                    counts, mask=is_head)

        cnt = cnt_ref[0]
        pad_dst = (iota16 & 7) + HALF
        for j in range(K // 16):
            p = cnt + iota16 + (j * 16)
            row = lax.shift_right_logical(p, 7)
            col = p & (K - 1)
            pad_src = (iota16 + (j * 16)) * 2
            plsc.store_scatter(sel0, [row, col], pad_src)
            plsc.store_scatter(sel1, [row, col], pad_src + 1)
            plsc.store_scatter(dst_sel, [row, col], pad_dst)

        nb = lax.shift_right_logical(cnt + (K - 1), 7)
        zoff = s_idx * 312
        obase = c_idx * HALF
        off = s_idx * 312

        for half in range(2):
            sel = sel0 if half == 0 else sel1

            @pl.loop(0, 304, step=16)
            def _(t):
                pltpu.sync_copy(zbuf, acc.at[pl.ds(zoff + t, 16)])

            @pl.when(s_idx >= 0)
            def _():
                pltpu.sync_copy(zbuf.at[pl.ds(0, 8)],
                                acc.at[pl.ds(zoff + 304, 8)])

            @pl.when(s_idx == 0)
            def _():
                pltpu.sync_copy(zbuf, acc.at[pl.ds(4992, 16)])

            plsc.subcore_barrier()

            if with_deg and half == 0:
                pltpu.sync_copy(hist, degacc.at[idx40], add=True)

            def batch_body(b, carry):
                def do(rows, ssem):
                    @pl.when((b >= 2) & (b - 2 < nb))
                    def _():
                        pltpu.make_async_copy(
                            rows, acc.at[dst_sel.at[b]], ssem).wait()

                    @pl.when(b < nb)
                    def _():
                        pltpu.async_copy(x2_hbm.at[sel.at[b]], rows,
                                         gsem).wait()
                        pltpu.async_copy(rows, acc.at[dst_sel.at[b]], ssem,
                                         add=True)

                @pl.when((b & 1) == 0)
                def _():
                    do(rows0, ssem0)

                @pl.when((b & 1) == 1)
                def _():
                    do(rows1, ssem1)

                return carry

            lax.fori_loop(0, nb + 2, batch_body, jnp.int32(0))

            plsc.subcore_barrier()

            hoff = half * FH
            pltpu.sync_copy(
                acc.at[pl.ds(off, 312)],
                summed_hbm.at[pl.ds(obase + off, 312), pl.ds(hoff, FH)])

            @pl.when(s_idx == 0)
            def _():
                pltpu.sync_copy(
                    acc.at[pl.ds(4992, 8)],
                    summed_hbm.at[pl.ds(obase + 4992, 8), pl.ds(hoff, FH)])
                if with_deg and half == 1:
                    pltpu.sync_copy(degacc,
                                    deg_hbm.at[pl.ds(c_idx * 40, 40)])

            if half == 0:
                plsc.subcore_barrier()

    return body


def _make_sc_deg():
    mesh = plsc.VectorSubcoreMesh(core_axis_name="c", subcore_axis_name="s")
    out_type = jax.ShapeDtypeStruct((NC * 40, K), _f32)

    scratch = [
        pltpu.VMEM((EPW,), _i32),
        pltpu.VMEM((40, K), _f32),
        pltpu.VMEM((16, K), _f32),
        pltpu.VMEM((40,), _i32),
        pltpu.VMEM_SHARED((40, K), _f32),
    ]

    @functools.partial(pl.kernel, out_type=out_type, mesh=mesh,
                       scratch_types=scratch,
                       compiler_params=_compiler_params())
    def body(edst_hbm, deg_hbm, dst_stage, hist, zbuf16, idx40, degacc):
        c_idx = lax.axis_index("c")
        s_idx = lax.axis_index("s")
        iota16 = lax.iota(_i32, 16)
        zero16 = jnp.zeros((16,), _f32)

        @pl.loop(0, 16)
        def _(r):
            @pl.loop(0, K, step=16)
            def _(k):
                zbuf16[r, pl.ds(k, 16)] = zero16

        @pl.loop(0, 40)
        def _(r):
            @pl.loop(0, K, step=16)
            def _(k):
                hist[r, pl.ds(k, 16)] = zero16

        idx40[pl.ds(0, 16)] = iota16
        idx40[pl.ds(16, 16)] = iota16 + 16
        idx40[pl.ds(24, 16)] = iota16 + 24

        @pl.when(s_idx == 0)
        def _():
            pltpu.sync_copy(zbuf16, degacc.at[pl.ds(0, 16)])
            pltpu.sync_copy(zbuf16, degacc.at[pl.ds(16, 16)])
            pltpu.sync_copy(zbuf16.at[pl.ds(0, 8)], degacc.at[pl.ds(32, 8)])

        lo = s_idx * EPW
        pltpu.sync_copy(edst_hbm.at[pl.ds(lo, EPW)], dst_stage)

        base = c_idx * HALF

        @pl.loop(0, EPW, step=16)
        def _(i):
            dv = dst_stage[pl.ds(i, 16)]
            dl = dv - base
            mask = (dl >= 0) & (dl < HALF)
            dm = jnp.where(mask, dl, HALF + iota16)
            s, _ = plsc.sort_key_val(dm, dm)
            prev = _vgather(s, jnp.maximum(iota16 - 1, 0))
            is_head = (iota16 == 0) | (s != prev)
            a = jnp.where(is_head, iota16, 16)
            nxt = _vgather(a, jnp.minimum(iota16 + 1, 15))
            a2 = jnp.where(iota16 == 15, 16, nxt)
            m = 31 - a2
            nh = 31 - lax.rev(plsc.cummax(lax.rev(m, (0,))), (0,))
            counts = (nh - iota16).astype(_f32)
            plsc.addupdate_scatter(
                hist, [lax.shift_right_logical(s, 7), s & (K - 1)],
                counts, mask=is_head)

        plsc.subcore_barrier()

        pltpu.sync_copy(hist, degacc.at[idx40], add=True)

        plsc.subcore_barrier()

        @pl.when(s_idx == 0)
        def _():
            pltpu.sync_copy(degacc, deg_hbm.at[pl.ds(c_idx * 40, 40)])

    return body


_sc_agg_kernel = _make_sc_agg(with_deg=False)
_sc_deg_kernel = _make_sc_deg()


def _tc_self_body(x_ref, w_ref, o_ref):
    o_ref[...] = jnp.dot(x_ref[...], w_ref[...], preferred_element_type=_f32)


def _tc_self(xin, w_top):
    bm = 1000
    return pl.pallas_call(
        _tc_self_body,
        grid=(N // bm,),
        in_specs=[
            pl.BlockSpec((bm, F), lambda i: (i, 0)),
            pl.BlockSpec((F, F), lambda i: (0, 0)),
        ],
        out_specs=pl.BlockSpec((bm, F), lambda i: (i, 0)),
        out_shape=jax.ShapeDtypeStruct((N, F), _f32),
    )(xin, w_top)


def _tc_combine_body(hs_ref, s_ref, d_ref, w_ref, o_ref):
    deg = jnp.maximum(d_ref[:, 0:1], 1.0)
    hn = s_ref[...] / deg
    h = hs_ref[...] + jnp.dot(hn, w_ref[...], preferred_element_type=_f32)
    nrm = jnp.sqrt(jnp.sum(h * h, axis=1, keepdims=True))
    o_ref[...] = h / (nrm + 1e-4)


def _tc_combine(hs, summed, deg, w_bot):
    bm = 1000
    return pl.pallas_call(
        _tc_combine_body,
        grid=(N // bm,),
        in_specs=[
            pl.BlockSpec((bm, F), lambda i: (i, 0)),
            pl.BlockSpec((bm, F), lambda i: (i, 0)),
            pl.BlockSpec((bm, 1), lambda i: (i, 0)),
            pl.BlockSpec((F, F), lambda i: (0, 0)),
        ],
        out_specs=pl.BlockSpec((bm, F), lambda i: (i, 0)),
        out_shape=jax.ShapeDtypeStruct((N, F), _f32),
    )(hs, summed, deg, w_bot)


@jax.jit
def kernel(x, edge_index, weight_in, weight_out):
    esrc = edge_index[0]
    edst = edge_index[1]
    deg_packed = _sc_deg_kernel(edst)
    deg = deg_packed.reshape(NC, 40 * K)[:, :HALF].reshape(N, 1)
    x2 = x.reshape(2 * N, FH)
    summed1 = _sc_agg_kernel(x2, esrc, edst)
    hs1 = _tc_self(x, weight_in[0:F])
    h = _tc_combine(hs1, summed1, deg, weight_in[F:2 * F])
    summed2 = _sc_agg_kernel(h.reshape(2 * N, FH), esrc, edst)
    hs2 = _tc_self(h, weight_out[0:F])
    return _tc_combine(hs2, summed2, deg, weight_out[F:2 * F])

# --- scband reference (transcript-rebuilt; emitter-appended) ---
"""Pipeline reference for scband-graph-sage-59270548685175 (READ-ONLY COPY).

The authoritative reference and input builder live on the scoring server;
editing this copy changes nothing except your own understanding.
"""

import jax, jax.numpy as jnp
import numpy as np

N = 10000
E = 160000
IN_FEAT = 256
HID_FEAT = 256
OUT_FEAT = 256


def _xavier_uniform(key, shape, gain):
    fan_in, fan_out = shape[0], shape[1]
    bound = gain * np.sqrt(6.0 / (fan_in + fan_out))
    return jax.random.uniform(key, shape, minval=-bound, maxval=bound, dtype=jnp.float32)


def setup_inputs(seed: int = 0) -> dict:
    key = jax.random.key(seed)
    k1, k2, k3, k4 = jax.random.split(key, 4)
    x = jax.random.normal(k1, (N, IN_FEAT), dtype=jnp.float32)
    edge_index = jax.random.randint(k2, (2, E), 0, N, dtype=jnp.int32)
    gain = np.sqrt(2.0)  # calculate_gain('relu')
    weight_in = _xavier_uniform(k3, (IN_FEAT * 2, HID_FEAT), gain)
    weight_out = _xavier_uniform(k4, (HID_FEAT * 2, OUT_FEAT), gain)
    return {"x": x, "edge_index": edge_index, "weight_in": weight_in, "weight_out": weight_out}


def _mean_neigh(h_src, src, dst, n_nodes):
    msg = jnp.take(h_src, src, axis=0)
    summed = jax.ops.segment_sum(msg, dst, num_segments=n_nodes)
    deg = jax.ops.segment_sum(jnp.ones((src.shape[0],), dtype=h_src.dtype), dst, num_segments=n_nodes)
    return summed / jnp.maximum(deg, 1.0)[:, None]


def reference(x, edge_index, weight_in, weight_out):
    # GraphSAGE with K=2, mean aggregator, no activation, dropout=0 (eval).
    # DGL blocks replaced by full-graph message passing: all N nodes are dst nodes.
    src = edge_index[0]
    dst = edge_index[1]

    # Layer 0: mean of neighbor features, concat with self, linear, l2-normalize
    h_neigh = _mean_neigh(x, src, dst, N)
    h = jnp.matmul(jnp.concatenate([x, h_neigh], axis=1), weight_in)
    norm = jnp.linalg.norm(h, axis=1)
    h = h / (norm[:, None] + 0.0001)

    # Layer 1 (K-1, output layer): same structure with weight_out, no activation
    h_neigh2 = _mean_neigh(h, src, dst, N)
    h2 = jnp.matmul(jnp.concatenate([h, h_neigh2], axis=1), weight_out)
    norm2 = jnp.linalg.norm(h2, axis=1)
    h2 = h2 / (norm2[:, None] + 0.0001)
    return h2

if __name__ == "__main__":
    import jax
    _d = setup_inputs()
    print(jax.jit(kernel)(*tuple(_d.values())))

</pallas_src>

<mosaic_0001>
#map = affine_map<(d0, d1) -> (0, 0)>
#map1 = affine_map<(d0, d1) -> (0)>
module attributes {stable_mosaic.version = 14 : i64} {
  func.func @body(%arg0: i32, %arg1: i32, %arg2: memref<20000x128xf32, #tpu.memory_space<hbm>>, %arg3: memref<160000xi32, #tpu.memory_space<hbm>>, %arg4: memref<160000xi32, #tpu.memory_space<hbm>>, %arg5: memref<10000x256xf32, #tpu.memory_space<hbm>>, %arg6: memref<10000xi32, #tpu.memory_space<vmem>>, %arg7: memref<10000xi32, #tpu.memory_space<vmem>>, %arg8: memref<80x128xi32, #tpu.memory_space<vmem>>, %arg9: memref<80x128xi32, #tpu.memory_space<vmem>>, %arg10: memref<80x128xi32, #tpu.memory_space<vmem>>, %arg11: memref<128x128xf32, #tpu.memory_space<vmem>>, %arg12: memref<128x128xf32, #tpu.memory_space<vmem>>, %arg13: memref<16x128xf32, #tpu.memory_space<vmem>>, %arg14: memref<5008x128xf32, #tpu.memory_space<vmem_shared>>, %arg15: memref<1xi32, #tpu.memory_space<smem>>, %arg16: memref<!tpu.dma_semaphore, #tpu.memory_space<semaphore_mem>>, %arg17: memref<!tpu.dma_semaphore, #tpu.memory_space<semaphore_mem>>, %arg18: memref<!tpu.dma_semaphore, #tpu.memory_space<semaphore_mem>>) attributes {dimension_semantics = [#tpu.dimension_semantics<core_parallel>, #tpu.dimension_semantics<subcore_parallel>], iteration_bounds = array<i64: 2, 16>, scalar_prefetch = 0 : i64, scratch_operands = 13 : i64, tpu.core_type = #tpu.core_type<sc_vector_subcore>, window_params = [{transform_indices = #map}, {transform_indices = #map1}, {transform_indices = #map1}, {transform_indices = #map}]} {
    %iota3A = tpu.iota {dimensions = array<i32: 0>} : vector<16xi32>
    %broadcast_in_dim3A = arith.constant 0.000000e+00 : f32
    %broadcast_in_dim3A_0 = vector.broadcast %broadcast_in_dim3A : f32 to vector<16xf32>
    %scan3A = arith.constant 0 : i32
    %scan3A_1 = arith.constant 16 : i32
    %scan3A_2 = arith.addi %scan3A, %scan3A_1 : i32
    %scan3A_3 = arith.constant 1 : i32
    scf.for %scan3A_256 = %scan3A to %scan3A_2 step %scan3A_3  : i32 {
      %mul3A_257 = arith.constant 1 : i32
      %mul3A_258 = arith.muli %scan3A_256, %mul3A_257 : i32
      %add3A_259 = arith.constant 0 : i32
      %add3A_260 = arith.addi %add3A_259, %mul3A_258 : i32
      %scan3A_261 = arith.constant 0 : i32
      %scan3A_262 = arith.constant 8 : i32
      %scan3A_263 = arith.addi %scan3A_261, %scan3A_262 : i32
      %scan3A_264 = arith.constant 1 : i32
      scf.for %scan3A_266 = %scan3A_261 to %scan3A_263 step %scan3A_264  : i32 {
        %mul3A_267 = arith.constant 16 : i32
        %mul3A_268 = arith.muli %scan3A_266, %mul3A_267 : i32
        %add3A_269 = arith.constant 0 : i32
        %add3A_270 = arith.addi %add3A_269, %mul3A_268 : i32
        %swap3A_271 = arith.index_cast %add3A_260 : i32 to index
        %swap3A_272 = arith.index_cast %add3A_270 : i32 to index
        %swap3A_273 = tpu.vector_load %arg13[%swap3A_271, %swap3A_272] {strides = array<i32>} : memref<16x128xf32, #tpu.memory_space<vmem>>, vector<16xf32>,
        tpu.vector_store %arg13[%swap3A_271, %swap3A_272], %broadcast_in_dim3A_0 {strides = array<i32>} : memref<16x128xf32, #tpu.memory_space<vmem>>, vector<16xf32>,
      }
      %scan3A_265 = arith.constant 8 : i32
    }
    %scan3A_4 = arith.constant 16 : i32
    %mul3A = arith.constant 10000 : i32
    %mul3A_5 = arith.muli %arg1, %mul3A : i32
    "tpu.region"() ({
      %run_scoped3A = tpu.sem_alloc : memref<!tpu.dma_semaphore, #tpu.memory_space<semaphore_mem>>
      %dma_start3A = tpu.memref_slice %arg3[%mul3A_5] : memref<160000xi32, #tpu.memory_space<hbm>> -> memref<10000xi32, #tpu.memory_space<hbm>>
      %dma_start3A_256 = tpu.memref_slice %arg3[%mul3A_5] : memref<160000xi32, #tpu.memory_space<hbm>> -> memref<10000xi32, #tpu.memory_space<hbm>>
      tpu.enqueue_dma source(%dma_start3A_256 : memref<10000xi32, #tpu.memory_space<hbm>>) target(%arg6 : memref<10000xi32, #tpu.memory_space<vmem>>) target_semaphore(%run_scoped3A : memref<!tpu.dma_semaphore, #tpu.memory_space<semaphore_mem>>)
      %dma_wait3A = tpu.memref_slice %arg3[%mul3A_5] : memref<160000xi32, #tpu.memory_space<hbm>> -> memref<10000xi32, #tpu.memory_space<hbm>>
      %dma_wait3A_257 = tpu.memref_slice %arg3[%mul3A_5] : memref<160000xi32, #tpu.memory_space<hbm>> -> memref<10000xi32, #tpu.memory_space<hbm>>
      tpu.wait_dma2 semaphore(%run_scoped3A : memref<!tpu.dma_semaphore, #tpu.memory_space<semaphore_mem>>) src(%dma_wait3A_257 : memref<10000xi32, #tpu.memory_space<hbm>>) dst(%arg6 : memref<10000xi32, #tpu.memory_space<vmem>>)
      tpu.yield
    }) : () -> ()
    "tpu.region"() ({
      %run_scoped3A = tpu.sem_alloc : memref<!tpu.dma_semaphore, #tpu.memory_space<semaphore_mem>>
      %dma_start3A = tpu.memref_slice %arg4[%mul3A_5] : memref<160000xi32, #tpu.memory_space<hbm>> -> memref<10000xi32, #tpu.memory_space<hbm>>
      %dma_start3A_256 = tpu.memref_slice %arg4[%mul3A_5] : memref<160000xi32, #tpu.memory_space<hbm>> -> memref<10000xi32, #tpu.memory_space<hbm>>
      tpu.enqueue_dma source(%dma_start3A_256 : memref<10000xi32, #tpu.memory_space<hbm>>) target(%arg7 : memref<10000xi32, #tpu.memory_space<vmem>>) target_semaphore(%run_scoped3A : memref<!tpu.dma_semaphore, #tpu.memory_space<semaphore_mem>>)
      %dma_wait3A = tpu.memref_slice %arg4[%mul3A_5] : memref<160000xi32, #tpu.memory_space<hbm>> -> memref<10000xi32, #tpu.memory_space<hbm>>
      %dma_wait3A_257 = tpu.memref_slice %arg4[%mul3A_5] : memref<160000xi32, #tpu.memory_space<hbm>> -> memref<10000xi32, #tpu.memory_space<hbm>>
      tpu.wait_dma2 semaphore(%run_scoped3A : memref<!tpu.dma_semaphore, #tpu.memory_space<semaphore_mem>>) src(%dma_wait3A_257 : memref<10000xi32, #tpu.memory_space<hbm>>) dst(%arg7 : memref<10000xi32, #tpu.memory_space<vmem>>)
      tpu.yield
    }) : () -> ()
    %mul3A_6 = arith.constant 5000 : i32
    %mul3A_7 = arith.muli %arg0, %mul3A_6 : i32
    %swap3A = arith.constant 0 : i32
    %swap3A_8 = arith.constant 0 : i32
    %swap3A_9 = arith.index_cast %swap3A_8 : i32 to index
    %swap3A_10 = memref.load %arg15[%swap3A_9] : memref<1xi32, #tpu.memory_space<smem>>
    memref.store %swap3A, %arg15[%swap3A_9] : memref<1xi32, #tpu.memory_space<smem>>
    %scan3A_11 = arith.constant 0 : i32
    %scan3A_12 = arith.constant 625 : i32
    %scan3A_13 = arith.addi %scan3A_11, %scan3A_12 : i32
    %scan3A_14 = arith.constant 1 : i32
    scf.for %scan3A_256 = %scan3A_11 to %scan3A_13 step %scan3A_14  : i32 {
      %mul3A_257 = arith.constant 16 : i32
      %mul3A_258 = arith.muli %scan3A_256, %mul3A_257 : i32
      %add3A_259 = arith.constant 0 : i32
      %add3A_260 = arith.addi %add3A_259, %mul3A_258 : i32
      %get3A_261 = arith.index_cast %add3A_260 : i32 to index
      %get3A_262 = tpu.vector_load %arg6[%get3A_261] {strides = array<i32>} : memref<10000xi32, #tpu.memory_space<vmem>>, vector<16xi32>,
      %get3A_263 = arith.index_cast %add3A_260 : i32 to index
      %get3A_264 = tpu.vector_load %arg7[%get3A_263] {strides = array<i32>} : memref<10000xi32, #tpu.memory_space<vmem>>, vector<16xi32>,
      %sub3A = vector.broadcast %mul3A_7 : i32 to vector<16xi32>
      %sub3A_265 = arith.subi %get3A_264, %sub3A : vector<16xi32>
      %ge3A_266 = arith.constant 0 : i32
      %ge3A_267 = vector.broadcast %ge3A_266 : i32 to vector<16xi32>
      %ge3A_268 = arith.cmpi sge, %sub3A_265, %ge3A_267 : vector<16xi32>
      %lt3A = arith.constant 5000 : i32
      %lt3A_269 = vector.broadcast %lt3A : i32 to vector<16xi32>
      %lt3A_270 = arith.cmpi slt, %sub3A_265, %lt3A_269 : vector<16xi32>
      %and3A_271 = arith.andi %ge3A_268, %lt3A_270 : vector<16xi1>
      %convert_element_type3A_272 = arith.extui %and3A_271 : vector<16xi1> to vector<16xi32>
      %get3A_273 = arith.constant 0 : i32
      %get3A_274 = arith.index_cast %get3A_273 : i32 to index
      %get3A_275 = memref.load %arg15[%get3A_274] : memref<1xi32, #tpu.memory_space<smem>>
      %broadcast_in_dim3A_276 = arith.constant true
      %broadcast_in_dim3A_277 = vector.broadcast %broadcast_in_dim3A_276 : i1 to vector<16xi1>
      %masked_cumsum3A = tpu.scan <sum>, %convert_element_type3A_272 masked %broadcast_in_dim3A_277 : vector<16xi32>, vector<16xi1> -> vector<16xi32>
      %add3A_278 = vector.broadcast %get3A_275 : i32 to vector<16xi32>
      %add3A_279 = arith.addi %add3A_278, %masked_cumsum3A : vector<16xi32>
      %sub3A_280 = arith.constant 1 : i32
      %sub3A_281 = vector.broadcast %sub3A_280 : i32 to vector<16xi32>
      %sub3A_282 = arith.subi %add3A_279, %sub3A_281 : vector<16xi32>
      %shift_right_logical3A_283 = arith.constant 7 : i32
      %shift_right_logical3A_284 = vector.broadcast %shift_right_logical3A_283 : i32 to vector<16xi32>
      %shift_right_logical3A_285 = arith.shrui %sub3A_282, %shift_right_logical3A_284 : vector<16xi32>
      %and3A_286 = arith.constant 127 : i32
      %and3A_287 = vector.broadcast %and3A_286 : i32 to vector<16xi32>
      %and3A_288 = arith.andi %sub3A_282, %and3A_287 : vector<16xi32>
      %add3A_289 = arith.addi %get3A_262, %get3A_262 : vector<16xi32>
      tpu.vector_store_idx %arg8[%shift_right_logical3A_285, %and3A_288], %add3A_289 masked %and3A_271 : memref<80x128xi32, #tpu.memory_space<vmem>>[vector<16xi32>, vector<16xi32>], vector<16xi32>, vector<16xi1>
      %add3A_290 = arith.constant 1 : i32
      %add3A_291 = vector.broadcast %add3A_290 : i32 to vector<16xi32>
      %add3A_292 = arith.addi %add3A_289, %add3A_291 : vector<16xi32>
      tpu.vector_store_idx %arg9[%shift_right_logical3A_285, %and3A_288], %add3A_292 masked %and3A_271 : memref<80x128xi32, #tpu.memory_space<vmem>>[vector<16xi32>, vector<16xi32>], vector<16xi32>, vector<16xi1>
      tpu.vector_store_idx %arg10[%shift_right_logical3A_285, %and3A_288], %sub3A_265 masked %and3A_271 : memref<80x128xi32, #tpu.memory_space<vmem>>[vector<16xi32>, vector<16xi32>], vector<16xi32>, vector<16xi1>
      %reduce_sum3A = arith.constant true
      %reduce_sum3A_293 = vector.broadcast %reduce_sum3A : i1 to vector<16xi1>
      %reduce_sum3A_294 = tpu.scan <sum>, %convert_element_type3A_272 masked %reduce_sum3A_293 : vector<16xi32>, vector<16xi1> -> vector<16xi32>
      %reduce_sum3A_295 = vector.extract %reduce_sum3A_294[15] : i32 from vector<16xi32>
      %add3A_296 = arith.addi %get3A_275, %reduce_sum3A_295 : i32
      %swap3A_297 = arith.constant 0 : i32
      %swap3A_298 = arith.index_cast %swap3A_297 : i32 to index
      %swap3A_299 = memref.load %arg15[%swap3A_298] : memref<1xi32, #tpu.memory_space<smem>>
      memref.store %add3A_296, %arg15[%swap3A_298] : memref<1xi32, #tpu.memory_space<smem>>
    }
    %scan3A_15 = arith.constant 625 : i32
    %get3A = arith.constant 0 : i32
    %get3A_16 = arith.index_cast %get3A : i32 to index
    %get3A_17 = memref.load %arg15[%get3A_16] : memref<1xi32, #tpu.memory_space<smem>>
    %and3A = arith.constant 7 : i32
    %and3A_18 = vector.broadcast %and3A : i32 to vector<16xi32>
    %and3A_19 = arith.andi %iota3A, %and3A_18 : vector<16xi32>
    %add3A = arith.constant 5000 : i32
    %add3A_20 = vector.broadcast %add3A : i32 to vector<16xi32>
    %add3A_21 = arith.addi %and3A_19, %add3A_20 : vector<16xi32>
    %add3A_22 = vector.broadcast %get3A_17 : i32 to vector<16xi32>
    %add3A_23 = arith.addi %add3A_22, %iota3A : vector<16xi32>
    %add3A_24 = arith.constant 0 : i32
    %add3A_25 = vector.broadcast %add3A_24 : i32 to vector<16xi32>
    %add3A_26 = arith.addi %add3A_23, %add3A_25 : vector<16xi32>
    %shift_right_logical3A = arith.constant 7 : i32
    %shift_right_logical3A_27 = vector.broadcast %shift_right_logical3A : i32 to vector<16xi32>
    %shift_right_logical3A_28 = arith.shrui %add3A_26, %shift_right_logical3A_27 : vector<16xi32>
    %and3A_29 = arith.constant 127 : i32
    %and3A_30 = vector.broadcast %and3A_29 : i32 to vector<16xi32>
    %and3A_31 = arith.andi %add3A_26, %and3A_30 : vector<16xi32>
    %add3A_32 = arith.constant 0 : i32
    %add3A_33 = vector.broadcast %add3A_32 : i32 to vector<16xi32>
    %add3A_34 = arith.addi %iota3A, %add3A_33 : vector<16xi32>
    %mul3A_35 = arith.constant 2 : i32
    %mul3A_36 = vector.broadcast %mul3A_35 : i32 to vector<16xi32>
    %mul3A_37 = arith.muli %add3A_34, %mul3A_36 : vector<16xi32>
    tpu.vector_store_idx %arg8[%shift_right_logical3A_28, %and3A_31], %mul3A_37 : memref<80x128xi32, #tpu.memory_space<vmem>>[vector<16xi32>, vector<16xi32>], vector<16xi32>,
    %add3A_38 = arith.constant 1 : i32
    %add3A_39 = vector.broadcast %add3A_38 : i32 to vector<16xi32>
    %add3A_40 = arith.addi %mul3A_37, %add3A_39 : vector<16xi32>
    tpu.vector_store_idx %arg9[%shift_right_logical3A_28, %and3A_31], %add3A_40 : memref<80x128xi32, #tpu.memory_space<vmem>>[vector<16xi32>, vector<16xi32>], vector<16xi32>,
    tpu.vector_store_idx %arg10[%shift_right_logical3A_28, %and3A_31], %add3A_21 : memref<80x128xi32, #tpu.memory_space<vmem>>[vector<16xi32>, vector<16xi32>], vector<16xi32>,
    %add3A_41 = vector.broadcast %get3A_17 : i32 to vector<16xi32>
    %add3A_42 = arith.addi %add3A_41, %iota3A : vector<16xi32>
    %add3A_43 = arith.constant 16 : i32
    %add3A_44 = vector.broadcast %add3A_43 : i32 to vector<16xi32>
    %add3A_45 = arith.addi %add3A_42, %add3A_44 : vector<16xi32>
    %shift_right_logical3A_46 = arith.constant 7 : i32
    %shift_right_logical3A_47 = vector.broadcast %shift_right_logical3A_46 : i32 to vector<16xi32>
    %shift_right_logical3A_48 = arith.shrui %add3A_45, %shift_right_logical3A_47 : vector<16xi32>
    %and3A_49 = arith.constant 127 : i32
    %and3A_50 = vector.broadcast %and3A_49 : i32 to vector<16xi32>
    %and3A_51 = arith.andi %add3A_45, %and3A_50 : vector<16xi32>
    %add3A_52 = arith.constant 16 : i32
    %add3A_53 = vector.broadcast %add3A_52 : i32 to vector<16xi32>
    %add3A_54 = arith.addi %iota3A, %add3A_53 : vector<16xi32>
    %mul3A_55 = arith.constant 2 : i32
    %mul3A_56 = vector.broadcast %mul3A_55 : i32 to vector<16xi32>
    %mul3A_57 = arith.muli %add3A_54, %mul3A_56 : vector<16xi32>
    tpu.vector_store_idx %arg8[%shift_right_logical3A_48, %and3A_51], %mul3A_57 : memref<80x128xi32, #tpu.memory_space<vmem>>[vector<16xi32>, vector<16xi32>], vector<16xi32>,
    %add3A_58 = arith.constant 1 : i32
    %add3A_59 = vector.broadcast %add3A_58 : i32 to vector<16xi32>
    %add3A_60 = arith.addi %mul3A_57, %add3A_59 : vector<16xi32>
    tpu.vector_store_idx %arg9[%shift_right_logical3A_48, %and3A_51], %add3A_60 : memref<80x128xi32, #tpu.memory_space<vmem>>[vector<16xi32>, vector<16xi32>], vector<16xi32>,
    tpu.vector_store_idx %arg10[%shift_right_logical3A_48, %and3A_51], %add3A_21 : memref<80x128xi32, #tpu.memory_space<vmem>>[vector<16xi32>, vector<16xi32>], vector<16xi32>,
    %add3A_61 = vector.broadcast %get3A_17 : i32 to vector<16xi32>
    %add3A_62 = arith.addi %add3A_61, %iota3A : vector<16xi32>
    %add3A_63 = arith.constant 32 : i32
    %add3A_64 = vector.broadcast %add3A_63 : i32 to vector<16xi32>
    %add3A_65 = arith.addi %add3A_62, %add3A_64 : vector<16xi32>
    %shift_right_logical3A_66 = arith.constant 7 : i32
    %shift_right_logical3A_67 = vector.broadcast %shift_right_logical3A_66 : i32 to vector<16xi32>
    %shift_right_logical3A_68 = arith.shrui %add3A_65, %shift_right_logical3A_67 : vector<16xi32>
    %and3A_69 = arith.constant 127 : i32
    %and3A_70 = vector.broadcast %and3A_69 : i32 to vector<16xi32>
    %and3A_71 = arith.andi %add3A_65, %and3A_70 : vector<16xi32>
    %add3A_72 = arith.constant 32 : i32
    %add3A_73 = vector.broadcast %add3A_72 : i32 to vector<16xi32>
    %add3A_74 = arith.addi %iota3A, %add3A_73 : vector<16xi32>
    %mul3A_75 = arith.constant 2 : i32
    %mul3A_76 = vector.broadcast %mul3A_75 : i32 to vector<16xi32>
    %mul3A_77 = arith.muli %add3A_74, %mul3A_76 : vector<16xi32>
    tpu.vector_store_idx %arg8[%shift_right_logical3A_68, %and3A_71], %mul3A_77 : memref<80x128xi32, #tpu.memory_space<vmem>>[vector<16xi32>, vector<16xi32>], vector<16xi32>,
    %add3A_78 = arith.constant 1 : i32
    %add3A_79 = vector.broadcast %add3A_78 : i32 to vector<16xi32>
    %add3A_80 = arith.addi %mul3A_77, %add3A_79 : vector<16xi32>
    tpu.vector_store_idx %arg9[%shift_right_logical3A_68, %and3A_71], %add3A_80 : memref<80x128xi32, #tpu.memory_space<vmem>>[vector<16xi32>, vector<16xi32>], vector<16xi32>,
    tpu.vector_store_idx %arg10[%shift_right_logical3A_68, %and3A_71], %add3A_21 : memref<80x128xi32, #tpu.memory_space<vmem>>[vector<16xi32>, vector<16xi32>], vector<16xi32>,
    %add3A_81 = vector.broadcast %get3A_17 : i32 to vector<16xi32>
    %add3A_82 = arith.addi %add3A_81, %iota3A : vector<16xi32>
    %add3A_83 = arith.constant 48 : i32
    %add3A_84 = vector.broadcast %add3A_83 : i32 to vector<16xi32>
    %add3A_85 = arith.addi %add3A_82, %add3A_84 : vector<16xi32>
    %shift_right_logical3A_86 = arith.constant 7 : i32
    %shift_right_logical3A_87 = vector.broadcast %shift_right_logical3A_86 : i32 to vector<16xi32>
    %shift_right_logical3A_88 = arith.shrui %add3A_85, %shift_right_logical3A_87 : vector<16xi32>
    %and3A_89 = arith.constant 127 : i32
    %and3A_90 = vector.broadcast %and3A_89 : i32 to vector<16xi32>
    %and3A_91 = arith.andi %add3A_85, %and3A_90 : vector<16xi32>
    %add3A_92 = arith.constant 48 : i32
    %add3A_93 = vector.broadcast %add3A_92 : i32 to vector<16xi32>
    %add3A_94 = arith.addi %iota3A, %add3A_93 : vector<16xi32>
    %mul3A_95 = arith.constant 2 : i32
    %mul3A_96 = vector.broadcast %mul3A_95 : i32 to vector<16xi32>
    %mul3A_97 = arith.muli %add3A_94, %mul3A_96 : vector<16xi32>
    tpu.vector_store_idx %arg8[%shift_right_logical3A_88, %and3A_91], %mul3A_97 : memref<80x128xi32, #tpu.memory_space<vmem>>[vector<16xi32>, vector<16xi32>], vector<16xi32>,
    %add3A_98 = arith.constant 1 : i32
    %add3A_99 = vector.broadcast %add3A_98 : i32 to vector<16xi32>
    %add3A_100 = arith.addi %mul3A_97, %add3A_99 : vector<16xi32>
    tpu.vector_store_idx %arg9[%shift_right_logical3A_88, %and3A_91], %add3A_100 : memref<80x128xi32, #tpu.memory_space<vmem>>[vector<16xi32>, vector<16xi32>], vector<16xi32>,
    tpu.vector_store_idx %arg10[%shift_right_logical3A_88, %and3A_91], %add3A_21 : memref<80x128xi32, #tpu.memory_space<vmem>>[vector<16xi32>, vector<16xi32>], vector<16xi32>,
    %add3A_101 = vector.broadcast %get3A_17 : i32 to vector<16xi32>
    %add3A_102 = arith.addi %add3A_101, %iota3A : vector<16xi32>
    %add3A_103 = arith.constant 64 : i32
    %add3A_104 = vector.broadcast %add3A_103 : i32 to vector<16xi32>
    %add3A_105 = arith.addi %add3A_102, %add3A_104 : vector<16xi32>
    %shift_right_logical3A_106 = arith.constant 7 : i32
    %shift_right_logical3A_107 = vector.broadcast %shift_right_logical3A_106 : i32 to vector<16xi32>
    %shift_right_logical3A_108 = arith.shrui %add3A_105, %shift_right_logical3A_107 : vector<16xi32>
    %and3A_109 = arith.constant 127 : i32
    %and3A_110 = vector.broadcast %and3A_109 : i32 to vector<16xi32>
    %and3A_111 = arith.andi %add3A_105, %and3A_110 : vector<16xi32>
    %add3A_112 = arith.constant 64 : i32
    %add3A_113 = vector.broadcast %add3A_112 : i32 to vector<16xi32>
    %add3A_114 = arith.addi %iota3A, %add3A_113 : vector<16xi32>
    %mul3A_115 = arith.constant 2 : i32
    %mul3A_116 = vector.broadcast %mul3A_115 : i32 to vector<16xi32>
    %mul3A_117 = arith.muli %add3A_114, %mul3A_116 : vector<16xi32>
    tpu.vector_store_idx %arg8[%shift_right_logical3A_108, %and3A_111], %mul3A_117 : memref<80x128xi32, #tpu.memory_space<vmem>>[vector<16xi32>, vector<16xi32>], vector<16xi32>,
    %add3A_118 = arith.constant 1 : i32
    %add3A_119 = vector.broadcast %add3A_118 : i32 to vector<16xi32>
    %add3A_120 = arith.addi %mul3A_117, %add3A_119 : vector<16xi32>
    tpu.vector_store_idx %arg9[%shift_right_logical3A_108, %and3A_111], %add3A_120 : memref<80x128xi32, #tpu.memory_space<vmem>>[vector<16xi32>, vector<16xi32>], vector<16xi32>,
    tpu.vector_store_idx %arg10[%shift_right_logical3A_108, %and3A_111], %add3A_21 : memref<80x128xi32, #tpu.memory_space<vmem>>[vector<16xi32>, vector<16xi32>], vector<16xi32>,
    %add3A_121 = vector.broadcast %get3A_17 : i32 to vector<16xi32>
    %add3A_122 = arith.addi %add3A_121, %iota3A : vector<16xi32>
    %add3A_123 = arith.constant 80 : i32
    %add3A_124 = vector.broadcast %add3A_123 : i32 to vector<16xi32>
    %add3A_125 = arith.addi %add3A_122, %add3A_124 : vector<16xi32>
    %shift_right_logical3A_126 = arith.constant 7 : i32
    %shift_right_logical3A_127 = vector.broadcast %shift_right_logical3A_126 : i32 to vector<16xi32>
    %shift_right_logical3A_128 = arith.shrui %add3A_125, %shift_right_logical3A_127 : vector<16xi32>
    %and3A_129 = arith.constant 127 : i32
    %and3A_130 = vector.broadcast %and3A_129 : i32 to vector<16xi32>
    %and3A_131 = arith.andi %add3A_125, %and3A_130 : vector<16xi32>
    %add3A_132 = arith.constant 80 : i32
    %add3A_133 = vector.broadcast %add3A_132 : i32 to vector<16xi32>
    %add3A_134 = arith.addi %iota3A, %add3A_133 : vector<16xi32>
    %mul3A_135 = arith.constant 2 : i32
    %mul3A_136 = vector.broadcast %mul3A_135 : i32 to vector<16xi32>
    %mul3A_137 = arith.muli %add3A_134, %mul3A_136 : vector<16xi32>
    tpu.vector_store_idx %arg8[%shift_right_logical3A_128, %and3A_131], %mul3A_137 : memref<80x128xi32, #tpu.memory_space<vmem>>[vector<16xi32>, vector<16xi32>], vector<16xi32>,
    %add3A_138 = arith.constant 1 : i32
    %add3A_139 = vector.broadcast %add3A_138 : i32 to vector<16xi32>
    %add3A_140 = arith.addi %mul3A_137, %add3A_139 : vector<16xi32>
    tpu.vector_store_idx %arg9[%shift_right_logical3A_128, %and3A_131], %add3A_140 : memref<80x128xi32, #tpu.memory_space<vmem>>[vector<16xi32>, vector<16xi32>], vector<16xi32>,
    tpu.vector_store_idx %arg10[%shift_right_logical3A_128, %and3A_131], %add3A_21 : memref<80x128xi32, #tpu.memory_space<vmem>>[vector<16xi32>, vector<16xi32>], vector<16xi32>,
    %add3A_141 = vector.broadcast %get3A_17 : i32 to vector<16xi32>
    %add3A_142 = arith.addi %add3A_141, %iota3A : vector<16xi32>
    %add3A_143 = arith.constant 96 : i32
    %add3A_144 = vector.broadcast %add3A_143 : i32 to vector<16xi32>
    %add3A_145 = arith.addi %add3A_142, %add3A_144 : vector<16xi32>
    %shift_right_logical3A_146 = arith.constant 7 : i32
    %shift_right_logical3A_147 = vector.broadcast %shift_right_logical3A_146 : i32 to vector<16xi32>
    %shift_right_logical3A_148 = arith.shrui %add3A_145, %shift_right_logical3A_147 : vector<16xi32>
    %and3A_149 = arith.constant 127 : i32
    %and3A_150 = vector.broadcast %and3A_149 : i32 to vector<16xi32>
    %and3A_151 = arith.andi %add3A_145, %and3A_150 : vector<16xi32>
    %add3A_152 = arith.constant 96 : i32
    %add3A_153 = vector.broadcast %add3A_152 : i32 to vector<16xi32>
    %add3A_154 = arith.addi %iota3A, %add3A_153 : vector<16xi32>
    %mul3A_155 = arith.constant 2 : i32
    %mul3A_156 = vector.broadcast %mul3A_155 : i32 to vector<16xi32>
    %mul3A_157 = arith.muli %add3A_154, %mul3A_156 : vector<16xi32>
    tpu.vector_store_idx %arg8[%shift_right_logical3A_148, %and3A_151], %mul3A_157 : memref<80x128xi32, #tpu.memory_space<vmem>>[vector<16xi32>, vector<16xi32>], vector<16xi32>,
    %add3A_158 = arith.constant 1 : i32
    %add3A_159 = vector.broadcast %add3A_158 : i32 to vector<16xi32>
    %add3A_160 = arith.addi %mul3A_157, %add3A_159 : vector<16xi32>
    tpu.vector_store_idx %arg9[%shift_right_logical3A_148, %and3A_151], %add3A_160 : memref<80x128xi32, #tpu.memory_space<vmem>>[vector<16xi32>, vector<16xi32>], vector<16xi32>,
    tpu.vector_store_idx %arg10[%shift_right_logical3A_148, %and3A_151], %add3A_21 : memref<80x128xi32, #tpu.memory_space<vmem>>[vector<16xi32>, vector<16xi32>], vector<16xi32>,
    %add3A_161 = vector.broadcast %get3A_17 : i32 to vector<16xi32>
    %add3A_162 = arith.addi %add3A_161, %iota3A : vector<16xi32>
    %add3A_163 = arith.constant 112 : i32
    %add3A_164 = vector.broadcast %add3A_163 : i32 to vector<16xi32>
    %add3A_165 = arith.addi %add3A_162, %add3A_164 : vector<16xi32>
    %shift_right_logical3A_166 = arith.constant 7 : i32
    %shift_right_logical3A_167 = vector.broadcast %shift_right_logical3A_166 : i32 to vector<16xi32>
    %shift_right_logical3A_168 = arith.shrui %add3A_165, %shift_right_logical3A_167 : vector<16xi32>
    %and3A_169 = arith.constant 127 : i32
    %and3A_170 = vector.broadcast %and3A_169 : i32 to vector<16xi32>
    %and3A_171 = arith.andi %add3A_165, %and3A_170 : vector<16xi32>
    %add3A_172 = arith.constant 112 : i32
    %add3A_173 = vector.broadcast %add3A_172 : i32 to vector<16xi32>
    %add3A_174 = arith.addi %iota3A, %add3A_173 : vector<16xi32>
    %mul3A_175 = arith.constant 2 : i32
    %mul3A_176 = vector.broadcast %mul3A_175 : i32 to vector<16xi32>
    %mul3A_177 = arith.muli %add3A_174, %mul3A_176 : vector<16xi32>
    tpu.vector_store_idx %arg8[%shift_right_logical3A_168, %and3A_171], %mul3A_177 : memref<80x128xi32, #tpu.memory_space<vmem>>[vector<16xi32>, vector<16xi32>], vector<16xi32>,
    %add3A_178 = arith.constant 1 : i32
    %add3A_179 = vector.broadcast %add3A_178 : i32 to vector<16xi32>
    %add3A_180 = arith.addi %mul3A_177, %add3A_179 : vector<16xi32>
    tpu.vector_store_idx %arg9[%shift_right_logical3A_168, %and3A_171], %add3A_180 : memref<80x128xi32, #tpu.memory_space<vmem>>[vector<16xi32>, vector<16xi32>], vector<16xi32>,
    tpu.vector_store_idx %arg10[%shift_right_logical3A_168, %and3A_171], %add3A_21 : memref<80x128xi32, #tpu.memory_space<vmem>>[vector<16xi32>, vector<16xi32>], vector<16xi32>,
    %add3A_181 = arith.constant 127 : i32
    %add3A_182 = arith.addi %get3A_17, %add3A_181 : i32
    %shift_right_logical3A_183 = arith.constant 7 : i32
    %shift_right_logical3A_184 = arith.shrui %add3A_182, %shift_right_logical3A_183 : i32
    %mul3A_185 = arith.constant 312 : i32
    %mul3A_186 = arith.muli %arg1, %mul3A_185 : i32
    %mul3A_187 = arith.constant 5000 : i32
    %mul3A_188 = arith.muli %arg0, %mul3A_187 : i32
    %mul3A_189 = arith.constant 312 : i32
    %mul3A_190 = arith.muli %arg1, %mul3A_189 : i32
    %scan3A_191 = arith.constant 0 : i32
    %scan3A_192 = arith.constant 19 : i32
    %scan3A_193 = arith.addi %scan3A_191, %scan3A_192 : i32
    %scan3A_194 = arith.constant 1 : i32
    scf.for %scan3A_256 = %scan3A_191 to %scan3A_193 step %scan3A_194  : i32 {
      %mul3A_257 = arith.constant 16 : i32
      %mul3A_258 = arith.muli %scan3A_256, %mul3A_257 : i32
      %add3A_259 = arith.constant 0 : i32
      %add3A_260 = arith.addi %add3A_259, %mul3A_258 : i32
      %add3A_261 = arith.addi %mul3A_186, %add3A_260 : i32
      "tpu.region"() ({
        %run_scoped3A = tpu.sem_alloc : memref<!tpu.dma_semaphore, #tpu.memory_space<semaphore_mem>>
        %dma_start3A = arith.constant 0 : i32
        %dma_start3A_262 = tpu.memref_slice %arg14[%add3A_261, %dma_start3A] : memref<5008x128xf32, #tpu.memory_space<vmem_shared>> -> memref<16x128xf32, #tpu.memory_space<vmem_shared>>
        %dma_start3A_263 = arith.constant 0 : i32
        %dma_start3A_264 = tpu.memref_slice %arg14[%add3A_261, %dma_start3A_263] : memref<5008x128xf32, #tpu.memory_space<vmem_shared>> -> memref<16x128xf32, #tpu.memory_space<vmem_shared>>
        tpu.enqueue_dma source(%arg13 : memref<16x128xf32, #tpu.memory_space<vmem>>) target(%dma_start3A_264 : memref<16x128xf32, #tpu.memory_space<vmem_shared>>) target_semaphore(%run_scoped3A : memref<!tpu.dma_semaphore, #tpu.memory_space<semaphore_mem>>)
        %dma_wait3A = arith.constant 0 : i32
        %dma_wait3A_265 = tpu.memref_slice %arg14[%add3A_261, %dma_wait3A] : memref<5008x128xf32, #tpu.memory_space<vmem_shared>> -> memref<16x128xf32, #tpu.memory_space<vmem_shared>>
        %dma_wait3A_266 = arith.constant 0 : i32
        %dma_wait3A_267 = tpu.memref_slice %arg14[%add3A_261, %dma_wait3A_266] : memref<5008x128xf32, #tpu.memory_space<vmem_shared>> -> memref<16x128xf32, #tpu.memory_space<vmem_shared>>
        tpu.wait_dma2 semaphore(%run_scoped3A : memref<!tpu.dma_semaphore, #tpu.memory_space<semaphore_mem>>) src(%arg13 : memref<16x128xf32, #tpu.memory_space<vmem>>) dst(%dma_wait3A_267 : memref<16x128xf32, #tpu.memory_space<vmem_shared>>)
        tpu.yield
      }) : () -> ()
    }
    %scan3A_195 = arith.constant 19 : i32
    %ge3A = arith.constant 0 : i32
    %ge3A_196 = arith.cmpi sge, %arg1, %ge3A : i32
    %convert_element_type3A = arith.extui %ge3A_196 : i1 to i32
    %cond3A = arith.constant 0 : i32
    %cond3A_197 = arith.cmpi ne, %convert_element_type3A, %cond3A : i32
    scf.if %cond3A_197 {
      %add3A_256 = arith.constant 304 : i32
      %add3A_257 = arith.addi %mul3A_186, %add3A_256 : i32
      "tpu.region"() ({
        %run_scoped3A = tpu.sem_alloc : memref<!tpu.dma_semaphore, #tpu.memory_space<semaphore_mem>>
        %dma_start3A = arith.constant 0 : i32
        %dma_start3A_258 = arith.constant 0 : i32
        %dma_start3A_259 = tpu.memref_slice %arg13[%dma_start3A, %dma_start3A_258] : memref<16x128xf32, #tpu.memory_space<vmem>> -> memref<8x128xf32, #tpu.memory_space<vmem>>
        %dma_start3A_260 = arith.constant 0 : i32
        %dma_start3A_261 = tpu.memref_slice %arg14[%add3A_257, %dma_start3A_260] : memref<5008x128xf32, #tpu.memory_space<vmem_shared>> -> memref<8x128xf32, #tpu.memory_space<vmem_shared>>
        %dma_start3A_262 = arith.constant 0 : i32
        %dma_start3A_263 = tpu.memref_slice %arg14[%add3A_257, %dma_start3A_262] : memref<5008x128xf32, #tpu.memory_space<vmem_shared>> -> memref<8x128xf32, #tpu.memory_space<vmem_shared>>
        %dma_start3A_264 = arith.constant 0 : i32
        %dma_start3A_265 = arith.constant 0 : i32
        %dma_start3A_266 = tpu.memref_slice %arg13[%dma_start3A_264, %dma_start3A_265] : memref<16x128xf32, #tpu.memory_space<vmem>> -> memref<8x128xf32, #tpu.memory_space<vmem>>
        tpu.enqueue_dma source(%dma_start3A_266 : memref<8x128xf32, #tpu.memory_space<vmem>>) target(%dma_start3A_263 : memref<8x128xf32, #tpu.memory_space<vmem_shared>>) target_semaphore(%run_scoped3A : memref<!tpu.dma_semaphore, #tpu.memory_space<semaphore_mem>>)
        %dma_wait3A = arith.constant 0 : i32
        %dma_wait3A_267 = arith.constant 0 : i32
        %dma_wait3A_268 = tpu.memref_slice %arg13[%dma_wait3A, %dma_wait3A_267] : memref<16x128xf32, #tpu.memory_space<vmem>> -> memref<8x128xf32, #tpu.memory_space<vmem>>
        %dma_wait3A_269 = arith.constant 0 : i32
        %dma_wait3A_270 = tpu.memref_slice %arg14[%add3A_257, %dma_wait3A_269] : memref<5008x128xf32, #tpu.memory_space<vmem_shared>> -> memref<8x128xf32, #tpu.memory_space<vmem_shared>>
        %dma_wait3A_271 = arith.constant 0 : i32
        %dma_wait3A_272 = tpu.memref_slice %arg14[%add3A_257, %dma_wait3A_271] : memref<5008x128xf32, #tpu.memory_space<vmem_shared>> -> memref<8x128xf32, #tpu.memory_space<vmem_shared>>
        %dma_wait3A_273 = arith.constant 0 : i32
        %dma_wait3A_274 = arith.constant 0 : i32
        %dma_wait3A_275 = tpu.memref_slice %arg13[%dma_wait3A_273, %dma_wait3A_274] : memref<16x128xf32, #tpu.memory_space<vmem>> -> memref<8x128xf32, #tpu.memory_space<vmem>>
        tpu.wait_dma2 semaphore(%run_scoped3A : memref<!tpu.dma_semaphore, #tpu.memory_space<semaphore_mem>>) src(%dma_wait3A_275 : memref<8x128xf32, #tpu.memory_space<vmem>>) dst(%dma_wait3A_272 : memref<8x128xf32, #tpu.memory_space<vmem_shared>>)
        tpu.yield
      }) : () -> ()
    } else {
    }
    %eq3A = arith.constant 0 : i32
    %eq3A_198 = arith.cmpi eq, %arg1, %eq3A : i32
    %convert_element_type3A_199 = arith.extui %eq3A_198 : i1 to i32
    %cond3A_200 = arith.constant 0 : i32
    %cond3A_201 = arith.cmpi ne, %convert_element_type3A_199, %cond3A_200 : i32
    scf.if %cond3A_201 {
      "tpu.region"() ({
        %run_scoped3A = tpu.sem_alloc : memref<!tpu.dma_semaphore, #tpu.memory_space<semaphore_mem>>
        %dma_start3A = arith.constant 4992 : i32
        %dma_start3A_256 = arith.constant 0 : i32
        %dma_start3A_257 = tpu.memref_slice %arg14[%dma_start3A, %dma_start3A_256] : memref<5008x128xf32, #tpu.memory_space<vmem_shared>> -> memref<16x128xf32, #tpu.memory_space<vmem_shared>>
        %dma_start3A_258 = arith.constant 4992 : i32
        %dma_start3A_259 = arith.constant 0 : i32
        %dma_start3A_260 = tpu.memref_slice %arg14[%dma_start3A_258, %dma_start3A_259] : memref<5008x128xf32, #tpu.memory_space<vmem_shared>> -> memref<16x128xf32, #tpu.memory_space<vmem_shared>>
        tpu.enqueue_dma source(%arg13 : memref<16x128xf32, #tpu.memory_space<vmem>>) target(%dma_start3A_260 : memref<16x128xf32, #tpu.memory_space<vmem_shared>>) target_semaphore(%run_scoped3A : memref<!tpu.dma_semaphore, #tpu.memory_space<semaphore_mem>>)
        %dma_wait3A = arith.constant 4992 : i32
        %dma_wait3A_261 = arith.constant 0 : i32
        %dma_wait3A_262 = tpu.memref_slice %arg14[%dma_wait3A, %dma_wait3A_261] : memref<5008x128xf32, #tpu.memory_space<vmem_shared>> -> memref<16x128xf32, #tpu.memory_space<vmem_shared>>
        %dma_wait3A_263 = arith.constant 4992 : i32
        %dma_wait3A_264 = arith.constant 0 : i32
        %dma_wait3A_265 = tpu.memref_slice %arg14[%dma_wait3A_263, %dma_wait3A_264] : memref<5008x128xf32, #tpu.memory_space<vmem_shared>> -> memref<16x128xf32, #tpu.memory_space<vmem_shared>>
        tpu.wait_dma2 semaphore(%run_scoped3A : memref<!tpu.dma_semaphore, #tpu.memory_space<semaphore_mem>>) src(%arg13 : memref<16x128xf32, #tpu.memory_space<vmem>>) dst(%dma_wait3A_265 : memref<16x128xf32, #tpu.memory_space<vmem_shared>>)
        tpu.yield
      }) : () -> ()
    } else {
    }
    %barrier3A = arith.constant 0 : index
    tpu.barrier barrier_id(%barrier3A)
    %add3A_202 = arith.constant 2 : i32
    %add3A_203 = arith.addi %shift_right_logical3A_184, %add3A_202 : i32
    %while3A = arith.constant 0 : i32
    %while3A_204 = arith.constant 0 : i32
    %while3A_205 = arith.subi %add3A_203, %while3A_204 : i32
    %while3A_206 = arith.addi %while3A_204, %while3A_205 : i32
    %while3A_207 = arith.constant 1 : i32
    %while3A_208 = arith.divsi %while3A_205, %while3A_207 : i32
    %while3A_209 = arith.muli %while3A_208, %while3A_207 : i32
    %while3A_210 = arith.addi %while3A_204, %while3A_209 : i32
    %while3A_211 = arith.constant 1 : i32
    scf.for %while3A_256 = %while3A_204 to %while3A_210 step %while3A_211  : i32 {
      %and3A_257 = arith.constant 1 : i32
      %and3A_258 = arith.andi %while3A_256, %and3A_257 : i32
      %eq3A_259 = arith.constant 0 : i32
      %eq3A_260 = arith.cmpi eq, %and3A_258, %eq3A_259 : i32
      %convert_element_type3A_261 = arith.extui %eq3A_260 : i1 to i32
      %cond3A_262 = arith.constant 0 : i32
      %cond3A_263 = arith.cmpi ne, %convert_element_type3A_261, %cond3A_262 : i32
      scf.if %cond3A_263 {
        %ge3A_271 = arith.constant 2 : i32
        %ge3A_272 = arith.cmpi sge, %while3A_256, %ge3A_271 : i32
        %sub3A = arith.constant 2 : i32
        %sub3A_273 = arith.subi %while3A_256, %sub3A : i32
        %lt3A = arith.cmpi slt, %sub3A_273, %shift_right_logical3A_184 : i32
        %and3A_274 = arith.andi %ge3A_272, %lt3A : i1
        %convert_element_type3A_275 = arith.extui %and3A_274 : i1 to i32
        %cond3A_276 = arith.constant 0 : i32
        %cond3A_277 = arith.cmpi ne, %convert_element_type3A_275, %cond3A_276 : i32
        scf.if %cond3A_277 {
          %dma_wait3A = arith.constant 0 : i32
          %dma_wait3A_282 = tpu.memref_slice %arg10[%while3A_256, %dma_wait3A] : memref<80x128xi32, #tpu.memory_space<vmem>> -> memref<1x128xi32, #tpu.memory_space<vmem>>
          %dma_wait3A_283 = tpu.memref_squeeze %dma_wait3A_282 : memref<1x128xi32, #tpu.memory_space<vmem>> -> memref<128xi32, #tpu.memory_space<vmem>>
          %dma_wait3A_284 = arith.constant 0 : i32
          %dma_wait3A_285 = arith.constant 0 : i32
          %dma_wait3A_286 = tpu.memref_slice %arg14[%dma_wait3A_284, %dma_wait3A_285] : memref<5008x128xf32, #tpu.memory_space<vmem_shared>> -> memref<5008x128xf32, #tpu.memory_space<vmem_shared>>
          tpu.wait_indirect_dma semaphore(%arg17 : memref<!tpu.dma_semaphore, #tpu.memory_space<semaphore_mem>>) src(%arg11 : memref<128x128xf32, #tpu.memory_space<vmem>>) dst(%dma_wait3A_286 : memref<5008x128xf32, #tpu.memory_space<vmem_shared>>)
        } else {
        }
        %lt3A_278 = arith.cmpi slt, %while3A_256, %shift_right_logical3A_184 : i32
        %convert_element_type3A_279 = arith.extui %lt3A_278 : i1 to i32
        %cond3A_280 = arith.constant 0 : i32
        %cond3A_281 = arith.cmpi ne, %convert_element_type3A_279, %cond3A_280 : i32
        scf.if %cond3A_281 {
          %dma_start3A = arith.constant 0 : i32
          %dma_start3A_282 = tpu.memref_slice %arg8[%while3A_256, %dma_start3A] : memref<80x128xi32, #tpu.memory_space<vmem>> -> memref<1x128xi32, #tpu.memory_space<vmem>>
          %dma_start3A_283 = tpu.memref_squeeze %dma_start3A_282 : memref<1x128xi32, #tpu.memory_space<vmem>> -> memref<128xi32, #tpu.memory_space<vmem>>
          %dma_start3A_284 = arith.constant 0 : i32
          %dma_start3A_285 = arith.constant 0 : i32
          %dma_start3A_286 = tpu.memref_slice %arg2[%dma_start3A_284, %dma_start3A_285] : memref<20000x128xf32, #tpu.memory_space<hbm>> -> memref<20000x128xf32, #tpu.memory_space<hbm>>
          tpu.enqueue_indirect_dma source(%dma_start3A_286 : memref<20000x128xf32, #tpu.memory_space<hbm>>) target(%arg11 : memref<128x128xf32, #tpu.memory_space<vmem>>) offsets(%dma_start3A_283 : memref<128xi32, #tpu.memory_space<vmem>>) semaphore(%arg16 : memref<!tpu.dma_semaphore, #tpu.memory_space<semaphore_mem>>)
          %dma_wait3A = arith.constant 0 : i32
          %dma_wait3A_287 = tpu.memref_slice %arg8[%while3A_256, %dma_wait3A] : memref<80x128xi32, #tpu.memory_space<vmem>> -> memref<1x128xi32, #tpu.memory_space<vmem>>
          %dma_wait3A_288 = tpu.memref_squeeze %dma_wait3A_287 : memref<1x128xi32, #tpu.memory_space<vmem>> -> memref<128xi32, #tpu.memory_space<vmem>>
          %dma_wait3A_289 = arith.constant 0 : i32
          %dma_wait3A_290 = arith.constant 0 : i32
          %dma_wait3A_291 = tpu.memref_slice %arg2[%dma_wait3A_289, %dma_wait3A_290] : memref<20000x128xf32, #tpu.memory_space<hbm>> -> memref<20000x128xf32, #tpu.memory_space<hbm>>
          tpu.wait_indirect_dma semaphore(%arg16 : memref<!tpu.dma_semaphore, #tpu.memory_space<semaphore_mem>>) src(%dma_wait3A_291 : memref<20000x128xf32, #tpu.memory_space<hbm>>) dst(%arg11 : memref<128x128xf32, #tpu.memory_space<vmem>>)
          %dma_start3A_292 = arith.constant 0 : i32
          %dma_start3A_293 = tpu.memref_slice %arg10[%while3A_256, %dma_start3A_292] : memref<80x128xi32, #tpu.memory_space<vmem>> -> memref<1x128xi32, #tpu.memory_space<vmem>>
          %dma_start3A_294 = tpu.memref_squeeze %dma_start3A_293 : memref<1x128xi32, #tpu.memory_space<vmem>> -> memref<128xi32, #tpu.memory_space<vmem>>
          %dma_start3A_295 = arith.constant 0 : i32
          %dma_start3A_296 = arith.constant 0 : i32
          %dma_start3A_297 = tpu.memref_slice %arg14[%dma_start3A_295, %dma_start3A_296] : memref<5008x128xf32, #tpu.memory_space<vmem_shared>> -> memref<5008x128xf32, #tpu.memory_space<vmem_shared>>
          tpu.enqueue_indirect_dma source(%arg11 : memref<128x128xf32, #tpu.memory_space<vmem>>) target(%dma_start3A_297 : memref<5008x128xf32, #tpu.memory_space<vmem_shared>>) offsets(%dma_start3A_294 : memref<128xi32, #tpu.memory_space<vmem>>) semaphore(%arg17 : memref<!tpu.dma_semaphore, #tpu.memory_space<semaphore_mem>>) {add = true}
        } else {
        }
      } else {
      }
      %and3A_264 = arith.constant 1 : i32
      %and3A_265 = arith.andi %while3A_256, %and3A_264 : i32
      %eq3A_266 = arith.constant 1 : i32
      %eq3A_267 = arith.cmpi eq, %and3A_265, %eq3A_266 : i32
      %convert_element_type3A_268 = arith.extui %eq3A_267 : i1 to i32
      %cond3A_269 = arith.constant 0 : i32
      %cond3A_270 = arith.cmpi ne, %convert_element_type3A_268, %cond3A_269 : i32
      scf.if %cond3A_270 {
        %ge3A_271 = arith.constant 2 : i32
        %ge3A_272 = arith.cmpi sge, %while3A_256, %ge3A_271 : i32
        %sub3A = arith.constant 2 : i32
        %sub3A_273 = arith.subi %while3A_256, %sub3A : i32
        %lt3A = arith.cmpi slt, %sub3A_273, %shift_right_logical3A_184 : i32
        %and3A_274 = arith.andi %ge3A_272, %lt3A : i1
        %convert_element_type3A_275 = arith.extui %and3A_274 : i1 to i32
        %cond3A_276 = arith.constant 0 : i32
        %cond3A_277 = arith.cmpi ne, %convert_element_type3A_275, %cond3A_276 : i32
        scf.if %cond3A_277 {
          %dma_wait3A = arith.constant 0 : i32
          %dma_wait3A_282 = tpu.memref_slice %arg10[%while3A_256, %dma_wait3A] : memref<80x128xi32, #tpu.memory_space<vmem>> -> memref<1x128xi32, #tpu.memory_space<vmem>>
          %dma_wait3A_283 = tpu.memref_squeeze %dma_wait3A_282 : memref<1x128xi32, #tpu.memory_space<vmem>> -> memref<128xi32, #tpu.memory_space<vmem>>
          %dma_wait3A_284 = arith.constant 0 : i32
          %dma_wait3A_285 = arith.constant 0 : i32
          %dma_wait3A_286 = tpu.memref_slice %arg14[%dma_wait3A_284, %dma_wait3A_285] : memref<5008x128xf32, #tpu.memory_space<vmem_shared>> -> memref<5008x128xf32, #tpu.memory_space<vmem_shared>>
          tpu.wait_indirect_dma semaphore(%arg18 : memref<!tpu.dma_semaphore, #tpu.memory_space<semaphore_mem>>) src(%arg12 : memref<128x128xf32, #tpu.memory_space<vmem>>) dst(%dma_wait3A_286 : memref<5008x128xf32, #tpu.memory_space<vmem_shared>>)
        } else {
        }
        %lt3A_278 = arith.cmpi slt, %while3A_256, %shift_right_logical3A_184 : i32
        %convert_element_type3A_279 = arith.extui %lt3A_278 : i1 to i32
        %cond3A_280 = arith.constant 0 : i32
        %cond3A_281 = arith.cmpi ne, %convert_element_type3A_279, %cond3A_280 : i32
        scf.if %cond3A_281 {
          %dma_start3A = arith.constant 0 : i32
          %dma_start3A_282 = tpu.memref_slice %arg8[%while3A_256, %dma_start3A] : memref<80x128xi32, #tpu.memory_space<vmem>> -> memref<1x128xi32, #tpu.memory_space<vmem>>
          %dma_start3A_283 = tpu.memref_squeeze %dma_start3A_282 : memref<1x128xi32, #tpu.memory_space<vmem>> -> memref<128xi32, #tpu.memory_space<vmem>>
          %dma_start3A_284 = arith.constant 0 : i32
          %dma_start3A_285 = arith.constant 0 : i32
          %dma_start3A_286 = tpu.memref_slice %arg2[%dma_start3A_284, %dma_start3A_285] : memref<20000x128xf32, #tpu.memory_space<hbm>> -> memref<20000x128xf32, #tpu.memory_space<hbm>>
          tpu.enqueue_indirect_dma source(%dma_start3A_286 : memref<20000x128xf32, #tpu.memory_space<hbm>>) target(%arg12 : memref<128x128xf32, #tpu.memory_space<vmem>>) offsets(%dma_start3A_283 : memref<128xi32, #tpu.memory_space<vmem>>) semaphore(%arg16 : memref<!tpu.dma_semaphore, #tpu.memory_space<semaphore_mem>>)
          %dma_wait3A = arith.constant 0 : i32
          %dma_wait3A_287 = tpu.memref_slice %arg8[%while3A_256, %dma_wait3A] : memref<80x128xi32, #tpu.memory_space<vmem>> -> memref<1x128xi32, #tpu.memory_space<vmem>>
          %dma_wait3A_288 = tpu.memref_squeeze %dma_wait3A_287 : memref<1x128xi32, #tpu.memory_space<vmem>> -> memref<128xi32, #tpu.memory_space<vmem>>
          %dma_wait3A_289 = arith.constant 0 : i32
          %dma_wait3A_290 = arith.constant 0 : i32
          %dma_wait3A_291 = tpu.memref_slice %arg2[%dma_wait3A_289, %dma_wait3A_290] : memref<20000x128xf32, #tpu.memory_space<hbm>> -> memref<20000x128xf32, #tpu.memory_space<hbm>>
          tpu.wait_indirect_dma semaphore(%arg16 : memref<!tpu.dma_semaphore, #tpu.memory_space<semaphore_mem>>) src(%dma_wait3A_291 : memref<20000x128xf32, #tpu.memory_space<hbm>>) dst(%arg12 : memref<128x128xf32, #tpu.memory_space<vmem>>)
          %dma_start3A_292 = arith.constant 0 : i32
          %dma_start3A_293 = tpu.memref_slice %arg10[%while3A_256, %dma_start3A_292] : memref<80x128xi32, #tpu.memory_space<vmem>> -> memref<1x128xi32, #tpu.memory_space<vmem>>
          %dma_start3A_294 = tpu.memref_squeeze %dma_start3A_293 : memref<1x128xi32, #tpu.memory_space<vmem>> -> memref<128xi32, #tpu.memory_space<vmem>>
          %dma_start3A_295 = arith.constant 0 : i32
          %dma_start3A_296 = arith.constant 0 : i32
          %dma_start3A_297 = tpu.memref_slice %arg14[%dma_start3A_295, %dma_start3A_296] : memref<5008x128xf32, #tpu.memory_space<vmem_shared>> -> memref<5008x128xf32, #tpu.memory_space<vmem_shared>>
          tpu.enqueue_indirect_dma source(%arg12 : memref<128x128xf32, #tpu.memory_space<vmem>>) target(%dma_start3A_297 : memref<5008x128xf32, #tpu.memory_space<vmem_shared>>) offsets(%dma_start3A_294 : memref<128xi32, #tpu.memory_space<vmem>>) semaphore(%arg18 : memref<!tpu.dma_semaphore, #tpu.memory_space<semaphore_mem>>) {add = true}
        } else {
        }
      } else {
      }
    }
    %while3A_212 = arith.constant 1 : i32
    scf.for %while3A_256 = %while3A_210 to %while3A_206 step %while3A_212  : i32 {
      %and3A_257 = arith.constant 1 : i32
      %and3A_258 = arith.andi %while3A_256, %and3A_257 : i32
      %eq3A_259 = arith.constant 0 : i32
      %eq3A_260 = arith.cmpi eq, %and3A_258, %eq3A_259 : i32
      %convert_element_type3A_261 = arith.extui %eq3A_260 : i1 to i32
      %cond3A_262 = arith.constant 0 : i32
      %cond3A_263 = arith.cmpi ne, %convert_element_type3A_261, %cond3A_262 : i32
      scf.if %cond3A_263 {
        %ge3A_271 = arith.constant 2 : i32
        %ge3A_272 = arith.cmpi sge, %while3A_256, %ge3A_271 : i32
        %sub3A = arith.constant 2 : i32
        %sub3A_273 = arith.subi %while3A_256, %sub3A : i32
        %lt3A = arith.cmpi slt, %sub3A_273, %shift_right_logical3A_184 : i32
        %and3A_274 = arith.andi %ge3A_272, %lt3A : i1
        %convert_element_type3A_275 = arith.extui %and3A_274 : i1 to i32
        %cond3A_276 = arith.constant 0 : i32
        %cond3A_277 = arith.cmpi ne, %convert_element_type3A_275, %cond3A_276 : i32
        scf.if %cond3A_277 {
          %dma_wait3A = arith.constant 0 : i32
          %dma_wait3A_282 = tpu.memref_slice %arg10[%while3A_256, %dma_wait3A] : memref<80x128xi32, #tpu.memory_space<vmem>> -> memref<1x128xi32, #tpu.memory_space<vmem>>
          %dma_wait3A_283 = tpu.memref_squeeze %dma_wait3A_282 : memref<1x128xi32, #tpu.memory_space<vmem>> -> memref<128xi32, #tpu.memory_space<vmem>>
          %dma_wait3A_284 = arith.constant 0 : i32
          %dma_wait3A_285 = arith.constant 0 : i32
          %dma_wait3A_286 = tpu.memref_slice %arg14[%dma_wait3A_284, %dma_wait3A_285] : memref<5008x128xf32, #tpu.memory_space<vmem_shared>> -> memref<5008x128xf32, #tpu.memory_space<vmem_shared>>
          tpu.wait_indirect_dma semaphore(%arg17 : memref<!tpu.dma_semaphore, #tpu.memory_space<semaphore_mem>>) src(%arg11 : memref<128x128xf32, #tpu.memory_space<vmem>>) dst(%dma_wait3A_286 : memref<5008x128xf32, #tpu.memory_space<vmem_shared>>)
        } else {
        }
        %lt3A_278 = arith.cmpi slt, %while3A_256, %shift_right_logical3A_184 : i32
        %convert_element_type3A_279 = arith.extui %lt3A_278 : i1 to i32
        %cond3A_280 = arith.constant 0 : i32
        %cond3A_281 = arith.cmpi ne, %convert_element_type3A_279, %cond3A_280 : i32
        scf.if %cond3A_281 {
          %dma_start3A = arith.constant 0 : i32
          %dma_start3A_282 = tpu.memref_slice %arg8[%while3A_256, %dma_start3A] : memref<80x128xi32, #tpu.memory_space<vmem>> -> memref<1x128xi32, #tpu.memory_space<vmem>>
          %dma_start3A_283 = tpu.memref_squeeze %dma_start3A_282 : memref<1x128xi32, #tpu.memory_space<vmem>> -> memref<128xi32, #tpu.memory_space<vmem>>
          %dma_start3A_284 = arith.constant 0 : i32
          %dma_start3A_285 = arith.constant 0 : i32
          %dma_start3A_286 = tpu.memref_slice %arg2[%dma_start3A_284, %dma_start3A_285] : memref<20000x128xf32, #tpu.memory_space<hbm>> -> memref<20000x128xf32, #tpu.memory_space<hbm>>
          tpu.enqueue_indirect_dma source(%dma_start3A_286 : memref<20000x128xf32, #tpu.memory_space<hbm>>) target(%arg11 : memref<128x128xf32, #tpu.memory_space<vmem>>) offsets(%dma_start3A_283 : memref<128xi32, #tpu.memory_space<vmem>>) semaphore(%arg16 : memref<!tpu.dma_semaphore, #tpu.memory_space<semaphore_mem>>)
          %dma_wait3A = arith.constant 0 : i32
          %dma_wait3A_287 = tpu.memref_slice %arg8[%while3A_256, %dma_wait3A] : memref<80x128xi32, #tpu.memory_space<vmem>> -> memref<1x128xi32, #tpu.memory_space<vmem>>
          %dma_wait3A_288 = tpu.memref_squeeze %dma_wait3A_287 : memref<1x128xi32, #tpu.memory_space<vmem>> -> memref<128xi32, #tpu.memory_space<vmem>>
          %dma_wait3A_289 = arith.constant 0 : i32
          %dma_wait3A_290 = arith.constant 0 : i32
          %dma_wait3A_291 = tpu.memref_slice %arg2[%dma_wait3A_289, %dma_wait3A_290] : memref<20000x128xf32, #tpu.memory_space<hbm>> -> memref<20000x128xf32, #tpu.memory_space<hbm>>
          tpu.wait_indirect_dma semaphore(%arg16 : memref<!tpu.dma_semaphore, #tpu.memory_space<semaphore_mem>>) src(%dma_wait3A_291 : memref<20000x128xf32, #tpu.memory_space<hbm>>) dst(%arg11 : memref<128x128xf32, #tpu.memory_space<vmem>>)
          %dma_start3A_292 = arith.constant 0 : i32
          %dma_start3A_293 = tpu.memref_slice %arg10[%while3A_256, %dma_start3A_292] : memref<80x128xi32, #tpu.memory_space<vmem>> -> memref<1x128xi32, #tpu.memory_space<vmem>>
          %dma_start3A_294 = tpu.memref_squeeze %dma_start3A_293 : memref<1x128xi32, #tpu.memory_space<vmem>> -> memref<128xi32, #tpu.memory_space<vmem>>
          %dma_start3A_295 = arith.constant 0 : i32
          %dma_start3A_296 = arith.constant 0 : i32
          %dma_start3A_297 = tpu.memref_slice %arg14[%dma_start3A_295, %dma_start3A_296] : memref<5008x128xf32, #tpu.memory_space<vmem_shared>> -> memref<5008x128xf32, #tpu.memory_space<vmem_shared>>
          tpu.enqueue_indirect_dma source(%arg11 : memref<128x128xf32, #tpu.memory_space<vmem>>) target(%dma_start3A_297 : memref<5008x128xf32, #tpu.memory_space<vmem_shared>>) offsets(%dma_start3A_294 : memref<128xi32, #tpu.memory_space<vmem>>) semaphore(%arg17 : memref<!tpu.dma_semaphore, #tpu.memory_space<semaphore_mem>>) {add = true}
        } else {
        }
      } else {
      }
      %and3A_264 = arith.constant 1 : i32
      %and3A_265 = arith.andi %while3A_256, %and3A_264 : i32
      %eq3A_266 = arith.constant 1 : i32
      %eq3A_267 = arith.cmpi eq, %and3A_265, %eq3A_266 : i32
      %convert_element_type3A_268 = arith.extui %eq3A_267 : i1 to i32
      %cond3A_269 = arith.constant 0 : i32
      %cond3A_270 = arith.cmpi ne, %convert_element_type3A_268, %cond3A_269 : i32
      scf.if %cond3A_270 {
        %ge3A_271 = arith.constant 2 : i32
        %ge3A_272 = arith.cmpi sge, %while3A_256, %ge3A_271 : i32
        %sub3A = arith.constant 2 : i32
        %sub3A_273 = arith.subi %while3A_256, %sub3A : i32
        %lt3A = arith.cmpi slt, %sub3A_273, %shift_right_logical3A_184 : i32
        %and3A_274 = arith.andi %ge3A_272, %lt3A : i1
        %convert_element_type3A_275 = arith.extui %and3A_274 : i1 to i32
        %cond3A_276 = arith.constant 0 : i32
        %cond3A_277 = arith.cmpi ne, %convert_element_type3A_275, %cond3A_276 : i32
        scf.if %cond3A_277 {
          %dma_wait3A = arith.constant 0 : i32
          %dma_wait3A_282 = tpu.memref_slice %arg10[%while3A_256, %dma_wait3A] : memref<80x128xi32, #tpu.memory_space<vmem>> -> memref<1x128xi32, #tpu.memory_space<vmem>>
          %dma_wait3A_283 = tpu.memref_squeeze %dma_wait3A_282 : memref<1x128xi32, #tpu.memory_space<vmem>> -> memref<128xi32, #tpu.memory_space<vmem>>
          %dma_wait3A_284 = arith.constant 0 : i32
          %dma_wait3A_285 = arith.constant 0 : i32
          %dma_wait3A_286 = tpu.memref_slice %arg14[%dma_wait3A_284, %dma_wait3A_285] : memref<5008x128xf32, #tpu.memory_space<vmem_shared>> -> memref<5008x128xf32, #tpu.memory_space<vmem_shared>>
          tpu.wait_indirect_dma semaphore(%arg18 : memref<!tpu.dma_semaphore, #tpu.memory_space<semaphore_mem>>) src(%arg12 : memref<128x128xf32, #tpu.memory_space<vmem>>) dst(%dma_wait3A_286 : memref<5008x128xf32, #tpu.memory_space<vmem_shared>>)
        } else {
        }
        %lt3A_278 = arith.cmpi slt, %while3A_256, %shift_right_logical3A_184 : i32
        %convert_element_type3A_279 = arith.extui %lt3A_278 : i1 to i32
        %cond3A_280 = arith.constant 0 : i32
        %cond3A_281 = arith.cmpi ne, %convert_element_type3A_279, %cond3A_280 : i32
        scf.if %cond3A_281 {
          %dma_start3A = arith.constant 0 : i32
          %dma_start3A_282 = tpu.memref_slice %arg8[%while3A_256, %dma_start3A] : memref<80x128xi32, #tpu.memory_space<vmem>> -> memref<1x128xi32, #tpu.memory_space<vmem>>
          %dma_start3A_283 = tpu.memref_squeeze %dma_start3A_282 : memref<1x128xi32, #tpu.memory_space<vmem>> -> memref<128xi32, #tpu.memory_space<vmem>>
          %dma_start3A_284 = arith.constant 0 : i32
          %dma_start3A_285 = arith.constant 0 : i32
          %dma_start3A_286 = tpu.memref_slice %arg2[%dma_start3A_284, %dma_start3A_285] : memref<20000x128xf32, #tpu.memory_space<hbm>> -> memref<20000x128xf32, #tpu.memory_space<hbm>>
          tpu.enqueue_indirect_dma source(%dma_start3A_286 : memref<20000x128xf32, #tpu.memory_space<hbm>>) target(%arg12 : memref<128x128xf32, #tpu.memory_space<vmem>>) offsets(%dma_start3A_283 : memref<128xi32, #tpu.memory_space<vmem>>) semaphore(%arg16 : memref<!tpu.dma_semaphore, #tpu.memory_space<semaphore_mem>>)
          %dma_wait3A = arith.constant 0 : i32
          %dma_wait3A_287 = tpu.memref_slice %arg8[%while3A_256, %dma_wait3A] : memref<80x128xi32, #tpu.memory_space<vmem>> -> memref<1x128xi32, #tpu.memory_space<vmem>>
          %dma_wait3A_288 = tpu.memref_squeeze %dma_wait3A_287 : memref<1x128xi32, #tpu.memory_space<vmem>> -> memref<128xi32, #tpu.memory_space<vmem>>
          %dma_wait3A_289 = arith.constant 0 : i32
          %dma_wait3A_290 = arith.constant 0 : i32
          %dma_wait3A_291 = tpu.memref_slice %arg2[%dma_wait3A_289, %dma_wait3A_290] : memref<20000x128xf32, #tpu.memory_space<hbm>> -> memref<20000x128xf32, #tpu.memory_space<hbm>>
          tpu.wait_indirect_dma semaphore(%arg16 : memref<!tpu.dma_semaphore, #tpu.memory_space<semaphore_mem>>) src(%dma_wait3A_291 : memref<20000x128xf32, #tpu.memory_space<hbm>>) dst(%arg12 : memref<128x128xf32, #tpu.memory_space<vmem>>)
          %dma_start3A_292 = arith.constant 0 : i32
          %dma_start3A_293 = tpu.memref_slice %arg10[%while3A_256, %dma_start3A_292] : memref<80x128xi32, #tpu.memory_space<vmem>> -> memref<1x128xi32, #tpu.memory_space<vmem>>
          %dma_start3A_294 = tpu.memref_squeeze %dma_start3A_293 : memref<1x128xi32, #tpu.memory_space<vmem>> -> memref<128xi32, #tpu.memory_space<vmem>>
          %dma_start3A_295 = arith.constant 0 : i32
          %dma_start3A_296 = arith.constant 0 : i32
          %dma_start3A_297 = tpu.memref_slice %arg14[%dma_start3A_295, %dma_start3A_296] : memref<5008x128xf32, #tpu.memory_space<vmem_shared>> -> memref<5008x128xf32, #tpu.memory_space<vmem_shared>>
          tpu.enqueue_indirect_dma source(%arg12 : memref<128x128xf32, #tpu.memory_space<vmem>>) target(%dma_start3A_297 : memref<5008x128xf32, #tpu.memory_space<vmem_shared>>) offsets(%dma_start3A_294 : memref<128xi32, #tpu.memory_space<vmem>>) semaphore(%arg18 : memref<!tpu.dma_semaphore, #tpu.memory_space<semaphore_mem>>) {add = true}
        } else {
        }
      } else {
      }
    }
    %barrier3A_213 = arith.constant 0 : index
    tpu.barrier barrier_id(%barrier3A_213)
    %add3A_214 = arith.addi %mul3A_188, %mul3A_190 : i32
    "tpu.region"() ({
      %run_scoped3A = tpu.sem_alloc : memref<!tpu.dma_semaphore, #tpu.memory_space<semaphore_mem>>
      %dma_start3A = arith.constant 0 : i32
      %dma_start3A_256 = tpu.memref_slice %arg5[%add3A_214, %dma_start3A] : memref<10000x256xf32, #tpu.memory_space<hbm>> -> memref<312x128xf32, #tpu.memory_space<hbm>>
      %dma_start3A_257 = arith.constant 0 : i32
      %dma_start3A_258 = tpu.memref_slice %arg14[%mul3A_190, %dma_start3A_257] : memref<5008x128xf32, #tpu.memory_space<vmem_shared>> -> memref<312x128xf32, #tpu.memory_space<vmem_shared>>
      tpu.enqueue_dma source(%dma_start3A_258 : memref<312x128xf32, #tpu.memory_space<vmem_shared>>) target(%dma_start3A_256 : memref<312x128xf32, #tpu.memory_space<hbm>>) target_semaphore(%run_scoped3A : memref<!tpu.dma_semaphore, #tpu.memory_space<semaphore_mem>>)
      %dma_wait3A = arith.constant 0 : i32
      %dma_wait3A_259 = tpu.memref_slice %arg5[%add3A_214, %dma_wait3A] : memref<10000x256xf32, #tpu.memory_space<hbm>> -> memref<312x128xf32, #tpu.memory_space<hbm>>
      %dma_wait3A_260 = arith.constant 0 : i32
      %dma_wait3A_261 = tpu.memref_slice %arg14[%mul3A_190, %dma_wait3A_260] : memref<5008x128xf32, #tpu.memory_space<vmem_shared>> -> memref<312x128xf32, #tpu.memory_space<vmem_shared>>
      tpu.wait_dma2 semaphore(%run_scoped3A : memref<!tpu.dma_semaphore, #tpu.memory_space<semaphore_mem>>) src(%dma_wait3A_261 : memref<312x128xf32, #tpu.memory_space<vmem_shared>>) dst(%dma_wait3A_259 : memref<312x128xf32, #tpu.memory_space<hbm>>)
      tpu.yield
    }) : () -> ()
    %eq3A_215 = arith.constant 0 : i32
    %eq3A_216 = arith.cmpi eq, %arg1, %eq3A_215 : i32
    %convert_element_type3A_217 = arith.extui %eq3A_216 : i1 to i32
    %cond3A_218 = arith.constant 0 : i32
    %cond3A_219 = arith.cmpi ne, %convert_element_type3A_217, %cond3A_218 : i32
    scf.if %cond3A_219 {
      %add3A_256 = arith.constant 4992 : i32
      %add3A_257 = arith.addi %mul3A_188, %add3A_256 : i32
      "tpu.region"() ({
        %run_scoped3A = tpu.sem_alloc : memref<!tpu.dma_semaphore, #tpu.memory_space<semaphore_mem>>
        %dma_start3A = arith.constant 0 : i32
        %dma_start3A_258 = tpu.memref_slice %arg5[%add3A_257, %dma_start3A] : memref<10000x256xf32, #tpu.memory_space<hbm>> -> memref<8x128xf32, #tpu.memory_space<hbm>>
        %dma_start3A_259 = arith.constant 4992 : i32
        %dma_start3A_260 = arith.constant 0 : i32
        %dma_start3A_261 = tpu.memref_slice %arg14[%dma_start3A_259, %dma_start3A_260] : memref<5008x128xf32, #tpu.memory_space<vmem_shared>> -> memref<8x128xf32, #tpu.memory_space<vmem_shared>>
        tpu.enqueue_dma source(%dma_start3A_261 : memref<8x128xf32, #tpu.memory_space<vmem_shared>>) target(%dma_start3A_258 : memref<8x128xf32, #tpu.memory_space<hbm>>) target_semaphore(%run_scoped3A : memref<!tpu.dma_semaphore, #tpu.memory_space<semaphore_mem>>)
        %dma_wait3A = arith.constant 0 : i32
        %dma_wait3A_262 = tpu.memref_slice %arg5[%add3A_257, %dma_wait3A] : memref<10000x256xf32, #tpu.memory_space<hbm>> -> memref<8x128xf32, #tpu.memory_space<hbm>>
        %dma_wait3A_263 = arith.constant 4992 : i32
        %dma_wait3A_264 = arith.constant 0 : i32
        %dma_wait3A_265 = tpu.memref_slice %arg14[%dma_wait3A_263, %dma_wait3A_264] : memref<5008x128xf32, #tpu.memory_space<vmem_shared>> -> memref<8x128xf32, #tpu.memory_space<vmem_shared>>
        tpu.wait_dma2 semaphore(%run_scoped3A : memref<!tpu.dma_semaphore, #tpu.memory_space<semaphore_mem>>) src(%dma_wait3A_265 : memref<8x128xf32, #tpu.memory_space<vmem_shared>>) dst(%dma_wait3A_262 : memref<8x128xf32, #tpu.memory_space<hbm>>)
        tpu.yield
      }) : () -> ()
    } else {
    }
    %barrier3A_220 = arith.constant 0 : index
    tpu.barrier barrier_id(%barrier3A_220)
    %scan3A_221 = arith.constant 0 : i32
    %scan3A_222 = arith.constant 19 : i32
    %scan3A_223 = arith.addi %scan3A_221, %scan3A_222 : i32
    %scan3A_224 = arith.constant 1 : i32
    scf.for %scan3A_256 = %scan3A_221 to %scan3A_223 step %scan3A_224  : i32 {
      %mul3A_257 = arith.constant 16 : i32
      %mul3A_258 = arith.muli %scan3A_256, %mul3A_257 : i32
      %add3A_259 = arith.constant 0 : i32
      %add3A_260 = arith.addi %add3A_259, %mul3A_258 : i32
      %add3A_261 = arith.addi %mul3A_186, %add3A_260 : i32
      "tpu.region"() ({
        %run_scoped3A = tpu.sem_alloc : memref<!tpu.dma_semaphore, #tpu.memory_space<semaphore_mem>>
        %dma_start3A = arith.constant 0 : i32
        %dma_start3A_262 = tpu.memref_slice %arg14[%add3A_261, %dma_start3A] : memref<5008x128xf32, #tpu.memory_space<vmem_shared>> -> memref<16x128xf32, #tpu.memory_space<vmem_shared>>
        %dma_start3A_263 = arith.constant 0 : i32
        %dma_start3A_264 = tpu.memref_slice %arg14[%add3A_261, %dma_start3A_263] : memref<5008x128xf32, #tpu.memory_space<vmem_shared>> -> memref<16x128xf32, #tpu.memory_space<vmem_shared>>
        tpu.enqueue_dma source(%arg13 : memref<16x128xf32, #tpu.memory_space<vmem>>) target(%dma_start3A_264 : memref<16x128xf32, #tpu.memory_space<vmem_shared>>) target_semaphore(%run_scoped3A : memref<!tpu.dma_semaphore, #tpu.memory_space<semaphore_mem>>)
        %dma_wait3A = arith.constant 0 : i32
        %dma_wait3A_265 = tpu.memref_slice %arg14[%add3A_261, %dma_wait3A] : memref<5008x128xf32, #tpu.memory_space<vmem_shared>> -> memref<16x128xf32, #tpu.memory_space<vmem_shared>>
        %dma_wait3A_266 = arith.constant 0 : i32
        %dma_wait3A_267 = tpu.memref_slice %arg14[%add3A_261, %dma_wait3A_266] : memref<5008x128xf32, #tpu.memory_space<vmem_shared>> -> memref<16x128xf32, #tpu.memory_space<vmem_shared>>
        tpu.wait_dma2 semaphore(%run_scoped3A : memref<!tpu.dma_semaphore, #tpu.memory_space<semaphore_mem>>) src(%arg13 : memref<16x128xf32, #tpu.memory_space<vmem>>) dst(%dma_wait3A_267 : memref<16x128xf32, #tpu.memory_space<vmem_shared>>)
        tpu.yield
      }) : () -> ()
    }
    %scan3A_225 = arith.constant 19 : i32
    %ge3A_226 = arith.constant 0 : i32
    %ge3A_227 = arith.cmpi sge, %arg1, %ge3A_226 : i32
    %convert_element_type3A_228 = arith.extui %ge3A_227 : i1 to i32
    %cond3A_229 = arith.constant 0 : i32
    %cond3A_230 = arith.cmpi ne, %convert_element_type3A_228, %cond3A_229 : i32
    scf.if %cond3A_230 {
      %add3A_256 = arith.constant 304 : i32
      %add3A_257 = arith.addi %mul3A_186, %add3A_256 : i32
      "tpu.region"() ({
        %run_scoped3A = tpu.sem_alloc : memref<!tpu.dma_semaphore, #tpu.memory_space<semaphore_mem>>
        %dma_start3A = arith.constant 0 : i32
        %dma_start3A_258 = arith.constant 0 : i32
        %dma_start3A_259 = tpu.memref_slice %arg13[%dma_start3A, %dma_start3A_258] : memref<16x128xf32, #tpu.memory_space<vmem>> -> memref<8x128xf32, #tpu.memory_space<vmem>>
        %dma_start3A_260 = arith.constant 0 : i32
        %dma_start3A_261 = tpu.memref_slice %arg14[%add3A_257, %dma_start3A_260] : memref<5008x128xf32, #tpu.memory_space<vmem_shared>> -> memref<8x128xf32, #tpu.memory_space<vmem_shared>>
        %dma_start3A_262 = arith.constant 0 : i32
        %dma_start3A_263 = tpu.memref_slice %arg14[%add3A_257, %dma_start3A_262] : memref<5008x128xf32, #tpu.memory_space<vmem_shared>> -> memref<8x128xf32, #tpu.memory_space<vmem_shared>>
        %dma_start3A_264 = arith.constant 0 : i32
        %dma_start3A_265 = arith.constant 0 : i32
        %dma_start3A_266 = tpu.memref_slice %arg13[%dma_start3A_264, %dma_start3A_265] : memref<16x128xf32, #tpu.memory_space<vmem>> -> memref<8x128xf32, #tpu.memory_space<vmem>>
        tpu.enqueue_dma source(%dma_start3A_266 : memref<8x128xf32, #tpu.memory_space<vmem>>) target(%dma_start3A_263 : memref<8x128xf32, #tpu.memory_space<vmem_shared>>) target_semaphore(%run_scoped3A : memref<!tpu.dma_semaphore, #tpu.memory_space<semaphore_mem>>)
        %dma_wait3A = arith.constant 0 : i32
        %dma_wait3A_267 = arith.constant 0 : i32
        %dma_wait3A_268 = tpu.memref_slice %arg13[%dma_wait3A, %dma_wait3A_267] : memref<16x128xf32, #tpu.memory_space<vmem>> -> memref<8x128xf32, #tpu.memory_space<vmem>>
        %dma_wait3A_269 = arith.constant 0 : i32
        %dma_wait3A_270 = tpu.memref_slice %arg14[%add3A_257, %dma_wait3A_269] : memref<5008x128xf32, #tpu.memory_space<vmem_shared>> -> memref<8x128xf32, #tpu.memory_space<vmem_shared>>
        %dma_wait3A_271 = arith.constant 0 : i32
        %dma_wait3A_272 = tpu.memref_slice %arg14[%add3A_257, %dma_wait3A_271] : memref<5008x128xf32, #tpu.memory_space<vmem_shared>> -> memref<8x128xf32, #tpu.memory_space<vmem_shared>>
        %dma_wait3A_273 = arith.constant 0 : i32
        %dma_wait3A_274 = arith.constant 0 : i32
        %dma_wait3A_275 = tpu.memref_slice %arg13[%dma_wait3A_273, %dma_wait3A_274] : memref<16x128xf32, #tpu.memory_space<vmem>> -> memref<8x128xf32, #tpu.memory_space<vmem>>
        tpu.wait_dma2 semaphore(%run_scoped3A : memref<!tpu.dma_semaphore, #tpu.memory_space<semaphore_mem>>) src(%dma_wait3A_275 : memref<8x128xf32, #tpu.memory_space<vmem>>) dst(%dma_wait3A_272 : memref<8x128xf32, #tpu.memory_space<vmem_shared>>)
        tpu.yield
      }) : () -> ()
    } else {
    }
    %eq3A_231 = arith.constant 0 : i32
    %eq3A_232 = arith.cmpi eq, %arg1, %eq3A_231 : i32
    %convert_element_type3A_233 = arith.extui %eq3A_232 : i1 to i32
    %cond3A_234 = arith.constant 0 : i32
    %cond3A_235 = arith.cmpi ne, %convert_element_type3A_233, %cond3A_234 : i32
    scf.if %cond3A_235 {
      "tpu.region"() ({
        %run_scoped3A = tpu.sem_alloc : memref<!tpu.dma_semaphore, #tpu.memory_space<semaphore_mem>>
        %dma_start3A = arith.constant 4992 : i32
        %dma_start3A_256 = arith.constant 0 : i32
        %dma_start3A_257 = tpu.memref_slice %arg14[%dma_start3A, %dma_start3A_256] : memref<5008x128xf32, #tpu.memory_space<vmem_shared>> -> memref<16x128xf32, #tpu.memory_space<vmem_shared>>
        %dma_start3A_258 = arith.constant 4992 : i32
        %dma_start3A_259 = arith.constant 0 : i32
        %dma_start3A_260 = tpu.memref_slice %arg14[%dma_start3A_258, %dma_start3A_259] : memref<5008x128xf32, #tpu.memory_space<vmem_shared>> -> memref<16x128xf32, #tpu.memory_space<vmem_shared>>
        tpu.enqueue_dma source(%arg13 : memref<16x128xf32, #tpu.memory_space<vmem>>) target(%dma_start3A_260 : memref<16x128xf32, #tpu.memory_space<vmem_shared>>) target_semaphore(%run_scoped3A : memref<!tpu.dma_semaphore, #tpu.memory_space<semaphore_mem>>)
        %dma_wait3A = arith.constant 4992 : i32
        %dma_wait3A_261 = arith.constant 0 : i32
        %dma_wait3A_262 = tpu.memref_slice %arg14[%dma_wait3A, %dma_wait3A_261] : memref<5008x128xf32, #tpu.memory_space<vmem_shared>> -> memref<16x128xf32, #tpu.memory_space<vmem_shared>>
        %dma_wait3A_263 = arith.constant 4992 : i32
        %dma_wait3A_264 = arith.constant 0 : i32
        %dma_wait3A_265 = tpu.memref_slice %arg14[%dma_wait3A_263, %dma_wait3A_264] : memref<5008x128xf32, #tpu.memory_space<vmem_shared>> -> memref<16x128xf32, #tpu.memory_space<vmem_shared>>
        tpu.wait_dma2 semaphore(%run_scoped3A : memref<!tpu.dma_semaphore, #tpu.memory_space<semaphore_mem>>) src(%arg13 : memref<16x128xf32, #tpu.memory_space<vmem>>) dst(%dma_wait3A_265 : memref<16x128xf32, #tpu.memory_space<vmem_shared>>)
        tpu.yield
      }) : () -> ()
    } else {
    }
    %barrier3A_236 = arith.constant 0 : index
    tpu.barrier barrier_id(%barrier3A_236)
    %add3A_237 = arith.constant 2 : i32
    %add3A_238 = arith.addi %shift_right_logical3A_184, %add3A_237 : i32
    %while3A_239 = arith.constant 0 : i32
    %while3A_240 = arith.constant 0 : i32
    %while3A_241 = arith.subi %add3A_238, %while3A_240 : i32
    %while3A_242 = arith.addi %while3A_240, %while3A_241 : i32
    %while3A_243 = arith.constant 1 : i32
    %while3A_244 = arith.divsi %while3A_241, %while3A_243 : i32
    %while3A_245 = arith.muli %while3A_244, %while3A_243 : i32
    %while3A_246 = arith.addi %while3A_240, %while3A_245 : i32
    %while3A_247 = arith.constant 1 : i32
    scf.for %while3A_256 = %while3A_240 to %while3A_246 step %while3A_247  : i32 {
      %and3A_257 = arith.constant 1 : i32
      %and3A_258 = arith.andi %while3A_256, %and3A_257 : i32
      %eq3A_259 = arith.constant 0 : i32
      %eq3A_260 = arith.cmpi eq, %and3A_258, %eq3A_259 : i32
      %convert_element_type3A_261 = arith.extui %eq3A_260 : i1 to i32
      %cond3A_262 = arith.constant 0 : i32
      %cond3A_263 = arith.cmpi ne, %convert_element_type3A_261, %cond3A_262 : i32
      scf.if %cond3A_263 {
        %ge3A_271 = arith.constant 2 : i32
        %ge3A_272 = arith.cmpi sge, %while3A_256, %ge3A_271 : i32
        %sub3A = arith.constant 2 : i32
        %sub3A_273 = arith.subi %while3A_256, %sub3A : i32
        %lt3A = arith.cmpi slt, %sub3A_273, %shift_right_logical3A_184 : i32
        %and3A_274 = arith.andi %ge3A_272, %lt3A : i1
        %convert_element_type3A_275 = arith.extui %and3A_274 : i1 to i32
        %cond3A_276 = arith.constant 0 : i32
        %cond3A_277 = arith.cmpi ne, %convert_element_type3A_275, %cond3A_276 : i32
        scf.if %cond3A_277 {
          %dma_wait3A = arith.constant 0 : i32
          %dma_wait3A_282 = tpu.memref_slice %arg10[%while3A_256, %dma_wait3A] : memref<80x128xi32, #tpu.memory_space<vmem>> -> memref<1x128xi32, #tpu.memory_space<vmem>>
          %dma_wait3A_283 = tpu.memref_squeeze %dma_wait3A_282 : memref<1x128xi32, #tpu.memory_space<vmem>> -> memref<128xi32, #tpu.memory_space<vmem>>
          %dma_wait3A_284 = arith.constant 0 : i32
          %dma_wait3A_285 = arith.constant 0 : i32
          %dma_wait3A_286 = tpu.memref_slice %arg14[%dma_wait3A_284, %dma_wait3A_285] : memref<5008x128xf32, #tpu.memory_space<vmem_shared>> -> memref<5008x128xf32, #tpu.memory_space<vmem_shared>>
          tpu.wait_indirect_dma semaphore(%arg17 : memref<!tpu.dma_semaphore, #tpu.memory_space<semaphore_mem>>) src(%arg11 : memref<128x128xf32, #tpu.memory_space<vmem>>) dst(%dma_wait3A_286 : memref<5008x128xf32, #tpu.memory_space<vmem_shared>>)
        } else {
        }
        %lt3A_278 = arith.cmpi slt, %while3A_256, %shift_right_logical3A_184 : i32
        %convert_element_type3A_279 = arith.extui %lt3A_278 : i1 to i32
        %cond3A_280 = arith.constant 0 : i32
        %cond3A_281 = arith.cmpi ne, %convert_element_type3A_279, %cond3A_280 : i32
        scf.if %cond3A_281 {
          %dma_start3A = arith.constant 0 : i32
          %dma_start3A_282 = tpu.memref_slice %arg9[%while3A_256, %dma_start3A] : memref<80x128xi32, #tpu.memory_space<vmem>> -> memref<1x128xi32, #tpu.memory_space<vmem>>
          %dma_start3A_283 = tpu.memref_squeeze %dma_start3A_282 : memref<1x128xi32, #tpu.memory_space<vmem>> -> memref<128xi32, #tpu.memory_space<vmem>>
          %dma_start3A_284 = arith.constant 0 : i32
          %dma_start3A_285 = arith.constant 0 : i32
          %dma_start3A_286 = tpu.memref_slice %arg2[%dma_start3A_284, %dma_start3A_285] : memref<20000x128xf32, #tpu.memory_space<hbm>> -> memref<20000x128xf32, #tpu.memory_space<hbm>>
          tpu.enqueue_indirect_dma source(%dma_start3A_286 : memref<20000x128xf32, #tpu.memory_space<hbm>>) target(%arg11 : memref<128x128xf32, #tpu.memory_space<vmem>>) offsets(%dma_start3A_283 : memref<128xi32, #tpu.memory_space<vmem>>) semaphore(%arg16 : memref<!tpu.dma_semaphore, #tpu.memory_space<semaphore_mem>>)
          %dma_wait3A = arith.constant 0 : i32
          %dma_wait3A_287 = tpu.memref_slice %arg9[%while3A_256, %dma_wait3A] : memref<80x128xi32, #tpu.memory_space<vmem>> -> memref<1x128xi32, #tpu.memory_space<vmem>>
          %dma_wait3A_288 = tpu.memref_squeeze %dma_wait3A_287 : memref<1x128xi32, #tpu.memory_space<vmem>> -> memref<128xi32, #tpu.memory_space<vmem>>
          %dma_wait3A_289 = arith.constant 0 : i32
          %dma_wait3A_290 = arith.constant 0 : i32
          %dma_wait3A_291 = tpu.memref_slice %arg2[%dma_wait3A_289, %dma_wait3A_290] : memref<20000x128xf32, #tpu.memory_space<hbm>> -> memref<20000x128xf32, #tpu.memory_space<hbm>>
          tpu.wait_indirect_dma semaphore(%arg16 : memref<!tpu.dma_semaphore, #tpu.memory_space<semaphore_mem>>) src(%dma_wait3A_291 : memref<20000x128xf32, #tpu.memory_space<hbm>>) dst(%arg11 : memref<128x128xf32, #tpu.memory_space<vmem>>)
          %dma_start3A_292 = arith.constant 0 : i32
          %dma_start3A_293 = tpu.memref_slice %arg10[%while3A_256, %dma_start3A_292] : memref<80x128xi32, #tpu.memory_space<vmem>> -> memref<1x128xi32, #tpu.memory_space<vmem>>
          %dma_start3A_294 = tpu.memref_squeeze %dma_start3A_293 : memref<1x128xi32, #tpu.memory_space<vmem>> -> memref<128xi32, #tpu.memory_space<vmem>>
          %dma_start3A_295 = arith.constant 0 : i32
          %dma_start3A_296 = arith.constant 0 : i32
          %dma_start3A_297 = tpu.memref_slice %arg14[%dma_start3A_295, %dma_start3A_296] : memref<5008x128xf32, #tpu.memory_space<vmem_shared>> -> memref<5008x128xf32, #tpu.memory_space<vmem_shared>>
          tpu.enqueue_indirect_dma source(%arg11 : memref<128x128xf32, #tpu.memory_space<vmem>>) target(%dma_start3A_297 : memref<5008x128xf32, #tpu.memory_space<vmem_shared>>) offsets(%dma_start3A_294 : memref<128xi32, #tpu.memory_space<vmem>>) semaphore(%arg17 : memref<!tpu.dma_semaphore, #tpu.memory_space<semaphore_mem>>) {add = true}
        } else {
        }
      } else {
      }
      %and3A_264 = arith.constant 1 : i32
      %and3A_265 = arith.andi %while3A_256, %and3A_264 : i32
      %eq3A_266 = arith.constant 1 : i32
      %eq3A_267 = arith.cmpi eq, %and3A_265, %eq3A_266 : i32
      %convert_element_type3A_268 = arith.extui %eq3A_267 : i1 to i32
      %cond3A_269 = arith.constant 0 : i32
      %cond3A_270 = arith.cmpi ne, %convert_element_type3A_268, %cond3A_269 : i32
      scf.if %cond3A_270 {
        %ge3A_271 = arith.constant 2 : i32
        %ge3A_272 = arith.cmpi sge, %while3A_256, %ge3A_271 : i32
        %sub3A = arith.constant 2 : i32
        %sub3A_273 = arith.subi %while3A_256, %sub3A : i32
        %lt3A = arith.cmpi slt, %sub3A_273, %shift_right_logical3A_184 : i32
        %and3A_274 = arith.andi %ge3A_272, %lt3A : i1
        %convert_element_type3A_275 = arith.extui %and3A_274 : i1 to i32
        %cond3A_276 = arith.constant 0 : i32
        %cond3A_277 = arith.cmpi ne, %convert_element_type3A_275, %cond3A_276 : i32
        scf.if %cond3A_277 {
          %dma_wait3A = arith.constant 0 : i32
          %dma_wait3A_282 = tpu.memref_slice %arg10[%while3A_256, %dma_wait3A] : memref<80x128xi32, #tpu.memory_space<vmem>> -> memref<1x128xi32, #tpu.memory_space<vmem>>
          %dma_wait3A_283 = tpu.memref_squeeze %dma_wait3A_282 : memref<1x128xi32, #tpu.memory_space<vmem>> -> memref<128xi32, #tpu.memory_space<vmem>>
          %dma_wait3A_284 = arith.constant 0 : i32
          %dma_wait3A_285 = arith.constant 0 : i32
          %dma_wait3A_286 = tpu.memref_slice %arg14[%dma_wait3A_284, %dma_wait3A_285] : memref<5008x128xf32, #tpu.memory_space<vmem_shared>> -> memref<5008x128xf32, #tpu.memory_space<vmem_shared>>
          tpu.wait_indirect_dma semaphore(%arg18 : memref<!tpu.dma_semaphore, #tpu.memory_space<semaphore_mem>>) src(%arg12 : memref<128x128xf32, #tpu.memory_space<vmem>>) dst(%dma_wait3A_286 : memref<5008x128xf32, #tpu.memory_space<vmem_shared>>)
        } else {
        }
        %lt3A_278 = arith.cmpi slt, %while3A_256, %shift_right_logical3A_184 : i32
        %convert_element_type3A_279 = arith.extui %lt3A_278 : i1 to i32
        %cond3A_280 = arith.constant 0 : i32
        %cond3A_281 = arith.cmpi ne, %convert_element_type3A_279, %cond3A_280 : i32
        scf.if %cond3A_281 {
          %dma_start3A = arith.constant 0 : i32
          %dma_start3A_282 = tpu.memref_slice %arg9[%while3A_256, %dma_start3A] : memref<80x128xi32, #tpu.memory_space<vmem>> -> memref<1x128xi32, #tpu.memory_space<vmem>>
          %dma_start3A_283 = tpu.memref_squeeze %dma_start3A_282 : memref<1x128xi32, #tpu.memory_space<vmem>> -> memref<128xi32, #tpu.memory_space<vmem>>
          %dma_start3A_284 = arith.constant 0 : i32
          %dma_start3A_285 = arith.constant 0 : i32
          %dma_start3A_286 = tpu.memref_slice %arg2[%dma_start3A_284, %dma_start3A_285] : memref<20000x128xf32, #tpu.memory_space<hbm>> -> memref<20000x128xf32, #tpu.memory_space<hbm>>
          tpu.enqueue_indirect_dma source(%dma_start3A_286 : memref<20000x128xf32, #tpu.memory_space<hbm>>) target(%arg12 : memref<128x128xf32, #tpu.memory_space<vmem>>) offsets(%dma_start3A_283 : memref<128xi32, #tpu.memory_space<vmem>>) semaphore(%arg16 : memref<!tpu.dma_semaphore, #tpu.memory_space<semaphore_mem>>)
          %dma_wait3A = arith.constant 0 : i32
          %dma_wait3A_287 = tpu.memref_slice %arg9[%while3A_256, %dma_wait3A] : memref<80x128xi32, #tpu.memory_space<vmem>> -> memref<1x128xi32, #tpu.memory_space<vmem>>
          %dma_wait3A_288 = tpu.memref_squeeze %dma_wait3A_287 : memref<1x128xi32, #tpu.memory_space<vmem>> -> memref<128xi32, #tpu.memory_space<vmem>>
          %dma_wait3A_289 = arith.constant 0 : i32
          %dma_wait3A_290 = arith.constant 0 : i32
          %dma_wait3A_291 = tpu.memref_slice %arg2[%dma_wait3A_289, %dma_wait3A_290] : memref<20000x128xf32, #tpu.memory_space<hbm>> -> memref<20000x128xf32, #tpu.memory_space<hbm>>
          tpu.wait_indirect_dma semaphore(%arg16 : memref<!tpu.dma_semaphore, #tpu.memory_space<semaphore_mem>>) src(%dma_wait3A_291 : memref<20000x128xf32, #tpu.memory_space<hbm>>) dst(%arg12 : memref<128x128xf32, #tpu.memory_space<vmem>>)
          %dma_start3A_292 = arith.constant 0 : i32
          %dma_start3A_293 = tpu.memref_slice %arg10[%while3A_256, %dma_start3A_292] : memref<80x128xi32, #tpu.memory_space<vmem>> -> memref<1x128xi32, #tpu.memory_space<vmem>>
          %dma_start3A_294 = tpu.memref_squeeze %dma_start3A_293 : memref<1x128xi32, #tpu.memory_space<vmem>> -> memref<128xi32, #tpu.memory_space<vmem>>
          %dma_start3A_295 = arith.constant 0 : i32
          %dma_start3A_296 = arith.constant 0 : i32
          %dma_start3A_297 = tpu.memref_slice %arg14[%dma_start3A_295, %dma_start3A_296] : memref<5008x128xf32, #tpu.memory_space<vmem_shared>> -> memref<5008x128xf32, #tpu.memory_space<vmem_shared>>
          tpu.enqueue_indirect_dma source(%arg12 : memref<128x128xf32, #tpu.memory_space<vmem>>) target(%dma_start3A_297 : memref<5008x128xf32, #tpu.memory_space<vmem_shared>>) offsets(%dma_start3A_294 : memref<128xi32, #tpu.memory_space<vmem>>) semaphore(%arg18 : memref<!tpu.dma_semaphore, #tpu.memory_space<semaphore_mem>>) {add = true}
        } else {
        }
      } else {
      }
    }
    %while3A_248 = arith.constant 1 : i32
    scf.for %while3A_256 = %while3A_246 to %while3A_242 step %while3A_248  : i32 {
      %and3A_257 = arith.constant 1 : i32
      %and3A_258 = arith.andi %while3A_256, %and3A_257 : i32
      %eq3A_259 = arith.constant 0 : i32
      %eq3A_260 = arith.cmpi eq, %and3A_258, %eq3A_259 : i32
      %convert_element_type3A_261 = arith.extui %eq3A_260 : i1 to i32
      %cond3A_262 = arith.constant 0 : i32
      %cond3A_263 = arith.cmpi ne, %convert_element_type3A_261, %cond3A_262 : i32
      scf.if %cond3A_263 {
        %ge3A_271 = arith.constant 2 : i32
        %ge3A_272 = arith.cmpi sge, %while3A_256, %ge3A_271 : i32
        %sub3A = arith.constant 2 : i32
        %sub3A_273 = arith.subi %while3A_256, %sub3A : i32
        %lt3A = arith.cmpi slt, %sub3A_273, %shift_right_logical3A_184 : i32
        %and3A_274 = arith.andi %ge3A_272, %lt3A : i1
        %convert_element_type3A_275 = arith.extui %and3A_274 : i1 to i32
        %cond3A_276 = arith.constant 0 : i32
        %cond3A_277 = arith.cmpi ne, %convert_element_type3A_275, %cond3A_276 : i32
        scf.if %cond3A_277 {
          %dma_wait3A = arith.constant 0 : i32
          %dma_wait3A_282 = tpu.memref_slice %arg10[%while3A_256, %dma_wait3A] : memref<80x128xi32, #tpu.memory_space<vmem>> -> memref<1x128xi32, #tpu.memory_space<vmem>>
          %dma_wait3A_283 = tpu.memref_squeeze %dma_wait3A_282 : memref<1x128xi32, #tpu.memory_space<vmem>> -> memref<128xi32, #tpu.memory_space<vmem>>
          %dma_wait3A_284 = arith.constant 0 : i32
          %dma_wait3A_285 = arith.constant 0 : i32
          %dma_wait3A_286 = tpu.memref_slice %arg14[%dma_wait3A_284, %dma_wait3A_285] : memref<5008x128xf32, #tpu.memory_space<vmem_shared>> -> memref<5008x128xf32, #tpu.memory_space<vmem_shared>>
          tpu.wait_indirect_dma semaphore(%arg17 : memref<!tpu.dma_semaphore, #tpu.memory_space<semaphore_mem>>) src(%arg11 : memref<128x128xf32, #tpu.memory_space<vmem>>) dst(%dma_wait3A_286 : memref<5008x128xf32, #tpu.memory_space<vmem_shared>>)
        } else {
        }
        %lt3A_278 = arith.cmpi slt, %while3A_256, %shift_right_logical3A_184 : i32
        %convert_element_type3A_279 = arith.extui %lt3A_278 : i1 to i32
        %cond3A_280 = arith.constant 0 : i32
        %cond3A_281 = arith.cmpi ne, %convert_element_type3A_279, %cond3A_280 : i32
        scf.if %cond3A_281 {
          %dma_start3A = arith.constant 0 : i32
          %dma_start3A_282 = tpu.memref_slice %arg9[%while3A_256, %dma_start3A] : memref<80x128xi32, #tpu.memory_space<vmem>> -> memref<1x128xi32, #tpu.memory_space<vmem>>
          %dma_start3A_283 = tpu.memref_squeeze %dma_start3A_282 : memref<1x128xi32, #tpu.memory_space<vmem>> -> memref<128xi32, #tpu.memory_space<vmem>>
          %dma_start3A_284 = arith.constant 0 : i32
          %dma_start3A_285 = arith.constant 0 : i32
          %dma_start3A_286 = tpu.memref_slice %arg2[%dma_start3A_284, %dma_start3A_285] : memref<20000x128xf32, #tpu.memory_space<hbm>> -> memref<20000x128xf32, #tpu.memory_space<hbm>>
          tpu.enqueue_indirect_dma source(%dma_start3A_286 : memref<20000x128xf32, #tpu.memory_space<hbm>>) target(%arg11 : memref<128x128xf32, #tpu.memory_space<vmem>>) offsets(%dma_start3A_283 : memref<128xi32, #tpu.memory_space<vmem>>) semaphore(%arg16 : memref<!tpu.dma_semaphore, #tpu.memory_space<semaphore_mem>>)
          %dma_wait3A = arith.constant 0 : i32
          %dma_wait3A_287 = tpu.memref_slice %arg9[%while3A_256, %dma_wait3A] : memref<80x128xi32, #tpu.memory_space<vmem>> -> memref<1x128xi32, #tpu.memory_space<vmem>>
          %dma_wait3A_288 = tpu.memref_squeeze %dma_wait3A_287 : memref<1x128xi32, #tpu.memory_space<vmem>> -> memref<128xi32, #tpu.memory_space<vmem>>
          %dma_wait3A_289 = arith.constant 0 : i32
          %dma_wait3A_290 = arith.constant 0 : i32
          %dma_wait3A_291 = tpu.memref_slice %arg2[%dma_wait3A_289, %dma_wait3A_290] : memref<20000x128xf32, #tpu.memory_space<hbm>> -> memref<20000x128xf32, #tpu.memory_space<hbm>>
          tpu.wait_indirect_dma semaphore(%arg16 : memref<!tpu.dma_semaphore, #tpu.memory_space<semaphore_mem>>) src(%dma_wait3A_291 : memref<20000x128xf32, #tpu.memory_space<hbm>>) dst(%arg11 : memref<128x128xf32, #tpu.memory_space<vmem>>)
          %dma_start3A_292 = arith.constant 0 : i32
          %dma_start3A_293 = tpu.memref_slice %arg10[%while3A_256, %dma_start3A_292] : memref<80x128xi32, #tpu.memory_space<vmem>> -> memref<1x128xi32, #tpu.memory_space<vmem>>
          %dma_start3A_294 = tpu.memref_squeeze %dma_start3A_293 : memref<1x128xi32, #tpu.memory_space<vmem>> -> memref<128xi32, #tpu.memory_space<vmem>>
          %dma_start3A_295 = arith.constant 0 : i32
          %dma_start3A_296 = arith.constant 0 : i32
          %dma_start3A_297 = tpu.memref_slice %arg14[%dma_start3A_295, %dma_start3A_296] : memref<5008x128xf32, #tpu.memory_space<vmem_shared>> -> memref<5008x128xf32, #tpu.memory_space<vmem_shared>>
          tpu.enqueue_indirect_dma source(%arg11 : memref<128x128xf32, #tpu.memory_space<vmem>>) target(%dma_start3A_297 : memref<5008x128xf32, #tpu.memory_space<vmem_shared>>) offsets(%dma_start3A_294 : memref<128xi32, #tpu.memory_space<vmem>>) semaphore(%arg17 : memref<!tpu.dma_semaphore, #tpu.memory_space<semaphore_mem>>) {add = true}
        } else {
        }
      } else {
      }
      %and3A_264 = arith.constant 1 : i32
      %and3A_265 = arith.andi %while3A_256, %and3A_264 : i32
      %eq3A_266 = arith.constant 1 : i32
      %eq3A_267 = arith.cmpi eq, %and3A_265, %eq3A_266 : i32
      %convert_element_type3A_268 = arith.extui %eq3A_267 : i1 to i32
      %cond3A_269 = arith.constant 0 : i32
      %cond3A_270 = arith.cmpi ne, %convert_element_type3A_268, %cond3A_269 : i32
      scf.if %cond3A_270 {
        %ge3A_271 = arith.constant 2 : i32
        %ge3A_272 = arith.cmpi sge, %while3A_256, %ge3A_271 : i32
        %sub3A = arith.constant 2 : i32
        %sub3A_273 = arith.subi %while3A_256, %sub3A : i32
        %lt3A = arith.cmpi slt, %sub3A_273, %shift_right_logical3A_184 : i32
        %and3A_274 = arith.andi %ge3A_272, %lt3A : i1
        %convert_element_type3A_275 = arith.extui %and3A_274 : i1 to i32
        %cond3A_276 = arith.constant 0 : i32
        %cond3A_277 = arith.cmpi ne, %convert_element_type3A_275, %cond3A_276 : i32
        scf.if %cond3A_277 {
          %dma_wait3A = arith.constant 0 : i32
          %dma_wait3A_282 = tpu.memref_slice %arg10[%while3A_256, %dma_wait3A] : memref<80x128xi32, #tpu.memory_space<vmem>> -> memref<1x128xi32, #tpu.memory_space<vmem>>
          %dma_wait3A_283 = tpu.memref_squeeze %dma_wait3A_282 : memref<1x128xi32, #tpu.memory_space<vmem>> -> memref<128xi32, #tpu.memory_space<vmem>>
          %dma_wait3A_284 = arith.constant 0 : i32
          %dma_wait3A_285 = arith.constant 0 : i32
          %dma_wait3A_286 = tpu.memref_slice %arg14[%dma_wait3A_284, %dma_wait3A_285] : memref<5008x128xf32, #tpu.memory_space<vmem_shared>> -> memref<5008x128xf32, #tpu.memory_space<vmem_shared>>
          tpu.wait_indirect_dma semaphore(%arg18 : memref<!tpu.dma_semaphore, #tpu.memory_space<semaphore_mem>>) src(%arg12 : memref<128x128xf32, #tpu.memory_space<vmem>>) dst(%dma_wait3A_286 : memref<5008x128xf32, #tpu.memory_space<vmem_shared>>)
        } else {
        }
        %lt3A_278 = arith.cmpi slt, %while3A_256, %shift_right_logical3A_184 : i32
        %convert_element_type3A_279 = arith.extui %lt3A_278 : i1 to i32
        %cond3A_280 = arith.constant 0 : i32
        %cond3A_281 = arith.cmpi ne, %convert_element_type3A_279, %cond3A_280 : i32
        scf.if %cond3A_281 {
          %dma_start3A = arith.constant 0 : i32
          %dma_start3A_282 = tpu.memref_slice %arg9[%while3A_256, %dma_start3A] : memref<80x128xi32, #tpu.memory_space<vmem>> -> memref<1x128xi32, #tpu.memory_space<vmem>>
          %dma_start3A_283 = tpu.memref_squeeze %dma_start3A_282 : memref<1x128xi32, #tpu.memory_space<vmem>> -> memref<128xi32, #tpu.memory_space<vmem>>
          %dma_start3A_284 = arith.constant 0 : i32
          %dma_start3A_285 = arith.constant 0 : i32
          %dma_start3A_286 = tpu.memref_slice %arg2[%dma_start3A_284, %dma_start3A_285] : memref<20000x128xf32, #tpu.memory_space<hbm>> -> memref<20000x128xf32, #tpu.memory_space<hbm>>
          tpu.enqueue_indirect_dma source(%dma_start3A_286 : memref<20000x128xf32, #tpu.memory_space<hbm>>) target(%arg12 : memref<128x128xf32, #tpu.memory_space<vmem>>) offsets(%dma_start3A_283 : memref<128xi32, #tpu.memory_space<vmem>>) semaphore(%arg16 : memref<!tpu.dma_semaphore, #tpu.memory_space<semaphore_mem>>)
          %dma_wait3A = arith.constant 0 : i32
          %dma_wait3A_287 = tpu.memref_slice %arg9[%while3A_256, %dma_wait3A] : memref<80x128xi32, #tpu.memory_space<vmem>> -> memref<1x128xi32, #tpu.memory_space<vmem>>
          %dma_wait3A_288 = tpu.memref_squeeze %dma_wait3A_287 : memref<1x128xi32, #tpu.memory_space<vmem>> -> memref<128xi32, #tpu.memory_space<vmem>>
          %dma_wait3A_289 = arith.constant 0 : i32
          %dma_wait3A_290 = arith.constant 0 : i32
          %dma_wait3A_291 = tpu.memref_slice %arg2[%dma_wait3A_289, %dma_wait3A_290] : memref<20000x128xf32, #tpu.memory_space<hbm>> -> memref<20000x128xf32, #tpu.memory_space<hbm>>
          tpu.wait_indirect_dma semaphore(%arg16 : memref<!tpu.dma_semaphore, #tpu.memory_space<semaphore_mem>>) src(%dma_wait3A_291 : memref<20000x128xf32, #tpu.memory_space<hbm>>) dst(%arg12 : memref<128x128xf32, #tpu.memory_space<vmem>>)
          %dma_start3A_292 = arith.constant 0 : i32
          %dma_start3A_293 = tpu.memref_slice %arg10[%while3A_256, %dma_start3A_292] : memref<80x128xi32, #tpu.memory_space<vmem>> -> memref<1x128xi32, #tpu.memory_space<vmem>>
          %dma_start3A_294 = tpu.memref_squeeze %dma_start3A_293 : memref<1x128xi32, #tpu.memory_space<vmem>> -> memref<128xi32, #tpu.memory_space<vmem>>
          %dma_start3A_295 = arith.constant 0 : i32
          %dma_start3A_296 = arith.constant 0 : i32
          %dma_start3A_297 = tpu.memref_slice %arg14[%dma_start3A_295, %dma_start3A_296] : memref<5008x128xf32, #tpu.memory_space<vmem_shared>> -> memref<5008x128xf32, #tpu.memory_space<vmem_shared>>
          tpu.enqueue_indirect_dma source(%arg12 : memref<128x128xf32, #tpu.memory_space<vmem>>) target(%dma_start3A_297 : memref<5008x128xf32, #tpu.memory_space<vmem_shared>>) offsets(%dma_start3A_294 : memref<128xi32, #tpu.memory_space<vmem>>) semaphore(%arg18 : memref<!tpu.dma_semaphore, #tpu.memory_space<semaphore_mem>>) {add = true}
        } else {
        }
      } else {
      }
    }
    %barrier3A_249 = arith.constant 0 : index
    tpu.barrier barrier_id(%barrier3A_249)
    %add3A_250 = arith.addi %mul3A_188, %mul3A_190 : i32
    "tpu.region"() ({
      %run_scoped3A = tpu.sem_alloc : memref<!tpu.dma_semaphore, #tpu.memory_space<semaphore_mem>>
      %dma_start3A = arith.constant 128 : i32
      %dma_start3A_256 = tpu.memref_slice %arg5[%add3A_250, %dma_start3A] : memref<10000x256xf32, #tpu.memory_space<hbm>> -> memref<312x128xf32, #tpu.memory_space<hbm>>
      %dma_start3A_257 = arith.constant 0 : i32
      %dma_start3A_258 = tpu.memref_slice %arg14[%mul3A_190, %dma_start3A_257] : memref<5008x128xf32, #tpu.memory_space<vmem_shared>> -> memref<312x128xf32, #tpu.memory_space<vmem_shared>>
      tpu.enqueue_dma source(%dma_start3A_258 : memref<312x128xf32, #tpu.memory_space<vmem_shared>>) target(%dma_start3A_256 : memref<312x128xf32, #tpu.memory_space<hbm>>) target_semaphore(%run_scoped3A : memref<!tpu.dma_semaphore, #tpu.memory_space<semaphore_mem>>)
      %dma_wait3A = arith.constant 128 : i32
      %dma_wait3A_259 = tpu.memref_slice %arg5[%add3A_250, %dma_wait3A] : memref<10000x256xf32, #tpu.memory_space<hbm>> -> memref<312x128xf32, #tpu.memory_space<hbm>>
      %dma_wait3A_260 = arith.constant 0 : i32
      %dma_wait3A_261 = tpu.memref_slice %arg14[%mul3A_190, %dma_wait3A_260] : memref<5008x128xf32, #tpu.memory_space<vmem_shared>> -> memref<312x128xf32, #tpu.memory_space<vmem_shared>>
      tpu.wait_dma2 semaphore(%run_scoped3A : memref<!tpu.dma_semaphore, #tpu.memory_space<semaphore_mem>>) src(%dma_wait3A_261 : memref<312x128xf32, #tpu.memory_space<vmem_shared>>) dst(%dma_wait3A_259 : memref<312x128xf32, #tpu.memory_space<hbm>>)
      tpu.yield
    }) : () -> ()
    %eq3A_251 = arith.constant 0 : i32
    %eq3A_252 = arith.cmpi eq, %arg1, %eq3A_251 : i32
    %convert_element_type3A_253 = arith.extui %eq3A_252 : i1 to i32
    %cond3A_254 = arith.constant 0 : i32
    %cond3A_255 = arith.cmpi ne, %convert_element_type3A_253, %cond3A_254 : i32
    scf.if %cond3A_255 {
      %add3A_256 = arith.constant 4992 : i32
      %add3A_257 = arith.addi %mul3A_188, %add3A_256 : i32
      "tpu.region"() ({
        %run_scoped3A = tpu.sem_alloc : memref<!tpu.dma_semaphore, #tpu.memory_space<semaphore_mem>>
        %dma_start3A = arith.constant 128 : i32
        %dma_start3A_258 = tpu.memref_slice %arg5[%add3A_257, %dma_start3A] : memref<10000x256xf32, #tpu.memory_space<hbm>> -> memref<8x128xf32, #tpu.memory_space<hbm>>
        %dma_start3A_259 = arith.constant 4992 : i32
        %dma_start3A_260 = arith.constant 0 : i32
        %dma_start3A_261 = tpu.memref_slice %arg14[%dma_start3A_259, %dma_start3A_260] : memref<5008x128xf32, #tpu.memory_space<vmem_shared>> -> memref<8x128xf32, #tpu.memory_space<vmem_shared>>
        tpu.enqueue_dma source(%dma_start3A_261 : memref<8x128xf32, #tpu.memory_space<vmem_shared>>) target(%dma_start3A_258 : memref<8x128xf32, #tpu.memory_space<hbm>>) target_semaphore(%run_scoped3A : memref<!tpu.dma_semaphore, #tpu.memory_space<semaphore_mem>>)
        %dma_wait3A = arith.constant 128 : i32
        %dma_wait3A_262 = tpu.memref_slice %arg5[%add3A_257, %dma_wait3A] : memref<10000x256xf32, #tpu.memory_space<hbm>> -> memref<8x128xf32, #tpu.memory_space<hbm>>
        %dma_wait3A_263 = arith.constant 4992 : i32
        %dma_wait3A_264 = arith.constant 0 : i32
        %dma_wait3A_265 = tpu.memref_slice %arg14[%dma_wait3A_263, %dma_wait3A_264] : memref<5008x128xf32, #tpu.memory_space<vmem_shared>> -> memref<8x128xf32, #tpu.memory_space<vmem_shared>>
        tpu.wait_dma2 semaphore(%run_scoped3A : memref<!tpu.dma_semaphore, #tpu.memory_space<semaphore_mem>>) src(%dma_wait3A_265 : memref<8x128xf32, #tpu.memory_space<vmem_shared>>) dst(%dma_wait3A_262 : memref<8x128xf32, #tpu.memory_space<hbm>>)
        tpu.yield
      }) : () -> ()
    } else {
    }
    return
  }
}

#map = affine_map<(d0, d1) -> (0)>
#map1 = affine_map<(d0, d1) -> (0, 0)>
module attributes {stable_mosaic.version = 14 : i64} {
  func.func @body(%arg0: i32, %arg1: i32, %arg2: memref<160000xi32, #tpu.memory_space<hbm>>, %arg3: memref<80x128xf32, #tpu.memory_space<hbm>>, %arg4: memref<10000xi32, #tpu.memory_space<vmem>>, %arg5: memref<40x128xf32, #tpu.memory_space<vmem>>, %arg6: memref<16x128xf32, #tpu.memory_space<vmem>>, %arg7: memref<40xi32, #tpu.memory_space<vmem>>, %arg8: memref<40x128xf32, #tpu.memory_space<vmem_shared>>) attributes {dimension_semantics = [#tpu.dimension_semantics<core_parallel>, #tpu.dimension_semantics<subcore_parallel>], iteration_bounds = array<i64: 2, 16>, scalar_prefetch = 0 : i64, scratch_operands = 5 : i64, tpu.core_type = #tpu.core_type<sc_vector_subcore>, window_params = [{transform_indices = #map}, {transform_indices = #map1}]} {
    %iota3A = tpu.iota {dimensions = array<i32: 0>} : vector<16xi32>
    %broadcast_in_dim3A = arith.constant 0.000000e+00 : f32
    %broadcast_in_dim3A_0 = vector.broadcast %broadcast_in_dim3A : f32 to vector<16xf32>
    %scan3A = arith.constant 0 : i32
    %scan3A_1 = arith.constant 16 : i32
    %scan3A_2 = arith.addi %scan3A, %scan3A_1 : i32
    %scan3A_3 = arith.constant 1 : i32
    scf.for %scan3A_36 = %scan3A to %scan3A_2 step %scan3A_3  : i32 {
      %mul3A_37 = arith.constant 1 : i32
      %mul3A_38 = arith.muli %scan3A_36, %mul3A_37 : i32
      %add3A_39 = arith.constant 0 : i32
      %add3A_40 = arith.addi %add3A_39, %mul3A_38 : i32
      %scan3A_41 = arith.constant 0 : i32
      %scan3A_42 = arith.constant 8 : i32
      %scan3A_43 = arith.addi %scan3A_41, %scan3A_42 : i32
      %scan3A_44 = arith.constant 1 : i32
      scf.for %scan3A_46 = %scan3A_41 to %scan3A_43 step %scan3A_44  : i32 {
        %mul3A_47 = arith.constant 16 : i32
        %mul3A_48 = arith.muli %scan3A_46, %mul3A_47 : i32
        %add3A_49 = arith.constant 0 : i32
        %add3A_50 = arith.addi %add3A_49, %mul3A_48 : i32
        %swap3A_51 = arith.index_cast %add3A_40 : i32 to index
        %swap3A_52 = arith.index_cast %add3A_50 : i32 to index
        %swap3A_53 = tpu.vector_load %arg6[%swap3A_51, %swap3A_52] {strides = array<i32>} : memref<16x128xf32, #tpu.memory_space<vmem>>, vector<16xf32>,
        tpu.vector_store %arg6[%swap3A_51, %swap3A_52], %broadcast_in_dim3A_0 {strides = array<i32>} : memref<16x128xf32, #tpu.memory_space<vmem>>, vector<16xf32>,
      }
      %scan3A_45 = arith.constant 8 : i32
    }
    %scan3A_4 = arith.constant 16 : i32
    %scan3A_5 = arith.constant 0 : i32
    %scan3A_6 = arith.constant 40 : i32
    %scan3A_7 = arith.addi %scan3A_5, %scan3A_6 : i32
    %scan3A_8 = arith.constant 1 : i32
    scf.for %scan3A_36 = %scan3A_5 to %scan3A_7 step %scan3A_8  : i32 {
      %mul3A_37 = arith.constant 1 : i32
      %mul3A_38 = arith.muli %scan3A_36, %mul3A_37 : i32
      %add3A_39 = arith.constant 0 : i32
      %add3A_40 = arith.addi %add3A_39, %mul3A_38 : i32
      %scan3A_41 = arith.constant 0 : i32
      %scan3A_42 = arith.constant 8 : i32
      %scan3A_43 = arith.addi %scan3A_41, %scan3A_42 : i32
      %scan3A_44 = arith.constant 1 : i32
      scf.for %scan3A_46 = %scan3A_41 to %scan3A_43 step %scan3A_44  : i32 {
        %mul3A_47 = arith.constant 16 : i32
        %mul3A_48 = arith.muli %scan3A_46, %mul3A_47 : i32
        %add3A_49 = arith.constant 0 : i32
        %add3A_50 = arith.addi %add3A_49, %mul3A_48 : i32
        %swap3A_51 = arith.index_cast %add3A_40 : i32 to index
        %swap3A_52 = arith.index_cast %add3A_50 : i32 to index
        %swap3A_53 = tpu.vector_load %arg5[%swap3A_51, %swap3A_52] {strides = array<i32>} : memref<40x128xf32, #tpu.memory_space<vmem>>, vector<16xf32>,
        tpu.vector_store %arg5[%swap3A_51, %swap3A_52], %broadcast_in_dim3A_0 {strides = array<i32>} : memref<40x128xf32, #tpu.memory_space<vmem>>, vector<16xf32>,
      }
      %scan3A_45 = arith.constant 8 : i32
    }
    %scan3A_9 = arith.constant 40 : i32
    %swap3A = arith.constant 0 : index
    %swap3A_10 = tpu.vector_load %arg7[%swap3A] {strides = array<i32>} : memref<40xi32, #tpu.memory_space<vmem>>, vector<16xi32>,
    tpu.vector_store %arg7[%swap3A], %iota3A {strides = array<i32>} : memref<40xi32, #tpu.memory_space<vmem>>, vector<16xi32>,
    %add3A = arith.constant 16 : i32
    %add3A_11 = vector.broadcast %add3A : i32 to vector<16xi32>
    %add3A_12 = arith.addi %iota3A, %add3A_11 : vector<16xi32>
    %swap3A_13 = arith.constant 16 : index
    %swap3A_14 = tpu.vector_load %arg7[%swap3A_13] {strides = array<i32>} : memref<40xi32, #tpu.memory_space<vmem>>, vector<16xi32>,
    tpu.vector_store %arg7[%swap3A_13], %add3A_12 {strides = array<i32>} : memref<40xi32, #tpu.memory_space<vmem>>, vector<16xi32>,
    %add3A_15 = arith.constant 24 : i32
    %add3A_16 = vector.broadcast %add3A_15 : i32 to vector<16xi32>
    %add3A_17 = arith.addi %iota3A, %add3A_16 : vector<16xi32>
    %swap3A_18 = arith.constant 24 : index
    %swap3A_19 = tpu.vector_load %arg7[%swap3A_18] {strides = array<i32>} : memref<40xi32, #tpu.memory_space<vmem>>, vector<16xi32>,
    tpu.vector_store %arg7[%swap3A_18], %add3A_17 {strides = array<i32>} : memref<40xi32, #tpu.memory_space<vmem>>, vector<16xi32>,
    %eq3A = arith.constant 0 : i32
    %eq3A_20 = arith.cmpi eq, %arg1, %eq3A : i32
    %convert_element_type3A = arith.extui %eq3A_20 : i1 to i32
    %cond3A = arith.constant 0 : i32
    %cond3A_21 = arith.cmpi ne, %convert_element_type3A, %cond3A : i32
    scf.if %cond3A_21 {
      "tpu.region"() ({
        %run_scoped3A = tpu.sem_alloc : memref<!tpu.dma_semaphore, #tpu.memory_space<semaphore_mem>>
        %dma_start3A = arith.constant 0 : i32
        %dma_start3A_36 = arith.constant 0 : i32
        %dma_start3A_37 = tpu.memref_slice %arg8[%dma_start3A, %dma_start3A_36] : memref<40x128xf32, #tpu.memory_space<vmem_shared>> -> memref<16x128xf32, #tpu.memory_space<vmem_shared>>
        %dma_start3A_38 = arith.constant 0 : i32
        %dma_start3A_39 = arith.constant 0 : i32
        %dma_start3A_40 = tpu.memref_slice %arg8[%dma_start3A_38, %dma_start3A_39] : memref<40x128xf32, #tpu.memory_space<vmem_shared>> -> memref<16x128xf32, #tpu.memory_space<vmem_shared>>
        tpu.enqueue_dma source(%arg6 : memref<16x128xf32, #tpu.memory_space<vmem>>) target(%dma_start3A_40 : memref<16x128xf32, #tpu.memory_space<vmem_shared>>) target_semaphore(%run_scoped3A : memref<!tpu.dma_semaphore, #tpu.memory_space<semaphore_mem>>)
        %dma_wait3A = arith.constant 0 : i32
        %dma_wait3A_41 = arith.constant 0 : i32
        %dma_wait3A_42 = tpu.memref_slice %arg8[%dma_wait3A, %dma_wait3A_41] : memref<40x128xf32, #tpu.memory_space<vmem_shared>> -> memref<16x128xf32, #tpu.memory_space<vmem_shared>>
        %dma_wait3A_43 = arith.constant 0 : i32
        %dma_wait3A_44 = arith.constant 0 : i32
        %dma_wait3A_45 = tpu.memref_slice %arg8[%dma_wait3A_43, %dma_wait3A_44] : memref<40x128xf32, #tpu.memory_space<vmem_shared>> -> memref<16x128xf32, #tpu.memory_space<vmem_shared>>
        tpu.wait_dma2 semaphore(%run_scoped3A : memref<!tpu.dma_semaphore, #tpu.memory_space<semaphore_mem>>) src(%arg6 : memref<16x128xf32, #tpu.memory_space<vmem>>) dst(%dma_wait3A_45 : memref<16x128xf32, #tpu.memory_space<vmem_shared>>)
        tpu.yield
      }) : () -> ()
      "tpu.region"() ({
        %run_scoped3A = tpu.sem_alloc : memref<!tpu.dma_semaphore, #tpu.memory_space<semaphore_mem>>
        %dma_start3A = arith.constant 16 : i32
        %dma_start3A_36 = arith.constant 0 : i32
        %dma_start3A_37 = tpu.memref_slice %arg8[%dma_start3A, %dma_start3A_36] : memref<40x128xf32, #tpu.memory_space<vmem_shared>> -> memref<16x128xf32, #tpu.memory_space<vmem_shared>>
        %dma_start3A_38 = arith.constant 16 : i32
        %dma_start3A_39 = arith.constant 0 : i32
        %dma_start3A_40 = tpu.memref_slice %arg8[%dma_start3A_38, %dma_start3A_39] : memref<40x128xf32, #tpu.memory_space<vmem_shared>> -> memref<16x128xf32, #tpu.memory_space<vmem_shared>>
        tpu.enqueue_dma source(%arg6 : memref<16x128xf32, #tpu.memory_space<vmem>>) target(%dma_start3A_40 : memref<16x128xf32, #tpu.memory_space<vmem_shared>>) target_semaphore(%run_scoped3A : memref<!tpu.dma_semaphore, #tpu.memory_space<semaphore_mem>>)
        %dma_wait3A = arith.constant 16 : i32
        %dma_wait3A_41 = arith.constant 0 : i32
        %dma_wait3A_42 = tpu.memref_slice %arg8[%dma_wait3A, %dma_wait3A_41] : memref<40x128xf32, #tpu.memory_space<vmem_shared>> -> memref<16x128xf32, #tpu.memory_space<vmem_shared>>
        %dma_wait3A_43 = arith.constant 16 : i32
        %dma_wait3A_44 = arith.constant 0 : i32
        %dma_wait3A_45 = tpu.memref_slice %arg8[%dma_wait3A_43, %dma_wait3A_44] : memref<40x128xf32, #tpu.memory_space<vmem_shared>> -> memref<16x128xf32, #tpu.memory_space<vmem_shared>>
        tpu.wait_dma2 semaphore(%run_scoped3A : memref<!tpu.dma_semaphore, #tpu.memory_space<semaphore_mem>>) src(%arg6 : memref<16x128xf32, #tpu.memory_space<vmem>>) dst(%dma_wait3A_45 : memref<16x128xf32, #tpu.memory_space<vmem_shared>>)
        tpu.yield
      }) : () -> ()
      "tpu.region"() ({
        %run_scoped3A = tpu.sem_alloc : memref<!tpu.dma_semaphore, #tpu.memory_space<semaphore_mem>>
        %dma_start3A = arith.constant 0 : i32
        %dma_start3A_36 = arith.constant 0 : i32
        %dma_start3A_37 = tpu.memref_slice %arg6[%dma_start3A, %dma_start3A_36] : memref<16x128xf32, #tpu.memory_space<vmem>> -> memref<8x128xf32, #tpu.memory_space<vmem>>
        %dma_start3A_38 = arith.constant 32 : i32
        %dma_start3A_39 = arith.constant 0 : i32
        %dma_start3A_40 = tpu.memref_slice %arg8[%dma_start3A_38, %dma_start3A_39] : memref<40x128xf32, #tpu.memory_space<vmem_shared>> -> memref<8x128xf32, #tpu.memory_space<vmem_shared>>
        %dma_start3A_41 = arith.constant 32 : i32
        %dma_start3A_42 = arith.constant 0 : i32
        %dma_start3A_43 = tpu.memref_slice %arg8[%dma_start3A_41, %dma_start3A_42] : memref<40x128xf32, #tpu.memory_space<vmem_shared>> -> memref<8x128xf32, #tpu.memory_space<vmem_shared>>
        %dma_start3A_44 = arith.constant 0 : i32
        %dma_start3A_45 = arith.constant 0 : i32
        %dma_start3A_46 = tpu.memref_slice %arg6[%dma_start3A_44, %dma_start3A_45] : memref<16x128xf32, #tpu.memory_space<vmem>> -> memref<8x128xf32, #tpu.memory_space<vmem>>
        tpu.enqueue_dma source(%dma_start3A_46 : memref<8x128xf32, #tpu.memory_space<vmem>>) target(%dma_start3A_43 : memref<8x128xf32, #tpu.memory_space<vmem_shared>>) target_semaphore(%run_scoped3A : memref<!tpu.dma_semaphore, #tpu.memory_space<semaphore_mem>>)
        %dma_wait3A = arith.constant 0 : i32
        %dma_wait3A_47 = arith.constant 0 : i32
        %dma_wait3A_48 = tpu.memref_slice %arg6[%dma_wait3A, %dma_wait3A_47] : memref<16x128xf32, #tpu.memory_space<vmem>> -> memref<8x128xf32, #tpu.memory_space<vmem>>
        %dma_wait3A_49 = arith.constant 32 : i32
        %dma_wait3A_50 = arith.constant 0 : i32
        %dma_wait3A_51 = tpu.memref_slice %arg8[%dma_wait3A_49, %dma_wait3A_50] : memref<40x128xf32, #tpu.memory_space<vmem_shared>> -> memref<8x128xf32, #tpu.memory_space<vmem_shared>>
        %dma_wait3A_52 = arith.constant 32 : i32
        %dma_wait3A_53 = arith.constant 0 : i32
        %dma_wait3A_54 = tpu.memref_slice %arg8[%dma_wait3A_52, %dma_wait3A_53] : memref<40x128xf32, #tpu.memory_space<vmem_shared>> -> memref<8x128xf32, #tpu.memory_space<vmem_shared>>
        %dma_wait3A_55 = arith.constant 0 : i32
        %dma_wait3A_56 = arith.constant 0 : i32
        %dma_wait3A_57 = tpu.memref_slice %arg6[%dma_wait3A_55, %dma_wait3A_56] : memref<16x128xf32, #tpu.memory_space<vmem>> -> memref<8x128xf32, #tpu.memory_space<vmem>>
        tpu.wait_dma2 semaphore(%run_scoped3A : memref<!tpu.dma_semaphore, #tpu.memory_space<semaphore_mem>>) src(%dma_wait3A_57 : memref<8x128xf32, #tpu.memory_space<vmem>>) dst(%dma_wait3A_54 : memref<8x128xf32, #tpu.memory_space<vmem_shared>>)
        tpu.yield
      }) : () -> ()
    } else {
    }
    %mul3A = arith.constant 10000 : i32
    %mul3A_22 = arith.muli %arg1, %mul3A : i32
    "tpu.region"() ({
      %run_scoped3A = tpu.sem_alloc : memref<!tpu.dma_semaphore, #tpu.memory_space<semaphore_mem>>
      %dma_start3A = tpu.memref_slice %arg2[%mul3A_22] : memref<160000xi32, #tpu.memory_space<hbm>> -> memref<10000xi32, #tpu.memory_space<hbm>>
      %dma_start3A_36 = tpu.memref_slice %arg2[%mul3A_22] : memref<160000xi32, #tpu.memory_space<hbm>> -> memref<10000xi32, #tpu.memory_space<hbm>>
      tpu.enqueue_dma source(%dma_start3A_36 : memref<10000xi32, #tpu.memory_space<hbm>>) target(%arg4 : memref<10000xi32, #tpu.memory_space<vmem>>) target_semaphore(%run_scoped3A : memref<!tpu.dma_semaphore, #tpu.memory_space<semaphore_mem>>)
      %dma_wait3A = tpu.memref_slice %arg2[%mul3A_22] : memref<160000xi32, #tpu.memory_space<hbm>> -> memref<10000xi32, #tpu.memory_space<hbm>>
      %dma_wait3A_37 = tpu.memref_slice %arg2[%mul3A_22] : memref<160000xi32, #tpu.memory_space<hbm>> -> memref<10000xi32, #tpu.memory_space<hbm>>
      tpu.wait_dma2 semaphore(%run_scoped3A : memref<!tpu.dma_semaphore, #tpu.memory_space<semaphore_mem>>) src(%dma_wait3A_37 : memref<10000xi32, #tpu.memory_space<hbm>>) dst(%arg4 : memref<10000xi32, #tpu.memory_space<vmem>>)
      tpu.yield
    }) : () -> ()
    %mul3A_23 = arith.constant 5000 : i32
    %mul3A_24 = arith.muli %arg0, %mul3A_23 : i32
    %scan3A_25 = arith.constant 0 : i32
    %scan3A_26 = arith.constant 625 : i32
    %scan3A_27 = arith.addi %scan3A_25, %scan3A_26 : i32
    %scan3A_28 = arith.constant 1 : i32
    scf.for %scan3A_36 = %scan3A_25 to %scan3A_27 step %scan3A_28  : i32 {
      %mul3A_37 = arith.constant 16 : i32
      %mul3A_38 = arith.muli %scan3A_36, %mul3A_37 : i32
      %add3A_39 = arith.constant 0 : i32
      %add3A_40 = arith.addi %add3A_39, %mul3A_38 : i32
      %get3A = arith.index_cast %add3A_40 : i32 to index
      %get3A_41 = tpu.vector_load %arg4[%get3A] {strides = array<i32>} : memref<10000xi32, #tpu.memory_space<vmem>>, vector<16xi32>,
      %sub3A = vector.broadcast %mul3A_24 : i32 to vector<16xi32>
      %sub3A_42 = arith.subi %get3A_41, %sub3A : vector<16xi32>
      %ge3A = arith.constant 0 : i32
      %ge3A_43 = vector.broadcast %ge3A : i32 to vector<16xi32>
      %ge3A_44 = arith.cmpi sge, %sub3A_42, %ge3A_43 : vector<16xi32>
      %lt3A = arith.constant 5000 : i32
      %lt3A_45 = vector.broadcast %lt3A : i32 to vector<16xi32>
      %lt3A_46 = arith.cmpi slt, %sub3A_42, %lt3A_45 : vector<16xi32>
      %and3A = arith.andi %ge3A_44, %lt3A_46 : vector<16xi1>
      %add3A_47 = arith.constant 5000 : i32
      %add3A_48 = vector.broadcast %add3A_47 : i32 to vector<16xi32>
      %add3A_49 = arith.addi %add3A_48, %iota3A : vector<16xi32>
      %select_n3A = arith.select %and3A, %sub3A_42, %add3A_49 : vector<16xi1>, vector<16xi32>
      %masked_sort3A = arith.constant dense<true> : vector<16xi1>
      %masked_sort3A_50 = arith.constant -2147483648 : i32
      %masked_sort3A_51 = vector.broadcast %masked_sort3A_50 : i32 to vector<16xi32>
      %masked_sort3A_52 = arith.xori %select_n3A, %masked_sort3A_51 : vector<16xi32>
      %masked_sort3A_53, %masked_sort3A_54, %masked_sort3A_55 = tpu.sort %masked_sort3A_52, %select_n3A masked %masked_sort3A : (vector<16xi32>, vector<16xi32>, vector<16xi1>) -> (vector<16xi1>, vector<16xi32>, vector<16xi32>)
      %masked_sort3A_56 = arith.xori %masked_sort3A_54, %masked_sort3A_51 : vector<16xi32>
      %sub3A_57 = arith.constant 1 : i32
      %sub3A_58 = vector.broadcast %sub3A_57 : i32 to vector<16xi32>
      %sub3A_59 = arith.subi %iota3A, %sub3A_58 : vector<16xi32>
      %max3A = arith.constant 0 : i32
      %max3A_60 = vector.broadcast %max3A : i32 to vector<16xi32>
      %max3A_61 = arith.maxsi %sub3A_59, %max3A_60 : vector<16xi32>
      %broadcast_in_dim3A_62 = vector.shape_cast %max3A_61 : vector<16xi32> to vector<16x1xi32>
      %gather3A = vector.shape_cast %broadcast_in_dim3A_62 : vector<16x1xi32> to vector<16xi32>
      %gather3A_63 = tpu.dynamic_gather %masked_sort3A_56[%gather3A] in [0] : vector<16xi32>, vector<16xi32> -> vector<16xi32>
      %eq3A_64 = arith.constant 0 : i32
      %eq3A_65 = vector.broadcast %eq3A_64 : i32 to vector<16xi32>
      %eq3A_66 = arith.cmpi eq, %iota3A, %eq3A_65 : vector<16xi32>
      %ne3A = arith.cmpi ne, %masked_sort3A_56, %gather3A_63 : vector<16xi32>
      %or3A = arith.ori %eq3A_66, %ne3A : vector<16xi1>
      %jit3A = arith.constant 16 : i32
      %broadcast_in_dim3A_67 = vector.broadcast %jit3A : i32 to vector<16xi32>
      %select_n3A_68 = arith.select %or3A, %iota3A, %broadcast_in_dim3A_67 : vector<16xi1>, vector<16xi32>
      %add3A_69 = arith.constant 1 : i32
      %add3A_70 = vector.broadcast %add3A_69 : i32 to vector<16xi32>
      %add3A_71 = arith.addi %iota3A, %add3A_70 : vector<16xi32>
      %min3A = arith.constant 15 : i32
      %min3A_72 = vector.broadcast %min3A : i32 to vector<16xi32>
      %min3A_73 = arith.minsi %add3A_71, %min3A_72 : vector<16xi32>
      %broadcast_in_dim3A_74 = vector.shape_cast %min3A_73 : vector<16xi32> to vector<16x1xi32>
      %gather3A_75 = vector.shape_cast %broadcast_in_dim3A_74 : vector<16x1xi32> to vector<16xi32>
      %gather3A_76 = tpu.dynamic_gather %select_n3A_68[%gather3A_75] in [0] : vector<16xi32>, vector<16xi32> -> vector<16xi32>
      %eq3A_77 = arith.constant 15 : i32
      %eq3A_78 = vector.broadcast %eq3A_77 : i32 to vector<16xi32>
      %eq3A_79 = arith.cmpi eq, %iota3A, %eq3A_78 : vector<16xi32>
      %jit3A_80 = arith.constant 16 : i32
      %broadcast_in_dim3A_81 = vector.broadcast %jit3A_80 : i32 to vector<16xi32>
      %select_n3A_82 = arith.select %eq3A_79, %broadcast_in_dim3A_81, %gather3A_76 : vector<16xi1>, vector<16xi32>
      %sub3A_83 = arith.constant 31 : i32
      %sub3A_84 = vector.broadcast %sub3A_83 : i32 to vector<16xi32>
      %sub3A_85 = arith.subi %sub3A_84, %select_n3A_82 : vector<16xi32>
      %rev3A = arith.constant 15 : i32
      %rev3A_86 = vector.broadcast %rev3A : i32 to vector<16xi32>
      %rev3A_87 = tpu.iota {dimensions = array<i32: 0>} : vector<16xi32>
      %rev3A_88 = arith.subi %rev3A_86, %rev3A_87 : vector<16xi32>
      %rev3A_89 = tpu.dynamic_gather %sub3A_85[%rev3A_88] in [0] : vector<16xi32>, vector<16xi32> -> vector<16xi32>
      %broadcast_in_dim3A_90 = arith.constant true
      %broadcast_in_dim3A_91 = vector.broadcast %broadcast_in_dim3A_90 : i1 to vector<16xi1>
      %masked_cummax3A = arith.constant -2147483648 : i32
      %masked_cummax3A_92 = vector.broadcast %masked_cummax3A : i32 to vector<16xi32>
      %masked_cummax3A_93 = arith.xori %rev3A_89, %masked_cummax3A_92 : vector<16xi32>
      %masked_cummax3A_94 = tpu.scan <max>, %masked_cummax3A_93 masked %broadcast_in_dim3A_91 : vector<16xi32>, vector<16xi1> -> vector<16xi32>
      %masked_cummax3A_95 = arith.xori %masked_cummax3A_94, %masked_cummax3A_92 : vector<16xi32>
      %rev3A_96 = arith.constant 15 : i32
      %rev3A_97 = vector.broadcast %rev3A_96 : i32 to vector<16xi32>
      %rev3A_98 = tpu.iota {dimensions = array<i32: 0>} : vector<16xi32>
      %rev3A_99 = arith.subi %rev3A_97, %rev3A_98 : vector<16xi32>
      %rev3A_100 = tpu.dynamic_gather %masked_cummax3A_95[%rev3A_99] in [0] : vector<16xi32>, vector<16xi32> -> vector<16xi32>
      %sub3A_101 = arith.constant 31 : i32
      %sub3A_102 = vector.broadcast %sub3A_101 : i32 to vector<16xi32>
      %sub3A_103 = arith.subi %sub3A_102, %rev3A_100 : vector<16xi32>
      %sub3A_104 = arith.subi %sub3A_103, %iota3A : vector<16xi32>
      %convert_element_type3A_105 = arith.sitofp %sub3A_104 : vector<16xi32> to vector<16xf32>
      %shift_right_logical3A = arith.constant 7 : i32
      %shift_right_logical3A_106 = vector.broadcast %shift_right_logical3A : i32 to vector<16xi32>
      %shift_right_logical3A_107 = arith.shrui %masked_sort3A_56, %shift_right_logical3A_106 : vector<16xi32>
      %and3A_108 = arith.constant 127 : i32
      %and3A_109 = vector.broadcast %and3A_108 : i32 to vector<16xi32>
      %and3A_110 = arith.andi %masked_sort3A_56, %and3A_109 : vector<16xi32>
      tpu.vector_store_idx %arg5[%shift_right_logical3A_107, %and3A_110], %convert_element_type3A_105 masked %or3A {add = true} : memref<40x128xf32, #tpu.memory_space<vmem>>[vector<16xi32>, vector<16xi32>], vector<16xf32>, vector<16xi1>
    }
    %scan3A_29 = arith.constant 625 : i32
    %barrier3A = arith.constant 0 : index
    tpu.barrier barrier_id(%barrier3A)
    "tpu.region"() ({
      %run_scoped3A = tpu.sem_alloc : memref<!tpu.dma_semaphore, #tpu.memory_space<semaphore_mem>>
      %dma_start3A = arith.constant 0 : i32
      %dma_start3A_36 = arith.constant 0 : i32
      %dma_start3A_37 = tpu.memref_slice %arg8[%dma_start3A, %dma_start3A_36] : memref<40x128xf32, #tpu.memory_space<vmem_shared>> -> memref<40x128xf32, #tpu.memory_space<vmem_shared>>
      tpu.enqueue_indirect_dma source(%arg5 : memref<40x128xf32, #tpu.memory_space<vmem>>) target(%dma_start3A_37 : memref<40x128xf32, #tpu.memory_space<vmem_shared>>) offsets(%arg7 : memref<40xi32, #tpu.memory_space<vmem>>) semaphore(%run_scoped3A : memref<!tpu.dma_semaphore, #tpu.memory_space<semaphore_mem>>) {add = true}
      %dma_wait3A = arith.constant 0 : i32
      %dma_wait3A_38 = arith.constant 0 : i32
      %dma_wait3A_39 = tpu.memref_slice %arg8[%dma_wait3A, %dma_wait3A_38] : memref<40x128xf32, #tpu.memory_space<vmem_shared>> -> memref<40x128xf32, #tpu.memory_space<vmem_shared>>
      tpu.wait_indirect_dma semaphore(%run_scoped3A : memref<!tpu.dma_semaphore, #tpu.memory_space<semaphore_mem>>) src(%arg5 : memref<40x128xf32, #tpu.memory_space<vmem>>) dst(%dma_wait3A_39 : memref<40x128xf32, #tpu.memory_space<vmem_shared>>)
      tpu.yield
    }) : () -> ()
    %barrier3A_30 = arith.constant 0 : index
    tpu.barrier barrier_id(%barrier3A_30)
    %eq3A_31 = arith.constant 0 : i32
    %eq3A_32 = arith.cmpi eq, %arg1, %eq3A_31 : i32
    %convert_element_type3A_33 = arith.extui %eq3A_32 : i1 to i32
    %cond3A_34 = arith.constant 0 : i32
    %cond3A_35 = arith.cmpi ne, %convert_element_type3A_33, %cond3A_34 : i32
    scf.if %cond3A_35 {
      %mul3A_36 = arith.constant 40 : i32
      %mul3A_37 = arith.muli %arg0, %mul3A_36 : i32
      "tpu.region"() ({
        %run_scoped3A = tpu.sem_alloc : memref<!tpu.dma_semaphore, #tpu.memory_space<semaphore_mem>>
        %dma_start3A = arith.constant 0 : i32
        %dma_start3A_38 = tpu.memref_slice %arg3[%mul3A_37, %dma_start3A] : memref<80x128xf32, #tpu.memory_space<hbm>> -> memref<40x128xf32, #tpu.memory_space<hbm>>
        tpu.enqueue_dma source(%arg8 : memref<40x128xf32, #tpu.memory_space<vmem_shared>>) target(%dma_start3A_38 : memref<40x128xf32, #tpu.memory_space<hbm>>) target_semaphore(%run_scoped3A : memref<!tpu.dma_semaphore, #tpu.memory_space<semaphore_mem>>)
        %dma_wait3A = arith.constant 0 : i32
        %dma_wait3A_39 = tpu.memref_slice %arg3[%mul3A_37, %dma_wait3A] : memref<80x128xf32, #tpu.memory_space<hbm>> -> memref<40x128xf32, #tpu.memory_space<hbm>>
        tpu.wait_dma2 semaphore(%run_scoped3A : memref<!tpu.dma_semaphore, #tpu.memory_space<semaphore_mem>>) src(%arg8 : memref<40x128xf32, #tpu.memory_space<vmem_shared>>) dst(%dma_wait3A_39 : memref<40x128xf32, #tpu.memory_space<hbm>>)
        tpu.yield
      }) : () -> ()
    } else {
    }
    return
  }
}

#map = affine_map<(d0, d1) -> (0, 0)>
#map1 = affine_map<(d0, d1) -> (0)>
module attributes {stable_mosaic.version = 14 : i64} {
  func.func @body(%arg0: i32, %arg1: i32, %arg2: memref<20000x128xf32, #tpu.memory_space<hbm>>, %arg3: memref<160000xi32, #tpu.memory_space<hbm>>, %arg4: memref<160000xi32, #tpu.memory_space<hbm>>, %arg5: memref<10000x256xf32, #tpu.memory_space<hbm>>, %arg6: memref<10000xi32, #tpu.memory_space<vmem>>, %arg7: memref<10000xi32, #tpu.memory_space<vmem>>, %arg8: memref<80x128xi32, #tpu.memory_space<vmem>>, %arg9: memref<80x128xi32, #tpu.memory_space<vmem>>, %arg10: memref<80x128xi32, #tpu.memory_space<vmem>>, %arg11: memref<128x128xf32, #tpu.memory_space<vmem>>, %arg12: memref<128x128xf32, #tpu.memory_space<vmem>>, %arg13: memref<16x128xf32, #tpu.memory_space<vmem>>, %arg14: memref<5008x128xf32, #tpu.memory_space<vmem_shared>>, %arg15: memref<1xi32, #tpu.memory_space<smem>>, %arg16: memref<!tpu.dma_semaphore, #tpu.memory_space<semaphore_mem>>, %arg17: memref<!tpu.dma_semaphore, #tpu.memory_space<semaphore_mem>>, %arg18: memref<!tpu.dma_semaphore, #tpu.memory_space<semaphore_mem>>) attributes {dimension_semantics = [#tpu.dimension_semantics<core_parallel>, #tpu.dimension_semantics<subcore_parallel>], iteration_bounds = array<i64: 2, 16>, scalar_prefetch = 0 : i64, scratch_operands = 13 : i64, tpu.core_type = #tpu.core_type<sc_vector_subcore>, window_params = [{transform_indices = #map}, {transform_indices = #map1}, {transform_indices = #map1}, {transform_indices = #map}]} {
    %iota3A = tpu.iota {dimensions = array<i32: 0>} : vector<16xi32>
    %broadcast_in_dim3A = arith.constant 0.000000e+00 : f32
    %broadcast_in_dim3A_0 = vector.broadcast %broadcast_in_dim3A : f32 to vector<16xf32>
    %scan3A = arith.constant 0 : i32
    %scan3A_1 = arith.constant 16 : i32
    %scan3A_2 = arith.addi %scan3A, %scan3A_1 : i32
    %scan3A_3 = arith.constant 1 : i32
    scf.for %scan3A_256 = %scan3A to %scan3A_2 step %scan3A_3  : i32 {
      %mul3A_257 = arith.constant 1 : i32
      %mul3A_258 = arith.muli %scan3A_256, %mul3A_257 : i32
      %add3A_259 = arith.constant 0 : i32
      %add3A_260 = arith.addi %add3A_259, %mul3A_258 : i32
      %scan3A_261 = arith.constant 0 : i32
      %scan3A_262 = arith.constant 8 : i32
      %scan3A_263 = arith.addi %scan3A_261, %scan3A_262 : i32
      %scan3A_264 = arith.constant 1 : i32
      scf.for %scan3A_266 = %scan3A_261 to %scan3A_263 step %scan3A_264  : i32 {
        %mul3A_267 = arith.constant 16 : i32
        %mul3A_268 = arith.muli %scan3A_266, %mul3A_267 : i32
        %add3A_269 = arith.constant 0 : i32
        %add3A_270 = arith.addi %add3A_269, %mul3A_268 : i32
        %swap3A_271 = arith.index_cast %add3A_260 : i32 to index
        %swap3A_272 = arith.index_cast %add3A_270 : i32 to index
        %swap3A_273 = tpu.vector_load %arg13[%swap3A_271, %swap3A_272] {strides = array<i32>} : memref<16x128xf32, #tpu.memory_space<vmem>>, vector<16xf32>,
        tpu.vector_store %arg13[%swap3A_271, %swap3A_272], %broadcast_in_dim3A_0 {strides = array<i32>} : memref<16x128xf32, #tpu.memory_space<vmem>>, vector<16xf32>,
      }
      %scan3A_265 = arith.constant 8 : i32
    }
    %scan3A_4 = arith.constant 16 : i32
    %mul3A = arith.constant 10000 : i32
    %mul3A_5 = arith.muli %arg1, %mul3A : i32
    "tpu.region"() ({
      %run_scoped3A = tpu.sem_alloc : memref<!tpu.dma_semaphore, #tpu.memory_space<semaphore_mem>>
      %dma_start3A = tpu.memref_slice %arg3[%mul3A_5] : memref<160000xi32, #tpu.memory_space<hbm>> -> memref<10000xi32, #tpu.memory_space<hbm>>
      %dma_start3A_256 = tpu.memref_slice %arg3[%mul3A_5] : memref<160000xi32, #tpu.memory_space<hbm>> -> memref<10000xi32, #tpu.memory_space<hbm>>
      tpu.enqueue_dma source(%dma_start3A_256 : memref<10000xi32, #tpu.memory_space<hbm>>) target(%arg6 : memref<10000xi32, #tpu.memory_space<vmem>>) target_semaphore(%run_scoped3A : memref<!tpu.dma_semaphore, #tpu.memory_space<semaphore_mem>>)
      %dma_wait3A = tpu.memref_slice %arg3[%mul3A_5] : memref<160000xi32, #tpu.memory_space<hbm>> -> memref<10000xi32, #tpu.memory_space<hbm>>
      %dma_wait3A_257 = tpu.memref_slice %arg3[%mul3A_5] : memref<160000xi32, #tpu.memory_space<hbm>> -> memref<10000xi32, #tpu.memory_space<hbm>>
      tpu.wait_dma2 semaphore(%run_scoped3A : memref<!tpu.dma_semaphore, #tpu.memory_space<semaphore_mem>>) src(%dma_wait3A_257 : memref<10000xi32, #tpu.memory_space<hbm>>) dst(%arg6 : memref<10000xi32, #tpu.memory_space<vmem>>)
      tpu.yield
    }) : () -> ()
    "tpu.region"() ({
      %run_scoped3A = tpu.sem_alloc : memref<!tpu.dma_semaphore, #tpu.memory_space<semaphore_mem>>
      %dma_start3A = tpu.memref_slice %arg4[%mul3A_5] : memref<160000xi32, #tpu.memory_space<hbm>> -> memref<10000xi32, #tpu.memory_space<hbm>>
      %dma_start3A_256 = tpu.memref_slice %arg4[%mul3A_5] : memref<160000xi32, #tpu.memory_space<hbm>> -> memref<10000xi32, #tpu.memory_space<hbm>>
      tpu.enqueue_dma source(%dma_start3A_256 : memref<10000xi32, #tpu.memory_space<hbm>>) target(%arg7 : memref<10000xi32, #tpu.memory_space<vmem>>) target_semaphore(%run_scoped3A : memref<!tpu.dma_semaphore, #tpu.memory_space<semaphore_mem>>)
      %dma_wait3A = tpu.memref_slice %arg4[%mul3A_5] : memref<160000xi32, #tpu.memory_space<hbm>> -> memref<10000xi32, #tpu.memory_space<hbm>>
      %dma_wait3A_257 = tpu.memref_slice %arg4[%mul3A_5] : memref<160000xi32, #tpu.memory_space<hbm>> -> memref<10000xi32, #tpu.memory_space<hbm>>
      tpu.wait_dma2 semaphore(%run_scoped3A : memref<!tpu.dma_semaphore, #tpu.memory_space<semaphore_mem>>) src(%dma_wait3A_257 : memref<10000xi32, #tpu.memory_space<hbm>>) dst(%arg7 : memref<10000xi32, #tpu.memory_space<vmem>>)
      tpu.yield
    }) : () -> ()
    %mul3A_6 = arith.constant 5000 : i32
    %mul3A_7 = arith.muli %arg0, %mul3A_6 : i32
    %swap3A = arith.constant 0 : i32
    %swap3A_8 = arith.constant 0 : i32
    %swap3A_9 = arith.index_cast %swap3A_8 : i32 to index
    %swap3A_10 = memref.load %arg15[%swap3A_9] : memref<1xi32, #tpu.memory_space<smem>>
    memref.store %swap3A, %arg15[%swap3A_9] : memref<1xi32, #tpu.memory_space<smem>>
    %scan3A_11 = arith.constant 0 : i32
    %scan3A_12 = arith.constant 625 : i32
    %scan3A_13 = arith.addi %scan3A_11, %scan3A_12 : i32
    %scan3A_14 = arith.constant 1 : i32
    scf.for %scan3A_256 = %scan3A_11 to %scan3A_13 step %scan3A_14  : i32 {
      %mul3A_257 = arith.constant 16 : i32
      %mul3A_258 = arith.muli %scan3A_256, %mul3A_257 : i32
      %add3A_259 = arith.constant 0 : i32
      %add3A_260 = arith.addi %add3A_259, %mul3A_258 : i32
      %get3A_261 = arith.index_cast %add3A_260 : i32 to index
      %get3A_262 = tpu.vector_load %arg6[%get3A_261] {strides = array<i32>} : memref<10000xi32, #tpu.memory_space<vmem>>, vector<16xi32>,
      %get3A_263 = arith.index_cast %add3A_260 : i32 to index
      %get3A_264 = tpu.vector_load %arg7[%get3A_263] {strides = array<i32>} : memref<10000xi32, #tpu.memory_space<vmem>>, vector<16xi32>,
      %sub3A = vector.broadcast %mul3A_7 : i32 to vector<16xi32>
      %sub3A_265 = arith.subi %get3A_264, %sub3A : vector<16xi32>
      %ge3A_266 = arith.constant 0 : i32
      %ge3A_267 = vector.broadcast %ge3A_266 : i32 to vector<16xi32>
      %ge3A_268 = arith.cmpi sge, %sub3A_265, %ge3A_267 : vector<16xi32>
      %lt3A = arith.constant 5000 : i32
      %lt3A_269 = vector.broadcast %lt3A : i32 to vector<16xi32>
      %lt3A_270 = arith.cmpi slt, %sub3A_265, %lt3A_269 : vector<16xi32>
      %and3A_271 = arith.andi %ge3A_268, %lt3A_270 : vector<16xi1>
      %convert_element_type3A_272 = arith.extui %and3A_271 : vector<16xi1> to vector<16xi32>
      %get3A_273 = arith.constant 0 : i32
      %get3A_274 = arith.index_cast %get3A_273 : i32 to index
      %get3A_275 = memref.load %arg15[%get3A_274] : memref<1xi32, #tpu.memory_space<smem>>
      %broadcast_in_dim3A_276 = arith.constant true
      %broadcast_in_dim3A_277 = vector.broadcast %broadcast_in_dim3A_276 : i1 to vector<16xi1>
      %masked_cumsum3A = tpu.scan <sum>, %convert_element_type3A_272 masked %broadcast_in_dim3A_277 : vector<16xi32>, vector<16xi1> -> vector<16xi32>
      %add3A_278 = vector.broadcast %get3A_275 : i32 to vector<16xi32>
      %add3A_279 = arith.addi %add3A_278, %masked_cumsum3A : vector<16xi32>
      %sub3A_280 = arith.constant 1 : i32
      %sub3A_281 = vector.broadcast %sub3A_280 : i32 to vector<16xi32>
      %sub3A_282 = arith.subi %add3A_279, %sub3A_281 : vector<16xi32>
      %shift_right_logical3A_283 = arith.constant 7 : i32
      %shift_right_logical3A_284 = vector.broadcast %shift_right_logical3A_283 : i32 to vector<16xi32>
      %shift_right_logical3A_285 = arith.shrui %sub3A_282, %shift_right_logical3A_284 : vector<16xi32>
      %and3A_286 = arith.constant 127 : i32
      %and3A_287 = vector.broadcast %and3A_286 : i32 to vector<16xi32>
      %and3A_288 = arith.andi %sub3A_282, %and3A_287 : vector<16xi32>
      %add3A_289 = arith.addi %get3A_262, %get3A_262 : vector<16xi32>
      tpu.vector_store_idx %arg8[%shift_right_logical3A_285, %and3A_288], %add3A_289 masked %and3A_271 : memref<80x128xi32, #tpu.memory_space<vmem>>[vector<16xi32>, vector<16xi32>], vector<16xi32>, vector<16xi1>
      %add3A_290 = arith.constant 1 : i32
      %add3A_291 = vector.broadcast %add3A_290 : i32 to vector<16xi32>
      %add3A_292 = arith.addi %add3A_289, %add3A_291 : vector<16xi32>
      tpu.vector_store_idx %arg9[%shift_right_logical3A_285, %and3A_288], %add3A_292 masked %and3A_271 : memref<80x128xi32, #tpu.memory_space<vmem>>[vector<16xi32>, vector<16xi32>], vector<16xi32>, vector<16xi1>
      tpu.vector_store_idx %arg10[%shift_right_logical3A_285, %and3A_288], %sub3A_265 masked %and3A_271 : memref<80x128xi32, #tpu.memory_space<vmem>>[vector<16xi32>, vector<16xi32>], vector<16xi32>, vector<16xi1>
      %reduce_sum3A = arith.constant true
      %reduce_sum3A_293 = vector.broadcast %reduce_sum3A : i1 to vector<16xi1>
      %reduce_sum3A_294 = tpu.scan <sum>, %convert_element_type3A_272 masked %reduce_sum3A_293 : vector<16xi32>, vector<16xi1> -> vector<16xi32>
      %reduce_sum3A_295 = vector.extract %reduce_sum3A_294[15] : i32 from vector<16xi32>
      %add3A_296 = arith.addi %get3A_275, %reduce_sum3A_295 : i32
      %swap3A_297 = arith.constant 0 : i32
      %swap3A_298 = arith.index_cast %swap3A_297 : i32 to index
      %swap3A_299 = memref.load %arg15[%swap3A_298] : memref<1xi32, #tpu.memory_space<smem>>
      memref.store %add3A_296, %arg15[%swap3A_298] : memref<1xi32, #tpu.memory_space<smem>>
    }
    %scan3A_15 = arith.constant 625 : i32
    %get3A = arith.constant 0 : i32
    %get3A_16 = arith.index_cast %get3A : i32 to index
    %get3A_17 = memref.load %arg15[%get3A_16] : memref<1xi32, #tpu.memory_space<smem>>
    %and3A = arith.constant 7 : i32
    %and3A_18 = vector.broadcast %and3A : i32 to vector<16xi32>
    %and3A_19 = arith.andi %iota3A, %and3A_18 : vector<16xi32>
    %add3A = arith.constant 5000 : i32
    %add3A_20 = vector.broadcast %add3A : i32 to vector<16xi32>
    %add3A_21 = arith.addi %and3A_19, %add3A_20 : vector<16xi32>
    %add3A_22 = vector.broadcast %get3A_17 : i32 to vector<16xi32>
    %add3A_23 = arith.addi %add3A_22, %iota3A : vector<16xi32>
    %add3A_24 = arith.constant 0 : i32
    %add3A_25 = vector.broadcast %add3A_24 : i32 to vector<16xi32>
    %add3A_26 = arith.addi %add3A_23, %add3A_25 : vector<16xi32>
    %shift_right_logical3A = arith.constant 7 : i32
    %shift_right_logical3A_27 = vector.broadcast %shift_right_logical3A : i32 to vector<16xi32>
    %shift_right_logical3A_28 = arith.shrui %add3A_26, %shift_right_logical3A_27 : vector<16xi32>
    %and3A_29 = arith.constant 127 : i32
    %and3A_30 = vector.broadcast %and3A_29 : i32 to vector<16xi32>
    %and3A_31 = arith.andi %add3A_26, %and3A_30 : vector<16xi32>
    %add3A_32 = arith.constant 0 : i32
    %add3A_33 = vector.broadcast %add3A_32 : i32 to vector<16xi32>
    %add3A_34 = arith.addi %iota3A, %add3A_33 : vector<16xi32>
    %mul3A_35 = arith.constant 2 : i32
    %mul3A_36 = vector.broadcast %mul3A_35 : i32 to vector<16xi32>
    %mul3A_37 = arith.muli %add3A_34, %mul3A_36 : vector<16xi32>
    tpu.vector_store_idx %arg8[%shift_right_logical3A_28, %and3A_31], %mul3A_37 : memref<80x128xi32, #tpu.memory_space<vmem>>[vector<16xi32>, vector<16xi32>], vector<16xi32>,
    %add3A_38 = arith.constant 1 : i32
    %add3A_39 = vector.broadcast %add3A_38 : i32 to vector<16xi32>
    %add3A_40 = arith.addi %mul3A_37, %add3A_39 : vector<16xi32>
    tpu.vector_store_idx %arg9[%shift_right_logical3A_28, %and3A_31], %add3A_40 : memref<80x128xi32, #tpu.memory_space<vmem>>[vector<16xi32>, vector<16xi32>], vector<16xi32>,
    tpu.vector_store_idx %arg10[%shift_right_logical3A_28, %and3A_31], %add3A_21 : memref<80x128xi32, #tpu.memory_space<vmem>>[vector<16xi32>, vector<16xi32>], vector<16xi32>,
    %add3A_41 = vector.broadcast %get3A_17 : i32 to vector<16xi32>
    %add3A_42 = arith.addi %add3A_41, %iota3A : vector<16xi32>
    %add3A_43 = arith.constant 16 : i32
    %add3A_44 = vector.broadcast %add3A_43 : i32 to vector<16xi32>
    %add3A_45 = arith.addi %add3A_42, %add3A_44 : vector<16xi32>
    %shift_right_logical3A_46 = arith.constant 7 : i32
    %shift_right_logical3A_47 = vector.broadcast %shift_right_logical3A_46 : i32 to vector<16xi32>
    %shift_right_logical3A_48 = arith.shrui %add3A_45, %shift_right_logical3A_47 : vector<16xi32>
    %and3A_49 = arith.constant 127 : i32
    %and3A_50 = vector.broadcast %and3A_49 : i32 to vector<16xi32>
    %and3A_51 = arith.andi %add3A_45, %and3A_50 : vector<16xi32>
    %add3A_52 = arith.constant 16 : i32
    %add3A_53 = vector.broadcast %add3A_52 : i32 to vector<16xi32>
    %add3A_54 = arith.addi %iota3A, %add3A_53 : vector<16xi32>
    %mul3A_55 = arith.constant 2 : i32
    %mul3A_56 = vector.broadcast %mul3A_55 : i32 to vector<16xi32>
    %mul3A_57 = arith.muli %add3A_54, %mul3A_56 : vector<16xi32>
    tpu.vector_store_idx %arg8[%shift_right_logical3A_48, %and3A_51], %mul3A_57 : memref<80x128xi32, #tpu.memory_space<vmem>>[vector<16xi32>, vector<16xi32>], vector<16xi32>,
    %add3A_58 = arith.constant 1 : i32
    %add3A_59 = vector.broadcast %add3A_58 : i32 to vector<16xi32>
    %add3A_60 = arith.addi %mul3A_57, %add3A_59 : vector<16xi32>
    tpu.vector_store_idx %arg9[%shift_right_logical3A_48, %and3A_51], %add3A_60 : memref<80x128xi32, #tpu.memory_space<vmem>>[vector<16xi32>, vector<16xi32>], vector<16xi32>,
    tpu.vector_store_idx %arg10[%shift_right_logical3A_48, %and3A_51], %add3A_21 : memref<80x128xi32, #tpu.memory_space<vmem>>[vector<16xi32>, vector<16xi32>], vector<16xi32>,
    %add3A_61 = vector.broadcast %get3A_17 : i32 to vector<16xi32>
    %add3A_62 = arith.addi %add3A_61, %iota3A : vector<16xi32>
    %add3A_63 = arith.constant 32 : i32
    %add3A_64 = vector.broadcast %add3A_63 : i32 to vector<16xi32>
    %add3A_65 = arith.addi %add3A_62, %add3A_64 : vector<16xi32>
    %shift_right_logical3A_66 = arith.constant 7 : i32
    %shift_right_logical3A_67 = vector.broadcast %shift_right_logical3A_66 : i32 to vector<16xi32>
    %shift_right_logical3A_68 = arith.shrui %add3A_65, %shift_right_logical3A_67 : vector<16xi32>
    %and3A_69 = arith.constant 127 : i32
    %and3A_70 = vector.broadcast %and3A_69 : i32 to vector<16xi32>
    %and3A_71 = arith.andi %add3A_65, %and3A_70 : vector<16xi32>
    %add3A_72 = arith.constant 32 : i32
    %add3A_73 = vector.broadcast %add3A_72 : i32 to vector<16xi32>
    %add3A_74 = arith.addi %iota3A, %add3A_73 : vector<16xi32>
    %mul3A_75 = arith.constant 2 : i32
    %mul3A_76 = vector.broadcast %mul3A_75 : i32 to vector<16xi32>
    %mul3A_77 = arith.muli %add3A_74, %mul3A_76 : vector<16xi32>
    tpu.vector_store_idx %arg8[%shift_right_logical3A_68, %and3A_71], %mul3A_77 : memref<80x128xi32, #tpu.memory_space<vmem>>[vector<16xi32>, vector<16xi32>], vector<16xi32>,
    %add3A_78 = arith.constant 1 : i32
    %add3A_79 = vector.broadcast %add3A_78 : i32 to vector<16xi32>
    %add3A_80 = arith.addi %mul3A_77, %add3A_79 : vector<16xi32>
    tpu.vector_store_idx %arg9[%shift_right_logical3A_68, %and3A_71], %add3A_80 : memref<80x128xi32, #tpu.memory_space<vmem>>[vector<16xi32>, vector<16xi32>], vector<16xi32>,
    tpu.vector_store_idx %arg10[%shift_right_logical3A_68, %and3A_71], %add3A_21 : memref<80x128xi32, #tpu.memory_space<vmem>>[vector<16xi32>, vector<16xi32>], vector<16xi32>,
    %add3A_81 = vector.broadcast %get3A_17 : i32 to vector<16xi32>
    %add3A_82 = arith.addi %add3A_81, %iota3A : vector<16xi32>
    %add3A_83 = arith.constant 48 : i32
    %add3A_84 = vector.broadcast %add3A_83 : i32 to vector<16xi32>
    %add3A_85 = arith.addi %add3A_82, %add3A_84 : vector<16xi32>
    %shift_right_logical3A_86 = arith.constant 7 : i32
    %shift_right_logical3A_87 = vector.broadcast %shift_right_logical3A_86 : i32 to vector<16xi32>
    %shift_right_logical3A_88 = arith.shrui %add3A_85, %shift_right_logical3A_87 : vector<16xi32>
    %and3A_89 = arith.constant 127 : i32
    %and3A_90 = vector.broadcast %and3A_89 : i32 to vector<16xi32>
    %and3A_91 = arith.andi %add3A_85, %and3A_90 : vector<16xi32>
    %add3A_92 = arith.constant 48 : i32
    %add3A_93 = vector.broadcast %add3A_92 : i32 to vector<16xi32>
    %add3A_94 = arith.addi %iota3A, %add3A_93 : vector<16xi32>
    %mul3A_95 = arith.constant 2 : i32
    %mul3A_96 = vector.broadcast %mul3A_95 : i32 to vector<16xi32>
    %mul3A_97 = arith.muli %add3A_94, %mul3A_96 : vector<16xi32>
    tpu.vector_store_idx %arg8[%shift_right_logical3A_88, %and3A_91], %mul3A_97 : memref<80x128xi32, #tpu.memory_space<vmem>>[vector<16xi32>, vector<16xi32>], vector<16xi32>,
    %add3A_98 = arith.constant 1 : i32
    %add3A_99 = vector.broadcast %add3A_98 : i32 to vector<16xi32>
    %add3A_100 = arith.addi %mul3A_97, %add3A_99 : vector<16xi32>
    tpu.vector_store_idx %arg9[%shift_right_logical3A_88, %and3A_91], %add3A_100 : memref<80x128xi32, #tpu.memory_space<vmem>>[vector<16xi32>, vector<16xi32>], vector<16xi32>,
    tpu.vector_store_idx %arg10[%shift_right_logical3A_88, %and3A_91], %add3A_21 : memref<80x128xi32, #tpu.memory_space<vmem>>[vector<16xi32>, vector<16xi32>], vector<16xi32>,
    %add3A_101 = vector.broadcast %get3A_17 : i32 to vector<16xi32>
    %add3A_102 = arith.addi %add3A_101, %iota3A : vector<16xi32>
    %add3A_103 = arith.constant 64 : i32
    %add3A_104 = vector.broadcast %add3A_103 : i32 to vector<16xi32>
    %add3A_105 = arith.addi %add3A_102, %add3A_104 : vector<16xi32>
    %shift_right_logical3A_106 = arith.constant 7 : i32
    %shift_right_logical3A_107 = vector.broadcast %shift_right_logical3A_106 : i32 to vector<16xi32>
    %shift_right_logical3A_108 = arith.shrui %add3A_105, %shift_right_logical3A_107 : vector<16xi32>
    %and3A_109 = arith.constant 127 : i32
    %and3A_110 = vector.broadcast %and3A_109 : i32 to vector<16xi32>
    %and3A_111 = arith.andi %add3A_105, %and3A_110 : vector<16xi32>
    %add3A_112 = arith.constant 64 : i32
    %add3A_113 = vector.broadcast %add3A_112 : i32 to vector<16xi32>
    %add3A_114 = arith.addi %iota3A, %add3A_113 : vector<16xi32>
    %mul3A_115 = arith.constant 2 : i32
    %mul3A_116 = vector.broadcast %mul3A_115 : i32 to vector<16xi32>
    %mul3A_117 = arith.muli %add3A_114, %mul3A_116 : vector<16xi32>
    tpu.vector_store_idx %arg8[%shift_right_logical3A_108, %and3A_111], %mul3A_117 : memref<80x128xi32, #tpu.memory_space<vmem>>[vector<16xi32>, vector<16xi32>], vector<16xi32>,
    %add3A_118 = arith.constant 1 : i32
    %add3A_119 = vector.broadcast %add3A_118 : i32 to vector<16xi32>
    %add3A_120 = arith.addi %mul3A_117, %add3A_119 : vector<16xi32>
    tpu.vector_store_idx %arg9[%shift_right_logical3A_108, %and3A_111], %add3A_120 : memref<80x128xi32, #tpu.memory_space<vmem>>[vector<16xi32>, vector<16xi32>], vector<16xi32>,
    tpu.vector_store_idx %arg10[%shift_right_logical3A_108, %and3A_111], %add3A_21 : memref<80x128xi32, #tpu.memory_space<vmem>>[vector<16xi32>, vector<16xi32>], vector<16xi32>,
    %add3A_121 = vector.broadcast %get3A_17 : i32 to vector<16xi32>
    %add3A_122 = arith.addi %add3A_121, %iota3A : vector<16xi32>
    %add3A_123 = arith.constant 80 : i32
    %add3A_124 = vector.broadcast %add3A_123 : i32 to vector<16xi32>
    %add3A_125 = arith.addi %add3A_122, %add3A_124 : vector<16xi32>
    %shift_right_logical3A_126 = arith.constant 7 : i32
    %shift_right_logical3A_127 = vector.broadcast %shift_right_logical3A_126 : i32 to vector<16xi32>
    %shift_right_logical3A_128 = arith.shrui %add3A_125, %shift_right_logical3A_127 : vector<16xi32>
    %and3A_129 = arith.constant 127 : i32
    %and3A_130 = vector.broadcast %and3A_129 : i32 to vector<16xi32>
    %and3A_131 = arith.andi %add3A_125, %and3A_130 : vector<16xi32>
    %add3A_132 = arith.constant 80 : i32
    %add3A_133 = vector.broadcast %add3A_132 : i32 to vector<16xi32>
    %add3A_134 = arith.addi %iota3A, %add3A_133 : vector<16xi32>
    %mul3A_135 = arith.constant 2 : i32
    %mul3A_136 = vector.broadcast %mul3A_135 : i32 to vector<16xi32>
    %mul3A_137 = arith.muli %add3A_134, %mul3A_136 : vector<16xi32>
    tpu.vector_store_idx %arg8[%shift_right_logical3A_128, %and3A_131], %mul3A_137 : memref<80x128xi32, #tpu.memory_space<vmem>>[vector<16xi32>, vector<16xi32>], vector<16xi32>,
    %add3A_138 = arith.constant 1 : i32
    %add3A_139 = vector.broadcast %add3A_138 : i32 to vector<16xi32>
    %add3A_140 = arith.addi %mul3A_137, %add3A_139 : vector<16xi32>
    tpu.vector_store_idx %arg9[%shift_right_logical3A_128, %and3A_131], %add3A_140 : memref<80x128xi32, #tpu.memory_space<vmem>>[vector<16xi32>, vector<16xi32>], vector<16xi32>,
    tpu.vector_store_idx %arg10[%shift_right_logical3A_128, %and3A_131], %add3A_21 : memref<80x128xi32, #tpu.memory_space<vmem>>[vector<16xi32>, vector<16xi32>], vector<16xi32>,
    %add3A_141 = vector.broadcast %get3A_17 : i32 to vector<16xi32>
    %add3A_142 = arith.addi %add3A_141, %iota3A : vector<16xi32>
    %add3A_143 = arith.constant 96 : i32
    %add3A_144 = vector.broadcast %add3A_143 : i32 to vector<16xi32>
    %add3A_145 = arith.addi %add3A_142, %add3A_144 : vector<16xi32>
    %shift_right_logical3A_146 = arith.constant 7 : i32
    %shift_right_logical3A_147 = vector.broadcast %shift_right_logical3A_146 : i32 to vector<16xi32>
    %shift_right_logical3A_148 = arith.shrui %add3A_145, %shift_right_logical3A_147 : vector<16xi32>
    %and3A_149 = arith.constant 127 : i32
    %and3A_150 = vector.broadcast %and3A_149 : i32 to vector<16xi32>
    %and3A_151 = arith.andi %add3A_145, %and3A_150 : vector<16xi32>
    %add3A_152 = arith.constant 96 : i32
    %add3A_153 = vector.broadcast %add3A_152 : i32 to vector<16xi32>
    %add3A_154 = arith.addi %iota3A, %add3A_153 : vector<16xi32>
    %mul3A_155 = arith.constant 2 : i32
    %mul3A_156 = vector.broadcast %mul3A_155 : i32 to vector<16xi32>
    %mul3A_157 = arith.muli %add3A_154, %mul3A_156 : vector<16xi32>
    tpu.vector_store_idx %arg8[%shift_right_logical3A_148, %and3A_151], %mul3A_157 : memref<80x128xi32, #tpu.memory_space<vmem>>[vector<16xi32>, vector<16xi32>], vector<16xi32>,
    %add3A_158 = arith.constant 1 : i32
    %add3A_159 = vector.broadcast %add3A_158 : i32 to vector<16xi32>
    %add3A_160 = arith.addi %mul3A_157, %add3A_159 : vector<16xi32>
    tpu.vector_store_idx %arg9[%shift_right_logical3A_148, %and3A_151], %add3A_160 : memref<80x128xi32, #tpu.memory_space<vmem>>[vector<16xi32>, vector<16xi32>], vector<16xi32>,
    tpu.vector_store_idx %arg10[%shift_right_logical3A_148, %and3A_151], %add3A_21 : memref<80x128xi32, #tpu.memory_space<vmem>>[vector<16xi32>, vector<16xi32>], vector<16xi32>,
    %add3A_161 = vector.broadcast %get3A_17 : i32 to vector<16xi32>
    %add3A_162 = arith.addi %add3A_161, %iota3A : vector<16xi32>
    %add3A_163 = arith.constant 112 : i32
    %add3A_164 = vector.broadcast %add3A_163 : i32 to vector<16xi32>
    %add3A_165 = arith.addi %add3A_162, %add3A_164 : vector<16xi32>
    %shift_right_logical3A_166 = arith.constant 7 : i32
    %shift_right_logical3A_167 = vector.broadcast %shift_right_logical3A_166 : i32 to vector<16xi32>
    %shift_right_logical3A_168 = arith.shrui %add3A_165, %shift_right_logical3A_167 : vector<16xi32>
    %and3A_169 = arith.constant 127 : i32
    %and3A_170 = vector.broadcast %and3A_169 : i32 to vector<16xi32>
    %and3A_171 = arith.andi %add3A_165, %and3A_170 : vector<16xi32>
    %add3A_172 = arith.constant 112 : i32
    %add3A_173 = vector.broadcast %add3A_172 : i32 to vector<16xi32>
    %add3A_174 = arith.addi %iota3A, %add3A_173 : vector<16xi32>
    %mul3A_175 = arith.constant 2 : i32
    %mul3A_176 = vector.broadcast %mul3A_175 : i32 to vector<16xi32>
    %mul3A_177 = arith.muli %add3A_174, %mul3A_176 : vector<16xi32>
    tpu.vector_store_idx %arg8[%shift_right_logical3A_168, %and3A_171], %mul3A_177 : memref<80x128xi32, #tpu.memory_space<vmem>>[vector<16xi32>, vector<16xi32>], vector<16xi32>,
    %add3A_178 = arith.constant 1 : i32
    %add3A_179 = vector.broadcast %add3A_178 : i32 to vector<16xi32>
    %add3A_180 = arith.addi %mul3A_177, %add3A_179 : vector<16xi32>
    tpu.vector_store_idx %arg9[%shift_right_logical3A_168, %and3A_171], %add3A_180 : memref<80x128xi32, #tpu.memory_space<vmem>>[vector<16xi32>, vector<16xi32>], vector<16xi32>,
    tpu.vector_store_idx %arg10[%shift_right_logical3A_168, %and3A_171], %add3A_21 : memref<80x128xi32, #tpu.memory_space<vmem>>[vector<16xi32>, vector<16xi32>], vector<16xi32>,
    %add3A_181 = arith.constant 127 : i32
    %add3A_182 = arith.addi %get3A_17, %add3A_181 : i32
    %shift_right_logical3A_183 = arith.constant 7 : i32
    %shift_right_logical3A_184 = arith.shrui %add3A_182, %shift_right_logical3A_183 : i32
    %mul3A_185 = arith.constant 312 : i32
    %mul3A_186 = arith.muli %arg1, %mul3A_185 : i32
    %mul3A_187 = arith.constant 5000 : i32
    %mul3A_188 = arith.muli %arg0, %mul3A_187 : i32
    %mul3A_189 = arith.constant 312 : i32
    %mul3A_190 = arith.muli %arg1, %mul3A_189 : i32
    %scan3A_191 = arith.constant 0 : i32
    %scan3A_192 = arith.constant 19 : i32
    %scan3A_193 = arith.addi %scan3A_191, %scan3A_192 : i32
    %scan3A_194 = arith.constant 1 : i32
    scf.for %scan3A_256 = %scan3A_191 to %scan3A_193 step %scan3A_194  : i32 {
      %mul3A_257 = arith.constant 16 : i32
      %mul3A_258 = arith.muli %scan3A_256, %mul3A_257 : i32
      %add3A_259 = arith.constant 0 : i32
      %add3A_260 = arith.addi %add3A_259, %mul3A_258 : i32
      %add3A_261 = arith.addi %mul3A_186, %add3A_260 : i32
      "tpu.region"() ({
        %run_scoped3A = tpu.sem_alloc : memref<!tpu.dma_semaphore, #tpu.memory_space<semaphore_mem>>
        %dma_start3A = arith.constant 0 : i32
        %dma_start3A_262 = tpu.memref_slice %arg14[%add3A_261, %dma_start3A] : memref<5008x128xf32, #tpu.memory_space<vmem_shared>> -> memref<16x128xf32, #tpu.memory_space<vmem_shared>>
        %dma_start3A_263 = arith.constant 0 : i32
        %dma_start3A_264 = tpu.memref_slice %arg14[%add3A_261, %dma_start3A_263] : memref<5008x128xf32, #tpu.memory_space<vmem_shared>> -> memref<16x128xf32, #tpu.memory_space<vmem_shared>>
        tpu.enqueue_dma source(%arg13 : memref<16x128xf32, #tpu.memory_space<vmem>>) target(%dma_start3A_264 : memref<16x128xf32, #tpu.memory_space<vmem_shared>>) target_semaphore(%run_scoped3A : memref<!tpu.dma_semaphore, #tpu.memory_space<semaphore_mem>>)
        %dma_wait3A = arith.constant 0 : i32
        %dma_wait3A_265 = tpu.memref_slice %arg14[%add3A_261, %dma_wait3A] : memref<5008x128xf32, #tpu.memory_space<vmem_shared>> -> memref<16x128xf32, #tpu.memory_space<vmem_shared>>
        %dma_wait3A_266 = arith.constant 0 : i32
        %dma_wait3A_267 = tpu.memref_slice %arg14[%add3A_261, %dma_wait3A_266] : memref<5008x128xf32, #tpu.memory_space<vmem_shared>> -> memref<16x128xf32, #tpu.memory_space<vmem_shared>>
        tpu.wait_dma2 semaphore(%run_scoped3A : memref<!tpu.dma_semaphore, #tpu.memory_space<semaphore_mem>>) src(%arg13 : memref<16x128xf32, #tpu.memory_space<vmem>>) dst(%dma_wait3A_267 : memref<16x128xf32, #tpu.memory_space<vmem_shared>>)
        tpu.yield
      }) : () -> ()
    }
    %scan3A_195 = arith.constant 19 : i32
    %ge3A = arith.constant 0 : i32
    %ge3A_196 = arith.cmpi sge, %arg1, %ge3A : i32
    %convert_element_type3A = arith.extui %ge3A_196 : i1 to i32
    %cond3A = arith.constant 0 : i32
    %cond3A_197 = arith.cmpi ne, %convert_element_type3A, %cond3A : i32
    scf.if %cond3A_197 {
      %add3A_256 = arith.constant 304 : i32
      %add3A_257 = arith.addi %mul3A_186, %add3A_256 : i32
      "tpu.region"() ({
        %run_scoped3A = tpu.sem_alloc : memref<!tpu.dma_semaphore, #tpu.memory_space<semaphore_mem>>
        %dma_start3A = arith.constant 0 : i32
        %dma_start3A_258 = arith.constant 0 : i32
        %dma_start3A_259 = tpu.memref_slice %arg13[%dma_start3A, %dma_start3A_258] : memref<16x128xf32, #tpu.memory_space<vmem>> -> memref<8x128xf32, #tpu.memory_space<vmem>>
        %dma_start3A_260 = arith.constant 0 : i32
        %dma_start3A_261 = tpu.memref_slice %arg14[%add3A_257, %dma_start3A_260] : memref<5008x128xf32, #tpu.memory_space<vmem_shared>> -> memref<8x128xf32, #tpu.memory_space<vmem_shared>>
        %dma_start3A_262 = arith.constant 0 : i32
        %dma_start3A_263 = tpu.memref_slice %arg14[%add3A_257, %dma_start3A_262] : memref<5008x128xf32, #tpu.memory_space<vmem_shared>> -> memref<8x128xf32, #tpu.memory_space<vmem_shared>>
        %dma_start3A_264 = arith.constant 0 : i32
        %dma_start3A_265 = arith.constant 0 : i32
        %dma_start3A_266 = tpu.memref_slice %arg13[%dma_start3A_264, %dma_start3A_265] : memref<16x128xf32, #tpu.memory_space<vmem>> -> memref<8x128xf32, #tpu.memory_space<vmem>>
        tpu.enqueue_dma source(%dma_start3A_266 : memref<8x128xf32, #tpu.memory_space<vmem>>) target(%dma_start3A_263 : memref<8x128xf32, #tpu.memory_space<vmem_shared>>) target_semaphore(%run_scoped3A : memref<!tpu.dma_semaphore, #tpu.memory_space<semaphore_mem>>)
        %dma_wait3A = arith.constant 0 : i32
        %dma_wait3A_267 = arith.constant 0 : i32
        %dma_wait3A_268 = tpu.memref_slice %arg13[%dma_wait3A, %dma_wait3A_267] : memref<16x128xf32, #tpu.memory_space<vmem>> -> memref<8x128xf32, #tpu.memory_space<vmem>>
        %dma_wait3A_269 = arith.constant 0 : i32
        %dma_wait3A_270 = tpu.memref_slice %arg14[%add3A_257, %dma_wait3A_269] : memref<5008x128xf32, #tpu.memory_space<vmem_shared>> -> memref<8x128xf32, #tpu.memory_space<vmem_shared>>
        %dma_wait3A_271 = arith.constant 0 : i32
        %dma_wait3A_272 = tpu.memref_slice %arg14[%add3A_257, %dma_wait3A_271] : memref<5008x128xf32, #tpu.memory_space<vmem_shared>> -> memref<8x128xf32, #tpu.memory_space<vmem_shared>>
        %dma_wait3A_273 = arith.constant 0 : i32
        %dma_wait3A_274 = arith.constant 0 : i32
        %dma_wait3A_275 = tpu.memref_slice %arg13[%dma_wait3A_273, %dma_wait3A_274] : memref<16x128xf32, #tpu.memory_space<vmem>> -> memref<8x128xf32, #tpu.memory_space<vmem>>
        tpu.wait_dma2 semaphore(%run_scoped3A : memref<!tpu.dma_semaphore, #tpu.memory_space<semaphore_mem>>) src(%dma_wait3A_275 : memref<8x128xf32, #tpu.memory_space<vmem>>) dst(%dma_wait3A_272 : memref<8x128xf32, #tpu.memory_space<vmem_shared>>)
        tpu.yield
      }) : () -> ()
    } else {
    }
    %eq3A = arith.constant 0 : i32
    %eq3A_198 = arith.cmpi eq, %arg1, %eq3A : i32
    %convert_element_type3A_199 = arith.extui %eq3A_198 : i1 to i32
    %cond3A_200 = arith.constant 0 : i32
    %cond3A_201 = arith.cmpi ne, %convert_element_type3A_199, %cond3A_200 : i32
    scf.if %cond3A_201 {
      "tpu.region"() ({
        %run_scoped3A = tpu.sem_alloc : memref<!tpu.dma_semaphore, #tpu.memory_space<semaphore_mem>>
        %dma_start3A = arith.constant 4992 : i32
        %dma_start3A_256 = arith.constant 0 : i32
        %dma_start3A_257 = tpu.memref_slice %arg14[%dma_start3A, %dma_start3A_256] : memref<5008x128xf32, #tpu.memory_space<vmem_shared>> -> memref<16x128xf32, #tpu.memory_space<vmem_shared>>
        %dma_start3A_258 = arith.constant 4992 : i32
        %dma_start3A_259 = arith.constant 0 : i32
        %dma_start3A_260 = tpu.memref_slice %arg14[%dma_start3A_258, %dma_start3A_259] : memref<5008x128xf32, #tpu.memory_space<vmem_shared>> -> memref<16x128xf32, #tpu.memory_space<vmem_shared>>
        tpu.enqueue_dma source(%arg13 : memref<16x128xf32, #tpu.memory_space<vmem>>) target(%dma_start3A_260 : memref<16x128xf32, #tpu.memory_space<vmem_shared>>) target_semaphore(%run_scoped3A : memref<!tpu.dma_semaphore, #tpu.memory_space<semaphore_mem>>)
        %dma_wait3A = arith.constant 4992 : i32
        %dma_wait3A_261 = arith.constant 0 : i32
        %dma_wait3A_262 = tpu.memref_slice %arg14[%dma_wait3A, %dma_wait3A_261] : memref<5008x128xf32, #tpu.memory_space<vmem_shared>> -> memref<16x128xf32, #tpu.memory_space<vmem_shared>>
        %dma_wait3A_263 = arith.constant 4992 : i32
        %dma_wait3A_264 = arith.constant 0 : i32
        %dma_wait3A_265 = tpu.memref_slice %arg14[%dma_wait3A_263, %dma_wait3A_264] : memref<5008x128xf32, #tpu.memory_space<vmem_shared>> -> memref<16x128xf32, #tpu.memory_space<vmem_shared>>
        tpu.wait_dma2 semaphore(%run_scoped3A : memref<!tpu.dma_semaphore, #tpu.memory_space<semaphore_mem>>) src(%arg13 : memref<16x128xf32, #tpu.memory_space<vmem>>) dst(%dma_wait3A_265 : memref<16x128xf32, #tpu.memory_space<vmem_shared>>)
        tpu.yield
      }) : () -> ()
    } else {
    }
    %barrier3A = arith.constant 0 : index
    tpu.barrier barrier_id(%barrier3A)
    %add3A_202 = arith.constant 2 : i32
    %add3A_203 = arith.addi %shift_right_logical3A_184, %add3A_202 : i32
    %while3A = arith.constant 0 : i32
    %while3A_204 = arith.constant 0 : i32
    %while3A_205 = arith.subi %add3A_203, %while3A_204 : i32
    %while3A_206 = arith.addi %while3A_204, %while3A_205 : i32
    %while3A_207 = arith.constant 1 : i32
    %while3A_208 = arith.divsi %while3A_205, %while3A_207 : i32
    %while3A_209 = arith.muli %while3A_208, %while3A_207 : i32
    %while3A_210 = arith.addi %while3A_204, %while3A_209 : i32
    %while3A_211 = arith.constant 1 : i32
    scf.for %while3A_256 = %while3A_204 to %while3A_210 step %while3A_211  : i32 {
      %and3A_257 = arith.constant 1 : i32
      %and3A_258 = arith.andi %while3A_256, %and3A_257 : i32
      %eq3A_259 = arith.constant 0 : i32
      %eq3A_260 = arith.cmpi eq, %and3A_258, %eq3A_259 : i32
      %convert_element_type3A_261 = arith.extui %eq3A_260 : i1 to i32
      %cond3A_262 = arith.constant 0 : i32
      %cond3A_263 = arith.cmpi ne, %convert_element_type3A_261, %cond3A_262 : i32
      scf.if %cond3A_263 {
        %ge3A_271 = arith.constant 2 : i32
        %ge3A_272 = arith.cmpi sge, %while3A_256, %ge3A_271 : i32
        %sub3A = arith.constant 2 : i32
        %sub3A_273 = arith.subi %while3A_256, %sub3A : i32
        %lt3A = arith.cmpi slt, %sub3A_273, %shift_right_logical3A_184 : i32
        %and3A_274 = arith.andi %ge3A_272, %lt3A : i1
        %convert_element_type3A_275 = arith.extui %and3A_274 : i1 to i32
        %cond3A_276 = arith.constant 0 : i32
        %cond3A_277 = arith.cmpi ne, %convert_element_type3A_275, %cond3A_276 : i32
        scf.if %cond3A_277 {
          %dma_wait3A = arith.constant 0 : i32
          %dma_wait3A_282 = tpu.memref_slice %arg10[%while3A_256, %dma_wait3A] : memref<80x128xi32, #tpu.memory_space<vmem>> -> memref<1x128xi32, #tpu.memory_space<vmem>>
          %dma_wait3A_283 = tpu.memref_squeeze %dma_wait3A_282 : memref<1x128xi32, #tpu.memory_space<vmem>> -> memref<128xi32, #tpu.memory_space<vmem>>
          %dma_wait3A_284 = arith.constant 0 : i32
          %dma_wait3A_285 = arith.constant 0 : i32
          %dma_wait3A_286 = tpu.memref_slice %arg14[%dma_wait3A_284, %dma_wait3A_285] : memref<5008x128xf32, #tpu.memory_space<vmem_shared>> -> memref<5008x128xf32, #tpu.memory_space<vmem_shared>>
          tpu.wait_indirect_dma semaphore(%arg17 : memref<!tpu.dma_semaphore, #tpu.memory_space<semaphore_mem>>) src(%arg11 : memref<128x128xf32, #tpu.memory_space<vmem>>) dst(%dma_wait3A_286 : memref<5008x128xf32, #tpu.memory_space<vmem_shared>>)
        } else {
        }
        %lt3A_278 = arith.cmpi slt, %while3A_256, %shift_right_logical3A_184 : i32
        %convert_element_type3A_279 = arith.extui %lt3A_278 : i1 to i32
        %cond3A_280 = arith.constant 0 : i32
        %cond3A_281 = arith.cmpi ne, %convert_element_type3A_279, %cond3A_280 : i32
        scf.if %cond3A_281 {
          %dma_start3A = arith.constant 0 : i32
          %dma_start3A_282 = tpu.memref_slice %arg8[%while3A_256, %dma_start3A] : memref<80x128xi32, #tpu.memory_space<vmem>> -> memref<1x128xi32, #tpu.memory_space<vmem>>
          %dma_start3A_283 = tpu.memref_squeeze %dma_start3A_282 : memref<1x128xi32, #tpu.memory_space<vmem>> -> memref<128xi32, #tpu.memory_space<vmem>>
          %dma_start3A_284 = arith.constant 0 : i32
          %dma_start3A_285 = arith.constant 0 : i32
          %dma_start3A_286 = tpu.memref_slice %arg2[%dma_start3A_284, %dma_start3A_285] : memref<20000x128xf32, #tpu.memory_space<hbm>> -> memref<20000x128xf32, #tpu.memory_space<hbm>>
          tpu.enqueue_indirect_dma source(%dma_start3A_286 : memref<20000x128xf32, #tpu.memory_space<hbm>>) target(%arg11 : memref<128x128xf32, #tpu.memory_space<vmem>>) offsets(%dma_start3A_283 : memref<128xi32, #tpu.memory_space<vmem>>) semaphore(%arg16 : memref<!tpu.dma_semaphore, #tpu.memory_space<semaphore_mem>>)
          %dma_wait3A = arith.constant 0 : i32
          %dma_wait3A_287 = tpu.memref_slice %arg8[%while3A_256, %dma_wait3A] : memref<80x128xi32, #tpu.memory_space<vmem>> -> memref<1x128xi32, #tpu.memory_space<vmem>>
          %dma_wait3A_288 = tpu.memref_squeeze %dma_wait3A_287 : memref<1x128xi32, #tpu.memory_space<vmem>> -> memref<128xi32, #tpu.memory_space<vmem>>
          %dma_wait3A_289 = arith.constant 0 : i32
          %dma_wait3A_290 = arith.constant 0 : i32
          %dma_wait3A_291 = tpu.memref_slice %arg2[%dma_wait3A_289, %dma_wait3A_290] : memref<20000x128xf32, #tpu.memory_space<hbm>> -> memref<20000x128xf32, #tpu.memory_space<hbm>>
          tpu.wait_indirect_dma semaphore(%arg16 : memref<!tpu.dma_semaphore, #tpu.memory_space<semaphore_mem>>) src(%dma_wait3A_291 : memref<20000x128xf32, #tpu.memory_space<hbm>>) dst(%arg11 : memref<128x128xf32, #tpu.memory_space<vmem>>)
          %dma_start3A_292 = arith.constant 0 : i32
          %dma_start3A_293 = tpu.memref_slice %arg10[%while3A_256, %dma_start3A_292] : memref<80x128xi32, #tpu.memory_space<vmem>> -> memref<1x128xi32, #tpu.memory_space<vmem>>
          %dma_start3A_294 = tpu.memref_squeeze %dma_start3A_293 : memref<1x128xi32, #tpu.memory_space<vmem>> -> memref<128xi32, #tpu.memory_space<vmem>>
          %dma_start3A_295 = arith.constant 0 : i32
          %dma_start3A_296 = arith.constant 0 : i32
          %dma_start3A_297 = tpu.memref_slice %arg14[%dma_start3A_295, %dma_start3A_296] : memref<5008x128xf32, #tpu.memory_space<vmem_shared>> -> memref<5008x128xf32, #tpu.memory_space<vmem_shared>>
          tpu.enqueue_indirect_dma source(%arg11 : memref<128x128xf32, #tpu.memory_space<vmem>>) target(%dma_start3A_297 : memref<5008x128xf32, #tpu.memory_space<vmem_shared>>) offsets(%dma_start3A_294 : memref<128xi32, #tpu.memory_space<vmem>>) semaphore(%arg17 : memref<!tpu.dma_semaphore, #tpu.memory_space<semaphore_mem>>) {add = true}
        } else {
        }
      } else {
      }
      %and3A_264 = arith.constant 1 : i32
      %and3A_265 = arith.andi %while3A_256, %and3A_264 : i32
      %eq3A_266 = arith.constant 1 : i32
      %eq3A_267 = arith.cmpi eq, %and3A_265, %eq3A_266 : i32
      %convert_element_type3A_268 = arith.extui %eq3A_267 : i1 to i32
      %cond3A_269 = arith.constant 0 : i32
      %cond3A_270 = arith.cmpi ne, %convert_element_type3A_268, %cond3A_269 : i32
      scf.if %cond3A_270 {
        %ge3A_271 = arith.constant 2 : i32
        %ge3A_272 = arith.cmpi sge, %while3A_256, %ge3A_271 : i32
        %sub3A = arith.constant 2 : i32
        %sub3A_273 = arith.subi %while3A_256, %sub3A : i32
        %lt3A = arith.cmpi slt, %sub3A_273, %shift_right_logical3A_184 : i32
        %and3A_274 = arith.andi %ge3A_272, %lt3A : i1
        %convert_element_type3A_275 = arith.extui %and3A_274 : i1 to i32
        %cond3A_276 = arith.constant 0 : i32
        %cond3A_277 = arith.cmpi ne, %convert_element_type3A_275, %cond3A_276 : i32
        scf.if %cond3A_277 {
          %dma_wait3A = arith.constant 0 : i32
          %dma_wait3A_282 = tpu.memref_slice %arg10[%while3A_256, %dma_wait3A] : memref<80x128xi32, #tpu.memory_space<vmem>> -> memref<1x128xi32, #tpu.memory_space<vmem>>
          %dma_wait3A_283 = tpu.memref_squeeze %dma_wait3A_282 : memref<1x128xi32, #tpu.memory_space<vmem>> -> memref<128xi32, #tpu.memory_space<vmem>>
          %dma_wait3A_284 = arith.constant 0 : i32
          %dma_wait3A_285 = arith.constant 0 : i32
          %dma_wait3A_286 = tpu.memref_slice %arg14[%dma_wait3A_284, %dma_wait3A_285] : memref<5008x128xf32, #tpu.memory_space<vmem_shared>> -> memref<5008x128xf32, #tpu.memory_space<vmem_shared>>
          tpu.wait_indirect_dma semaphore(%arg18 : memref<!tpu.dma_semaphore, #tpu.memory_space<semaphore_mem>>) src(%arg12 : memref<128x128xf32, #tpu.memory_space<vmem>>) dst(%dma_wait3A_286 : memref<5008x128xf32, #tpu.memory_space<vmem_shared>>)
        } else {
        }
        %lt3A_278 = arith.cmpi slt, %while3A_256, %shift_right_logical3A_184 : i32
        %convert_element_type3A_279 = arith.extui %lt3A_278 : i1 to i32
        %cond3A_280 = arith.constant 0 : i32
        %cond3A_281 = arith.cmpi ne, %convert_element_type3A_279, %cond3A_280 : i32
        scf.if %cond3A_281 {
          %dma_start3A = arith.constant 0 : i32
          %dma_start3A_282 = tpu.memref_slice %arg8[%while3A_256, %dma_start3A] : memref<80x128xi32, #tpu.memory_space<vmem>> -> memref<1x128xi32, #tpu.memory_space<vmem>>
          %dma_start3A_283 = tpu.memref_squeeze %dma_start3A_282 : memref<1x128xi32, #tpu.memory_space<vmem>> -> memref<128xi32, #tpu.memory_space<vmem>>
          %dma_start3A_284 = arith.constant 0 : i32
          %dma_start3A_285 = arith.constant 0 : i32
          %dma_start3A_286 = tpu.memref_slice %arg2[%dma_start3A_284, %dma_start3A_285] : memref<20000x128xf32, #tpu.memory_space<hbm>> -> memref<20000x128xf32, #tpu.memory_space<hbm>>
          tpu.enqueue_indirect_dma source(%dma_start3A_286 : memref<20000x128xf32, #tpu.memory_space<hbm>>) target(%arg12 : memref<128x128xf32, #tpu.memory_space<vmem>>) offsets(%dma_start3A_283 : memref<128xi32, #tpu.memory_space<vmem>>) semaphore(%arg16 : memref<!tpu.dma_semaphore, #tpu.memory_space<semaphore_mem>>)
          %dma_wait3A = arith.constant 0 : i32
          %dma_wait3A_287 = tpu.memref_slice %arg8[%while3A_256, %dma_wait3A] : memref<80x128xi32, #tpu.memory_space<vmem>> -> memref<1x128xi32, #tpu.memory_space<vmem>>
          %dma_wait3A_288 = tpu.memref_squeeze %dma_wait3A_287 : memref<1x128xi32, #tpu.memory_space<vmem>> -> memref<128xi32, #tpu.memory_space<vmem>>
          %dma_wait3A_289 = arith.constant 0 : i32
          %dma_wait3A_290 = arith.constant 0 : i32
          %dma_wait3A_291 = tpu.memref_slice %arg2[%dma_wait3A_289, %dma_wait3A_290] : memref<20000x128xf32, #tpu.memory_space<hbm>> -> memref<20000x128xf32, #tpu.memory_space<hbm>>
          tpu.wait_indirect_dma semaphore(%arg16 : memref<!tpu.dma_semaphore, #tpu.memory_space<semaphore_mem>>) src(%dma_wait3A_291 : memref<20000x128xf32, #tpu.memory_space<hbm>>) dst(%arg12 : memref<128x128xf32, #tpu.memory_space<vmem>>)
          %dma_start3A_292 = arith.constant 0 : i32
          %dma_start3A_293 = tpu.memref_slice %arg10[%while3A_256, %dma_start3A_292] : memref<80x128xi32, #tpu.memory_space<vmem>> -> memref<1x128xi32, #tpu.memory_space<vmem>>
          %dma_start3A_294 = tpu.memref_squeeze %dma_start3A_293 : memref<1x128xi32, #tpu.memory_space<vmem>> -> memref<128xi32, #tpu.memory_space<vmem>>
          %dma_start3A_295 = arith.constant 0 : i32
          %dma_start3A_296 = arith.constant 0 : i32
          %dma_start3A_297 = tpu.memref_slice %arg14[%dma_start3A_295, %dma_start3A_296] : memref<5008x128xf32, #tpu.memory_space<vmem_shared>> -> memref<5008x128xf32, #tpu.memory_space<vmem_shared>>
          tpu.enqueue_indirect_dma source(%arg12 : memref<128x128xf32, #tpu.memory_space<vmem>>) target(%dma_start3A_297 : memref<5008x128xf32, #tpu.memory_space<vmem_shared>>) offsets(%dma_start3A_294 : memref<128xi32, #tpu.memory_space<vmem>>) semaphore(%arg18 : memref<!tpu.dma_semaphore, #tpu.memory_space<semaphore_mem>>) {add = true}
        } else {
        }
      } else {
      }
    }
    %while3A_212 = arith.constant 1 : i32
    scf.for %while3A_256 = %while3A_210 to %while3A_206 step %while3A_212  : i32 {
      %and3A_257 = arith.constant 1 : i32
      %and3A_258 = arith.andi %while3A_256, %and3A_257 : i32
      %eq3A_259 = arith.constant 0 : i32
      %eq3A_260 = arith.cmpi eq, %and3A_258, %eq3A_259 : i32
      %convert_element_type3A_261 = arith.extui %eq3A_260 : i1 to i32
      %cond3A_262 = arith.constant 0 : i32
      %cond3A_263 = arith.cmpi ne, %convert_element_type3A_261, %cond3A_262 : i32
      scf.if %cond3A_263 {
        %ge3A_271 = arith.constant 2 : i32
        %ge3A_272 = arith.cmpi sge, %while3A_256, %ge3A_271 : i32
        %sub3A = arith.constant 2 : i32
        %sub3A_273 = arith.subi %while3A_256, %sub3A : i32
        %lt3A = arith.cmpi slt, %sub3A_273, %shift_right_logical3A_184 : i32
        %and3A_274 = arith.andi %ge3A_272, %lt3A : i1
        %convert_element_type3A_275 = arith.extui %and3A_274 : i1 to i32
        %cond3A_276 = arith.constant 0 : i32
        %cond3A_277 = arith.cmpi ne, %convert_element_type3A_275, %cond3A_276 : i32
        scf.if %cond3A_277 {
          %dma_wait3A = arith.constant 0 : i32
          %dma_wait3A_282 = tpu.memref_slice %arg10[%while3A_256, %dma_wait3A] : memref<80x128xi32, #tpu.memory_space<vmem>> -> memref<1x128xi32, #tpu.memory_space<vmem>>
          %dma_wait3A_283 = tpu.memref_squeeze %dma_wait3A_282 : memref<1x128xi32, #tpu.memory_space<vmem>> -> memref<128xi32, #tpu.memory_space<vmem>>
          %dma_wait3A_284 = arith.constant 0 : i32
          %dma_wait3A_285 = arith.constant 0 : i32
          %dma_wait3A_286 = tpu.memref_slice %arg14[%dma_wait3A_284, %dma_wait3A_285] : memref<5008x128xf32, #tpu.memory_space<vmem_shared>> -> memref<5008x128xf32, #tpu.memory_space<vmem_shared>>
          tpu.wait_indirect_dma semaphore(%arg17 : memref<!tpu.dma_semaphore, #tpu.memory_space<semaphore_mem>>) src(%arg11 : memref<128x128xf32, #tpu.memory_space<vmem>>) dst(%dma_wait3A_286 : memref<5008x128xf32, #tpu.memory_space<vmem_shared>>)
        } else {
        }
        %lt3A_278 = arith.cmpi slt, %while3A_256, %shift_right_logical3A_184 : i32
        %convert_element_type3A_279 = arith.extui %lt3A_278 : i1 to i32
        %cond3A_280 = arith.constant 0 : i32
        %cond3A_281 = arith.cmpi ne, %convert_element_type3A_279, %cond3A_280 : i32
        scf.if %cond3A_281 {
          %dma_start3A = arith.constant 0 : i32
          %dma_start3A_282 = tpu.memref_slice %arg8[%while3A_256, %dma_start3A] : memref<80x128xi32, #tpu.memory_space<vmem>> -> memref<1x128xi32, #tpu.memory_space<vmem>>
          %dma_start3A_283 = tpu.memref_squeeze %dma_start3A_282 : memref<1x128xi32, #tpu.memory_space<vmem>> -> memref<128xi32, #tpu.memory_space<vmem>>
          %dma_start3A_284 = arith.constant 0 : i32
          %dma_start3A_285 = arith.constant 0 : i32
          %dma_start3A_286 = tpu.memref_slice %arg2[%dma_start3A_284, %dma_start3A_285] : memref<20000x128xf32, #tpu.memory_space<hbm>> -> memref<20000x128xf32, #tpu.memory_space<hbm>>
          tpu.enqueue_indirect_dma source(%dma_start3A_286 : memref<20000x128xf32, #tpu.memory_space<hbm>>) target(%arg11 : memref<128x128xf32, #tpu.memory_space<vmem>>) offsets(%dma_start3A_283 : memref<128xi32, #tpu.memory_space<vmem>>) semaphore(%arg16 : memref<!tpu.dma_semaphore, #tpu.memory_space<semaphore_mem>>)
          %dma_wait3A = arith.constant 0 : i32
          %dma_wait3A_287 = tpu.memref_slice %arg8[%while3A_256, %dma_wait3A] : memref<80x128xi32, #tpu.memory_space<vmem>> -> memref<1x128xi32, #tpu.memory_space<vmem>>
          %dma_wait3A_288 = tpu.memref_squeeze %dma_wait3A_287 : memref<1x128xi32, #tpu.memory_space<vmem>> -> memref<128xi32, #tpu.memory_space<vmem>>
          %dma_wait3A_289 = arith.constant 0 : i32
          %dma_wait3A_290 = arith.constant 0 : i32
          %dma_wait3A_291 = tpu.memref_slice %arg2[%dma_wait3A_289, %dma_wait3A_290] : memref<20000x128xf32, #tpu.memory_space<hbm>> -> memref<20000x128xf32, #tpu.memory_space<hbm>>
          tpu.wait_indirect_dma semaphore(%arg16 : memref<!tpu.dma_semaphore, #tpu.memory_space<semaphore_mem>>) src(%dma_wait3A_291 : memref<20000x128xf32, #tpu.memory_space<hbm>>) dst(%arg11 : memref<128x128xf32, #tpu.memory_space<vmem>>)
          %dma_start3A_292 = arith.constant 0 : i32
          %dma_start3A_293 = tpu.memref_slice %arg10[%while3A_256, %dma_start3A_292] : memref<80x128xi32, #tpu.memory_space<vmem>> -> memref<1x128xi32, #tpu.memory_space<vmem>>
          %dma_start3A_294 = tpu.memref_squeeze %dma_start3A_293 : memref<1x128xi32, #tpu.memory_space<vmem>> -> memref<128xi32, #tpu.memory_space<vmem>>
          %dma_start3A_295 = arith.constant 0 : i32
          %dma_start3A_296 = arith.constant 0 : i32
          %dma_start3A_297 = tpu.memref_slice %arg14[%dma_start3A_295, %dma_start3A_296] : memref<5008x128xf32, #tpu.memory_space<vmem_shared>> -> memref<5008x128xf32, #tpu.memory_space<vmem_shared>>
          tpu.enqueue_indirect_dma source(%arg11 : memref<128x128xf32, #tpu.memory_space<vmem>>) target(%dma_start3A_297 : memref<5008x128xf32, #tpu.memory_space<vmem_shared>>) offsets(%dma_start3A_294 : memref<128xi32, #tpu.memory_space<vmem>>) semaphore(%arg17 : memref<!tpu.dma_semaphore, #tpu.memory_space<semaphore_mem>>) {add = true}
        } else {
        }
      } else {
      }
      %and3A_264 = arith.constant 1 : i32
      %and3A_265 = arith.andi %while3A_256, %and3A_264 : i32
      %eq3A_266 = arith.constant 1 : i32
      %eq3A_267 = arith.cmpi eq, %and3A_265, %eq3A_266 : i32
      %convert_element_type3A_268 = arith.extui %eq3A_267 : i1 to i32
      %cond3A_269 = arith.constant 0 : i32
      %cond3A_270 = arith.cmpi ne, %convert_element_type3A_268, %cond3A_269 : i32
      scf.if %cond3A_270 {
        %ge3A_271 = arith.constant 2 : i32
        %ge3A_272 = arith.cmpi sge, %while3A_256, %ge3A_271 : i32
        %sub3A = arith.constant 2 : i32
        %sub3A_273 = arith.subi %while3A_256, %sub3A : i32
        %lt3A = arith.cmpi slt, %sub3A_273, %shift_right_logical3A_184 : i32
        %and3A_274 = arith.andi %ge3A_272, %lt3A : i1
        %convert_element_type3A_275 = arith.extui %and3A_274 : i1 to i32
        %cond3A_276 = arith.constant 0 : i32
        %cond3A_277 = arith.cmpi ne, %convert_element_type3A_275, %cond3A_276 : i32
        scf.if %cond3A_277 {
          %dma_wait3A = arith.constant 0 : i32
          %dma_wait3A_282 = tpu.memref_slice %arg10[%while3A_256, %dma_wait3A] : memref<80x128xi32, #tpu.memory_space<vmem>> -> memref<1x128xi32, #tpu.memory_space<vmem>>
          %dma_wait3A_283 = tpu.memref_squeeze %dma_wait3A_282 : memref<1x128xi32, #tpu.memory_space<vmem>> -> memref<128xi32, #tpu.memory_space<vmem>>
          %dma_wait3A_284 = arith.constant 0 : i32
          %dma_wait3A_285 = arith.constant 0 : i32
          %dma_wait3A_286 = tpu.memref_slice %arg14[%dma_wait3A_284, %dma_wait3A_285] : memref<5008x128xf32, #tpu.memory_space<vmem_shared>> -> memref<5008x128xf32, #tpu.memory_space<vmem_shared>>
          tpu.wait_indirect_dma semaphore(%arg18 : memref<!tpu.dma_semaphore, #tpu.memory_space<semaphore_mem>>) src(%arg12 : memref<128x128xf32, #tpu.memory_space<vmem>>) dst(%dma_wait3A_286 : memref<5008x128xf32, #tpu.memory_space<vmem_shared>>)
        } else {
        }
        %lt3A_278 = arith.cmpi slt, %while3A_256, %shift_right_logical3A_184 : i32
        %convert_element_type3A_279 = arith.extui %lt3A_278 : i1 to i32
        %cond3A_280 = arith.constant 0 : i32
        %cond3A_281 = arith.cmpi ne, %convert_element_type3A_279, %cond3A_280 : i32
        scf.if %cond3A_281 {
          %dma_start3A = arith.constant 0 : i32
          %dma_start3A_282 = tpu.memref_slice %arg8[%while3A_256, %dma_start3A] : memref<80x128xi32, #tpu.memory_space<vmem>> -> memref<1x128xi32, #tpu.memory_space<vmem>>
          %dma_start3A_283 = tpu.memref_squeeze %dma_start3A_282 : memref<1x128xi32, #tpu.memory_space<vmem>> -> memref<128xi32, #tpu.memory_space<vmem>>
          %dma_start3A_284 = arith.constant 0 : i32
          %dma_start3A_285 = arith.constant 0 : i32
          %dma_start3A_286 = tpu.memref_slice %arg2[%dma_start3A_284, %dma_start3A_285] : memref<20000x128xf32, #tpu.memory_space<hbm>> -> memref<20000x128xf32, #tpu.memory_space<hbm>>
          tpu.enqueue_indirect_dma source(%dma_start3A_286 : memref<20000x128xf32, #tpu.memory_space<hbm>>) target(%arg12 : memref<128x128xf32, #tpu.memory_space<vmem>>) offsets(%dma_start3A_283 : memref<128xi32, #tpu.memory_space<vmem>>) semaphore(%arg16 : memref<!tpu.dma_semaphore, #tpu.memory_space<semaphore_mem>>)
          %dma_wait3A = arith.constant 0 : i32
          %dma_wait3A_287 = tpu.memref_slice %arg8[%while3A_256, %dma_wait3A] : memref<80x128xi32, #tpu.memory_space<vmem>> -> memref<1x128xi32, #tpu.memory_space<vmem>>
          %dma_wait3A_288 = tpu.memref_squeeze %dma_wait3A_287 : memref<1x128xi32, #tpu.memory_space<vmem>> -> memref<128xi32, #tpu.memory_space<vmem>>
          %dma_wait3A_289 = arith.constant 0 : i32
          %dma_wait3A_290 = arith.constant 0 : i32
          %dma_wait3A_291 = tpu.memref_slice %arg2[%dma_wait3A_289, %dma_wait3A_290] : memref<20000x128xf32, #tpu.memory_space<hbm>> -> memref<20000x128xf32, #tpu.memory_space<hbm>>
          tpu.wait_indirect_dma semaphore(%arg16 : memref<!tpu.dma_semaphore, #tpu.memory_space<semaphore_mem>>) src(%dma_wait3A_291 : memref<20000x128xf32, #tpu.memory_space<hbm>>) dst(%arg12 : memref<128x128xf32, #tpu.memory_space<vmem>>)
          %dma_start3A_292 = arith.constant 0 : i32
          %dma_start3A_293 = tpu.memref_slice %arg10[%while3A_256, %dma_start3A_292] : memref<80x128xi32, #tpu.memory_space<vmem>> -> memref<1x128xi32, #tpu.memory_space<vmem>>
          %dma_start3A_294 = tpu.memref_squeeze %dma_start3A_293 : memref<1x128xi32, #tpu.memory_space<vmem>> -> memref<128xi32, #tpu.memory_space<vmem>>
          %dma_start3A_295 = arith.constant 0 : i32
          %dma_start3A_296 = arith.constant 0 : i32
          %dma_start3A_297 = tpu.memref_slice %arg14[%dma_start3A_295, %dma_start3A_296] : memref<5008x128xf32, #tpu.memory_space<vmem_shared>> -> memref<5008x128xf32, #tpu.memory_space<vmem_shared>>
          tpu.enqueue_indirect_dma source(%arg12 : memref<128x128xf32, #tpu.memory_space<vmem>>) target(%dma_start3A_297 : memref<5008x128xf32, #tpu.memory_space<vmem_shared>>) offsets(%dma_start3A_294 : memref<128xi32, #tpu.memory_space<vmem>>) semaphore(%arg18 : memref<!tpu.dma_semaphore, #tpu.memory_space<semaphore_mem>>) {add = true}
        } else {
        }
      } else {
      }
    }
    %barrier3A_213 = arith.constant 0 : index
    tpu.barrier barrier_id(%barrier3A_213)
    %add3A_214 = arith.addi %mul3A_188, %mul3A_190 : i32
    "tpu.region"() ({
      %run_scoped3A = tpu.sem_alloc : memref<!tpu.dma_semaphore, #tpu.memory_space<semaphore_mem>>
      %dma_start3A = arith.constant 0 : i32
      %dma_start3A_256 = tpu.memref_slice %arg5[%add3A_214, %dma_start3A] : memref<10000x256xf32, #tpu.memory_space<hbm>> -> memref<312x128xf32, #tpu.memory_space<hbm>>
      %dma_start3A_257 = arith.constant 0 : i32
      %dma_start3A_258 = tpu.memref_slice %arg14[%mul3A_190, %dma_start3A_257] : memref<5008x128xf32, #tpu.memory_space<vmem_shared>> -> memref<312x128xf32, #tpu.memory_space<vmem_shared>>
      tpu.enqueue_dma source(%dma_start3A_258 : memref<312x128xf32, #tpu.memory_space<vmem_shared>>) target(%dma_start3A_256 : memref<312x128xf32, #tpu.memory_space<hbm>>) target_semaphore(%run_scoped3A : memref<!tpu.dma_semaphore, #tpu.memory_space<semaphore_mem>>)
      %dma_wait3A = arith.constant 0 : i32
      %dma_wait3A_259 = tpu.memref_slice %arg5[%add3A_214, %dma_wait3A] : memref<10000x256xf32, #tpu.memory_space<hbm>> -> memref<312x128xf32, #tpu.memory_space<hbm>>
      %dma_wait3A_260 = arith.constant 0 : i32
      %dma_wait3A_261 = tpu.memref_slice %arg14[%mul3A_190, %dma_wait3A_260] : memref<5008x128xf32, #tpu.memory_space<vmem_shared>> -> memref<312x128xf32, #tpu.memory_space<vmem_shared>>
      tpu.wait_dma2 semaphore(%run_scoped3A : memref<!tpu.dma_semaphore, #tpu.memory_space<semaphore_mem>>) src(%dma_wait3A_261 : memref<312x128xf32, #tpu.memory_space<vmem_shared>>) dst(%dma_wait3A_259 : memref<312x128xf32, #tpu.memory_space<hbm>>)
      tpu.yield
    }) : () -> ()
    %eq3A_215 = arith.constant 0 : i32
    %eq3A_216 = arith.cmpi eq, %arg1, %eq3A_215 : i32
    %convert_element_type3A_217 = arith.extui %eq3A_216 : i1 to i32
    %cond3A_218 = arith.constant 0 : i32
    %cond3A_219 = arith.cmpi ne, %convert_element_type3A_217, %cond3A_218 : i32
    scf.if %cond3A_219 {
      %add3A_256 = arith.constant 4992 : i32
      %add3A_257 = arith.addi %mul3A_188, %add3A_256 : i32
      "tpu.region"() ({
        %run_scoped3A = tpu.sem_alloc : memref<!tpu.dma_semaphore, #tpu.memory_space<semaphore_mem>>
        %dma_start3A = arith.constant 0 : i32
        %dma_start3A_258 = tpu.memref_slice %arg5[%add3A_257, %dma_start3A] : memref<10000x256xf32, #tpu.memory_space<hbm>> -> memref<8x128xf32, #tpu.memory_space<hbm>>
        %dma_start3A_259 = arith.constant 4992 : i32
        %dma_start3A_260 = arith.constant 0 : i32
        %dma_start3A_261 = tpu.memref_slice %arg14[%dma_start3A_259, %dma_start3A_260] : memref<5008x128xf32, #tpu.memory_space<vmem_shared>> -> memref<8x128xf32, #tpu.memory_space<vmem_shared>>
        tpu.enqueue_dma source(%dma_start3A_261 : memref<8x128xf32, #tpu.memory_space<vmem_shared>>) target(%dma_start3A_258 : memref<8x128xf32, #tpu.memory_space<hbm>>) target_semaphore(%run_scoped3A : memref<!tpu.dma_semaphore, #tpu.memory_space<semaphore_mem>>)
        %dma_wait3A = arith.constant 0 : i32
        %dma_wait3A_262 = tpu.memref_slice %arg5[%add3A_257, %dma_wait3A] : memref<10000x256xf32, #tpu.memory_space<hbm>> -> memref<8x128xf32, #tpu.memory_space<hbm>>
        %dma_wait3A_263 = arith.constant 4992 : i32
        %dma_wait3A_264 = arith.constant 0 : i32
        %dma_wait3A_265 = tpu.memref_slice %arg14[%dma_wait3A_263, %dma_wait3A_264] : memref<5008x128xf32, #tpu.memory_space<vmem_shared>> -> memref<8x128xf32, #tpu.memory_space<vmem_shared>>
        tpu.wait_dma2 semaphore(%run_scoped3A : memref<!tpu.dma_semaphore, #tpu.memory_space<semaphore_mem>>) src(%dma_wait3A_265 : memref<8x128xf32, #tpu.memory_space<vmem_shared>>) dst(%dma_wait3A_262 : memref<8x128xf32, #tpu.memory_space<hbm>>)
        tpu.yield
      }) : () -> ()
    } else {
    }
    %barrier3A_220 = arith.constant 0 : index
    tpu.barrier barrier_id(%barrier3A_220)
    %scan3A_221 = arith.constant 0 : i32
    %scan3A_222 = arith.constant 19 : i32
    %scan3A_223 = arith.addi %scan3A_221, %scan3A_222 : i32
    %scan3A_224 = arith.constant 1 : i32
    scf.for %scan3A_256 = %scan3A_221 to %scan3A_223 step %scan3A_224  : i32 {
      %mul3A_257 = arith.constant 16 : i32
      %mul3A_258 = arith.muli %scan3A_256, %mul3A_257 : i32
      %add3A_259 = arith.constant 0 : i32
      %add3A_260 = arith.addi %add3A_259, %mul3A_258 : i32
      %add3A_261 = arith.addi %mul3A_186, %add3A_260 : i32
      "tpu.region"() ({
        %run_scoped3A = tpu.sem_alloc : memref<!tpu.dma_semaphore, #tpu.memory_space<semaphore_mem>>
        %dma_start3A = arith.constant 0 : i32
        %dma_start3A_262 = tpu.memref_slice %arg14[%add3A_261, %dma_start3A] : memref<5008x128xf32, #tpu.memory_space<vmem_shared>> -> memref<16x128xf32, #tpu.memory_space<vmem_shared>>
        %dma_start3A_263 = arith.constant 0 : i32
        %dma_start3A_264 = tpu.memref_slice %arg14[%add3A_261, %dma_start3A_263] : memref<5008x128xf32, #tpu.memory_space<vmem_shared>> -> memref<16x128xf32, #tpu.memory_space<vmem_shared>>
        tpu.enqueue_dma source(%arg13 : memref<16x128xf32, #tpu.memory_space<vmem>>) target(%dma_start3A_264 : memref<16x128xf32, #tpu.memory_space<vmem_shared>>) target_semaphore(%run_scoped3A : memref<!tpu.dma_semaphore, #tpu.memory_space<semaphore_mem>>)
        %dma_wait3A = arith.constant 0 : i32
        %dma_wait3A_265 = tpu.memref_slice %arg14[%add3A_261, %dma_wait3A] : memref<5008x128xf32, #tpu.memory_space<vmem_shared>> -> memref<16x128xf32, #tpu.memory_space<vmem_shared>>
        %dma_wait3A_266 = arith.constant 0 : i32
        %dma_wait3A_267 = tpu.memref_slice %arg14[%add3A_261, %dma_wait3A_266] : memref<5008x128xf32, #tpu.memory_space<vmem_shared>> -> memref<16x128xf32, #tpu.memory_space<vmem_shared>>
        tpu.wait_dma2 semaphore(%run_scoped3A : memref<!tpu.dma_semaphore, #tpu.memory_space<semaphore_mem>>) src(%arg13 : memref<16x128xf32, #tpu.memory_space<vmem>>) dst(%dma_wait3A_267 : memref<16x128xf32, #tpu.memory_space<vmem_shared>>)
        tpu.yield
      }) : () -> ()
    }
    %scan3A_225 = arith.constant 19 : i32
    %ge3A_226 = arith.constant 0 : i32
    %ge3A_227 = arith.cmpi sge, %arg1, %ge3A_226 : i32
    %convert_element_type3A_228 = arith.extui %ge3A_227 : i1 to i32
    %cond3A_229 = arith.constant 0 : i32
    %cond3A_230 = arith.cmpi ne, %convert_element_type3A_228, %cond3A_229 : i32
    scf.if %cond3A_230 {
      %add3A_256 = arith.constant 304 : i32
      %add3A_257 = arith.addi %mul3A_186, %add3A_256 : i32
      "tpu.region"() ({
        %run_scoped3A = tpu.sem_alloc : memref<!tpu.dma_semaphore, #tpu.memory_space<semaphore_mem>>
        %dma_start3A = arith.constant 0 : i32
        %dma_start3A_258 = arith.constant 0 : i32
        %dma_start3A_259 = tpu.memref_slice %arg13[%dma_start3A, %dma_start3A_258] : memref<16x128xf32, #tpu.memory_space<vmem>> -> memref<8x128xf32, #tpu.memory_space<vmem>>
        %dma_start3A_260 = arith.constant 0 : i32
        %dma_start3A_261 = tpu.memref_slice %arg14[%add3A_257, %dma_start3A_260] : memref<5008x128xf32, #tpu.memory_space<vmem_shared>> -> memref<8x128xf32, #tpu.memory_space<vmem_shared>>
        %dma_start3A_262 = arith.constant 0 : i32
        %dma_start3A_263 = tpu.memref_slice %arg14[%add3A_257, %dma_start3A_262] : memref<5008x128xf32, #tpu.memory_space<vmem_shared>> -> memref<8x128xf32, #tpu.memory_space<vmem_shared>>
        %dma_start3A_264 = arith.constant 0 : i32
        %dma_start3A_265 = arith.constant 0 : i32
        %dma_start3A_266 = tpu.memref_slice %arg13[%dma_start3A_264, %dma_start3A_265] : memref<16x128xf32, #tpu.memory_space<vmem>> -> memref<8x128xf32, #tpu.memory_space<vmem>>
        tpu.enqueue_dma source(%dma_start3A_266 : memref<8x128xf32, #tpu.memory_space<vmem>>) target(%dma_start3A_263 : memref<8x128xf32, #tpu.memory_space<vmem_shared>>) target_semaphore(%run_scoped3A : memref<!tpu.dma_semaphore, #tpu.memory_space<semaphore_mem>>)
        %dma_wait3A = arith.constant 0 : i32
        %dma_wait3A_267 = arith.constant 0 : i32
        %dma_wait3A_268 = tpu.memref_slice %arg13[%dma_wait3A, %dma_wait3A_267] : memref<16x128xf32, #tpu.memory_space<vmem>> -> memref<8x128xf32, #tpu.memory_space<vmem>>
        %dma_wait3A_269 = arith.constant 0 : i32
        %dma_wait3A_270 = tpu.memref_slice %arg14[%add3A_257, %dma_wait3A_269] : memref<5008x128xf32, #tpu.memory_space<vmem_shared>> -> memref<8x128xf32, #tpu.memory_space<vmem_shared>>
        %dma_wait3A_271 = arith.constant 0 : i32
        %dma_wait3A_272 = tpu.memref_slice %arg14[%add3A_257, %dma_wait3A_271] : memref<5008x128xf32, #tpu.memory_space<vmem_shared>> -> memref<8x128xf32, #tpu.memory_space<vmem_shared>>
        %dma_wait3A_273 = arith.constant 0 : i32
        %dma_wait3A_274 = arith.constant 0 : i32
        %dma_wait3A_275 = tpu.memref_slice %arg13[%dma_wait3A_273, %dma_wait3A_274] : memref<16x128xf32, #tpu.memory_space<vmem>> -> memref<8x128xf32, #tpu.memory_space<vmem>>
        tpu.wait_dma2 semaphore(%run_scoped3A : memref<!tpu.dma_semaphore, #tpu.memory_space<semaphore_mem>>) src(%dma_wait3A_275 : memref<8x128xf32, #tpu.memory_space<vmem>>) dst(%dma_wait3A_272 : memref<8x128xf32, #tpu.memory_space<vmem_shared>>)
        tpu.yield
      }) : () -> ()
    } else {
    }
    %eq3A_231 = arith.constant 0 : i32
    %eq3A_232 = arith.cmpi eq, %arg1, %eq3A_231 : i32
    %convert_element_type3A_233 = arith.extui %eq3A_232 : i1 to i32
    %cond3A_234 = arith.constant 0 : i32
    %cond3A_235 = arith.cmpi ne, %convert_element_type3A_233, %cond3A_234 : i32
    scf.if %cond3A_235 {
      "tpu.region"() ({
        %run_scoped3A = tpu.sem_alloc : memref<!tpu.dma_semaphore, #tpu.memory_space<semaphore_mem>>
        %dma_start3A = arith.constant 4992 : i32
        %dma_start3A_256 = arith.constant 0 : i32
        %dma_start3A_257 = tpu.memref_slice %arg14[%dma_start3A, %dma_start3A_256] : memref<5008x128xf32, #tpu.memory_space<vmem_shared>> -> memref<16x128xf32, #tpu.memory_space<vmem_shared>>
        %dma_start3A_258 = arith.constant 4992 : i32
        %dma_start3A_259 = arith.constant 0 : i32
        %dma_start3A_260 = tpu.memref_slice %arg14[%dma_start3A_258, %dma_start3A_259] : memref<5008x128xf32, #tpu.memory_space<vmem_shared>> -> memref<16x128xf32, #tpu.memory_space<vmem_shared>>
        tpu.enqueue_dma source(%arg13 : memref<16x128xf32, #tpu.memory_space<vmem>>) target(%dma_start3A_260 : memref<16x128xf32, #tpu.memory_space<vmem_shared>>) target_semaphore(%run_scoped3A : memref<!tpu.dma_semaphore, #tpu.memory_space<semaphore_mem>>)
        %dma_wait3A = arith.constant 4992 : i32
        %dma_wait3A_261 = arith.constant 0 : i32
        %dma_wait3A_262 = tpu.memref_slice %arg14[%dma_wait3A, %dma_wait3A_261] : memref<5008x128xf32, #tpu.memory_space<vmem_shared>> -> memref<16x128xf32, #tpu.memory_space<vmem_shared>>
        %dma_wait3A_263 = arith.constant 4992 : i32
        %dma_wait3A_264 = arith.constant 0 : i32
        %dma_wait3A_265 = tpu.memref_slice %arg14[%dma_wait3A_263, %dma_wait3A_264] : memref<5008x128xf32, #tpu.memory_space<vmem_shared>> -> memref<16x128xf32, #tpu.memory_space<vmem_shared>>
        tpu.wait_dma2 semaphore(%run_scoped3A : memref<!tpu.dma_semaphore, #tpu.memory_space<semaphore_mem>>) src(%arg13 : memref<16x128xf32, #tpu.memory_space<vmem>>) dst(%dma_wait3A_265 : memref<16x128xf32, #tpu.memory_space<vmem_shared>>)
        tpu.yield
      }) : () -> ()
    } else {
    }
    %barrier3A_236 = arith.constant 0 : index
    tpu.barrier barrier_id(%barrier3A_236)
    %add3A_237 = arith.constant 2 : i32
    %add3A_238 = arith.addi %shift_right_logical3A_184, %add3A_237 : i32
    %while3A_239 = arith.constant 0 : i32
    %while3A_240 = arith.constant 0 : i32
    %while3A_241 = arith.subi %add3A_238, %while3A_240 : i32
    %while3A_242 = arith.addi %while3A_240, %while3A_241 : i32
    %while3A_243 = arith.constant 1 : i32
    %while3A_244 = arith.divsi %while3A_241, %while3A_243 : i32
    %while3A_245 = arith.muli %while3A_244, %while3A_243 : i32
    %while3A_246 = arith.addi %while3A_240, %while3A_245 : i32
    %while3A_247 = arith.constant 1 : i32
    scf.for %while3A_256 = %while3A_240 to %while3A_246 step %while3A_247  : i32 {
      %and3A_257 = arith.constant 1 : i32
      %and3A_258 = arith.andi %while3A_256, %and3A_257 : i32
      %eq3A_259 = arith.constant 0 : i32
      %eq3A_260 = arith.cmpi eq, %and3A_258, %eq3A_259 : i32
      %convert_element_type3A_261 = arith.extui %eq3A_260 : i1 to i32
      %cond3A_262 = arith.constant 0 : i32
      %cond3A_263 = arith.cmpi ne, %convert_element_type3A_261, %cond3A_262 : i32
      scf.if %cond3A_263 {
        %ge3A_271 = arith.constant 2 : i32
        %ge3A_272 = arith.cmpi sge, %while3A_256, %ge3A_271 : i32
        %sub3A = arith.constant 2 : i32
        %sub3A_273 = arith.subi %while3A_256, %sub3A : i32
        %lt3A = arith.cmpi slt, %sub3A_273, %shift_right_logical3A_184 : i32
        %and3A_274 = arith.andi %ge3A_272, %lt3A : i1
        %convert_element_type3A_275 = arith.extui %and3A_274 : i1 to i32
        %cond3A_276 = arith.constant 0 : i32
        %cond3A_277 = arith.cmpi ne, %convert_element_type3A_275, %cond3A_276 : i32
        scf.if %cond3A_277 {
          %dma_wait3A = arith.constant 0 : i32
          %dma_wait3A_282 = tpu.memref_slice %arg10[%while3A_256, %dma_wait3A] : memref<80x128xi32, #tpu.memory_space<vmem>> -> memref<1x128xi32, #tpu.memory_space<vmem>>
          %dma_wait3A_283 = tpu.memref_squeeze %dma_wait3A_282 : memref<1x128xi32, #tpu.memory_space<vmem>> -> memref<128xi32, #tpu.memory_space<vmem>>
          %dma_wait3A_284 = arith.constant 0 : i32
          %dma_wait3A_285 = arith.constant 0 : i32
          %dma_wait3A_286 = tpu.memref_slice %arg14[%dma_wait3A_284, %dma_wait3A_285] : memref<5008x128xf32, #tpu.memory_space<vmem_shared>> -> memref<5008x128xf32, #tpu.memory_space<vmem_shared>>
          tpu.wait_indirect_dma semaphore(%arg17 : memref<!tpu.dma_semaphore, #tpu.memory_space<semaphore_mem>>) src(%arg11 : memref<128x128xf32, #tpu.memory_space<vmem>>) dst(%dma_wait3A_286 : memref<5008x128xf32, #tpu.memory_space<vmem_shared>>)
        } else {
        }
        %lt3A_278 = arith.cmpi slt, %while3A_256, %shift_right_logical3A_184 : i32
        %convert_element_type3A_279 = arith.extui %lt3A_278 : i1 to i32
        %cond3A_280 = arith.constant 0 : i32
        %cond3A_281 = arith.cmpi ne, %convert_element_type3A_279, %cond3A_280 : i32
        scf.if %cond3A_281 {
          %dma_start3A = arith.constant 0 : i32
          %dma_start3A_282 = tpu.memref_slice %arg9[%while3A_256, %dma_start3A] : memref<80x128xi32, #tpu.memory_space<vmem>> -> memref<1x128xi32, #tpu.memory_space<vmem>>
          %dma_start3A_283 = tpu.memref_squeeze %dma_start3A_282 : memref<1x128xi32, #tpu.memory_space<vmem>> -> memref<128xi32, #tpu.memory_space<vmem>>
          %dma_start3A_284 = arith.constant 0 : i32
          %dma_start3A_285 = arith.constant 0 : i32
          %dma_start3A_286 = tpu.memref_slice %arg2[%dma_start3A_284, %dma_start3A_285] : memref<20000x128xf32, #tpu.memory_space<hbm>> -> memref<20000x128xf32, #tpu.memory_space<hbm>>
          tpu.enqueue_indirect_dma source(%dma_start3A_286 : memref<20000x128xf32, #tpu.memory_space<hbm>>) target(%arg11 : memref<128x128xf32, #tpu.memory_space<vmem>>) offsets(%dma_start3A_283 : memref<128xi32, #tpu.memory_space<vmem>>) semaphore(%arg16 : memref<!tpu.dma_semaphore, #tpu.memory_space<semaphore_mem>>)
          %dma_wait3A = arith.constant 0 : i32
          %dma_wait3A_287 = tpu.memref_slice %arg9[%while3A_256, %dma_wait3A] : memref<80x128xi32, #tpu.memory_space<vmem>> -> memref<1x128xi32, #tpu.memory_space<vmem>>
          %dma_wait3A_288 = tpu.memref_squeeze %dma_wait3A_287 : memref<1x128xi32, #tpu.memory_space<vmem>> -> memref<128xi32, #tpu.memory_space<vmem>>
          %dma_wait3A_289 = arith.constant 0 : i32
          %dma_wait3A_290 = arith.constant 0 : i32
          %dma_wait3A_291 = tpu.memref_slice %arg2[%dma_wait3A_289, %dma_wait3A_290] : memref<20000x128xf32, #tpu.memory_space<hbm>> -> memref<20000x128xf32, #tpu.memory_space<hbm>>
          tpu.wait_indirect_dma semaphore(%arg16 : memref<!tpu.dma_semaphore, #tpu.memory_space<semaphore_mem>>) src(%dma_wait3A_291 : memref<20000x128xf32, #tpu.memory_space<hbm>>) dst(%arg11 : memref<128x128xf32, #tpu.memory_space<vmem>>)
          %dma_start3A_292 = arith.constant 0 : i32
          %dma_start3A_293 = tpu.memref_slice %arg10[%while3A_256, %dma_start3A_292] : memref<80x128xi32, #tpu.memory_space<vmem>> -> memref<1x128xi32, #tpu.memory_space<vmem>>
          %dma_start3A_294 = tpu.memref_squeeze %dma_start3A_293 : memref<1x128xi32, #tpu.memory_space<vmem>> -> memref<128xi32, #tpu.memory_space<vmem>>
          %dma_start3A_295 = arith.constant 0 : i32
          %dma_start3A_296 = arith.constant 0 : i32
          %dma_start3A_297 = tpu.memref_slice %arg14[%dma_start3A_295, %dma_start3A_296] : memref<5008x128xf32, #tpu.memory_space<vmem_shared>> -> memref<5008x128xf32, #tpu.memory_space<vmem_shared>>
          tpu.enqueue_indirect_dma source(%arg11 : memref<128x128xf32, #tpu.memory_space<vmem>>) target(%dma_start3A_297 : memref<5008x128xf32, #tpu.memory_space<vmem_shared>>) offsets(%dma_start3A_294 : memref<128xi32, #tpu.memory_space<vmem>>) semaphore(%arg17 : memref<!tpu.dma_semaphore, #tpu.memory_space<semaphore_mem>>) {add = true}
        } else {
        }
      } else {
      }
      %and3A_264 = arith.constant 1 : i32
      %and3A_265 = arith.andi %while3A_256, %and3A_264 : i32
      %eq3A_266 = arith.constant 1 : i32
      %eq3A_267 = arith.cmpi eq, %and3A_265, %eq3A_266 : i32
      %convert_element_type3A_268 = arith.extui %eq3A_267 : i1 to i32
      %cond3A_269 = arith.constant 0 : i32
      %cond3A_270 = arith.cmpi ne, %convert_element_type3A_268, %cond3A_269 : i32
      scf.if %cond3A_270 {
        %ge3A_271 = arith.constant 2 : i32
        %ge3A_272 = arith.cmpi sge, %while3A_256, %ge3A_271 : i32
        %sub3A = arith.constant 2 : i32
        %sub3A_273 = arith.subi %while3A_256, %sub3A : i32
        %lt3A = arith.cmpi slt, %sub3A_273, %shift_right_logical3A_184 : i32
        %and3A_274 = arith.andi %ge3A_272, %lt3A : i1
        %convert_element_type3A_275 = arith.extui %and3A_274 : i1 to i32
        %cond3A_276 = arith.constant 0 : i32
        %cond3A_277 = arith.cmpi ne, %convert_element_type3A_275, %cond3A_276 : i32
        scf.if %cond3A_277 {
          %dma_wait3A = arith.constant 0 : i32
          %dma_wait3A_282 = tpu.memref_slice %arg10[%while3A_256, %dma_wait3A] : memref<80x128xi32, #tpu.memory_space<vmem>> -> memref<1x128xi32, #tpu.memory_space<vmem>>
          %dma_wait3A_283 = tpu.memref_squeeze %dma_wait3A_282 : memref<1x128xi32, #tpu.memory_space<vmem>> -> memref<128xi32, #tpu.memory_space<vmem>>
          %dma_wait3A_284 = arith.constant 0 : i32
          %dma_wait3A_285 = arith.constant 0 : i32
          %dma_wait3A_286 = tpu.memref_slice %arg14[%dma_wait3A_284, %dma_wait3A_285] : memref<5008x128xf32, #tpu.memory_space<vmem_shared>> -> memref<5008x128xf32, #tpu.memory_space<vmem_shared>>
          tpu.wait_indirect_dma semaphore(%arg18 : memref<!tpu.dma_semaphore, #tpu.memory_space<semaphore_mem>>) src(%arg12 : memref<128x128xf32, #tpu.memory_space<vmem>>) dst(%dma_wait3A_286 : memref<5008x128xf32, #tpu.memory_space<vmem_shared>>)
        } else {
        }
        %lt3A_278 = arith.cmpi slt, %while3A_256, %shift_right_logical3A_184 : i32
        %convert_element_type3A_279 = arith.extui %lt3A_278 : i1 to i32
        %cond3A_280 = arith.constant 0 : i32
        %cond3A_281 = arith.cmpi ne, %convert_element_type3A_279, %cond3A_280 : i32
        scf.if %cond3A_281 {
          %dma_start3A = arith.constant 0 : i32
          %dma_start3A_282 = tpu.memref_slice %arg9[%while3A_256, %dma_start3A] : memref<80x128xi32, #tpu.memory_space<vmem>> -> memref<1x128xi32, #tpu.memory_space<vmem>>
          %dma_start3A_283 = tpu.memref_squeeze %dma_start3A_282 : memref<1x128xi32, #tpu.memory_space<vmem>> -> memref<128xi32, #tpu.memory_space<vmem>>
          %dma_start3A_284 = arith.constant 0 : i32
          %dma_start3A_285 = arith.constant 0 : i32
          %dma_start3A_286 = tpu.memref_slice %arg2[%dma_start3A_284, %dma_start3A_285] : memref<20000x128xf32, #tpu.memory_space<hbm>> -> memref<20000x128xf32, #tpu.memory_space<hbm>>
          tpu.enqueue_indirect_dma source(%dma_start3A_286 : memref<20000x128xf32, #tpu.memory_space<hbm>>) target(%arg12 : memref<128x128xf32, #tpu.memory_space<vmem>>) offsets(%dma_start3A_283 : memref<128xi32, #tpu.memory_space<vmem>>) semaphore(%arg16 : memref<!tpu.dma_semaphore, #tpu.memory_space<semaphore_mem>>)
          %dma_wait3A = arith.constant 0 : i32
          %dma_wait3A_287 = tpu.memref_slice %arg9[%while3A_256, %dma_wait3A] : memref<80x128xi32, #tpu.memory_space<vmem>> -> memref<1x128xi32, #tpu.memory_space<vmem>>
          %dma_wait3A_288 = tpu.memref_squeeze %dma_wait3A_287 : memref<1x128xi32, #tpu.memory_space<vmem>> -> memref<128xi32, #tpu.memory_space<vmem>>
          %dma_wait3A_289 = arith.constant 0 : i32
          %dma_wait3A_290 = arith.constant 0 : i32
          %dma_wait3A_291 = tpu.memref_slice %arg2[%dma_wait3A_289, %dma_wait3A_290] : memref<20000x128xf32, #tpu.memory_space<hbm>> -> memref<20000x128xf32, #tpu.memory_space<hbm>>
          tpu.wait_indirect_dma semaphore(%arg16 : memref<!tpu.dma_semaphore, #tpu.memory_space<semaphore_mem>>) src(%dma_wait3A_291 : memref<20000x128xf32, #tpu.memory_space<hbm>>) dst(%arg12 : memref<128x128xf32, #tpu.memory_space<vmem>>)
          %dma_start3A_292 = arith.constant 0 : i32
          %dma_start3A_293 = tpu.memref_slice %arg10[%while3A_256, %dma_start3A_292] : memref<80x128xi32, #tpu.memory_space<vmem>> -> memref<1x128xi32, #tpu.memory_space<vmem>>
          %dma_start3A_294 = tpu.memref_squeeze %dma_start3A_293 : memref<1x128xi32, #tpu.memory_space<vmem>> -> memref<128xi32, #tpu.memory_space<vmem>>
          %dma_start3A_295 = arith.constant 0 : i32
          %dma_start3A_296 = arith.constant 0 : i32
          %dma_start3A_297 = tpu.memref_slice %arg14[%dma_start3A_295, %dma_start3A_296] : memref<5008x128xf32, #tpu.memory_space<vmem_shared>> -> memref<5008x128xf32, #tpu.memory_space<vmem_shared>>
          tpu.enqueue_indirect_dma source(%arg12 : memref<128x128xf32, #tpu.memory_space<vmem>>) target(%dma_start3A_297 : memref<5008x128xf32, #tpu.memory_space<vmem_shared>>) offsets(%dma_start3A_294 : memref<128xi32, #tpu.memory_space<vmem>>) semaphore(%arg18 : memref<!tpu.dma_semaphore, #tpu.memory_space<semaphore_mem>>) {add = true}
        } else {
        }
      } else {
      }
    }
    %while3A_248 = arith.constant 1 : i32
    scf.for %while3A_256 = %while3A_246 to %while3A_242 step %while3A_248  : i32 {
      %and3A_257 = arith.constant 1 : i32
      %and3A_258 = arith.andi %while3A_256, %and3A_257 : i32
      %eq3A_259 = arith.constant 0 : i32
      %eq3A_260 = arith.cmpi eq, %and3A_258, %eq3A_259 : i32
      %convert_element_type3A_261 = arith.extui %eq3A_260 : i1 to i32
      %cond3A_262 = arith.constant 0 : i32
      %cond3A_263 = arith.cmpi ne, %convert_element_type3A_261, %cond3A_262 : i32
      scf.if %cond3A_263 {
        %ge3A_271 = arith.constant 2 : i32
        %ge3A_272 = arith.cmpi sge, %while3A_256, %ge3A_271 : i32
        %sub3A = arith.constant 2 : i32
        %sub3A_273 = arith.subi %while3A_256, %sub3A : i32
        %lt3A = arith.cmpi slt, %sub3A_273, %shift_right_logical3A_184 : i32
        %and3A_274 = arith.andi %ge3A_272, %lt3A : i1
        %convert_element_type3A_275 = arith.extui %and3A_274 : i1 to i32
        %cond3A_276 = arith.constant 0 : i32
        %cond3A_277 = arith.cmpi ne, %convert_element_type3A_275, %cond3A_276 : i32
        scf.if %cond3A_277 {
          %dma_wait3A = arith.constant 0 : i32
          %dma_wait3A_282 = tpu.memref_slice %arg10[%while3A_256, %dma_wait3A] : memref<80x128xi32, #tpu.memory_space<vmem>> -> memref<1x128xi32, #tpu.memory_space<vmem>>
          %dma_wait3A_283 = tpu.memref_squeeze %dma_wait3A_282 : memref<1x128xi32, #tpu.memory_space<vmem>> -> memref<128xi32, #tpu.memory_space<vmem>>
          %dma_wait3A_284 = arith.constant 0 : i32
          %dma_wait3A_285 = arith.constant 0 : i32
          %dma_wait3A_286 = tpu.memref_slice %arg14[%dma_wait3A_284, %dma_wait3A_285] : memref<5008x128xf32, #tpu.memory_space<vmem_shared>> -> memref<5008x128xf32, #tpu.memory_space<vmem_shared>>
          tpu.wait_indirect_dma semaphore(%arg17 : memref<!tpu.dma_semaphore, #tpu.memory_space<semaphore_mem>>) src(%arg11 : memref<128x128xf32, #tpu.memory_space<vmem>>) dst(%dma_wait3A_286 : memref<5008x128xf32, #tpu.memory_space<vmem_shared>>)
        } else {
        }
        %lt3A_278 = arith.cmpi slt, %while3A_256, %shift_right_logical3A_184 : i32
        %convert_element_type3A_279 = arith.extui %lt3A_278 : i1 to i32
        %cond3A_280 = arith.constant 0 : i32
        %cond3A_281 = arith.cmpi ne, %convert_element_type3A_279, %cond3A_280 : i32
        scf.if %cond3A_281 {
          %dma_start3A = arith.constant 0 : i32
          %dma_start3A_282 = tpu.memref_slice %arg9[%while3A_256, %dma_start3A] : memref<80x128xi32, #tpu.memory_space<vmem>> -> memref<1x128xi32, #tpu.memory_space<vmem>>
          %dma_start3A_283 = tpu.memref_squeeze %dma_start3A_282 : memref<1x128xi32, #tpu.memory_space<vmem>> -> memref<128xi32, #tpu.memory_space<vmem>>
          %dma_start3A_284 = arith.constant 0 : i32
          %dma_start3A_285 = arith.constant 0 : i32
          %dma_start3A_286 = tpu.memref_slice %arg2[%dma_start3A_284, %dma_start3A_285] : memref<20000x128xf32, #tpu.memory_space<hbm>> -> memref<20000x128xf32, #tpu.memory_space<hbm>>
          tpu.enqueue_indirect_dma source(%dma_start3A_286 : memref<20000x128xf32, #tpu.memory_space<hbm>>) target(%arg11 : memref<128x128xf32, #tpu.memory_space<vmem>>) offsets(%dma_start3A_283 : memref<128xi32, #tpu.memory_space<vmem>>) semaphore(%arg16 : memref<!tpu.dma_semaphore, #tpu.memory_space<semaphore_mem>>)
          %dma_wait3A = arith.constant 0 : i32
          %dma_wait3A_287 = tpu.memref_slice %arg9[%while3A_256, %dma_wait3A] : memref<80x128xi32, #tpu.memory_space<vmem>> -> memref<1x128xi32, #tpu.memory_space<vmem>>
          %dma_wait3A_288 = tpu.memref_squeeze %dma_wait3A_287 : memref<1x128xi32, #tpu.memory_space<vmem>> -> memref<128xi32, #tpu.memory_space<vmem>>
          %dma_wait3A_289 = arith.constant 0 : i32
          %dma_wait3A_290 = arith.constant 0 : i32
          %dma_wait3A_291 = tpu.memref_slice %arg2[%dma_wait3A_289, %dma_wait3A_290] : memref<20000x128xf32, #tpu.memory_space<hbm>> -> memref<20000x128xf32, #tpu.memory_space<hbm>>
          tpu.wait_indirect_dma semaphore(%arg16 : memref<!tpu.dma_semaphore, #tpu.memory_space<semaphore_mem>>) src(%dma_wait3A_291 : memref<20000x128xf32, #tpu.memory_space<hbm>>) dst(%arg11 : memref<128x128xf32, #tpu.memory_space<vmem>>)
          %dma_start3A_292 = arith.constant 0 : i32
          %dma_start3A_293 = tpu.memref_slice %arg10[%while3A_256, %dma_start3A_292] : memref<80x128xi32, #tpu.memory_space<vmem>> -> memref<1x128xi32, #tpu.memory_space<vmem>>
          %dma_start3A_294 = tpu.memref_squeeze %dma_start3A_293 : memref<1x128xi32, #tpu.memory_space<vmem>> -> memref<128xi32, #tpu.memory_space<vmem>>
          %dma_start3A_295 = arith.constant 0 : i32
          %dma_start3A_296 = arith.constant 0 : i32
          %dma_start3A_297 = tpu.memref_slice %arg14[%dma_start3A_295, %dma_start3A_296] : memref<5008x128xf32, #tpu.memory_space<vmem_shared>> -> memref<5008x128xf32, #tpu.memory_space<vmem_shared>>
          tpu.enqueue_indirect_dma source(%arg11 : memref<128x128xf32, #tpu.memory_space<vmem>>) target(%dma_start3A_297 : memref<5008x128xf32, #tpu.memory_space<vmem_shared>>) offsets(%dma_start3A_294 : memref<128xi32, #tpu.memory_space<vmem>>) semaphore(%arg17 : memref<!tpu.dma_semaphore, #tpu.memory_space<semaphore_mem>>) {add = true}
        } else {
        }
      } else {
      }
      %and3A_264 = arith.constant 1 : i32
      %and3A_265 = arith.andi %while3A_256, %and3A_264 : i32
      %eq3A_266 = arith.constant 1 : i32
      %eq3A_267 = arith.cmpi eq, %and3A_265, %eq3A_266 : i32
      %convert_element_type3A_268 = arith.extui %eq3A_267 : i1 to i32
      %cond3A_269 = arith.constant 0 : i32
      %cond3A_270 = arith.cmpi ne, %convert_element_type3A_268, %cond3A_269 : i32
      scf.if %cond3A_270 {
        %ge3A_271 = arith.constant 2 : i32
        %ge3A_272 = arith.cmpi sge, %while3A_256, %ge3A_271 : i32
        %sub3A = arith.constant 2 : i32
        %sub3A_273 = arith.subi %while3A_256, %sub3A : i32
        %lt3A = arith.cmpi slt, %sub3A_273, %shift_right_logical3A_184 : i32
        %and3A_274 = arith.andi %ge3A_272, %lt3A : i1
        %convert_element_type3A_275 = arith.extui %and3A_274 : i1 to i32
        %cond3A_276 = arith.constant 0 : i32
        %cond3A_277 = arith.cmpi ne, %convert_element_type3A_275, %cond3A_276 : i32
        scf.if %cond3A_277 {
          %dma_wait3A = arith.constant 0 : i32
          %dma_wait3A_282 = tpu.memref_slice %arg10[%while3A_256, %dma_wait3A] : memref<80x128xi32, #tpu.memory_space<vmem>> -> memref<1x128xi32, #tpu.memory_space<vmem>>
          %dma_wait3A_283 = tpu.memref_squeeze %dma_wait3A_282 : memref<1x128xi32, #tpu.memory_space<vmem>> -> memref<128xi32, #tpu.memory_space<vmem>>
          %dma_wait3A_284 = arith.constant 0 : i32
          %dma_wait3A_285 = arith.constant 0 : i32
          %dma_wait3A_286 = tpu.memref_slice %arg14[%dma_wait3A_284, %dma_wait3A_285] : memref<5008x128xf32, #tpu.memory_space<vmem_shared>> -> memref<5008x128xf32, #tpu.memory_space<vmem_shared>>
          tpu.wait_indirect_dma semaphore(%arg18 : memref<!tpu.dma_semaphore, #tpu.memory_space<semaphore_mem>>) src(%arg12 : memref<128x128xf32, #tpu.memory_space<vmem>>) dst(%dma_wait3A_286 : memref<5008x128xf32, #tpu.memory_space<vmem_shared>>)
        } else {
        }
        %lt3A_278 = arith.cmpi slt, %while3A_256, %shift_right_logical3A_184 : i32
        %convert_element_type3A_279 = arith.extui %lt3A_278 : i1 to i32
        %cond3A_280 = arith.constant 0 : i32
        %cond3A_281 = arith.cmpi ne, %convert_element_type3A_279, %cond3A_280 : i32
        scf.if %cond3A_281 {
          %dma_start3A = arith.constant 0 : i32
          %dma_start3A_282 = tpu.memref_slice %arg9[%while3A_256, %dma_start3A] : memref<80x128xi32, #tpu.memory_space<vmem>> -> memref<1x128xi32, #tpu.memory_space<vmem>>
          %dma_start3A_283 = tpu.memref_squeeze %dma_start3A_282 : memref<1x128xi32, #tpu.memory_space<vmem>> -> memref<128xi32, #tpu.memory_space<vmem>>
          %dma_start3A_284 = arith.constant 0 : i32
          %dma_start3A_285 = arith.constant 0 : i32
          %dma_start3A_286 = tpu.memref_slice %arg2[%dma_start3A_284, %dma_start3A_285] : memref<20000x128xf32, #tpu.memory_space<hbm>> -> memref<20000x128xf32, #tpu.memory_space<hbm>>
          tpu.enqueue_indirect_dma source(%dma_start3A_286 : memref<20000x128xf32, #tpu.memory_space<hbm>>) target(%arg12 : memref<128x128xf32, #tpu.memory_space<vmem>>) offsets(%dma_start3A_283 : memref<128xi32, #tpu.memory_space<vmem>>) semaphore(%arg16 : memref<!tpu.dma_semaphore, #tpu.memory_space<semaphore_mem>>)
          %dma_wait3A = arith.constant 0 : i32
          %dma_wait3A_287 = tpu.memref_slice %arg9[%while3A_256, %dma_wait3A] : memref<80x128xi32, #tpu.memory_space<vmem>> -> memref<1x128xi32, #tpu.memory_space<vmem>>
          %dma_wait3A_288 = tpu.memref_squeeze %dma_wait3A_287 : memref<1x128xi32, #tpu.memory_space<vmem>> -> memref<128xi32, #tpu.memory_space<vmem>>
          %dma_wait3A_289 = arith.constant 0 : i32
          %dma_wait3A_290 = arith.constant 0 : i32
          %dma_wait3A_291 = tpu.memref_slice %arg2[%dma_wait3A_289, %dma_wait3A_290] : memref<20000x128xf32, #tpu.memory_space<hbm>> -> memref<20000x128xf32, #tpu.memory_space<hbm>>
          tpu.wait_indirect_dma semaphore(%arg16 : memref<!tpu.dma_semaphore, #tpu.memory_space<semaphore_mem>>) src(%dma_wait3A_291 : memref<20000x128xf32, #tpu.memory_space<hbm>>) dst(%arg12 : memref<128x128xf32, #tpu.memory_space<vmem>>)
          %dma_start3A_292 = arith.constant 0 : i32
          %dma_start3A_293 = tpu.memref_slice %arg10[%while3A_256, %dma_start3A_292] : memref<80x128xi32, #tpu.memory_space<vmem>> -> memref<1x128xi32, #tpu.memory_space<vmem>>
          %dma_start3A_294 = tpu.memref_squeeze %dma_start3A_293 : memref<1x128xi32, #tpu.memory_space<vmem>> -> memref<128xi32, #tpu.memory_space<vmem>>
          %dma_start3A_295 = arith.constant 0 : i32
          %dma_start3A_296 = arith.constant 0 : i32
          %dma_start3A_297 = tpu.memref_slice %arg14[%dma_start3A_295, %dma_start3A_296] : memref<5008x128xf32, #tpu.memory_space<vmem_shared>> -> memref<5008x128xf32, #tpu.memory_space<vmem_shared>>
          tpu.enqueue_indirect_dma source(%arg12 : memref<128x128xf32, #tpu.memory_space<vmem>>) target(%dma_start3A_297 : memref<5008x128xf32, #tpu.memory_space<vmem_shared>>) offsets(%dma_start3A_294 : memref<128xi32, #tpu.memory_space<vmem>>) semaphore(%arg18 : memref<!tpu.dma_semaphore, #tpu.memory_space<semaphore_mem>>) {add = true}
        } else {
        }
      } else {
      }
    }
    %barrier3A_249 = arith.constant 0 : index
    tpu.barrier barrier_id(%barrier3A_249)
    %add3A_250 = arith.addi %mul3A_188, %mul3A_190 : i32
    "tpu.region"() ({
      %run_scoped3A = tpu.sem_alloc : memref<!tpu.dma_semaphore, #tpu.memory_space<semaphore_mem>>
      %dma_start3A = arith.constant 128 : i32
      %dma_start3A_256 = tpu.memref_slice %arg5[%add3A_250, %dma_start3A] : memref<10000x256xf32, #tpu.memory_space<hbm>> -> memref<312x128xf32, #tpu.memory_space<hbm>>
      %dma_start3A_257 = arith.constant 0 : i32
      %dma_start3A_258 = tpu.memref_slice %arg14[%mul3A_190, %dma_start3A_257] : memref<5008x128xf32, #tpu.memory_space<vmem_shared>> -> memref<312x128xf32, #tpu.memory_space<vmem_shared>>
      tpu.enqueue_dma source(%dma_start3A_258 : memref<312x128xf32, #tpu.memory_space<vmem_shared>>) target(%dma_start3A_256 : memref<312x128xf32, #tpu.memory_space<hbm>>) target_semaphore(%run_scoped3A : memref<!tpu.dma_semaphore, #tpu.memory_space<semaphore_mem>>)
      %dma_wait3A = arith.constant 128 : i32
      %dma_wait3A_259 = tpu.memref_slice %arg5[%add3A_250, %dma_wait3A] : memref<10000x256xf32, #tpu.memory_space<hbm>> -> memref<312x128xf32, #tpu.memory_space<hbm>>
      %dma_wait3A_260 = arith.constant 0 : i32
      %dma_wait3A_261 = tpu.memref_slice %arg14[%mul3A_190, %dma_wait3A_260] : memref<5008x128xf32, #tpu.memory_space<vmem_shared>> -> memref<312x128xf32, #tpu.memory_space<vmem_shared>>
      tpu.wait_dma2 semaphore(%run_scoped3A : memref<!tpu.dma_semaphore, #tpu.memory_space<semaphore_mem>>) src(%dma_wait3A_261 : memref<312x128xf32, #tpu.memory_space<vmem_shared>>) dst(%dma_wait3A_259 : memref<312x128xf32, #tpu.memory_space<hbm>>)
      tpu.yield
    }) : () -> ()
    %eq3A_251 = arith.constant 0 : i32
    %eq3A_252 = arith.cmpi eq, %arg1, %eq3A_251 : i32
    %convert_element_type3A_253 = arith.extui %eq3A_252 : i1 to i32
    %cond3A_254 = arith.constant 0 : i32
    %cond3A_255 = arith.cmpi ne, %convert_element_type3A_253, %cond3A_254 : i32
    scf.if %cond3A_255 {
      %add3A_256 = arith.constant 4992 : i32
      %add3A_257 = arith.addi %mul3A_188, %add3A_256 : i32
      "tpu.region"() ({
        %run_scoped3A = tpu.sem_alloc : memref<!tpu.dma_semaphore, #tpu.memory_space<semaphore_mem>>
        %dma_start3A = arith.constant 128 : i32
        %dma_start3A_258 = tpu.memref_slice %arg5[%add3A_257, %dma_start3A] : memref<10000x256xf32, #tpu.memory_space<hbm>> -> memref<8x128xf32, #tpu.memory_space<hbm>>
        %dma_start3A_259 = arith.constant 4992 : i32
        %dma_start3A_260 = arith.constant 0 : i32
        %dma_start3A_261 = tpu.memref_slice %arg14[%dma_start3A_259, %dma_start3A_260] : memref<5008x128xf32, #tpu.memory_space<vmem_shared>> -> memref<8x128xf32, #tpu.memory_space<vmem_shared>>
        tpu.enqueue_dma source(%dma_start3A_261 : memref<8x128xf32, #tpu.memory_space<vmem_shared>>) target(%dma_start3A_258 : memref<8x128xf32, #tpu.memory_space<hbm>>) target_semaphore(%run_scoped3A : memref<!tpu.dma_semaphore, #tpu.memory_space<semaphore_mem>>)
        %dma_wait3A = arith.constant 128 : i32
        %dma_wait3A_262 = tpu.memref_slice %arg5[%add3A_257, %dma_wait3A] : memref<10000x256xf32, #tpu.memory_space<hbm>> -> memref<8x128xf32, #tpu.memory_space<hbm>>
        %dma_wait3A_263 = arith.constant 4992 : i32
        %dma_wait3A_264 = arith.constant 0 : i32
        %dma_wait3A_265 = tpu.memref_slice %arg14[%dma_wait3A_263, %dma_wait3A_264] : memref<5008x128xf32, #tpu.memory_space<vmem_shared>> -> memref<8x128xf32, #tpu.memory_space<vmem_shared>>
        tpu.wait_dma2 semaphore(%run_scoped3A : memref<!tpu.dma_semaphore, #tpu.memory_space<semaphore_mem>>) src(%dma_wait3A_265 : memref<8x128xf32, #tpu.memory_space<vmem_shared>>) dst(%dma_wait3A_262 : memref<8x128xf32, #tpu.memory_space<hbm>>)
        tpu.yield
      }) : () -> ()
    } else {
    }
    return
  }
}

module attributes {stable_mosaic.version = 14 : i64} {
  func.func @_tc_self_body(%arg0: i32, %arg1: memref<1000x256xf32, #tpu.memory_space<vmem>>, %arg2: memref<256x256xf32, #tpu.memory_space<vmem>>, %arg3: memref<1000x256xf32, #tpu.memory_space<vmem>>) attributes {dimension_semantics = [#tpu.dimension_semantics<arbitrary>], iteration_bounds = array<i64: 10>, scalar_prefetch = 0 : i64, scratch_operands = 0 : i64, tpu.core_type = #tpu.core_type<tc>, window_params = [{transform_indices = @transform_0, window_bounds = array<i64: 1000, 256>}, {pipeline_mode = #tpu.pipeline_mode<synchronous>, transform_indices = @transform_1, window_bounds = array<i64: 256, 256>}, {transform_indices = @transform_2, window_bounds = array<i64: 1000, 256>}]} {
    %get3A = arith.constant 0 : index
    %get3A_0 = arith.constant 0 : index
    %get3A_1 = vector.load %arg1[%get3A, %get3A_0] : memref<1000x256xf32, #tpu.memory_space<vmem>>, vector<1000x256xf32>
    %get3A_2 = arith.constant 0 : index
    %get3A_3 = arith.constant 0 : index
    %get3A_4 = vector.load %arg2[%get3A_2, %get3A_3] : memref<256x256xf32, #tpu.memory_space<vmem>>, vector<256x256xf32>
    %dot_general3A = arith.constant dense<0.000000e+00> : vector<1000x256xf32>
    %dot_general3A_5 = tpu.matmul %get3A_1, %get3A_4, %dot_general3A {dimension_numbers = #tpu.dot_dimension_numbers<[1], [0], [0], [1], [0, 0, 1, 1], [], []>, transpose_lhs_hint = false} : vector<1000x256xf32>, vector<256x256xf32>, vector<1000x256xf32> -> vector<1000x256xf32>
    %swap3A = arith.constant 0 : index
    %swap3A_6 = arith.constant 0 : index
    %swap3A_7 = vector.load %arg3[%swap3A, %swap3A_6] : memref<1000x256xf32, #tpu.memory_space<vmem>>, vector<1000x256xf32>
    tpu.vector_store %arg3[%swap3A, %swap3A_6], %dot_general3A_5 {strides = array<i32>} : memref<1000x256xf32, #tpu.memory_space<vmem>>, vector<1000x256xf32>,
    return
  }
  func.func @transform_0(%arg0: i32) -> (i32, i32) {
    %c0_i32 = arith.constant 0 : i32
    %c0_i32_0 = arith.constant 0 : i32
    return %arg0, %c0_i32 : i32, i32
  }
  func.func @transform_1(%arg0: i32) -> (i32, i32) {
    %c0_i32 = arith.constant 0 : i32
    %c0_i32_0 = arith.constant 0 : i32
    %c0_i32_1 = arith.constant 0 : i32
    return %c0_i32, %c0_i32_0 : i32, i32
  }
  func.func @transform_2(%arg0: i32) -> (i32, i32) {
    %c0_i32 = arith.constant 0 : i32
    %c0_i32_0 = arith.constant 0 : i32
    return %arg0, %c0_i32 : i32, i32
  }
}

module attributes {stable_mosaic.version = 14 : i64} {
  func.func @_tc_combine_body(%arg0: i32, %arg1: memref<1000x256xf32, #tpu.memory_space<vmem>>, %arg2: memref<1000x256xf32, #tpu.memory_space<vmem>>, %arg3: memref<1000x1xf32, #tpu.memory_space<vmem>>, %arg4: memref<256x256xf32, #tpu.memory_space<vmem>>, %arg5: memref<1000x256xf32, #tpu.memory_space<vmem>>) attributes {dimension_semantics = [#tpu.dimension_semantics<arbitrary>], iteration_bounds = array<i64: 10>, scalar_prefetch = 0 : i64, scratch_operands = 0 : i64, tpu.core_type = #tpu.core_type<tc>, window_params = [{transform_indices = @transform_0, window_bounds = array<i64: 1000, 256>}, {transform_indices = @transform_1, window_bounds = array<i64: 1000, 256>}, {transform_indices = @transform_2, window_bounds = array<i64: 1000, 1>}, {pipeline_mode = #tpu.pipeline_mode<synchronous>, transform_indices = @transform_3, window_bounds = array<i64: 256, 256>}, {transform_indices = @transform_4, window_bounds = array<i64: 1000, 256>}]} {
    %get3A = arith.constant 0 : index
    %get3A_0 = arith.constant 0 : index
    %get3A_1 = vector.load %arg3[%get3A, %get3A_0] : memref<1000x1xf32, #tpu.memory_space<vmem>>, vector<1000x1xf32>
    %max3A = arith.constant 1.000000e+00 : f32
    %max3A_2 = vector.broadcast %max3A : f32 to vector<1000x1xf32>
    %max3A_3 = arith.maximumf %get3A_1, %max3A_2 : vector<1000x1xf32>
    %get3A_4 = arith.constant 0 : index
    %get3A_5 = arith.constant 0 : index
    %get3A_6 = vector.load %arg2[%get3A_4, %get3A_5] : memref<1000x256xf32, #tpu.memory_space<vmem>>, vector<1000x256xf32>
    %div3A = vector.broadcast %max3A_3 : vector<1000x1xf32> to vector<1000x256xf32>
    %div3A_7 = arith.divf %get3A_6, %div3A : vector<1000x256xf32>
    %get3A_8 = arith.constant 0 : index
    %get3A_9 = arith.constant 0 : index
    %get3A_10 = vector.load %arg1[%get3A_8, %get3A_9] : memref<1000x256xf32, #tpu.memory_space<vmem>>, vector<1000x256xf32>
    %get3A_11 = arith.constant 0 : index
    %get3A_12 = arith.constant 0 : index
    %get3A_13 = vector.load %arg4[%get3A_11, %get3A_12] : memref<256x256xf32, #tpu.memory_space<vmem>>, vector<256x256xf32>
    %dot_general3A = arith.constant dense<0.000000e+00> : vector<1000x256xf32>
    %dot_general3A_14 = tpu.matmul %div3A_7, %get3A_13, %dot_general3A {dimension_numbers = #tpu.dot_dimension_numbers<[1], [0], [0], [1], [0, 0, 1, 1], [], []>, transpose_lhs_hint = false} : vector<1000x256xf32>, vector<256x256xf32>, vector<1000x256xf32> -> vector<1000x256xf32>
    %add3A = arith.addf %get3A_10, %dot_general3A_14 : vector<1000x256xf32>
    %mul3A = arith.mulf %add3A, %add3A : vector<1000x256xf32>
    %reduce_sum3A = arith.constant dense<0.000000e+00> : vector<1000xf32>
    %reduce_sum3A_15 = vector.multi_reduction <add>, %mul3A, %reduce_sum3A [1] : vector<1000x256xf32> to vector<1000xf32>
    %broadcast_in_dim3A = vector.shape_cast %reduce_sum3A_15 : vector<1000xf32> to vector<1000x1xf32>
    %sqrt3A = math.sqrt %broadcast_in_dim3A : vector<1000x1xf32>
    %add3A_16 = arith.constant 9.99999974E-5 : f32
    %add3A_17 = vector.broadcast %add3A_16 : f32 to vector<1000x1xf32>
    %add3A_18 = arith.addf %sqrt3A, %add3A_17 : vector<1000x1xf32>
    %div3A_19 = vector.broadcast %add3A_18 : vector<1000x1xf32> to vector<1000x256xf32>
    %div3A_20 = arith.divf %add3A, %div3A_19 : vector<1000x256xf32>
    %swap3A = arith.constant 0 : index
    %swap3A_21 = arith.constant 0 : index
    %swap3A_22 = vector.load %arg5[%swap3A, %swap3A_21] : memref<1000x256xf32, #tpu.memory_space<vmem>>, vector<1000x256xf32>
    tpu.vector_store %arg5[%swap3A, %swap3A_21], %div3A_20 {strides = array<i32>} : memref<1000x256xf32, #tpu.memory_space<vmem>>, vector<1000x256xf32>,
    return
  }
  func.func @transform_0(%arg0: i32) -> (i32, i32) {
    %c0_i32 = arith.constant 0 : i32
    %c0_i32_0 = arith.constant 0 : i32
    return %arg0, %c0_i32 : i32, i32
  }
  func.func @transform_1(%arg0: i32) -> (i32, i32) {
    %c0_i32 = arith.constant 0 : i32
    %c0_i32_0 = arith.constant 0 : i32
    return %arg0, %c0_i32 : i32, i32
  }
  func.func @transform_2(%arg0: i32) -> (i32, i32) {
    %c0_i32 = arith.constant 0 : i32
    %c0_i32_0 = arith.constant 0 : i32
    return %arg0, %c0_i32 : i32, i32
  }
  func.func @transform_3(%arg0: i32) -> (i32, i32) {
    %c0_i32 = arith.constant 0 : i32
    %c0_i32_0 = arith.constant 0 : i32
    %c0_i32_1 = arith.constant 0 : i32
    return %c0_i32, %c0_i32_0 : i32, i32
  }
  func.func @transform_4(%arg0: i32) -> (i32, i32) {
    %c0_i32 = arith.constant 0 : i32
    %c0_i32_0 = arith.constant 0 : i32
    return %arg0, %c0_i32 : i32, i32
  }
}

module attributes {stable_mosaic.version = 14 : i64} {
  func.func @_tc_combine_body(%arg0: i32, %arg1: memref<1000x256xf32, #tpu.memory_space<vmem>>, %arg2: memref<1000x256xf32, #tpu.memory_space<vmem>>, %arg3: memref<1000x1xf32, #tpu.memory_space<vmem>>, %arg4: memref<256x256xf32, #tpu.memory_space<vmem>>, %arg5: memref<1000x256xf32, #tpu.memory_space<vmem>>) attributes {dimension_semantics = [#tpu.dimension_semantics<arbitrary>], iteration_bounds = array<i64: 10>, scalar_prefetch = 0 : i64, scratch_operands = 0 : i64, tpu.core_type = #tpu.core_type<tc>, window_params = [{transform_indices = @transform_0, window_bounds = array<i64: 1000, 256>}, {transform_indices = @transform_1, window_bounds = array<i64: 1000, 256>}, {transform_indices = @transform_2, window_bounds = array<i64: 1000, 1>}, {pipeline_mode = #tpu.pipeline_mode<synchronous>, transform_indices = @transform_3, window_bounds = array<i64: 256, 256>}, {transform_indices = @transform_4, window_bounds = array<i64: 1000, 256>}]} {
    %get3A = arith.constant 0 : index
    %get3A_0 = arith.constant 0 : index
    %get3A_1 = vector.load %arg3[%get3A, %get3A_0] : memref<1000x1xf32, #tpu.memory_space<vmem>>, vector<1000x1xf32>
    %max3A = arith.constant 1.000000e+00 : f32
    %max3A_2 = vector.broadcast %max3A : f32 to vector<1000x1xf32>
    %max3A_3 = arith.maximumf %get3A_1, %max3A_2 : vector<1000x1xf32>
    %get3A_4 = arith.constant 0 : index
    %get3A_5 = arith.constant 0 : index
    %get3A_6 = vector.load %arg2[%get3A_4, %get3A_5] : memref<1000x256xf32, #tpu.memory_space<vmem>>, vector<1000x256xf32>
    %div3A = vector.broadcast %max3A_3 : vector<1000x1xf32> to vector<1000x256xf32>
    %div3A_7 = arith.divf %get3A_6, %div3A : vector<1000x256xf32>
    %get3A_8 = arith.constant 0 : index
    %get3A_9 = arith.constant 0 : index
    %get3A_10 = vector.load %arg1[%get3A_8, %get3A_9] : memref<1000x256xf32, #tpu.memory_space<vmem>>, vector<1000x256xf32>
    %get3A_11 = arith.constant 0 : index
    %get3A_12 = arith.constant 0 : index
    %get3A_13 = vector.load %arg4[%get3A_11, %get3A_12] : memref<256x256xf32, #tpu.memory_space<vmem>>, vector<256x256xf32>
    %dot_general3A = arith.constant dense<0.000000e+00> : vector<1000x256xf32>
    %dot_general3A_14 = tpu.matmul %div3A_7, %get3A_13, %dot_general3A {dimension_numbers = #tpu.dot_dimension_numbers<[1], [0], [0], [1], [0, 0, 1, 1], [], []>, transpose_lhs_hint = false} : vector<1000x256xf32>, vector<256x256xf32>, vector<1000x256xf32> -> vector<1000x256xf32>
    %add3A = arith.addf %get3A_10, %dot_general3A_14 : vector<1000x256xf32>
    %mul3A = arith.mulf %add3A, %add3A : vector<1000x256xf32>
    %reduce_sum3A = arith.constant dense<0.000000e+00> : vector<1000xf32>
    %reduce_sum3A_15 = vector.multi_reduction <add>, %mul3A, %reduce_sum3A [1] : vector<1000x256xf32> to vector<1000xf32>
    %broadcast_in_dim3A = vector.shape_cast %reduce_sum3A_15 : vector<1000xf32> to vector<1000x1xf32>
    %sqrt3A = math.sqrt %broadcast_in_dim3A : vector<1000x1xf32>
    %add3A_16 = arith.constant 9.99999974E-5 : f32
    %add3A_17 = vector.broadcast %add3A_16 : f32 to vector<1000x1xf32>
    %add3A_18 = arith.addf %sqrt3A, %add3A_17 : vector<1000x1xf32>
    %div3A_19 = vector.broadcast %add3A_18 : vector<1000x1xf32> to vector<1000x256xf32>
    %div3A_20 = arith.divf %add3A, %div3A_19 : vector<1000x256xf32>
    %swap3A = arith.constant 0 : index
    %swap3A_21 = arith.constant 0 : index
    %swap3A_22 = vector.load %arg5[%swap3A, %swap3A_21] : memref<1000x256xf32, #tpu.memory_space<vmem>>, vector<1000x256xf32>
    tpu.vector_store %arg5[%swap3A, %swap3A_21], %div3A_20 {strides = array<i32>} : memref<1000x256xf32, #tpu.memory_space<vmem>>, vector<1000x256xf32>,
    return
  }
  func.func @transform_0(%arg0: i32) -> (i32, i32) {
    %c0_i32 = arith.constant 0 : i32
    %c0_i32_0 = arith.constant 0 : i32
    return %arg0, %c0_i32 : i32, i32
  }
  func.func @transform_1(%arg0: i32) -> (i32, i32) {
    %c0_i32 = arith.constant 0 : i32
    %c0_i32_0 = arith.constant 0 : i32
    return %arg0, %c0_i32 : i32, i32
  }
  func.func @transform_2(%arg0: i32) -> (i32, i32) {
    %c0_i32 = arith.constant 0 : i32
    %c0_i32_0 = arith.constant 0 : i32
    return %arg0, %c0_i32 : i32, i32
  }
  func.func @transform_3(%arg0: i32) -> (i32, i32) {
    %c0_i32 = arith.constant 0 : i32
    %c0_i32_0 = arith.constant 0 : i32
    %c0_i32_1 = arith.constant 0 : i32
    return %c0_i32, %c0_i32_0 : i32, i32
  }
  func.func @transform_4(%arg0: i32) -> (i32, i32) {
    %c0_i32 = arith.constant 0 : i32
    %c0_i32_0 = arith.constant 0 : i32
    return %arg0, %c0_i32 : i32, i32
  }
}

</mosaic_0001>

<sc_bundles>
// kernel: kernel.12.cloned.1.call-start
scs
__scs_entry_jumppad:
0x0: {  	(pc) =	sbr.rel $0x88, $3  }
0x1: {  	(tag) =	ssettag $0x0;
	lr =	simm.s32 $0x1  }
0x2: {  	[smem:$0x3F9D] =	sst lr;
	_ =	strace $0xD0000000  }
0x3: {  	_ = 	snop  }
0x4: {  	_ = 	snop  }
0x5: {  	_ = 	snop  }
0x6: {  	_ = 	snop  }
0x7: {  	_ = 	snop  }
__scs_overlays_trampoline_lowered:
0x8: {  	[smem:$0x3FAC] =	sst s0  }
0x9: {  	[smem:$0x3FAD] =	sst s1  }
0xa: {  	[smem:$0x3FAE] =	sst s2  }
0xb: {  	[smem:$0x3FAF] =	sst s3  }
0xc: {  	[smem:$0x3FB0] =	sst s4  }
0xd: {  	[smem:$0x3FB1] =	sst s5  }
0xe: {  	[smem:$0x3FB2] =	sst s6  }
0xf: {  	[smem:$0x3FB3] =	sst s7  }
0x10: {  	[smem:$0x3FB4] =	sst s8  }
0x11: {  	[smem:$0x3FB5] =	sst s9;
	s0 =	simm.s32 @!p0 $0x0  }
0x12: {  	s1 =	sld [smem:$0x3F9B];
	s0 =	simm.s32 @p0 $0x1  }
0x13: {  	[smem:$0x3FB6] =	sst s0;
	s0 =	simm.s32 @!p1 $0x0  }
0x14: {  	s2 =	sld [smem:$0x3F9A];
	s0 =	simm.s32 @p1 $0x1  }
0x15: {  	[smem:$0x3FB7] =	sst s0;
	s0 =	simm.s32 @!p2 $0x0  }
0x16: {  	s3 =	sld [smem:$0x3FDB];
	s0 =	simm.s32 @p2 $0x1  }
0x17: {  	s4 =	simm.s32 $0x1BF5;
	[smem:$0x3FB9] =	sst s0  }
0x18: {  	s0 =	sld [smem:$0x3F9C];
	_ =	swait.ge [sflag:s4], $0x0  }
0x19: {  	s7 =	sld [smem:$0x3F9D]  }
0x1a: {  	s8 =	sadd.s32 $0xFFFFE003, lr  }
0x1b: {  	s9 =	sadd.s32 $0xFFFFFEF7, lr;
	s5 =	simm.s32 $0xFFFFFFFF;
	p2 =	slt.u32 s8, $0xFFFFF086  }
0x1c: {  	p1 =	slt.u32 s9, $0xF7A;
	s5 =	simm.s32 @!p2 $0x0  }
0x1d: {  	s5 =	simm.s32 @p1 $0x1;
	p0 =	seq.s32 s7, s2  }
0x1e: {  	s7 =	smul.u32 @!p0 $0xF7A, s2;
	p2 =	seq.s32 @!p0 s5, $0x0  }
0x1f: {  	s9 =	smul.u32 $0xF7A, s1;
	s8 =	simm.s32 @!p0 $0x1BF5;
	p2 =	por !p2, p0  }
0x20: {  	[sflag:s8] =	ssyncset.s32 @!p0 $0xFFFFF086;
	s6 =	sadd.s32 @!p0 s3, s7;
	s7 =	simm.s32 @!p0 $0x108  }
0x21: {  	s3 =	sadd.s32 s3, s9;
	s6 =	sadd.s32 @!p0 $0x88, s6;
	s7 =	simm.s32 @p2 $0x1082  }
0x22: {  	[simem:s7], [sflag:s8] =	dma.local @!p0 [hbm:s6], $0xF7A  }
0x23: {  	s9 =	sor.u32 $0xD0000000, s2;
	s6 =	simm.s32 $0x108;
	_ =	swait.ge @!p0 [sflag:s8], $0x0  }
0x24: {  	s3 =	sadd.s32 $0x88, s3;
	s6 =	simm.s32 @!p1 $0x1082;
	[sflag:s4] =	ssyncset.s32 $0xFFFFF086  }
0x25: {  	[simem:s6], [sflag:s4] =	dma.local [hbm:s3], $0xF7A  }
0x26: {  	[smem:$0x3F9D] =	sst s1;
	(tag) =	ssettag s2;
	_ =	strace s9  }
0x27: {  	s1 =	sld [smem:$0x3FAD]  }
0x28: {  	s2 =	sld [smem:$0x3FAE]  }
0x29: {  	s4 =	sld [smem:$0x3FB0]  }
0x2a: {  	p0 =	seq.s32 s5, $0x0;
	s5 =	sld [smem:$0x3FB1]  }
0x2b: {  	s6 =	sld [smem:$0x3FB2]  }
0x2c: {  	s7 =	sld [smem:$0x3FB3]  }
0x2d: {  	s3 =	simm.s32 $0x108;
	s8 =	sld [smem:$0x3FB4]  }
0x2e: {  	s3 =	simm.s32 @!p0 $0x1082;
	s9 =	sld [smem:$0x3FB5]  }
0x2f: {  	lr =	sadd.s32 s0, s3;
	s0 =	sld [smem:$0x3FAC]  }
0x30: {  	s3 =	sld [smem:$0x3FAF]  }
0x31: {  	[smem:$0x3FB8] =	sst s10  }
0x32: {  	s10 =	sld [smem:$0x3FB6];
	_ =	sdelay $0x3  }
0x33: {  	p0 =	seq.s32 s10, $0x1;
	s10 =	sld [smem:$0x3FB8];
	_ =	sdelay $0x3  }
0x34: {  	[smem:$0x3FB8] =	sst s10  }
0x35: {  	s10 =	sld [smem:$0x3FB7];
	_ =	sdelay $0x3  }
0x36: {  	p1 =	seq.s32 s10, $0x1;
	s10 =	sld [smem:$0x3FB8];
	_ =	sdelay $0x3  }
0x37: {  	[smem:$0x3FB8] =	sst s10  }
0x38: {  	s10 =	sld [smem:$0x3FB9]  }
0x39: {  	_ = 	snop;
	(pc) =	sbr.ind lr, $3  }
0x3a: {  	_ = 	snop  }
0x3b: {  	_ = 	snop  }
0x3c: {  	p2 =	seq.s32 s10, $0x1;
	s10 =	sld [smem:$0x3FB8]  }
0x3d: {  	_ =	shalt  }
0x3e: {  	_ =	shalt  }
0x3f: {  	_ =	shalt  }
0x40: {  	_ =	shalt  }
0x41: {  	_ =	shalt  }
0x42: {  	_ =	shalt  }
0x43: {  	_ =	shalt  }
0x44: {  	_ =	shalt  }
0x45: {  	_ =	shalt  }
0x46: {  	_ =	shalt  }
0x47: {  	_ =	shalt  }
0x48: {  	_ =	shalt  }
0x49: {  	_ =	shalt  }
0x4a: {  	_ =	shalt  }
0x4b: {  	_ =	shalt  }
0x4c: {  	_ =	shalt  }
0x4d: {  	_ =	shalt  }
0x4e: {  	_ =	shalt  }
0x4f: {  	_ =	shalt  }
0x50: {  	_ =	shalt  }
0x51: {  	_ =	shalt  }
0x52: {  	_ =	shalt  }
0x53: {  	_ =	shalt  }
0x54: {  	_ =	shalt  }
0x55: {  	_ =	shalt  }
0x56: {  	_ =	shalt  }
0x57: {  	_ =	shalt  }
0x58: {  	_ =	shalt  }
0x59: {  	_ =	shalt  }
0x5a: {  	_ =	shalt  }
0x5b: {  	_ =	shalt  }
0x5c: {  	_ =	shalt  }
0x5d: {  	_ =	shalt  }
0x5e: {  	_ =	shalt  }
0x5f: {  	_ =	shalt  }
0x60: {  	_ =	shalt  }
0x61: {  	_ =	shalt  }
0x62: {  	_ =	shalt  }
0x63: {  	_ =	shalt  }
0x64: {  	_ =	shalt  }
0x65: {  	_ =	shalt  }
0x66: {  	_ =	shalt  }
0x67: {  	_ =	shalt  }
0x68: {  	_ =	shalt  }
0x69: {  	_ =	shalt  }
0x6a: {  	_ =	shalt  }
0x6b: {  	_ =	shalt  }
0x6c: {  	_ =	shalt  }
0x6d: {  	_ =	shalt  }
0x6e: {  	_ =	shalt  }
0x6f: {  	_ =	shalt  }
0x70: {  	_ =	shalt  }
0x71: {  	_ =	shalt  }
0x72: {  	_ =	shalt  }
0x73: {  	_ =	shalt  }
0x74: {  	_ =	shalt  }
0x75: {  	_ =	shalt  }
0x76: {  	_ =	shalt  }
0x77: {  	_ =	shalt  }
0x78: {  	_ =	shalt  }
0x79: {  	_ =	shalt  }
0x7a: {  	_ =	shalt  }
0x7b: {  	_ =	shalt  }
0x7c: {  	_ =	shalt  }
0x7d: {  	_ =	shalt  }
0x7e: {  	_ =	shalt  }
0x7f: {  	_ =	shalt  }
0x80: {  	_ =	shalt  }
0x81: {  	_ =	shalt  }
0x82: {  	_ =	shalt  }
0x83: {  	_ =	shalt  }
0x84: {  	_ =	shalt  }
0x85: {  	_ =	shalt  }
0x86: {  	_ =	shalt  }
0x87: {  	_ =	shalt  }
.Lfunc_end0:
.L_simem_size_0:
called_computation.1_lowered:
.L_overlay_start_0:
0x88: {  	s2 =	sld [smem:$0x3FD9]  }
0x89: {  	s3 =	sld [smem:$0x3FFE];
	_ =	sdelay $0x1  }
0x8a: {  	s1 =	srdreg.scid  }
0x8b: {  	s0 =	sand.u32 $0x1, s1  }
0x8c: {  	s17 =	sshll.u32 s0, $0xA;
	s2 =	sadd.s32 s3, s2  }
0x8d: {  	s2 =	sadd.s32 s2, s17  }
0x8e: {  	[smem:$0x3FC4] =	sst s2  }
0x8f: {  	_ = 	snop  }
0x90: {  	(tm) =	ssettm $0x1  }
0x91: {  	s18 =	sld [smem:$0x3FFB];
	_ =	sdelay $0x3  }
0x92: {  	_ =	strace s18  }
0x93: {  	s2 =	sld [smem:$0x3FFC];
	_ =	sdelay $0x3  }
0x94: {  	_ =	strace s2  }
0x95: {  	s2 =	sld [smem:$0x3FFD];
	_ =	sdelay $0x3  }
0x96: {  	_ =	strace s2  }
0x97: {  	_ =	strace $0x8FFFFFFF  }
0x98: {  	s19 =	sld [smem:$0x3FDB];
	_ =	sdelay $0x1  }
0x99: {  	s20 =	simm.s32 $_scs_section_size  }
0x9a: {  	s4 =	simm.s32 $_size__tile_overlayer_lowered;
	s5 =	simm.s32 $_tile_overlayer_lowered  }
0x9b: {  	s6 =	simm.s32 $0x1BFF;
	s21 =	sshll.u32 s5, $0x1;
	s3 =	sadd.s32 s20, s19  }
0x9c: {  	s22 =	simm.s32 $0x0;
	s4 =	sshll.u32 s4, $0x1;
	s5 =	sadd.s32 s21, s3  }
0x9d: {  	[timem:s22], [sflag:s6] =	dma.local [hbm:s5], s4  }
0x9e: {  	_ =	swait.ge [sflag:s6], s4  }
0x9f: {  	s4 =	ssub.s32 $0x0, s4;
	[sflag:s6] =	ssyncset.done $0x0  }
0xa0: {  	[sflag:s6] =	ssyncadd.s32 s4;
	_ =	sdelay $0x1  }
0xa1: {  	s23 =	simm.s32 $0x1B8B  }
0xa2: {  	_ =	swait.ge [sflag:s23], $0x1  }
0xa3: {  	[sflag:s23] =	ssyncset.done $0x0  }
0xa4: {  	[sflag:s23] =	ssyncadd.s32 $0xFFFFFFFF  }
0xa5: {  	s4 =	sld [smem:$0x0]  }
0xa6: {  	s5 =	sand.u32 $0xFFFFFFFE, s1  }
0xa7: {  	p0 =	sne.s32 s1, s5  }
0xa8: {  	s5 =	sshll.u32 @p0 s5, $0xE  }
0xa9: {  	s5 =	sadd.s32 @p0 $0x11B8D, s5;
	s6 =	sshll.u32 @p0 s4, $0x11  }
0xaa: {  	s5 =	sor.u32 @p0 s6, s5  }
0xab: {  	[sflag:s5] =	ssyncadd.remote.s32 @p0 $0x1;
	_ =	sdelay $0x1  }
0xac: {  	s5 =	simm.s32 @p0 $0x1B8D  }
0xad: {  	_ =	swait.eq @p0 [sflag:s5], $0x1  }
0xae: {  	[sflag:s5] =	ssyncadd.s32 @p0 $0xFFFFFFFF  }
0xaf: {  	s6 =	sshll.u32 @!p0 s1, $0xE  }
0xb0: {  	s6 =	sor.u32 @!p0 $0x4000, s6;
	s5 =	simm.s32 @!p0 $0x1B8D  }
0xb1: {  	s4 =	sshll.u32 @!p0 s4, $0x11;
	s6 =	sadd.s32 @!p0 $0x11B8D, s6;
	_ =	swait.eq @!p0 [sflag:s5], $0x1  }
0xb2: {  	s4 =	sor.u32 @!p0 s4, s6;
	[sflag:s5] =	ssyncadd.s32 @!p0 $0xFFFFFFFF  }
0xb3: {  	s25 =	simm.s32 $0x1B8E;
	s24 =	sld [smem:$0x3FFE];
	[sflag:s4] =	ssyncadd.remote.s32 @!p0 $0x1  }
0xb4: {  	s26 =	simm.s32 $execute0_lowered;
	[smem:$0x3FD2] =	sst s25  }
0xb5: {  	s5 =	sshll.u32 s26, $0x1;
	_ =	strace $0x80000049;
	[dreg:$0x1] =	wrdreg $0xFFFFFFFF  }
0xb6: {  	s28 =	simm.s32 $_size_execute0_lowered;
	s3 =	sadd.s32 s3, s5;
	[dreg:$0x0] =	wrdreg $0x0  }
0xb7: {  	s5 =	sshll.u32 s28, $0x1;
	[dreg:$0x2] =	wrdreg s3  }
0xb8: {  	[dreg:$0x3] =	wrdreg s5  }
0xb9: {  	[dreg:$0x4] =	wrdreg $0xC0  }
0xba: {  	_ =	task [dreg:s22], $0x5FFFF  }
0xbb: {  	[dreg:$0x1] =	wrdreg $0xFFFFFFFF  }
0xbc: {  	[dreg:$0x0] =	wrdreg $0x60  }
0xbd: {  	[dreg:$0x2] =	wrdreg s24  }
0xbe: {  	[dreg:$0x3] =	wrdreg $0x14F000  }
0xbf: {  	[dreg:$0x4] =	wrdreg $0xA  }
0xc0: {  	_ =	task.clear_ibuf [dreg:s22], $0x5FFFF;
	_ =	strace $0x90000049  }
0xc1: {  	s29 =	simm.s32 $0xA;
	_ =	strace $0x8000004B  }
0xc2: {  	_ =	swait.ge [sflag:s29], $0x1  }
0xc3: {  	[sflag:s29] =	ssyncadd.s32 $0xFFFFFFFF  }
0xc4: {  	_ =	strace $0x9000004B  }
0xc5: {  	_ =	sfence  }
0xc6: {  	s30 =	sld [smem:$0x0];
	_ =	sdelay $0x2  }
0xc7: {  	s31 =	sshll.u32 s1, $0xD;
	s1 =	sshrl.u32 s1, $0x2  }
0xc8: {  	s4 =	sand.u32 $0x4000, s31;
	s1 =	sadd.s32 s1, s30  }
0xc9: {  	s0 =	sor.u32 s4, s0;
	s1 =	sshll.u32 s1, $0x11  }
0xca: {  	s0 =	sor.u32 s1, s0  }
0xcb: {  	s0 =	sadd.s32 $0x8F2B, s0  }
0xcc: {  	[sflag:s0] =	ssyncadd.remote.s32 $0x1  }
0xcd: {  	_ =	sfence.sel $0xFFFF  }
0xce: {  	[dreg:$0x0] =	wrdreg $0xFFFFFFFF;
	(pc) =	sbr.abs _section_cstart, $3  }
0xcf: {  	[dreg:$0x1] =	wrdreg $0xFFFFFFFF  }
0xd0: {  	_ =	task.clear_ibuf [dreg:s22], $0x2FFFF;
	_ =	strace $0x9FFFFFFF  }
0xd1: {  	(tm) =	ssettm $0x7FFFFFFF  }
tec
execute0_lowered:
.L_overlay_start_1:
0x0: {  	(tag) =	ssettag $0x1  }
0x1: {  	s0 =	rddreg [dreg:$0x0]  }
0x2: {  	s1 =	rddreg [dreg:$0x1];
	s11 =	stileid.u32  }
0x3: {  	s2 =	simm.s32 $0x0;
	s3 =	srdreg.scid;
	s5 =	smul.u32 $0x4E2, s11  }
0x4: {  	[smem:$0x7FF] =	sst s2;
	s9 =	smul.u32 $0x27000, s11  }
0x5: {  	s3 =	sand.u32 $0x1, s3;
	s10 =	smul.u32 $0x138, s11;
	_ =	strace $0x8000004A  }
0x6: {  	s6 =	ssub.s32 $0x2, s3;
	s8 =	smul.u32 $0x1388, s3;
	s5 =	sadd.s32 s5, s0  }
0x7: {  	s7 =	sshrl.u32 s6, $0x1;
	s25 =	sshrl.u32 s9, $0x2;
	s24 =	sadd.s32 $0x6E00, s5  }
0x8: {  	s6 =	ssub.s32 s6, s7;
	s5 =	sadd.s32 $0x1E00, s5;
	[dreg:$0x3] =	wrdreg s24  }
0x9: {  	s31 =	sadd.s32 s25, s1;
	[dreg:$0x4] =	wrdreg s5;
	s9 =	smax.u32 s6, $0x1  }
0xa: {  	s26 =	sadd.s32 s10, s8;
	s10 =	sadd.s32 $0x1800, s31;
	[dreg:$0x9] =	wrdreg s9  }
0xb: {  	s12 =	sadd.s32 $0x2000, s31;
	[dreg:$0xa] =	wrdreg s10  }
0xc: {  	s13 =	sadd.s32 $0x2800, s31;
	[dreg:$0xb] =	wrdreg s12  }
0xd: {  	s14 =	sadd.s32 $0x3000, s31;
	[dreg:$0xc] =	wrdreg s13  }
0xe: {  	s4 =	sadd.s32 $0xC400, s0;
	s15 =	sadd.s32 $0x3800, s31;
	[dreg:$0xd] =	wrdreg s14  }
0xf: {  	s30 =	sadd.s32 $0x9C000, s1;
	s16 =	sadd.s32 $0x4000, s31;
	[dreg:$0xe] =	wrdreg s15  }
0x10: {  	p0 =	sne.s32 s11, $0x0;
	s17 =	sadd.s32 $0x4800, s31;
	[dreg:$0xf] =	wrdreg s16  }
0x11: {  	s11 =	simm.s32 $0x7700;
	s18 =	sadd.s32 $0x5000, s31;
	[dreg:$0x10] =	wrdreg s17  }
0x12: {  	s3 =	smul.u32 $0x138800, s3;
	s19 =	sadd.s32 $0x5800, s31;
	[dreg:$0x11] =	wrdreg s18  }
0x13: {  	s0 =	sadd.s32 $0x5A600, s0;
	s20 =	sadd.s32 $0x6000, s31;
	[dreg:$0x12] =	wrdreg s19  }
0x14: {  	s3 =	sshrl.u32 s3, $0x3;
	s21 =	sadd.s32 $0x6800, s31;
	[dreg:$0x13] =	wrdreg s20  }
0x15: {  	v0 =	vlaneseq.u32;
	s28 =	sadd.s32 $0x9800, s31;
	s22 =	sadd.s32 $0x7000, s31;
	[dreg:$0x14] =	wrdreg s21  }
0x16: {  	v3 =	vimm.f32 $0.0e+00;
	v4 =	vimm.s32 $0x0;
	v1 =	vmul.u32 $0x2, v0;
	s5 =	sshll.u32 s26, $0x5;
	s23 =	sadd.s32 $0x7800, s31;
	[dreg:$0x15] =	wrdreg s22  }
0x17: {  	v6 =	vor.u32 $0x1388, v0;
	v7 =	vor.u32 $0x10, v0;
	v10 =	vor.u32 $0x20, v0;
	s29 =	sadd.s32 $0x800, s31;
	s24 =	sadd.s32 $0x8000, s31;
	[dreg:$0x16] =	wrdreg s23  }
0x18: {  	v13 =	vor.u32 $0x30, v0;
	v16 =	vor.u32 $0x40, v0;
	v19 =	vor.u32 $0x50, v0;
	s25 =	sadd.s32 $0x8800, s31;
	s26 =	sadd.s32 $0x9000, s31;
	[dreg:$0x17] =	wrdreg s24  }
0x19: {  	v22 =	vor.u32 $0x60, v0;
	v25 =	vor.u32 $0x70, v0;
	v5 =	vor.u32 $0x1, v1;
	s6 =	simm.s32 $0x4F00;
	s5 =	sadd.s32 s0, s5;
	[dreg:$0x18] =	wrdreg s25  }
.Ltmp0:
0x1a: {  	v8 =	vor.u32 $0x20, v1;
	v9 =	vor.u32 $0x21, v1;
	v11 =	vor.u32 $0x40, v1;
	s0 =	sadd.s32 s0, s3;
	[dreg:$0x19] =	wrdreg s26;
	(pc) =	sbr.rel .LBB2_1-.Ltmp0, $4  }
0x1b: {  	v12 =	vor.u32 $0x41, v1;
	v14 =	vor.u32 $0x60, v1;
	v15 =	vor.u32 $0x61, v1;
	s12 =	simm.s32 $0x9F00;
	s3 =	sadd.s32 $0x27000, s0;
	[dreg:$0x5] =	wrdreg s5  }
0x1c: {  	v17 =	vor.u32 $0x80, v1;
	v18 =	vor.u32 $0x81, v1;
	v20 =	vor.u32 $0xA0, v1;
	s13 =	simm.s32 $0x14700;
	s7 =	sadd.s32 $0x80, s5;
	[dreg:$0x6] =	wrdreg s3  }
0x1d: {  	v21 =	vor.u32 $0xA1, v1;
	v23 =	vor.u32 $0xC0, v1;
	v24 =	vor.u32 $0xC1, v1;
	s10 =	simm.s32 $0x3;
	s0 =	sadd.s32 $0x27080, s0;
	[dreg:$0x7] =	wrdreg s7  }
0x1e: {  	v26 =	vor.u32 $0xE0, v1;
	v27 =	vor.u32 $0xE1, v1;
	v2 =	vmov s8;
	s5 =	simm.s32 $0x4;
	[dreg:$0x8] =	wrdreg s0;
	s7 =	sadd.s32 $0x1000, s31  }
.LBB2_15:
0x1f: {  	[bflag:$0x0] =	sbarrier.arrive $0xFFFF;
	s3 =	simm.s32 $0x8  }
0x20: {  	s8 =	simm.s32 $0x100;
	s9 =	simm.s32 $0x80;
	s0 =	rddreg [dreg:$0x7]  }
0x21: {  	[hbm:s0@s8], [sflag:s23] =	dma.strided [spmem:s25@s9], $0x1380, s3, $0x10   }
0x22: {  	_ =	swait.ge [sflag:s5], $0x1380  }
0x23: {  	[sflag:s5] =	ssyncset.done $0x0  }
0x24: {  	s0 =	rddreg [dreg:$0x8];
	[sflag:s5] =	ssyncadd.s32 $0xFFFFEC80  }
0x25: {  	[hbm:s0], [sflag:s23] =	dma.local @!p0 [spmem:s26], $0x80  }
0x26: {  	s0 =	simm.s32 @!p0 $0x4  }
0x27: {  	_ =	swait.ge @!p0 [sflag:s0], $0x80  }
0x28: {  	s2 =	sadd.s32 $0x1, s2;
	s26 =	rddreg [dreg:$0x9]  }
0x29: {  	p1 =	sne.s32 s2, s26  }
.Ltmp1:
0x2a: {  	_ = 	snop;
	(pc) =	sbr.rel @!p1 .LBB2_16-.Ltmp1, $3  }
0x2b: {  	_ =	sdelay $0x1  }
0x2c: {  	[sflag:s0] =	ssyncset.done @!p0 $0x0  }
0x2d: {  	[sflag:s0] =	ssyncadd.s32 @!p0 $0xFFFFFF80  }
.LBB2_1:
0x2e: {  	s8 =	simm.s32 $0x0;
	s14 =	simm.s32 $0x200  }
.LBB2_2:
0x2f: {  	p1 =	sne.s32 s14, $0x1E00;
	[tilespmem:s8+$0x14770] =	vst v3  }
0x30: {  	[tilespmem:s8+$0x14700] =	vst v3  }
0x31: {  	[tilespmem:s8+$0x14710] =	vst v3  }
.Ltmp2:
0x32: {  	[tilespmem:s8+$0x14720] =	vst v3;
	(pc) =	sbr.rel @p1 .LBB2_2-.Ltmp2, $4  }
0x33: {  	[tilespmem:s8+$0x14730] =	vst v3  }
0x34: {  	[tilespmem:s8+$0x14740] =	vst v3  }
0x35: {  	[tilespmem:s8+$0x14750] =	vst v3  }
0x36: {  	[tilespmem:s8+$0x14760] =	vst v3;
	s8 =	sshra.s32 s14, $0x2;
	s14 =	sadd.s32 $0x200, s14  }
0x37: {  	[tilespmem:s8+$0x14770] =	vst v3  }
0x38: {  	[tilespmem:s8+$0x14700] =	vst v3  }
0x39: {  	[tilespmem:s8+$0x14710] =	vst v3  }
0x3a: {  	[tilespmem:s8+$0x14720] =	vst v3  }
0x3b: {  	[tilespmem:s8+$0x14730] =	vst v3  }
0x3c: {  	[tilespmem:s8+$0x14740] =	vst v3  }
0x3d: {  	[tilespmem:s8+$0x14750] =	vst v3  }
0x3e: {  	[tilespmem:s8+$0x14760] =	vst v3;
	s8 =	simm.s32 $0x0;
	s0 =	rddreg [dreg:$0x3]  }
0x3f: {  	[tilespmem:s8], [sflag:$0x4] =	stream.linear.gather [hbm4b:s0+s8], $0x2710, $0x38;
	[tilespmem:$0x1EB80] =	vst v63  }
0x40: {  	_ =	swait.ge [sflag:s5], $0x2710  }
0x41: {  	[sflag:s5] =	ssyncset.done $0x0  }
0x42: {  	s3 =	simm.s32 $0x2780;
	s26 =	rddreg [dreg:$0x4];
	[sflag:s5] =	ssyncadd.s32 $0xFFFFD8F0  }
0x43: {  	[tilespmem:s3], [sflag:$0x4] =	stream.linear.gather [hbm4b:s26+s8], $0x2710, $0x38;
	[tilespmem:$0x1EB80] =	vst v63  }
0x44: {  	_ =	swait.ge [sflag:s5], $0x2710  }
0x45: {  	[sflag:s5] =	ssyncset.done $0x0  }
0x46: {  	s14 =	simm.s32 $0x0;
	[sflag:s5] =	ssyncadd.s32 $0xFFFFD8F0  }
0x47: {  	v28 =	vld [tilespmem:s14+$0x2780];
	_ =	sdelay $0x4  }
0x48: {  	v28 =	vsub.s32 v28, v2  }
0x49: {  	vm0 =	vlt.u32 v28, $0x1388  }
0x4a: {  	v29 =	vsel vm0, $0x1, v4  }
0x4b: {  	(xrf0) =	vadd.scan.msk.s32 $0xffff, v29;
	_ =	sdelay $0x2  }
0x4c: {  	v29 =	vmov s8  }
0x4d: {  	v29 =	vadd.s32 $0xFFFFFFFF, v29  }
0x4e: {  	v29 =	vbroadcast v29, $0x0  }
0x4f: {  	v30 =	vld [tilespmem:s14+$0x0];
	v31, _, _ =	vpop (xrf0)  }
0x50: {  	v29 =	vadd.s32 v31, v29;
	(v2sf) =	vpush v31, $0xF;
	_ =	sdelay $0x3  }
0x51: {  	v30 =	vshll.u32 v30, $0x1  }
0x52: {  	[tilespmem:v29+s6+$0x0] =	vst.idx.msk vm0, v30;
	v30 =	vor.u32 $0x1, v30  }
0x53: {  	s14 =	simm.s32 $0x40;
	[tilespmem:v29+s11+$0x0] =	vst.idx.msk vm0, v30  }
.LBB2_4:
0x54: {  	s15 =	sshra.s32 s14, $0x2;
	p1 =	sne.s32 s14, $0x9C00;
	[tilespmem:v29+s12+$0x0] =	vst.idx.msk vm0, v28  }
0x55: {  	v28 =	vld [tilespmem:s15+$0x2780]  }
0x56: {  	v30 =	vld [tilespmem:s15+$0x0];
	_ =	sdelay $0x3  }
0x57: {  	v28 =	vsub.s32 v28, v2  }
0x58: {  	vm0 =	vlt.u32 v28, $0x1388  }
0x59: {  	v29 =	vsel vm0, $0x1, v4;
	s15 =	spop (v2sf)  }
0x5a: {  	(xrf0) =	vadd.scan.msk.s32 $0xffff, v29;
	s8 =	sadd.s32 s8, s15  }
0x5b: {  	v29 =	vmov s8;
	[smem:$0x0] =	sst s8  }
0x5c: {  	v29 =	vadd.s32 $0xFFFFFFFF, v29  }
0x5d: {  	v29 =	vbroadcast v29, $0x0;
	_ =	sdelay $0x2  }
0x5e: {  	v31, _, _ =	vpop (xrf0)  }
0x5f: {  	v29 =	vadd.s32 v31, v29;
	(v2sf) =	vpush v31, $0xF;
	_ =	sdelay $0x1  }
.Ltmp3:
0x60: {  	(pc) =	sbr.rel @p1 .LBB2_4-.Ltmp3, $4  }
0x61: {  	_ = 	snop  }
0x62: {  	v30 =	vshll.u32 v30, $0x1  }
0x63: {  	[tilespmem:v29+s6+$0x0] =	vst.idx.msk vm0, v30;
	v30 =	vor.u32 $0x1, v30  }
0x64: {  	s14 =	sadd.s32 $0x40, s14;
	[tilespmem:v29+s11+$0x0] =	vst.idx.msk vm0, v30  }
0x65: {  	_ =	sdelay $0x7  }
0x66: {  	s14 =	spop (v2sf)  }
0x67: {  	s14 =	sadd.s32 s8, s14  }
0x68: {  	v30 =	vadd.s32 s14, v0;
	_ =	sdelay $0x2  }
0x69: {  	v31 =	vadd.s32 s14, v7  }
0x6a: {  	[tilespmem:v29+s12+$0x0] =	vst.idx.msk vm0, v28  }
0x6b: {  	[tilespmem:v30+s6+$0x0] =	vst.idx.msk $0xffff, v1  }
0x6c: {  	v28 =	vadd.s32 s14, v10;
	[tilespmem:v30+s11+$0x0] =	vst.idx.msk $0xffff, v5  }
0x6d: {  	[tilespmem:v30+s12+$0x0] =	vst.idx.msk $0xffff, v6  }
0x6e: {  	[tilespmem:v31+s6+$0x0] =	vst.idx.msk $0xffff, v8  }
0x6f: {  	v29 =	vadd.s32 s14, v13;
	[tilespmem:v31+s11+$0x0] =	vst.idx.msk $0xffff, v9  }
0x70: {  	[tilespmem:v31+s12+$0x0] =	vst.idx.msk $0xffff, v6  }
0x71: {  	[tilespmem:v28+s6+$0x0] =	vst.idx.msk $0xffff, v11  }
0x72: {  	v62 =	vadd.s32 s14, v16;
	[tilespmem:v28+s11+$0x0] =	vst.idx.msk $0xffff, v12  }
0x73: {  	[tilespmem:v28+s12+$0x0] =	vst.idx.msk $0xffff, v6  }
0x74: {  	[tilespmem:v29+s6+$0x0] =	vst.idx.msk $0xffff, v14  }
0x75: {  	v28 =	vadd.s32 s14, v19;
	[tilespmem:v29+s11+$0x0] =	vst.idx.msk $0xffff, v15  }
0x76: {  	[tilespmem:v29+s12+$0x0] =	vst.idx.msk $0xffff, v6  }
0x77: {  	[tilespmem:v62+s6+$0x0] =	vst.idx.msk $0xffff, v17  }
0x78: {  	v29 =	vadd.s32 s14, v22;
	[tilespmem:v62+s11+$0x0] =	vst.idx.msk $0xffff, v18  }
0x79: {  	[tilespmem:v62+s12+$0x0] =	vst.idx.msk $0xffff, v6  }
0x7a: {  	[tilespmem:v28+s6+$0x0] =	vst.idx.msk $0xffff, v20  }
0x7b: {  	v63 =	vadd.s32 s14, v25;
	[tilespmem:v28+s11+$0x0] =	vst.idx.msk $0xffff, v21  }
0x7c: {  	[tilespmem:v28+s12+$0x0] =	vst.idx.msk $0xffff, v6  }
0x7d: {  	[tilespmem:v29+s6+$0x0] =	vst.idx.msk $0xffff, v23  }
0x7e: {  	[tilespmem:v29+s11+$0x0] =	vst.idx.msk $0xffff, v24  }
0x7f: {  	[tilespmem:v29+s12+$0x0] =	vst.idx.msk $0xffff, v6  }
0x80: {  	[tilespmem:v63+s6+$0x0] =	vst.idx.msk $0xffff, v26  }
0x81: {  	[tilespmem:v63+s11+$0x0] =	vst.idx.msk $0xffff, v27  }
0x82: {  	[smem:$0x0] =	sst s14;
	[tilespmem:v63+s12+$0x0] =	vst.idx.msk $0xffff, v6  }
0x83: {  	[spmem:s31] =	stream.linear.scatter [tilespmem:s13], [sflag:$0x4], $0x800, $0x38;
	[tilespmem:$0x1EB80] =	vst v63  }
0x84: {  	_ =	swait.ge [sflag:s5], $0x800  }
0x85: {  	[sflag:s5] =	ssyncset.done $0x0  }
0x86: {  	[sflag:s5] =	ssyncadd.s32 $0xFFFFF800  }
0x87: {  	[spmem:s29] =	stream.linear.scatter [tilespmem:s13], [sflag:$0x4], $0x800, $0x38;
	[tilespmem:$0x1EB80] =	vst v63  }
0x88: {  	_ =	swait.ge [sflag:s5], $0x800  }
0x89: {  	[sflag:s5] =	ssyncset.done $0x0  }
0x8a: {  	[sflag:s5] =	ssyncadd.s32 $0xFFFFF800  }
0x8b: {  	[spmem:s7] =	stream.linear.scatter [tilespmem:s13], [sflag:$0x4], $0x800, $0x38;
	[tilespmem:$0x1EB80] =	vst v63  }
0x8c: {  	_ =	swait.ge [sflag:s5], $0x800  }
0x8d: {  	[sflag:s5] =	ssyncset.done $0x0  }
0x8e: {  	s0 =	rddreg [dreg:$0xa];
	[sflag:s5] =	ssyncadd.s32 $0xFFFFF800  }
0x8f: {  	[spmem:s0] =	stream.linear.scatter [tilespmem:s13], [sflag:$0x4], $0x800, $0x38;
	[tilespmem:$0x1EB80] =	vst v63  }
0x90: {  	_ =	swait.ge [sflag:s5], $0x800  }
0x91: {  	[sflag:s5] =	ssyncset.done $0x0  }
0x92: {  	s3 =	rddreg [dreg:$0xb];
	[sflag:s5] =	ssyncadd.s32 $0xFFFFF800  }
0x93: {  	[spmem:s3] =	stream.linear.scatter [tilespmem:s13], [sflag:$0x4], $0x800, $0x38;
	[tilespmem:$0x1EB80] =	vst v63  }
0x94: {  	_ =	swait.ge [sflag:s5], $0x800  }
0x95: {  	[sflag:s5] =	ssyncset.done $0x0  }
0x96: {  	s21 =	smov.u32 s7;
	s7 =	rddreg [dreg:$0xc];
	[sflag:s5] =	ssyncadd.s32 $0xFFFFF800  }
0x97: {  	[spmem:s7] =	stream.linear.scatter [tilespmem:s13], [sflag:$0x4], $0x800, $0x38;
	[tilespmem:$0x1EB80] =	vst v63  }
0x98: {  	_ =	swait.ge [sflag:s5], $0x800  }
0x99: {  	[sflag:s5] =	ssyncset.done $0x0  }
0x9a: {  	s8 =	rddreg [dreg:$0xd];
	[sflag:s5] =	ssyncadd.s32 $0xFFFFF800  }
0x9b: {  	[spmem:s8] =	stream.linear.scatter [tilespmem:s13], [sflag:$0x4], $0x800, $0x38;
	[tilespmem:$0x1EB80] =	vst v63  }
0x9c: {  	_ =	swait.ge [sflag:s5], $0x800  }
0x9d: {  	[sflag:s5] =	ssyncset.done $0x0  }
0x9e: {  	s16 =	rddreg [dreg:$0xe];
	[sflag:s5] =	ssyncadd.s32 $0xFFFFF800  }
0x9f: {  	[spmem:s16] =	stream.linear.scatter [tilespmem:s13], [sflag:$0x4], $0x800, $0x38;
	[tilespmem:$0x1EB80] =	vst v63  }
0xa0: {  	_ =	swait.ge [sflag:s5], $0x800  }
0xa1: {  	[sflag:s5] =	ssyncset.done $0x0  }
0xa2: {  	s17 =	rddreg [dreg:$0xf];
	[sflag:s5] =	ssyncadd.s32 $0xFFFFF800  }
0xa3: {  	[spmem:s17] =	stream.linear.scatter [tilespmem:s13], [sflag:$0x4], $0x800, $0x38;
	[tilespmem:$0x1EB80] =	vst v63  }
0xa4: {  	_ =	swait.ge [sflag:s5], $0x800  }
0xa5: {  	[sflag:s5] =	ssyncset.done $0x0  }
0xa6: {  	s18 =	rddreg [dreg:$0x10];
	[sflag:s5] =	ssyncadd.s32 $0xFFFFF800  }
0xa7: {  	[spmem:s18] =	stream.linear.scatter [tilespmem:s13], [sflag:$0x4], $0x800, $0x38;
	[tilespmem:$0x1EB80] =	vst v63  }
0xa8: {  	_ =	swait.ge [sflag:s5], $0x800  }
0xa9: {  	[sflag:s5] =	ssyncset.done $0x0  }
0xaa: {  	s19 =	rddreg [dreg:$0x11];
	[sflag:s5] =	ssyncadd.s32 $0xFFFFF800  }
0xab: {  	[spmem:s19] =	stream.linear.scatter [tilespmem:s13], [sflag:$0x4], $0x800, $0x38;
	[tilespmem:$0x1EB80] =	vst v63  }
0xac: {  	_ =	swait.ge [sflag:s5], $0x800  }
0xad: {  	[sflag:s5] =	ssyncset.done $0x0  }
0xae: {  	s20 =	rddreg [dreg:$0x12];
	[sflag:s5] =	ssyncadd.s32 $0xFFFFF800  }
0xaf: {  	[spmem:s20] =	stream.linear.scatter [tilespmem:s13], [sflag:$0x4], $0x800, $0x38;
	[tilespmem:$0x1EB80] =	vst v63  }
0xb0: {  	_ =	swait.ge [sflag:s5], $0x800  }
0xb1: {  	[sflag:s5] =	ssyncset.done $0x0  }
0xb2: {  	s22 =	rddreg [dreg:$0x13];
	[sflag:s5] =	ssyncadd.s32 $0xFFFFF800  }
0xb3: {  	[spmem:s22] =	stream.linear.scatter [tilespmem:s13], [sflag:$0x4], $0x800, $0x38;
	[tilespmem:$0x1EB80] =	vst v63  }
0xb4: {  	_ =	swait.ge [sflag:s5], $0x800  }
0xb5: {  	[sflag:s5] =	ssyncset.done $0x0  }
0xb6: {  	s23 =	rddreg [dreg:$0x14];
	[sflag:s5] =	ssyncadd.s32 $0xFFFFF800  }
0xb7: {  	[spmem:s23] =	stream.linear.scatter [tilespmem:s13], [sflag:$0x4], $0x800, $0x38;
	[tilespmem:$0x1EB80] =	vst v63  }
0xb8: {  	_ =	swait.ge [sflag:s5], $0x800  }
0xb9: {  	[sflag:s5] =	ssyncset.done $0x0  }
0xba: {  	s24 =	rddreg [dreg:$0x15];
	[sflag:s5] =	ssyncadd.s32 $0xFFFFF800  }
0xbb: {  	[spmem:s24] =	stream.linear.scatter [tilespmem:s13], [sflag:$0x4], $0x800, $0x38;
	[tilespmem:$0x1EB80] =	vst v63  }
0xbc: {  	_ =	swait.ge [sflag:s5], $0x800  }
0xbd: {  	[sflag:s5] =	ssyncset.done $0x0  }
0xbe: {  	s25 =	rddreg [dreg:$0x16];
	[sflag:s5] =	ssyncadd.s32 $0xFFFFF800  }
0xbf: {  	[spmem:s25] =	stream.linear.scatter [tilespmem:s13], [sflag:$0x4], $0x800, $0x38;
	[tilespmem:$0x1EB80] =	vst v63  }
0xc0: {  	_ =	swait.ge [sflag:s5], $0x800  }
0xc1: {  	[sflag:s5] =	ssyncset.done $0x0  }
0xc2: {  	s26 =	rddreg [dreg:$0x17];
	[sflag:s5] =	ssyncadd.s32 $0xFFFFF800  }
0xc3: {  	[spmem:s26] =	stream.linear.scatter [tilespmem:s13], [sflag:$0x4], $0x800, $0x38;
	[tilespmem:$0x1EB80] =	vst v63  }
0xc4: {  	_ =	swait.ge [sflag:s5], $0x800  }
0xc5: {  	[sflag:s5] =	ssyncset.done $0x0  }
0xc6: {  	s9 =	smov.u32 s29;
	s29 =	rddreg [dreg:$0x18];
	[sflag:s5] =	ssyncadd.s32 $0xFFFFF800  }
0xc7: {  	[spmem:s29] =	stream.linear.scatter [tilespmem:s13], [sflag:$0x4], $0x800, $0x38;
	[tilespmem:$0x1EB80] =	vst v63  }
0xc8: {  	_ =	swait.ge [sflag:s5], $0x800  }
0xc9: {  	[sflag:s5] =	ssyncset.done $0x0  }
0xca: {  	s15 =	smov.u32 s31;
	s31 =	rddreg [dreg:$0x19];
	[sflag:s5] =	ssyncadd.s32 $0xFFFFF800  }
0xcb: {  	[spmem:s31] =	stream.linear.scatter [tilespmem:s13], [sflag:$0x4], $0x800, $0x38;
	[tilespmem:$0x1EB80] =	vst v63  }
0xcc: {  	_ =	swait.ge [sflag:s5], $0x800  }
0xcd: {  	[sflag:s5] =	ssyncset.done $0x0  }
0xce: {  	[sflag:s5] =	ssyncadd.s32 $0xFFFFF800  }
0xcf: {  	[spmem:s28] =	stream.linear.scatter [tilespmem:s13], [sflag:$0x4], $0x400, $0x38;
	[tilespmem:$0x1EB80] =	vst v63  }
0xd0: {  	_ =	swait.ge [sflag:s5], $0x400  }
0xd1: {  	s0 =	simm.s32 @!p0 $0x14700;
	[sflag:s5] =	ssyncset.done $0x0  }
0xd2: {  	s8 =	simm.s32 @!p0 $0x4;
	s19 =	sadd.s32 $0x7F, s14;
	[sflag:s5] =	ssyncadd.s32 $0xFFFFFC00  }
0xd3: {  	[spmem:s30] =	stream.linear.scatter @!p0 [tilespmem:s0], [sflag:$0x4], $0x800, $0x38;
	[tilespmem:$0x1EB80] =	vst v63  }
0xd4: {  	s14 =	sshrl.u32 s19, $0x7;
	_ =	swait.ge @!p0 [sflag:s8], $0x800  }
0xd5: {  	p1 =	seq.s32 s14, $0x0;
	[sflag:s8] =	ssyncset.done @!p0 $0x0  }
0xd6: {  	s16 =	simm.s32 @!p1 $0x80;
	[sflag:s8] =	ssyncadd.s32 @!p0 $0xFFFFF800  }
0xd7: {  	s18 =	simm.s32 @!p1 $0x4F00;
	s17 =	simm.s32 @!p1 $0xC700;
	[bflag:$0x0] =	sbarrier.arrive $0xFFFF  }
0xd8: {  	[tilespmem:s17], [sflag:$0x1] =	stream.indirect.gather @!p1 [hbm4b:s4+s16], $0x80, s18, s16, $0xb8;
	[tilespmem:$0x1EB80] =	vst v63  }
0xd9: {  	s18 =	simm.s32 @!p1 $0x1  }
0xda: {  	_ =	swait.ge @!p1 [sflag:s18], $0x4000  }
0xdb: {  	[sflag:s18] =	ssyncset.done @!p1 $0x0  }
0xdc: {  	p2 =	slt.u32 s19, $0x100;
	s0 =	simm.s32 @!p1 $0x9F00;
	[sflag:s18] =	ssyncadd.s32 @!p1 $0xFFFFC000  }
0xdd: {  	[spmem:s1] =	stream.indirect.scatter.add.f32 @!p1 [tilespmem:s17], [sflag:$0x2], $0x80, s0, s16, $0xb8;
	[tilespmem:$0x1EB80] =	vst v63  }
0xde: {  	s19 =	simm.s32 @!p2 $0x80;
	s20 =	simm.s32 @!p2 $0x10700;
	s22 =	simm.s32 @!p2 $0x4F80  }
0xdf: {  	[tilespmem:s20], [sflag:$0x1] =	stream.indirect.gather @!p2 [hbm4b:s4+s19], $0x80, s22, s19, $0xb8;
	[tilespmem:$0x1EB80] =	vst v63  }
.Ltmp4:
0xe0: {  	s22 =	simm.s32 @!p2 $0x1;
	(pc) =	sbr.rel @p1 .LBB2_10-.Ltmp4, $4  }
0xe1: {  	_ =	swait.ge @!p2 [sflag:s22], $0x4000  }
0xe2: {  	s3 =	smov.u32 s28;
	[sflag:s22] =	ssyncset.done @!p2 $0x0  }
0xe3: {  	s7 =	smov.u32 s30;
	s24 =	simm.s32 @!p2 $0x9F80;
	[sflag:s22] =	ssyncadd.s32 @!p2 $0xFFFFC000  }
0xe4: {  	[spmem:s1] =	stream.indirect.scatter.add.f32 @!p2 [tilespmem:s20], [sflag:$0x3], $0x80, s24, s19, $0xb8;
	[tilespmem:$0x1EB80] =	vst v63  }
.Ltmp5:
0xe5: {  	(pc) =	sbr.rel .LBB2_7-.Ltmp5, $2  }
0xe6: {  	_ =	sdelay $0x2  }
0xe7: {  	s23 =	simm.s32 $0x5000;
	s25 =	simm.s32 $0xA000;
	s26 =	simm.s32 $0x0  }
.LBB2_9:
0xe8: {  	s26 =	sadd.s32 $0x1, s26  }
0xe9: {  	p3 =	sne.s32 s14, s26  }
.Ltmp6:
0xea: {  	_ = 	snop;
	(pc) =	sbr.rel @!p3 .LBB2_10-.Ltmp6, $2  }
0xeb: {  	_ =	sdelay $0x2  }
0xec: {  	s23 =	sadd.s32 $0x80, s23;
	s25 =	sadd.s32 $0x80, s25  }
.LBB2_7:
0xed: {  	s28 =	sadd.s32 $0x2, s26  }
0xee: {  	s29 =	sand.u32 $0x1, s28  }
0xef: {  	p3 =	seq.s32 s29, $0x1  }
0xf0: {  	s30 =	simm.s32 @!p3 $0x2;
	p4 =	sge.u32 @!p3 s28, s14  }
0xf1: {  	_ =	swait.ge @!p3 [sflag:s30], $0x4000;
	p4 =	por p4, p3  }
0xf2: {  	[sflag:s30] =	ssyncset.done @!p3 $0x0;
	s31 =	simm.s32 @!p4 $0xC700  }
0xf3: {  	s0 =	simm.s32 @!p4 $0x1;
	[sflag:s30] =	ssyncadd.s32 @!p3 $0xFFFFC000;
	s30 =	simm.s32 @!p4 $0x80  }
0xf4: {  	[tilespmem:s31], [sflag:$0x1] =	stream.indirect.gather @!p4 [hbm4b:s4+s30], $0x80, s23, s30, $0xb8;
	[tilespmem:$0x1EB80] =	vst v63  }
0xf5: {  	_ =	swait.ge @!p4 [sflag:s0], $0x4000  }
0xf6: {  	[sflag:s0] =	ssyncset.done @!p4 $0x0  }
0xf7: {  	[sflag:s0] =	ssyncadd.s32 @!p4 $0xFFFFC000  }
0xf8: {  	[spmem:s1] =	stream.indirect.scatter.add.f32 @!p4 [tilespmem:s31], [sflag:$0x2], $0x80, s25, s30, $0xb8;
	[tilespmem:$0x1EB80] =	vst v63  }
0xf9: {  	p4 =	seq.s32 @!p3 s29, $0x0  }
0xfa: {  	p3 =	por p3, !p4  }
.Ltmp7:
0xfb: {  	_ = 	snop;
	(pc) =	sbr.rel @!p3 .LBB2_9-.Ltmp7, $1  }
0xfc: {  	_ =	sdelay $0x3  }
0xfd: {  	_ =	swait.ge [sflag:s10], $0x4000  }
0xfe: {  	p3 =	sge.u32 s28, s14;
	[sflag:s10] =	ssyncset.done $0x0  }
0xff: {  	s0 =	simm.s32 @!p3 $0x80;
	s28 =	simm.s32 @!p3 $0x10700;
	[sflag:s10] =	ssyncadd.s32 $0xFFFFC000  }
0x100: {  	[tilespmem:s28], [sflag:$0x1] =	stream.indirect.gather @!p3 [hbm4b:s4+s0], $0x80, s23, s0, $0xb8;
	[tilespmem:$0x1EB80] =	vst v63  }
.Ltmp8:
0x101: {  	s29 =	simm.s32 @!p3 $0x1;
	(pc) =	sbr.rel .LBB2_9-.Ltmp8, $4  }
0x102: {  	_ =	swait.ge @!p3 [sflag:s29], $0x4000  }
0x103: {  	[sflag:s29] =	ssyncset.done @!p3 $0x0  }
0x104: {  	[sflag:s29] =	ssyncadd.s32 @!p3 $0xFFFFC000  }
0x105: {  	[spmem:s1] =	stream.indirect.scatter.add.f32 @!p3 [tilespmem:s28], [sflag:$0x3], $0x80, s25, s0, $0xb8;
	[tilespmem:$0x1EB80] =	vst v63  }
.LBB2_10:
0x106: {  	s0 =	stileid.u32  }
0x107: {  	[bflag:$0x0] =	sbarrier.arrive $0xFFFF;
	s31 =	smov.u32 s15;
	s25 =	sshrl.u32 s15, $0x3  }
0x108: {  	s15 =	simm.s32 $0x8;
	s26 =	simm.s32 $0x100;
	s0 =	sshll.u32 s0, $0x6  }
0x109: {  	s28 =	simm.s32 $0x80;
	s23 =	sor.u32 $0x1C04, s0;
	s0 =	rddreg [dreg:$0x5]  }
0x10a: {  	[hbm:s0@s26], [sflag:s23] =	dma.strided [spmem:s25@s28], $0x1380, s15, $0x10   }
0x10b: {  	_ =	swait.ge [sflag:s5], $0x1380  }
0x10c: {  	[sflag:s5] =	ssyncset.done $0x0  }
0x10d: {  	s26 =	sshrl.u32 @!p0 s7, $0x3;
	s0 =	rddreg [dreg:$0x6];
	[sflag:s5] =	ssyncadd.s32 $0xFFFFEC80  }
0x10e: {  	[hbm:s0], [sflag:s23] =	dma.local @!p0 [spmem:s26], $0x80  }
0x10f: {  	_ =	swait.ge @!p0 [sflag:s8], $0x80  }
0x110: {  	[sflag:s8] =	ssyncset.done @!p0 $0x0  }
0x111: {  	[sflag:s8] =	ssyncadd.s32 @!p0 $0xFFFFFF80  }
0x112: {  	[bflag:$0x0] =	sbarrier.arrive $0xFFFF  }
0x113: {  	[spmem:s31] =	stream.linear.scatter [tilespmem:s13], [sflag:$0x4], $0x800, $0x38;
	[tilespmem:$0x1EB80] =	vst v63  }
0x114: {  	_ =	swait.ge [sflag:s5], $0x800  }
0x115: {  	[sflag:s5] =	ssyncset.done $0x0  }
0x116: {  	[sflag:s5] =	ssyncadd.s32 $0xFFFFF800  }
0x117: {  	[spmem:s9] =	stream.linear.scatter [tilespmem:s13], [sflag:$0x4], $0x800, $0x38;
	[tilespmem:$0x1EB80] =	vst v63  }
0x118: {  	_ =	swait.ge [sflag:s5], $0x800  }
0x119: {  	[sflag:s5] =	ssyncset.done $0x0  }
0x11a: {  	[sflag:s5] =	ssyncadd.s32 $0xFFFFF800  }
0x11b: {  	[spmem:s21] =	stream.linear.scatter [tilespmem:s13], [sflag:$0x4], $0x800, $0x38;
	[tilespmem:$0x1EB80] =	vst v63  }
0x11c: {  	_ =	swait.ge [sflag:s5], $0x800  }
0x11d: {  	s30 =	smov.u32 s7;
	[sflag:s5] =	ssyncset.done $0x0  }
0x11e: {  	s7 =	smov.u32 s21;
	s21 =	rddreg [dreg:$0xa];
	[sflag:s5] =	ssyncadd.s32 $0xFFFFF800  }
0x11f: {  	[spmem:s21] =	stream.linear.scatter [tilespmem:s13], [sflag:$0x4], $0x800, $0x38;
	[tilespmem:$0x1EB80] =	vst v63  }
0x120: {  	_ =	swait.ge [sflag:s5], $0x800  }
0x121: {  	[sflag:s5] =	ssyncset.done $0x0  }
0x122: {  	s29 =	smov.u32 s9;
	s9 =	rddreg [dreg:$0xb];
	[sflag:s5] =	ssyncadd.s32 $0xFFFFF800  }
0x123: {  	[spmem:s9] =	stream.linear.scatter [tilespmem:s13], [sflag:$0x4], $0x800, $0x38;
	[tilespmem:$0x1EB80] =	vst v63  }
0x124: {  	_ =	swait.ge [sflag:s5], $0x800  }
0x125: {  	[sflag:s5] =	ssyncset.done $0x0  }
0x126: {  	s15 =	rddreg [dreg:$0xc];
	[sflag:s5] =	ssyncadd.s32 $0xFFFFF800  }
0x127: {  	[spmem:s15] =	stream.linear.scatter [tilespmem:s13], [sflag:$0x4], $0x800, $0x38;
	[tilespmem:$0x1EB80] =	vst v63  }
0x128: {  	_ =	swait.ge [sflag:s5], $0x800  }
0x129: {  	[sflag:s5] =	ssyncset.done $0x0  }
0x12a: {  	s21 =	rddreg [dreg:$0xd];
	[sflag:s5] =	ssyncadd.s32 $0xFFFFF800  }
0x12b: {  	[spmem:s21] =	stream.linear.scatter [tilespmem:s13], [sflag:$0x4], $0x800, $0x38;
	[tilespmem:$0x1EB80] =	vst v63  }
0x12c: {  	_ =	swait.ge [sflag:s5], $0x800  }
0x12d: {  	[sflag:s5] =	ssyncset.done $0x0  }
0x12e: {  	s9 =	rddreg [dreg:$0xe];
	[sflag:s5] =	ssyncadd.s32 $0xFFFFF800  }
0x12f: {  	[spmem:s9] =	stream.linear.scatter [tilespmem:s13], [sflag:$0x4], $0x800, $0x38;
	[tilespmem:$0x1EB80] =	vst v63  }
0x130: {  	_ =	swait.ge [sflag:s5], $0x800  }
0x131: {  	[sflag:s5] =	ssyncset.done $0x0  }
0x132: {  	s15 =	rddreg [dreg:$0xf];
	[sflag:s5] =	ssyncadd.s32 $0xFFFFF800  }
0x133: {  	[spmem:s15] =	stream.linear.scatter [tilespmem:s13], [sflag:$0x4], $0x800, $0x38;
	[tilespmem:$0x1EB80] =	vst v63  }
0x134: {  	_ =	swait.ge [sflag:s5], $0x800  }
0x135: {  	[sflag:s5] =	ssyncset.done $0x0  }
0x136: {  	s21 =	rddreg [dreg:$0x10];
	[sflag:s5] =	ssyncadd.s32 $0xFFFFF800  }
0x137: {  	[spmem:s21] =	stream.linear.scatter [tilespmem:s13], [sflag:$0x4], $0x800, $0x38;
	[tilespmem:$0x1EB80] =	vst v63  }
0x138: {  	_ =	swait.ge [sflag:s5], $0x800  }
0x139: {  	[sflag:s5] =	ssyncset.done $0x0  }
0x13a: {  	s9 =	rddreg [dreg:$0x11];
	[sflag:s5] =	ssyncadd.s32 $0xFFFFF800  }
0x13b: {  	[spmem:s9] =	stream.linear.scatter [tilespmem:s13], [sflag:$0x4], $0x800, $0x38;
	[tilespmem:$0x1EB80] =	vst v63  }
0x13c: {  	_ =	swait.ge [sflag:s5], $0x800  }
0x13d: {  	[sflag:s5] =	ssyncset.done $0x0  }
0x13e: {  	s15 =	rddreg [dreg:$0x12];
	[sflag:s5] =	ssyncadd.s32 $0xFFFFF800  }
0x13f: {  	[spmem:s15] =	stream.linear.scatter [tilespmem:s13], [sflag:$0x4], $0x800, $0x38;
	[tilespmem:$0x1EB80] =	vst v63  }
0x140: {  	_ =	swait.ge [sflag:s5], $0x800  }
0x141: {  	[sflag:s5] =	ssyncset.done $0x0  }
0x142: {  	s21 =	rddreg [dreg:$0x13];
	[sflag:s5] =	ssyncadd.s32 $0xFFFFF800  }
0x143: {  	[spmem:s21] =	stream.linear.scatter [tilespmem:s13], [sflag:$0x4], $0x800, $0x38;
	[tilespmem:$0x1EB80] =	vst v63  }
0x144: {  	_ =	swait.ge [sflag:s5], $0x800  }
0x145: {  	[sflag:s5] =	ssyncset.done $0x0  }
0x146: {  	s9 =	rddreg [dreg:$0x14];
	[sflag:s5] =	ssyncadd.s32 $0xFFFFF800  }
0x147: {  	[spmem:s9] =	stream.linear.scatter [tilespmem:s13], [sflag:$0x4], $0x800, $0x38;
	[tilespmem:$0x1EB80] =	vst v63  }
0x148: {  	_ =	swait.ge [sflag:s5], $0x800  }
0x149: {  	[sflag:s5] =	ssyncset.done $0x0  }
0x14a: {  	s15 =	rddreg [dreg:$0x15];
	[sflag:s5] =	ssyncadd.s32 $0xFFFFF800  }
0x14b: {  	[spmem:s15] =	stream.linear.scatter [tilespmem:s13], [sflag:$0x4], $0x800, $0x38;
	[tilespmem:$0x1EB80] =	vst v63  }
0x14c: {  	_ =	swait.ge [sflag:s5], $0x800  }
0x14d: {  	[sflag:s5] =	ssyncset.done $0x0  }
0x14e: {  	s21 =	rddreg [dreg:$0x16];
	[sflag:s5] =	ssyncadd.s32 $0xFFFFF800  }
0x14f: {  	[spmem:s21] =	stream.linear.scatter [tilespmem:s13], [sflag:$0x4], $0x800, $0x38;
	[tilespmem:$0x1EB80] =	vst v63  }
0x150: {  	_ =	swait.ge [sflag:s5], $0x800  }
0x151: {  	[sflag:s5] =	ssyncset.done $0x0  }
0x152: {  	s9 =	rddreg [dreg:$0x17];
	[sflag:s5] =	ssyncadd.s32 $0xFFFFF800  }
0x153: {  	[spmem:s9] =	stream.linear.scatter [tilespmem:s13], [sflag:$0x4], $0x800, $0x38;
	[tilespmem:$0x1EB80] =	vst v63  }
0x154: {  	_ =	swait.ge [sflag:s5], $0x800  }
0x155: {  	[sflag:s5] =	ssyncset.done $0x0  }
0x156: {  	s15 =	rddreg [dreg:$0x18];
	[sflag:s5] =	ssyncadd.s32 $0xFFFFF800  }
0x157: {  	[spmem:s15] =	stream.linear.scatter [tilespmem:s13], [sflag:$0x4], $0x800, $0x38;
	[tilespmem:$0x1EB80] =	vst v63  }
0x158: {  	_ =	swait.ge [sflag:s5], $0x800  }
0x159: {  	[sflag:s5] =	ssyncset.done $0x0  }
0x15a: {  	s21 =	rddreg [dreg:$0x19];
	[sflag:s5] =	ssyncadd.s32 $0xFFFFF800  }
0x15b: {  	[spmem:s21] =	stream.linear.scatter [tilespmem:s13], [sflag:$0x4], $0x800, $0x38;
	[tilespmem:$0x1EB80] =	vst v63  }
0x15c: {  	_ =	swait.ge [sflag:s5], $0x800  }
0x15d: {  	[sflag:s5] =	ssyncset.done $0x0  }
0x15e: {  	[sflag:s5] =	ssyncadd.s32 $0xFFFFF800  }
0x15f: {  	[spmem:s3] =	stream.linear.scatter [tilespmem:s13], [sflag:$0x4], $0x400, $0x38;
	[tilespmem:$0x1EB80] =	vst v63  }
0x160: {  	_ =	swait.ge [sflag:s5], $0x400  }
0x161: {  	[sflag:s5] =	ssyncset.done $0x0  }
0x162: {  	s0 =	simm.s32 @!p0 $0x14700;
	[sflag:s5] =	ssyncadd.s32 $0xFFFFFC00  }
0x163: {  	[spmem:s30] =	stream.linear.scatter @!p0 [tilespmem:s0], [sflag:$0x4], $0x800, $0x38;
	[tilespmem:$0x1EB80] =	vst v63  }
0x164: {  	_ =	swait.ge @!p0 [sflag:s8], $0x800  }
0x165: {  	[sflag:s8] =	ssyncset.done @!p0 $0x0  }
0x166: {  	[sflag:s8] =	ssyncadd.s32 @!p0 $0xFFFFF800  }
0x167: {  	s0 =	simm.s32 @!p1 $0x7700;
	[bflag:$0x0] =	sbarrier.arrive $0xFFFF  }
0x168: {  	[tilespmem:s17], [sflag:$0x1] =	stream.indirect.gather @!p1 [hbm4b:s4+s16], $0x80, s0, s16, $0xb8;
	[tilespmem:$0x1EB80] =	vst v63  }
0x169: {  	_ =	swait.ge @!p1 [sflag:s18], $0x4000  }
0x16a: {  	[sflag:s18] =	ssyncset.done @!p1 $0x0  }
0x16b: {  	s0 =	simm.s32 @!p1 $0x9F00;
	[sflag:s18] =	ssyncadd.s32 @!p1 $0xFFFFC000  }
0x16c: {  	[spmem:s1] =	stream.indirect.scatter.add.f32 @!p1 [tilespmem:s17], [sflag:$0x2], $0x80, s0, s16, $0xb8;
	[tilespmem:$0x1EB80] =	vst v63  }
0x16d: {  	s0 =	simm.s32 @!p2 $0x7780  }
0x16e: {  	[tilespmem:s20], [sflag:$0x1] =	stream.indirect.gather @!p2 [hbm4b:s4+s19], $0x80, s0, s19, $0xb8;
	[tilespmem:$0x1EB80] =	vst v63  }
.Ltmp9:
0x16f: {  	_ = 	snop;
	(pc) =	sbr.rel @p1 .LBB2_15-.Ltmp9, $4  }
0x170: {  	_ =	swait.ge @!p2 [sflag:s22], $0x4000  }
0x171: {  	[sflag:s22] =	ssyncset.done @!p2 $0x0  }
0x172: {  	s28 =	smov.u32 s3;
	[sflag:s22] =	ssyncadd.s32 @!p2 $0xFFFFC000  }
0x173: {  	[spmem:s1] =	stream.indirect.scatter.add.f32 @!p2 [tilespmem:s20], [sflag:$0x3], $0x80, s24, s19, $0xb8;
	[tilespmem:$0x1EB80] =	vst v63  }
.Ltmp10:
0x174: {  	(pc) =	sbr.rel .LBB2_12-.Ltmp10, $2  }
0x175: {  	_ =	sdelay $0x2  }
0x176: {  	s8 =	simm.s32 $0x7800;
	s15 =	simm.s32 $0xA000;
	s16 =	simm.s32 $0x0  }
.LBB2_14:
0x177: {  	s16 =	sadd.s32 $0x1, s16  }
0x178: {  	p1 =	sne.s32 s14, s16  }
.Ltmp11:
0x179: {  	_ = 	snop;
	(pc) =	sbr.rel @!p1 .LBB2_15-.Ltmp11, $2  }
0x17a: {  	_ =	sdelay $0x2  }
0x17b: {  	s8 =	sadd.s32 $0x80, s8;
	s15 =	sadd.s32 $0x80, s15  }
.LBB2_12:
0x17c: {  	s17 =	sadd.s32 $0x2, s16  }
0x17d: {  	s0 =	sand.u32 $0x1, s17  }
0x17e: {  	p1 =	seq.s32 s0, $0x1  }
0x17f: {  	s18 =	simm.s32 @!p1 $0x2;
	p2 =	sge.u32 @!p1 s17, s14  }
0x180: {  	_ =	swait.ge @!p1 [sflag:s18], $0x4000;
	p2 =	por p2, p1  }
0x181: {  	[sflag:s18] =	ssyncset.done @!p1 $0x0;
	s19 =	simm.s32 @!p2 $0xC700  }
0x182: {  	s20 =	simm.s32 @!p2 $0x1;
	[sflag:s18] =	ssyncadd.s32 @!p1 $0xFFFFC000;
	s18 =	simm.s32 @!p2 $0x80  }
0x183: {  	[tilespmem:s19], [sflag:$0x1] =	stream.indirect.gather @!p2 [hbm4b:s4+s18], $0x80, s8, s18, $0xb8;
	[tilespmem:$0x1EB80] =	vst v63  }
0x184: {  	_ =	swait.ge @!p2 [sflag:s20], $0x4000  }
0x185: {  	[sflag:s20] =	ssyncset.done @!p2 $0x0  }
0x186: {  	[sflag:s20] =	ssyncadd.s32 @!p2 $0xFFFFC000  }
0x187: {  	[spmem:s1] =	stream.indirect.scatter.add.f32 @!p2 [tilespmem:s19], [sflag:$0x2], $0x80, s15, s18, $0xb8;
	[tilespmem:$0x1EB80] =	vst v63  }
0x188: {  	p2 =	seq.s32 @!p1 s0, $0x0  }
0x189: {  	p1 =	por p1, !p2  }
.Ltmp12:
0x18a: {  	_ = 	snop;
	(pc) =	sbr.rel @!p1 .LBB2_14-.Ltmp12, $1  }
0x18b: {  	_ =	sdelay $0x3  }
0x18c: {  	_ =	swait.ge [sflag:s10], $0x4000  }
0x18d: {  	p1 =	sge.u32 s17, s14;
	[sflag:s10] =	ssyncset.done $0x0  }
0x18e: {  	s0 =	simm.s32 @!p1 $0x80;
	s17 =	simm.s32 @!p1 $0x10700;
	[sflag:s10] =	ssyncadd.s32 $0xFFFFC000  }
0x18f: {  	[tilespmem:s17], [sflag:$0x1] =	stream.indirect.gather @!p1 [hbm4b:s4+s0], $0x80, s8, s0, $0xb8;
	[tilespmem:$0x1EB80] =	vst v63  }
.Ltmp13:
0x190: {  	s18 =	simm.s32 @!p1 $0x1;
	(pc) =	sbr.rel .LBB2_14-.Ltmp13, $4  }
0x191: {  	_ =	swait.ge @!p1 [sflag:s18], $0x4000  }
0x192: {  	[sflag:s18] =	ssyncset.done @!p1 $0x0  }
0x193: {  	[sflag:s18] =	ssyncadd.s32 @!p1 $0xFFFFC000  }
0x194: {  	[spmem:s1] =	stream.indirect.scatter.add.f32 @!p1 [tilespmem:s17], [sflag:$0x3], $0x80, s15, s0, $0xb8;
	[tilespmem:$0x1EB80] =	vst v63  }
.LBB2_16:
0x195: {  	_ =	sfence.sel $0x180000  }
0x196: {  	[bflag:$0x0] =	sbarrier.arrive $0xFFFF  }
0x197: {  	_ =	strace $0x9000004A  }
0x198: {  	[bflag:$0x2] =	sbarrier.arrive $0xFFFF  }
0x199: {  	s0 =	rddreg [dreg:$0x2]  }
0x19a: {  	s0 =	sadd.s32 @!p0 $0x100000, s0  }
0x19b: {  	[sflag:s0] =	ssyncadd.tile.s32 @!p0 $0x1;
	_ =	shalt  }
.Lfunc_end2:
_tile_overlayer_lowered:
.L_overlay_start_2:
0x19c: {  	(tag) =	ssettag $0x2  }
0x19d: {  	s0 =	rddreg [dreg:$0x0];
	s2 =	stileid.u32  }
0x19e: {  	s1 =	rddreg [dreg:$0x1];
	p0 =	sne.s32 s2, $0x0  }
0x19f: {  	s3 =	rddreg [dreg:$0x2];
	[bflag:$0x3] =	sbarrier.arrive $0xFFFF;
	s2 =	simm.s32 @!p0 $0x1C04  }
0x1a0: {  	[timem:s3], [sflag:s2] =	dma.local @!p0 [hbm:s0], s1  }
0x1a1: {  	s0 =	simm.s32 @!p0 $0x4  }
0x1a2: {  	_ =	swait.ge @!p0 [sflag:s0], s1  }
0x1a3: {  	s1 =	ssub.s32 @!p0 $0x0, s1;
	[sflag:s0] =	ssyncset.done @!p0 $0x0  }
0x1a4: {  	[sflag:s0] =	ssyncadd.s32 @!p0 s1  }
0x1a5: {  	[bflag:$0x3] =	sbarrier.arrive $0xFFFF  }
0x1a6: {  	_ =	shalt  }

// kernel: kernel.15.cloned.1.call-start
scs
__scs_entry_jumppad:
0x0: {  	(pc) =	sbr.rel $0x88, $3  }
0x1: {  	(tag) =	ssettag $0x0;
	lr =	simm.s32 $0x1  }
0x2: {  	[smem:$0x3F9D] =	sst lr;
	_ =	strace $0xD0000000  }
0x3: {  	_ = 	snop  }
0x4: {  	_ = 	snop  }
0x5: {  	_ = 	snop  }
0x6: {  	_ = 	snop  }
0x7: {  	_ = 	snop  }
__scs_overlays_trampoline_lowered:
0x8: {  	[smem:$0x3FAC] =	sst s0  }
0x9: {  	[smem:$0x3FAD] =	sst s1  }
0xa: {  	[smem:$0x3FAE] =	sst s2  }
0xb: {  	[smem:$0x3FAF] =	sst s3  }
0xc: {  	[smem:$0x3FB0] =	sst s4  }
0xd: {  	[smem:$0x3FB1] =	sst s5  }
0xe: {  	[smem:$0x3FB2] =	sst s6  }
0xf: {  	[smem:$0x3FB3] =	sst s7  }
0x10: {  	[smem:$0x3FB4] =	sst s8  }
0x11: {  	[smem:$0x3FB5] =	sst s9;
	s0 =	simm.s32 @!p0 $0x0  }
0x12: {  	s1 =	sld [smem:$0x3F9B];
	s0 =	simm.s32 @p0 $0x1  }
0x13: {  	[smem:$0x3FB6] =	sst s0;
	s0 =	simm.s32 @!p1 $0x0  }
0x14: {  	s2 =	sld [smem:$0x3F9A];
	s0 =	simm.s32 @p1 $0x1  }
0x15: {  	[smem:$0x3FB7] =	sst s0;
	s0 =	simm.s32 @!p2 $0x0  }
0x16: {  	s3 =	sld [smem:$0x3FDB];
	s0 =	simm.s32 @p2 $0x1  }
0x17: {  	s4 =	simm.s32 $0x1BF5;
	[smem:$0x3FB9] =	sst s0  }
0x18: {  	s0 =	sld [smem:$0x3F9C];
	_ =	swait.ge [sflag:s4], $0x0  }
0x19: {  	s7 =	sld [smem:$0x3F9D]  }
0x1a: {  	s8 =	sadd.s32 $0xFFFFE003, lr  }
0x1b: {  	s9 =	sadd.s32 $0xFFFFFEF7, lr;
	s5 =	simm.s32 $0xFFFFFFFF;
	p2 =	slt.u32 s8, $0xFFFFF086  }
0x1c: {  	p1 =	slt.u32 s9, $0xF7A;
	s5 =	simm.s32 @!p2 $0x0  }
0x1d: {  	s5 =	simm.s32 @p1 $0x1;
	p0 =	seq.s32 s7, s2  }
0x1e: {  	s7 =	smul.u32 @!p0 $0xF7A, s2;
	p2 =	seq.s32 @!p0 s5, $0x0  }
0x1f: {  	s9 =	smul.u32 $0xF7A, s1;
	s8 =	simm.s32 @!p0 $0x1BF5;
	p2 =	por !p2, p0  }
0x20: {  	[sflag:s8] =	ssyncset.s32 @!p0 $0xFFFFF086;
	s6 =	sadd.s32 @!p0 s3, s7;
	s7 =	simm.s32 @!p0 $0x108  }
0x21: {  	s3 =	sadd.s32 s3, s9;
	s6 =	sadd.s32 @!p0 $0x88, s6;
	s7 =	simm.s32 @p2 $0x1082  }
0x22: {  	[simem:s7], [sflag:s8] =	dma.local @!p0 [hbm:s6], $0xF7A  }
0x23: {  	s9 =	sor.u32 $0xD0000000, s2;
	s6 =	simm.s32 $0x108;
	_ =	swait.ge @!p0 [sflag:s8], $0x0  }
0x24: {  	s3 =	sadd.s32 $0x88, s3;
	s6 =	simm.s32 @!p1 $0x1082;
	[sflag:s4] =	ssyncset.s32 $0xFFFFF086  }
0x25: {  	[simem:s6], [sflag:s4] =	dma.local [hbm:s3], $0xF7A  }
0x26: {  	[smem:$0x3F9D] =	sst s1;
	(tag) =	ssettag s2;
	_ =	strace s9  }
0x27: {  	s1 =	sld [smem:$0x3FAD]  }
0x28: {  	s2 =	sld [smem:$0x3FAE]  }
0x29: {  	s4 =	sld [smem:$0x3FB0]  }
0x2a: {  	p0 =	seq.s32 s5, $0x0;
	s5 =	sld [smem:$0x3FB1]  }
0x2b: {  	s6 =	sld [smem:$0x3FB2]  }
0x2c: {  	s7 =	sld [smem:$0x3FB3]  }
0x2d: {  	s3 =	simm.s32 $0x108;
	s8 =	sld [smem:$0x3FB4]  }
0x2e: {  	s3 =	simm.s32 @!p0 $0x1082;
	s9 =	sld [smem:$0x3FB5]  }
0x2f: {  	lr =	sadd.s32 s0, s3;
	s0 =	sld [smem:$0x3FAC]  }
0x30: {  	s3 =	sld [smem:$0x3FAF]  }
0x31: {  	[smem:$0x3FB8] =	sst s10  }
0x32: {  	s10 =	sld [smem:$0x3FB6];
	_ =	sdelay $0x3  }
0x33: {  	p0 =	seq.s32 s10, $0x1;
	s10 =	sld [smem:$0x3FB8];
	_ =	sdelay $0x3  }
0x34: {  	[smem:$0x3FB8] =	sst s10  }
0x35: {  	s10 =	sld [smem:$0x3FB7];
	_ =	sdelay $0x3  }
0x36: {  	p1 =	seq.s32 s10, $0x1;
	s10 =	sld [smem:$0x3FB8];
	_ =	sdelay $0x3  }
0x37: {  	[smem:$0x3FB8] =	sst s10  }
0x38: {  	s10 =	sld [smem:$0x3FB9]  }
0x39: {  	_ = 	snop;
	(pc) =	sbr.ind lr, $3  }
0x3a: {  	_ = 	snop  }
0x3b: {  	_ = 	snop  }
0x3c: {  	p2 =	seq.s32 s10, $0x1;
	s10 =	sld [smem:$0x3FB8]  }
0x3d: {  	_ =	shalt  }
0x3e: {  	_ =	shalt  }
0x3f: {  	_ =	shalt  }
0x40: {  	_ =	shalt  }
0x41: {  	_ =	shalt  }
0x42: {  	_ =	shalt  }
0x43: {  	_ =	shalt  }
0x44: {  	_ =	shalt  }
0x45: {  	_ =	shalt  }
0x46: {  	_ =	shalt  }
0x47: {  	_ =	shalt  }
0x48: {  	_ =	shalt  }
0x49: {  	_ =	shalt  }
0x4a: {  	_ =	shalt  }
0x4b: {  	_ =	shalt  }
0x4c: {  	_ =	shalt  }
0x4d: {  	_ =	shalt  }
0x4e: {  	_ =	shalt  }
0x4f: {  	_ =	shalt  }
0x50: {  	_ =	shalt  }
0x51: {  	_ =	shalt  }
0x52: {  	_ =	shalt  }
0x53: {  	_ =	shalt  }
0x54: {  	_ =	shalt  }
0x55: {  	_ =	shalt  }
0x56: {  	_ =	shalt  }
0x57: {  	_ =	shalt  }
0x58: {  	_ =	shalt  }
0x59: {  	_ =	shalt  }
0x5a: {  	_ =	shalt  }
0x5b: {  	_ =	shalt  }
0x5c: {  	_ =	shalt  }
0x5d: {  	_ =	shalt  }
0x5e: {  	_ =	shalt  }
0x5f: {  	_ =	shalt  }
0x60: {  	_ =	shalt  }
0x61: {  	_ =	shalt  }
0x62: {  	_ =	shalt  }
0x63: {  	_ =	shalt  }
0x64: {  	_ =	shalt  }
0x65: {  	_ =	shalt  }
0x66: {  	_ =	shalt  }
0x67: {  	_ =	shalt  }
0x68: {  	_ =	shalt  }
0x69: {  	_ =	shalt  }
0x6a: {  	_ =	shalt  }
0x6b: {  	_ =	shalt  }
0x6c: {  	_ =	shalt  }
0x6d: {  	_ =	shalt  }
0x6e: {  	_ =	shalt  }
0x6f: {  	_ =	shalt  }
0x70: {  	_ =	shalt  }
0x71: {  	_ =	shalt  }
0x72: {  	_ =	shalt  }
0x73: {  	_ =	shalt  }
0x74: {  	_ =	shalt  }
0x75: {  	_ =	shalt  }
0x76: {  	_ =	shalt  }
0x77: {  	_ =	shalt  }
0x78: {  	_ =	shalt  }
0x79: {  	_ =	shalt  }
0x7a: {  	_ =	shalt  }
0x7b: {  	_ =	shalt  }
0x7c: {  	_ =	shalt  }
0x7d: {  	_ =	shalt  }
0x7e: {  	_ =	shalt  }
0x7f: {  	_ =	shalt  }
0x80: {  	_ =	shalt  }
0x81: {  	_ =	shalt  }
0x82: {  	_ =	shalt  }
0x83: {  	_ =	shalt  }
0x84: {  	_ =	shalt  }
0x85: {  	_ =	shalt  }
0x86: {  	_ =	shalt  }
0x87: {  	_ =	shalt  }
.Lfunc_end0:
.L_simem_size_0:
called_computation.2_lowered:
.L_overlay_start_0:
0x88: {  	s2 =	sld [smem:$0x3FD9]  }
0x89: {  	s3 =	sld [smem:$0x3FFE];
	_ =	sdelay $0x1  }
0x8a: {  	s1 =	srdreg.scid  }
0x8b: {  	s0 =	sand.u32 $0x1, s1  }
0x8c: {  	s16 =	sshll.u32 s0, $0xA;
	s2 =	sadd.s32 s3, s2  }
0x8d: {  	s2 =	sadd.s32 s2, s16  }
0x8e: {  	[smem:$0x3FC4] =	sst s2  }
0x8f: {  	_ = 	snop  }
0x90: {  	(tm) =	ssettm $0x1  }
0x91: {  	s17 =	sld [smem:$0x3FFB];
	_ =	sdelay $0x3  }
0x92: {  	_ =	strace s17  }
0x93: {  	s2 =	sld [smem:$0x3FFC];
	_ =	sdelay $0x3  }
0x94: {  	_ =	strace s2  }
0x95: {  	s2 =	sld [smem:$0x3FFD];
	_ =	sdelay $0x3  }
0x96: {  	_ =	strace s2  }
0x97: {  	_ =	strace $0x8FFFFFFF  }
0x98: {  	s18 =	sld [smem:$0x3FDB];
	_ =	sdelay $0x1  }
0x99: {  	s19 =	simm.s32 $_scs_section_size  }
0x9a: {  	s4 =	simm.s32 $_size__tile_overlayer_lowered;
	s5 =	simm.s32 $_tile_overlayer_lowered  }
0x9b: {  	s22 =	simm.s32 $0x1BFF;
	s21 =	sshll.u32 s5, $0x1;
	s2 =	sadd.s32 s19, s18  }
0x9c: {  	s6 =	simm.s32 $0x0;
	s20 =	sshll.u32 s4, $0x1;
	s4 =	sadd.s32 s21, s2  }
0x9d: {  	[timem:s6], [sflag:s22] =	dma.local [hbm:s4], s20  }
0x9e: {  	_ =	swait.ge [sflag:s22], s20  }
0x9f: {  	s3 =	ssub.s32 $0x0, s20;
	[sflag:s22] =	ssyncset.done $0x0  }
0xa0: {  	[sflag:s22] =	ssyncadd.s32 s3;
	_ =	sdelay $0x1  }
0xa1: {  	s23 =	simm.s32 $0x1B8B  }
0xa2: {  	_ =	swait.ge [sflag:s23], $0x1  }
0xa3: {  	[sflag:s23] =	ssyncset.done $0x0  }
0xa4: {  	s25 =	simm.s32 $0x1B8E;
	s24 =	sld [smem:$0x3FFE];
	[sflag:s23] =	ssyncadd.s32 $0xFFFFFFFF  }
0xa5: {  	s26 =	simm.s32 $execute0_lowered;
	[smem:$0x3FD2] =	sst s25  }
0xa6: {  	s4 =	sshll.u32 s26, $0x1;
	_ =	strace $0x8000004C;
	[dreg:$0x1] =	wrdreg $0xFFFFFFFF  }
0xa7: {  	s28 =	simm.s32 $_size_execute0_lowered;
	s2 =	sadd.s32 s2, s4;
	[dreg:$0x0] =	wrdreg $0x0  }
0xa8: {  	s4 =	sshll.u32 s28, $0x1;
	[dreg:$0x2] =	wrdreg s2  }
0xa9: {  	[dreg:$0x3] =	wrdreg s4  }
0xaa: {  	[dreg:$0x4] =	wrdreg $0xC0  }
0xab: {  	_ =	task [dreg:s6], $0x5FFFF  }
0xac: {  	[dreg:$0x1] =	wrdreg $0xFFFFFFFF  }
0xad: {  	[dreg:$0x0] =	wrdreg $0x60  }
0xae: {  	[dreg:$0x2] =	wrdreg s24  }
0xaf: {  	[dreg:$0x3] =	wrdreg $0x14F000  }
0xb0: {  	[dreg:$0x4] =	wrdreg $0x9  }
0xb1: {  	_ =	task.clear_ibuf [dreg:s6], $0x5FFFF;
	_ =	strace $0x9000004C  }
0xb2: {  	s29 =	simm.s32 $0x9;
	_ =	strace $0x8000004E  }
0xb3: {  	_ =	swait.ge [sflag:s29], $0x1  }
0xb4: {  	[sflag:s29] =	ssyncadd.s32 $0xFFFFFFFF  }
0xb5: {  	_ =	strace $0x9000004E  }
0xb6: {  	_ =	sfence  }
0xb7: {  	s30 =	sld [smem:$0x0];
	_ =	sdelay $0x2  }
0xb8: {  	s31 =	sshll.u32 s1, $0xD;
	s1 =	sshrl.u32 s1, $0x2  }
0xb9: {  	s3 =	sand.u32 $0x4000, s31;
	s1 =	sadd.s32 s1, s30  }
0xba: {  	s0 =	sor.u32 s3, s0;
	s1 =	sshll.u32 s1, $0x11  }
0xbb: {  	s0 =	sor.u32 s1, s0  }
0xbc: {  	s0 =	sadd.s32 $0x8F2B, s0  }
0xbd: {  	[sflag:s0] =	ssyncadd.remote.s32 $0x1  }
0xbe: {  	_ =	sfence.sel $0xFFFF  }
0xbf: {  	[dreg:$0x0] =	wrdreg $0xFFFFFFFF;
	(pc) =	sbr.abs _section_cstart, $3  }
0xc0: {  	[dreg:$0x1] =	wrdreg $0xFFFFFFFF  }
0xc1: {  	_ =	task.clear_ibuf [dreg:s6], $0x2FFFF;
	_ =	strace $0x9FFFFFFF  }
0xc2: {  	(tm) =	ssettm $0x7FFFFFFF  }
0xc3: {  	_ =	shalt  }
tec
execute0_lowered:
.L_overlay_start_1:
0x0: {  	(tag) =	ssettag $0x1  }
0x1: {  	s0 =	rddreg [dreg:$0x0]  }
0x2: {  	s1 =	rddreg [dreg:$0x1];
	s11 =	stileid.u32  }
0x3: {  	s2 =	simm.s32 $0x0;
	s3 =	srdreg.scid;
	s5 =	smul.u32 $0x4E2, s11  }
0x4: {  	[smem:$0x7FF] =	sst s2;
	s9 =	smul.u32 $0x27000, s11  }
0x5: {  	s3 =	sand.u32 $0x1, s3;
	s10 =	smul.u32 $0x138, s11;
	_ =	strace $0x8000004D  }
0x6: {  	s6 =	ssub.s32 $0x2, s3;
	s8 =	smul.u32 $0x1388, s3;
	s5 =	sadd.s32 s5, s0  }
0x7: {  	s7 =	sshrl.u32 s6, $0x1;
	s25 =	sshrl.u32 s9, $0x2;
	s24 =	sadd.s32 $0x6E00, s5  }
0x8: {  	s6 =	ssub.s32 s6, s7;
	s5 =	sadd.s32 $0x1E00, s5;
	[dreg:$0x3] =	wrdreg s24  }
0x9: {  	s31 =	sadd.s32 s25, s1;
	[dreg:$0x4] =	wrdreg s5;
	s9 =	smax.u32 s6, $0x1  }
0xa: {  	s26 =	sadd.s32 s10, s8;
	s10 =	sadd.s32 $0x1800, s31;
	[dreg:$0x9] =	wrdreg s9  }
0xb: {  	s12 =	sadd.s32 $0x2000, s31;
	[dreg:$0xa] =	wrdreg s10  }
0xc: {  	s13 =	sadd.s32 $0x2800, s31;
	[dreg:$0xb] =	wrdreg s12  }
0xd: {  	s14 =	sadd.s32 $0x3000, s31;
	[dreg:$0xc] =	wrdreg s13  }
0xe: {  	s4 =	sadd.s32 $0xBE00, s0;
	s15 =	sadd.s32 $0x3800, s31;
	[dreg:$0xd] =	wrdreg s14  }
0xf: {  	s30 =	sadd.s32 $0x9C000, s1;
	s16 =	sadd.s32 $0x4000, s31;
	[dreg:$0xe] =	wrdreg s15  }
0x10: {  	p0 =	sne.s32 s11, $0x0;
	s17 =	sadd.s32 $0x4800, s31;
	[dreg:$0xf] =	wrdreg s16  }
0x11: {  	s11 =	simm.s32 $0x7700;
	s18 =	sadd.s32 $0x5000, s31;
	[dreg:$0x10] =	wrdreg s17  }
0x12: {  	s3 =	smul.u32 $0x138800, s3;
	s19 =	sadd.s32 $0x5800, s31;
	[dreg:$0x11] =	wrdreg s18  }
0x13: {  	s0 =	sadd.s32 $0x5A000, s0;
	s20 =	sadd.s32 $0x6000, s31;
	[dreg:$0x12] =	wrdreg s19  }
0x14: {  	s3 =	sshrl.u32 s3, $0x3;
	s21 =	sadd.s32 $0x6800, s31;
	[dreg:$0x13] =	wrdreg s20  }
0x15: {  	v0 =	vlaneseq.u32;
	s28 =	sadd.s32 $0x9800, s31;
	s22 =	sadd.s32 $0x7000, s31;
	[dreg:$0x14] =	wrdreg s21  }
0x16: {  	v3 =	vimm.f32 $0.0e+00;
	v4 =	vimm.s32 $0x0;
	v1 =	vmul.u32 $0x2, v0;
	s5 =	sshll.u32 s26, $0x5;
	s23 =	sadd.s32 $0x7800, s31;
	[dreg:$0x15] =	wrdreg s22  }
0x17: {  	v6 =	vor.u32 $0x1388, v0;
	v7 =	vor.u32 $0x10, v0;
	v10 =	vor.u32 $0x20, v0;
	s29 =	sadd.s32 $0x800, s31;
	s24 =	sadd.s32 $0x8000, s31;
	[dreg:$0x16] =	wrdreg s23  }
0x18: {  	v13 =	vor.u32 $0x30, v0;
	v16 =	vor.u32 $0x40, v0;
	v19 =	vor.u32 $0x50, v0;
	s25 =	sadd.s32 $0x8800, s31;
	s26 =	sadd.s32 $0x9000, s31;
	[dreg:$0x17] =	wrdreg s24  }
0x19: {  	v22 =	vor.u32 $0x60, v0;
	v25 =	vor.u32 $0x70, v0;
	v5 =	vor.u32 $0x1, v1;
	s6 =	simm.s32 $0x4F00;
	s5 =	sadd.s32 s0, s5;
	[dreg:$0x18] =	wrdreg s25  }
.Ltmp0:
0x1a: {  	v8 =	vor.u32 $0x20, v1;
	v9 =	vor.u32 $0x21, v1;
	v11 =	vor.u32 $0x40, v1;
	s0 =	sadd.s32 s0, s3;
	[dreg:$0x19] =	wrdreg s26;
	(pc) =	sbr.rel .LBB2_1-.Ltmp0, $4  }
0x1b: {  	v12 =	vor.u32 $0x41, v1;
	v14 =	vor.u32 $0x60, v1;
	v15 =	vor.u32 $0x61, v1;
	s12 =	simm.s32 $0x9F00;
	s3 =	sadd.s32 $0x27000, s0;
	[dreg:$0x5] =	wrdreg s5  }
0x1c: {  	v17 =	vor.u32 $0x80, v1;
	v18 =	vor.u32 $0x81, v1;
	v20 =	vor.u32 $0xA0, v1;
	s13 =	simm.s32 $0x14700;
	s7 =	sadd.s32 $0x80, s5;
	[dreg:$0x6] =	wrdreg s3  }
0x1d: {  	v21 =	vor.u32 $0xA1, v1;
	v23 =	vor.u32 $0xC0, v1;
	v24 =	vor.u32 $0xC1, v1;
	s10 =	simm.s32 $0x3;
	s0 =	sadd.s32 $0x27080, s0;
	[dreg:$0x7] =	wrdreg s7  }
0x1e: {  	v26 =	vor.u32 $0xE0, v1;
	v27 =	vor.u32 $0xE1, v1;
	v2 =	vmov s8;
	s5 =	simm.s32 $0x4;
	[dreg:$0x8] =	wrdreg s0;
	s7 =	sadd.s32 $0x1000, s31  }
.LBB2_15:
0x1f: {  	[bflag:$0x0] =	sbarrier.arrive $0xFFFF;
	s3 =	simm.s32 $0x8  }
0x20: {  	s8 =	simm.s32 $0x100;
	s9 =	simm.s32 $0x80;
	s0 =	rddreg [dreg:$0x7]  }
0x21: {  	[hbm:s0@s8], [sflag:s23] =	dma.strided [spmem:s25@s9], $0x1380, s3, $0x10   }
0x22: {  	_ =	swait.ge [sflag:s5], $0x1380  }
0x23: {  	[sflag:s5] =	ssyncset.done $0x0  }
0x24: {  	s0 =	rddreg [dreg:$0x8];
	[sflag:s5] =	ssyncadd.s32 $0xFFFFEC80  }
0x25: {  	[hbm:s0], [sflag:s23] =	dma.local @!p0 [spmem:s26], $0x80  }
0x26: {  	s0 =	simm.s32 @!p0 $0x4  }
0x27: {  	_ =	swait.ge @!p0 [sflag:s0], $0x80  }
0x28: {  	s2 =	sadd.s32 $0x1, s2;
	s26 =	rddreg [dreg:$0x9]  }
0x29: {  	p1 =	sne.s32 s2, s26  }
.Ltmp1:
0x2a: {  	_ = 	snop;
	(pc) =	sbr.rel @!p1 .LBB2_16-.Ltmp1, $3  }
0x2b: {  	_ =	sdelay $0x1  }
0x2c: {  	[sflag:s0] =	ssyncset.done @!p0 $0x0  }
0x2d: {  	[sflag:s0] =	ssyncadd.s32 @!p0 $0xFFFFFF80  }
.LBB2_1:
0x2e: {  	s8 =	simm.s32 $0x0;
	s14 =	simm.s32 $0x200  }
.LBB2_2:
0x2f: {  	p1 =	sne.s32 s14, $0x1E00;
	[tilespmem:s8+$0x14770] =	vst v3  }
0x30: {  	[tilespmem:s8+$0x14700] =	vst v3  }
0x31: {  	[tilespmem:s8+$0x14710] =	vst v3  }
.Ltmp2:
0x32: {  	[tilespmem:s8+$0x14720] =	vst v3;
	(pc) =	sbr.rel @p1 .LBB2_2-.Ltmp2, $4  }
0x33: {  	[tilespmem:s8+$0x14730] =	vst v3  }
0x34: {  	[tilespmem:s8+$0x14740] =	vst v3  }
0x35: {  	[tilespmem:s8+$0x14750] =	vst v3  }
0x36: {  	[tilespmem:s8+$0x14760] =	vst v3;
	s8 =	sshra.s32 s14, $0x2;
	s14 =	sadd.s32 $0x200, s14  }
0x37: {  	[tilespmem:s8+$0x14770] =	vst v3  }
0x38: {  	[tilespmem:s8+$0x14700] =	vst v3  }
0x39: {  	[tilespmem:s8+$0x14710] =	vst v3  }
0x3a: {  	[tilespmem:s8+$0x14720] =	vst v3  }
0x3b: {  	[tilespmem:s8+$0x14730] =	vst v3  }
0x3c: {  	[tilespmem:s8+$0x14740] =	vst v3  }
0x3d: {  	[tilespmem:s8+$0x14750] =	vst v3  }
0x3e: {  	[tilespmem:s8+$0x14760] =	vst v3;
	s8 =	simm.s32 $0x0;
	s0 =	rddreg [dreg:$0x3]  }
0x3f: {  	[tilespmem:s8], [sflag:$0x4] =	stream.linear.gather [hbm4b:s0+s8], $0x2710, $0x38;
	[tilespmem:$0x1EB80] =	vst v63  }
0x40: {  	_ =	swait.ge [sflag:s5], $0x2710  }
0x41: {  	[sflag:s5] =	ssyncset.done $0x0  }
0x42: {  	s3 =	simm.s32 $0x2780;
	s26 =	rddreg [dreg:$0x4];
	[sflag:s5] =	ssyncadd.s32 $0xFFFFD8F0  }
0x43: {  	[tilespmem:s3], [sflag:$0x4] =	stream.linear.gather [hbm4b:s26+s8], $0x2710, $0x38;
	[tilespmem:$0x1EB80] =	vst v63  }
0x44: {  	_ =	swait.ge [sflag:s5], $0x2710  }
0x45: {  	[sflag:s5] =	ssyncset.done $0x0  }
0x46: {  	s14 =	simm.s32 $0x0;
	[sflag:s5] =	ssyncadd.s32 $0xFFFFD8F0  }
0x47: {  	v28 =	vld [tilespmem:s14+$0x2780];
	_ =	sdelay $0x4  }
0x48: {  	v28 =	vsub.s32 v28, v2  }
0x49: {  	vm0 =	vlt.u32 v28, $0x1388  }
0x4a: {  	v29 =	vsel vm0, $0x1, v4  }
0x4b: {  	(xrf0) =	vadd.scan.msk.s32 $0xffff, v29;
	_ =	sdelay $0x2  }
0x4c: {  	v29 =	vmov s8  }
0x4d: {  	v29 =	vadd.s32 $0xFFFFFFFF, v29  }
0x4e: {  	v29 =	vbroadcast v29, $0x0  }
0x4f: {  	v30 =	vld [tilespmem:s14+$0x0];
	v31, _, _ =	vpop (xrf0)  }
0x50: {  	v29 =	vadd.s32 v31, v29;
	(v2sf) =	vpush v31, $0xF;
	_ =	sdelay $0x3  }
0x51: {  	v30 =	vshll.u32 v30, $0x1  }
0x52: {  	[tilespmem:v29+s6+$0x0] =	vst.idx.msk vm0, v30;
	v30 =	vor.u32 $0x1, v30  }
0x53: {  	s14 =	simm.s32 $0x40;
	[tilespmem:v29+s11+$0x0] =	vst.idx.msk vm0, v30  }
.LBB2_4:
0x54: {  	s15 =	sshra.s32 s14, $0x2;
	p1 =	sne.s32 s14, $0x9C00;
	[tilespmem:v29+s12+$0x0] =	vst.idx.msk vm0, v28  }
0x55: {  	v28 =	vld [tilespmem:s15+$0x2780]  }
0x56: {  	v30 =	vld [tilespmem:s15+$0x0];
	_ =	sdelay $0x3  }
0x57: {  	v28 =	vsub.s32 v28, v2  }
0x58: {  	vm0 =	vlt.u32 v28, $0x1388  }
0x59: {  	v29 =	vsel vm0, $0x1, v4;
	s15 =	spop (v2sf)  }
0x5a: {  	(xrf0) =	vadd.scan.msk.s32 $0xffff, v29;
	s8 =	sadd.s32 s8, s15  }
0x5b: {  	v29 =	vmov s8;
	[smem:$0x0] =	sst s8  }
0x5c: {  	v29 =	vadd.s32 $0xFFFFFFFF, v29  }
0x5d: {  	v29 =	vbroadcast v29, $0x0;
	_ =	sdelay $0x2  }
0x5e: {  	v31, _, _ =	vpop (xrf0)  }
0x5f: {  	v29 =	vadd.s32 v31, v29;
	(v2sf) =	vpush v31, $0xF;
	_ =	sdelay $0x1  }
.Ltmp3:
0x60: {  	(pc) =	sbr.rel @p1 .LBB2_4-.Ltmp3, $4  }
0x61: {  	_ = 	snop  }
0x62: {  	v30 =	vshll.u32 v30, $0x1  }
0x63: {  	[tilespmem:v29+s6+$0x0] =	vst.idx.msk vm0, v30;
	v30 =	vor.u32 $0x1, v30  }
0x64: {  	s14 =	sadd.s32 $0x40, s14;
	[tilespmem:v29+s11+$0x0] =	vst.idx.msk vm0, v30  }
0x65: {  	_ =	sdelay $0x7  }
0x66: {  	s14 =	spop (v2sf)  }
0x67: {  	s14 =	sadd.s32 s8, s14  }
0x68: {  	v30 =	vadd.s32 s14, v0;
	_ =	sdelay $0x2  }
0x69: {  	v31 =	vadd.s32 s14, v7  }
0x6a: {  	[tilespmem:v29+s12+$0x0] =	vst.idx.msk vm0, v28  }
0x6b: {  	[tilespmem:v30+s6+$0x0] =	vst.idx.msk $0xffff, v1  }
0x6c: {  	v28 =	vadd.s32 s14, v10;
	[tilespmem:v30+s11+$0x0] =	vst.idx.msk $0xffff, v5  }
0x6d: {  	[tilespmem:v30+s12+$0x0] =	vst.idx.msk $0xffff, v6  }
0x6e: {  	[tilespmem:v31+s6+$0x0] =	vst.idx.msk $0xffff, v8  }
0x6f: {  	v29 =	vadd.s32 s14, v13;
	[tilespmem:v31+s11+$0x0] =	vst.idx.msk $0xffff, v9  }
0x70: {  	[tilespmem:v31+s12+$0x0] =	vst.idx.msk $0xffff, v6  }
0x71: {  	[tilespmem:v28+s6+$0x0] =	vst.idx.msk $0xffff, v11  }
0x72: {  	v62 =	vadd.s32 s14, v16;
	[tilespmem:v28+s11+$0x0] =	vst.idx.msk $0xffff, v12  }
0x73: {  	[tilespmem:v28+s12+$0x0] =	vst.idx.msk $0xffff, v6  }
0x74: {  	[tilespmem:v29+s6+$0x0] =	vst.idx.msk $0xffff, v14  }
0x75: {  	v28 =	vadd.s32 s14, v19;
	[tilespmem:v29+s11+$0x0] =	vst.idx.msk $0xffff, v15  }
0x76: {  	[tilespmem:v29+s12+$0x0] =	vst.idx.msk $0xffff, v6  }
0x77: {  	[tilespmem:v62+s6+$0x0] =	vst.idx.msk $0xffff, v17  }
0x78: {  	v29 =	vadd.s32 s14, v22;
	[tilespmem:v62+s11+$0x0] =	vst.idx.msk $0xffff, v18  }
0x79: {  	[tilespmem:v62+s12+$0x0] =	vst.idx.msk $0xffff, v6  }
0x7a: {  	[tilespmem:v28+s6+$0x0] =	vst.idx.msk $0xffff, v20  }
0x7b: {  	v63 =	vadd.s32 s14, v25;
	[tilespmem:v28+s11+$0x0] =	vst.idx.msk $0xffff, v21  }
0x7c: {  	[tilespmem:v28+s12+$0x0] =	vst.idx.msk $0xffff, v6  }
0x7d: {  	[tilespmem:v29+s6+$0x0] =	vst.idx.msk $0xffff, v23  }
0x7e: {  	[tilespmem:v29+s11+$0x0] =	vst.idx.msk $0xffff, v24  }
0x7f: {  	[tilespmem:v29+s12+$0x0] =	vst.idx.msk $0xffff, v6  }
0x80: {  	[tilespmem:v63+s6+$0x0] =	vst.idx.msk $0xffff, v26  }
0x81: {  	[tilespmem:v63+s11+$0x0] =	vst.idx.msk $0xffff, v27  }
0x82: {  	[smem:$0x0] =	sst s14;
	[tilespmem:v63+s12+$0x0] =	vst.idx.msk $0xffff, v6  }
0x83: {  	[spmem:s31] =	stream.linear.scatter [tilespmem:s13], [sflag:$0x4], $0x800, $0x38;
	[tilespmem:$0x1EB80] =	vst v63  }
0x84: {  	_ =	swait.ge [sflag:s5], $0x800  }
0x85: {  	[sflag:s5] =	ssyncset.done $0x0  }
0x86: {  	[sflag:s5] =	ssyncadd.s32 $0xFFFFF800  }
0x87: {  	[spmem:s29] =	stream.linear.scatter [tilespmem:s13], [sflag:$0x4], $0x800, $0x38;
	[tilespmem:$0x1EB80] =	vst v63  }
0x88: {  	_ =	swait.ge [sflag:s5], $0x800  }
0x89: {  	[sflag:s5] =	ssyncset.done $0x0  }
0x8a: {  	[sflag:s5] =	ssyncadd.s32 $0xFFFFF800  }
0x8b: {  	[spmem:s7] =	stream.linear.scatter [tilespmem:s13], [sflag:$0x4], $0x800, $0x38;
	[tilespmem:$0x1EB80] =	vst v63  }
0x8c: {  	_ =	swait.ge [sflag:s5], $0x800  }
0x8d: {  	[sflag:s5] =	ssyncset.done $0x0  }
0x8e: {  	s0 =	rddreg [dreg:$0xa];
	[sflag:s5] =	ssyncadd.s32 $0xFFFFF800  }
0x8f: {  	[spmem:s0] =	stream.linear.scatter [tilespmem:s13], [sflag:$0x4], $0x800, $0x38;
	[tilespmem:$0x1EB80] =	vst v63  }
0x90: {  	_ =	swait.ge [sflag:s5], $0x800  }
0x91: {  	[sflag:s5] =	ssyncset.done $0x0  }
0x92: {  	s3 =	rddreg [dreg:$0xb];
	[sflag:s5] =	ssyncadd.s32 $0xFFFFF800  }
0x93: {  	[spmem:s3] =	stream.linear.scatter [tilespmem:s13], [sflag:$0x4], $0x800, $0x38;
	[tilespmem:$0x1EB80] =	vst v63  }
0x94: {  	_ =	swait.ge [sflag:s5], $0x800  }
0x95: {  	[sflag:s5] =	ssyncset.done $0x0  }
0x96: {  	s21 =	smov.u32 s7;
	s7 =	rddreg [dreg:$0xc];
	[sflag:s5] =	ssyncadd.s32 $0xFFFFF800  }
0x97: {  	[spmem:s7] =	stream.linear.scatter [tilespmem:s13], [sflag:$0x4], $0x800, $0x38;
	[tilespmem:$0x1EB80] =	vst v63  }
0x98: {  	_ =	swait.ge [sflag:s5], $0x800  }
0x99: {  	[sflag:s5] =	ssyncset.done $0x0  }
0x9a: {  	s8 =	rddreg [dreg:$0xd];
	[sflag:s5] =	ssyncadd.s32 $0xFFFFF800  }
0x9b: {  	[spmem:s8] =	stream.linear.scatter [tilespmem:s13], [sflag:$0x4], $0x800, $0x38;
	[tilespmem:$0x1EB80] =	vst v63  }
0x9c: {  	_ =	swait.ge [sflag:s5], $0x800  }
0x9d: {  	[sflag:s5] =	ssyncset.done $0x0  }
0x9e: {  	s16 =	rddreg [dreg:$0xe];
	[sflag:s5] =	ssyncadd.s32 $0xFFFFF800  }
0x9f: {  	[spmem:s16] =	stream.linear.scatter [tilespmem:s13], [sflag:$0x4], $0x800, $0x38;
	[tilespmem:$0x1EB80] =	vst v63  }
0xa0: {  	_ =	swait.ge [sflag:s5], $0x800  }
0xa1: {  	[sflag:s5] =	ssyncset.done $0x0  }
0xa2: {  	s17 =	rddreg [dreg:$0xf];
	[sflag:s5] =	ssyncadd.s32 $0xFFFFF800  }
0xa3: {  	[spmem:s17] =	stream.linear.scatter [tilespmem:s13], [sflag:$0x4], $0x800, $0x38;
	[tilespmem:$0x1EB80] =	vst v63  }
0xa4: {  	_ =	swait.ge [sflag:s5], $0x800  }
0xa5: {  	[sflag:s5] =	ssyncset.done $0x0  }
0xa6: {  	s18 =	rddreg [dreg:$0x10];
	[sflag:s5] =	ssyncadd.s32 $0xFFFFF800  }
0xa7: {  	[spmem:s18] =	stream.linear.scatter [tilespmem:s13], [sflag:$0x4], $0x800, $0x38;
	[tilespmem:$0x1EB80] =	vst v63  }
0xa8: {  	_ =	swait.ge [sflag:s5], $0x800  }
0xa9: {  	[sflag:s5] =	ssyncset.done $0x0  }
0xaa: {  	s19 =	rddreg [dreg:$0x11];
	[sflag:s5] =	ssyncadd.s32 $0xFFFFF800  }
0xab: {  	[spmem:s19] =	stream.linear.scatter [tilespmem:s13], [sflag:$0x4], $0x800, $0x38;
	[tilespmem:$0x1EB80] =	vst v63  }
0xac: {  	_ =	swait.ge [sflag:s5], $0x800  }
0xad: {  	[sflag:s5] =	ssyncset.done $0x0  }
0xae: {  	s20 =	rddreg [dreg:$0x12];
	[sflag:s5] =	ssyncadd.s32 $0xFFFFF800  }
0xaf: {  	[spmem:s20] =	stream.linear.scatter [tilespmem:s13], [sflag:$0x4], $0x800, $0x38;
	[tilespmem:$0x1EB80] =	vst v63  }
0xb0: {  	_ =	swait.ge [sflag:s5], $0x800  }
0xb1: {  	[sflag:s5] =	ssyncset.done $0x0  }
0xb2: {  	s22 =	rddreg [dreg:$0x13];
	[sflag:s5] =	ssyncadd.s32 $0xFFFFF800  }
0xb3: {  	[spmem:s22] =	stream.linear.scatter [tilespmem:s13], [sflag:$0x4], $0x800, $0x38;
	[tilespmem:$0x1EB80] =	vst v63  }
0xb4: {  	_ =	swait.ge [sflag:s5], $0x800  }
0xb5: {  	[sflag:s5] =	ssyncset.done $0x0  }
0xb6: {  	s23 =	rddreg [dreg:$0x14];
	[sflag:s5] =	ssyncadd.s32 $0xFFFFF800  }
0xb7: {  	[spmem:s23] =	stream.linear.scatter [tilespmem:s13], [sflag:$0x4], $0x800, $0x38;
	[tilespmem:$0x1EB80] =	vst v63  }
0xb8: {  	_ =	swait.ge [sflag:s5], $0x800  }
0xb9: {  	[sflag:s5] =	ssyncset.done $0x0  }
0xba: {  	s24 =	rddreg [dreg:$0x15];
	[sflag:s5] =	ssyncadd.s32 $0xFFFFF800  }
0xbb: {  	[spmem:s24] =	stream.linear.scatter [tilespmem:s13], [sflag:$0x4], $0x800, $0x38;
	[tilespmem:$0x1EB80] =	vst v63  }
0xbc: {  	_ =	swait.ge [sflag:s5], $0x800  }
0xbd: {  	[sflag:s5] =	ssyncset.done $0x0  }
0xbe: {  	s25 =	rddreg [dreg:$0x16];
	[sflag:s5] =	ssyncadd.s32 $0xFFFFF800  }
0xbf: {  	[spmem:s25] =	stream.linear.scatter [tilespmem:s13], [sflag:$0x4], $0x800, $0x38;
	[tilespmem:$0x1EB80] =	vst v63  }
0xc0: {  	_ =	swait.ge [sflag:s5], $0x800  }
0xc1: {  	[sflag:s5] =	ssyncset.done $0x0  }
0xc2: {  	s26 =	rddreg [dreg:$0x17];
	[sflag:s5] =	ssyncadd.s32 $0xFFFFF800  }
0xc3: {  	[spmem:s26] =	stream.linear.scatter [tilespmem:s13], [sflag:$0x4], $0x800, $0x38;
	[tilespmem:$0x1EB80] =	vst v63  }
0xc4: {  	_ =	swait.ge [sflag:s5], $0x800  }
0xc5: {  	[sflag:s5] =	ssyncset.done $0x0  }
0xc6: {  	s9 =	smov.u32 s29;
	s29 =	rddreg [dreg:$0x18];
	[sflag:s5] =	ssyncadd.s32 $0xFFFFF800  }
0xc7: {  	[spmem:s29] =	stream.linear.scatter [tilespmem:s13], [sflag:$0x4], $0x800, $0x38;
	[tilespmem:$0x1EB80] =	vst v63  }
0xc8: {  	_ =	swait.ge [sflag:s5], $0x800  }
0xc9: {  	[sflag:s5] =	ssyncset.done $0x0  }
0xca: {  	s15 =	smov.u32 s31;
	s31 =	rddreg [dreg:$0x19];
	[sflag:s5] =	ssyncadd.s32 $0xFFFFF800  }
0xcb: {  	[spmem:s31] =	stream.linear.scatter [tilespmem:s13], [sflag:$0x4], $0x800, $0x38;
	[tilespmem:$0x1EB80] =	vst v63  }
0xcc: {  	_ =	swait.ge [sflag:s5], $0x800  }
0xcd: {  	[sflag:s5] =	ssyncset.done $0x0  }
0xce: {  	[sflag:s5] =	ssyncadd.s32 $0xFFFFF800  }
0xcf: {  	[spmem:s28] =	stream.linear.scatter [tilespmem:s13], [sflag:$0x4], $0x400, $0x38;
	[tilespmem:$0x1EB80] =	vst v63  }
0xd0: {  	_ =	swait.ge [sflag:s5], $0x400  }
0xd1: {  	s0 =	simm.s32 @!p0 $0x14700;
	[sflag:s5] =	ssyncset.done $0x0  }
0xd2: {  	s8 =	simm.s32 @!p0 $0x4;
	s19 =	sadd.s32 $0x7F, s14;
	[sflag:s5] =	ssyncadd.s32 $0xFFFFFC00  }
0xd3: {  	[spmem:s30] =	stream.linear.scatter @!p0 [tilespmem:s0], [sflag:$0x4], $0x800, $0x38;
	[tilespmem:$0x1EB80] =	vst v63  }
0xd4: {  	s14 =	sshrl.u32 s19, $0x7;
	_ =	swait.ge @!p0 [sflag:s8], $0x800  }
0xd5: {  	p1 =	seq.s32 s14, $0x0;
	[sflag:s8] =	ssyncset.done @!p0 $0x0  }
0xd6: {  	s16 =	simm.s32 @!p1 $0x80;
	[sflag:s8] =	ssyncadd.s32 @!p0 $0xFFFFF800  }
0xd7: {  	s18 =	simm.s32 @!p1 $0x4F00;
	s17 =	simm.s32 @!p1 $0xC700;
	[bflag:$0x0] =	sbarrier.arrive $0xFFFF  }
0xd8: {  	[tilespmem:s17], [sflag:$0x1] =	stream.indirect.gather @!p1 [hbm4b:s4+s16], $0x80, s18, s16, $0xb8;
	[tilespmem:$0x1EB80] =	vst v63  }
0xd9: {  	s18 =	simm.s32 @!p1 $0x1  }
0xda: {  	_ =	swait.ge @!p1 [sflag:s18], $0x4000  }
0xdb: {  	[sflag:s18] =	ssyncset.done @!p1 $0x0  }
0xdc: {  	p2 =	slt.u32 s19, $0x100;
	s0 =	simm.s32 @!p1 $0x9F00;
	[sflag:s18] =	ssyncadd.s32 @!p1 $0xFFFFC000  }
0xdd: {  	[spmem:s1] =	stream.indirect.scatter.add.f32 @!p1 [tilespmem:s17], [sflag:$0x2], $0x80, s0, s16, $0xb8;
	[tilespmem:$0x1EB80] =	vst v63  }
0xde: {  	s19 =	simm.s32 @!p2 $0x80;
	s20 =	simm.s32 @!p2 $0x10700;
	s22 =	simm.s32 @!p2 $0x4F80  }
0xdf: {  	[tilespmem:s20], [sflag:$0x1] =	stream.indirect.gather @!p2 [hbm4b:s4+s19], $0x80, s22, s19, $0xb8;
	[tilespmem:$0x1EB80] =	vst v63  }
.Ltmp4:
0xe0: {  	s22 =	simm.s32 @!p2 $0x1;
	(pc) =	sbr.rel @p1 .LBB2_10-.Ltmp4, $4  }
0xe1: {  	_ =	swait.ge @!p2 [sflag:s22], $0x4000  }
0xe2: {  	s3 =	smov.u32 s28;
	[sflag:s22] =	ssyncset.done @!p2 $0x0  }
0xe3: {  	s7 =	smov.u32 s30;
	s24 =	simm.s32 @!p2 $0x9F80;
	[sflag:s22] =	ssyncadd.s32 @!p2 $0xFFFFC000  }
0xe4: {  	[spmem:s1] =	stream.indirect.scatter.add.f32 @!p2 [tilespmem:s20], [sflag:$0x3], $0x80, s24, s19, $0xb8;
	[tilespmem:$0x1EB80] =	vst v63  }
.Ltmp5:
0xe5: {  	(pc) =	sbr.rel .LBB2_7-.Ltmp5, $2  }
0xe6: {  	_ =	sdelay $0x2  }
0xe7: {  	s23 =	simm.s32 $0x5000;
	s25 =	simm.s32 $0xA000;
	s26 =	simm.s32 $0x0  }
.LBB2_9:
0xe8: {  	s26 =	sadd.s32 $0x1, s26  }
0xe9: {  	p3 =	sne.s32 s14, s26  }
.Ltmp6:
0xea: {  	_ = 	snop;
	(pc) =	sbr.rel @!p3 .LBB2_10-.Ltmp6, $2  }
0xeb: {  	_ =	sdelay $0x2  }
0xec: {  	s23 =	sadd.s32 $0x80, s23;
	s25 =	sadd.s32 $0x80, s25  }
.LBB2_7:
0xed: {  	s28 =	sadd.s32 $0x2, s26  }
0xee: {  	s29 =	sand.u32 $0x1, s28  }
0xef: {  	p3 =	seq.s32 s29, $0x1  }
0xf0: {  	s30 =	simm.s32 @!p3 $0x2;
	p4 =	sge.u32 @!p3 s28, s14  }
0xf1: {  	_ =	swait.ge @!p3 [sflag:s30], $0x4000;
	p4 =	por p4, p3  }
0xf2: {  	[sflag:s30] =	ssyncset.done @!p3 $0x0;
	s31 =	simm.s32 @!p4 $0xC700  }
0xf3: {  	s0 =	simm.s32 @!p4 $0x1;
	[sflag:s30] =	ssyncadd.s32 @!p3 $0xFFFFC000;
	s30 =	simm.s32 @!p4 $0x80  }
0xf4: {  	[tilespmem:s31], [sflag:$0x1] =	stream.indirect.gather @!p4 [hbm4b:s4+s30], $0x80, s23, s30, $0xb8;
	[tilespmem:$0x1EB80] =	vst v63  }
0xf5: {  	_ =	swait.ge @!p4 [sflag:s0], $0x4000  }
0xf6: {  	[sflag:s0] =	ssyncset.done @!p4 $0x0  }
0xf7: {  	[sflag:s0] =	ssyncadd.s32 @!p4 $0xFFFFC000  }
0xf8: {  	[spmem:s1] =	stream.indirect.scatter.add.f32 @!p4 [tilespmem:s31], [sflag:$0x2], $0x80, s25, s30, $0xb8;
	[tilespmem:$0x1EB80] =	vst v63  }
0xf9: {  	p4 =	seq.s32 @!p3 s29, $0x0  }
0xfa: {  	p3 =	por p3, !p4  }
.Ltmp7:
0xfb: {  	_ = 	snop;
	(pc) =	sbr.rel @!p3 .LBB2_9-.Ltmp7, $1  }
0xfc: {  	_ =	sdelay $0x3  }
0xfd: {  	_ =	swait.ge [sflag:s10], $0x4000  }
0xfe: {  	p3 =	sge.u32 s28, s14;
	[sflag:s10] =	ssyncset.done $0x0  }
0xff: {  	s0 =	simm.s32 @!p3 $0x80;
	s28 =	simm.s32 @!p3 $0x10700;
	[sflag:s10] =	ssyncadd.s32 $0xFFFFC000  }
0x100: {  	[tilespmem:s28], [sflag:$0x1] =	stream.indirect.gather @!p3 [hbm4b:s4+s0], $0x80, s23, s0, $0xb8;
	[tilespmem:$0x1EB80] =	vst v63  }
.Ltmp8:
0x101: {  	s29 =	simm.s32 @!p3 $0x1;
	(pc) =	sbr.rel .LBB2_9-.Ltmp8, $4  }
0x102: {  	_ =	swait.ge @!p3 [sflag:s29], $0x4000  }
0x103: {  	[sflag:s29] =	ssyncset.done @!p3 $0x0  }
0x104: {  	[sflag:s29] =	ssyncadd.s32 @!p3 $0xFFFFC000  }
0x105: {  	[spmem:s1] =	stream.indirect.scatter.add.f32 @!p3 [tilespmem:s28], [sflag:$0x3], $0x80, s25, s0, $0xb8;
	[tilespmem:$0x1EB80] =	vst v63  }
.LBB2_10:
0x106: {  	s0 =	stileid.u32  }
0x107: {  	[bflag:$0x0] =	sbarrier.arrive $0xFFFF;
	s31 =	smov.u32 s15;
	s25 =	sshrl.u32 s15, $0x3  }
0x108: {  	s15 =	simm.s32 $0x8;
	s26 =	simm.s32 $0x100;
	s0 =	sshll.u32 s0, $0x6  }
0x109: {  	s28 =	simm.s32 $0x80;
	s23 =	sor.u32 $0x1C04, s0;
	s0 =	rddreg [dreg:$0x5]  }
0x10a: {  	[hbm:s0@s26], [sflag:s23] =	dma.strided [spmem:s25@s28], $0x1380, s15, $0x10   }
0x10b: {  	_ =	swait.ge [sflag:s5], $0x1380  }
0x10c: {  	[sflag:s5] =	ssyncset.done $0x0  }
0x10d: {  	s26 =	sshrl.u32 @!p0 s7, $0x3;
	s0 =	rddreg [dreg:$0x6];
	[sflag:s5] =	ssyncadd.s32 $0xFFFFEC80  }
0x10e: {  	[hbm:s0], [sflag:s23] =	dma.local @!p0 [spmem:s26], $0x80  }
0x10f: {  	_ =	swait.ge @!p0 [sflag:s8], $0x80  }
0x110: {  	[sflag:s8] =	ssyncset.done @!p0 $0x0  }
0x111: {  	[sflag:s8] =	ssyncadd.s32 @!p0 $0xFFFFFF80  }
0x112: {  	[bflag:$0x0] =	sbarrier.arrive $0xFFFF  }
0x113: {  	[spmem:s31] =	stream.linear.scatter [tilespmem:s13], [sflag:$0x4], $0x800, $0x38;
	[tilespmem:$0x1EB80] =	vst v63  }
0x114: {  	_ =	swait.ge [sflag:s5], $0x800  }
0x115: {  	[sflag:s5] =	ssyncset.done $0x0  }
0x116: {  	[sflag:s5] =	ssyncadd.s32 $0xFFFFF800  }
0x117: {  	[spmem:s9] =	stream.linear.scatter [tilespmem:s13], [sflag:$0x4], $0x800, $0x38;
	[tilespmem:$0x1EB80] =	vst v63  }
0x118: {  	_ =	swait.ge [sflag:s5], $0x800  }
0x119: {  	[sflag:s5] =	ssyncset.done $0x0  }
0x11a: {  	[sflag:s5] =	ssyncadd.s32 $0xFFFFF800  }
0x11b: {  	[spmem:s21] =	stream.linear.scatter [tilespmem:s13], [sflag:$0x4], $0x800, $0x38;
	[tilespmem:$0x1EB80] =	vst v63  }
0x11c: {  	_ =	swait.ge [sflag:s5], $0x800  }
0x11d: {  	s30 =	smov.u32 s7;
	[sflag:s5] =	ssyncset.done $0x0  }
0x11e: {  	s7 =	smov.u32 s21;
	s21 =	rddreg [dreg:$0xa];
	[sflag:s5] =	ssyncadd.s32 $0xFFFFF800  }
0x11f: {  	[spmem:s21] =	stream.linear.scatter [tilespmem:s13], [sflag:$0x4], $0x800, $0x38;
	[tilespmem:$0x1EB80] =	vst v63  }
0x120: {  	_ =	swait.ge [sflag:s5], $0x800  }
0x121: {  	[sflag:s5] =	ssyncset.done $0x0  }
0x122: {  	s29 =	smov.u32 s9;
	s9 =	rddreg [dreg:$0xb];
	[sflag:s5] =	ssyncadd.s32 $0xFFFFF800  }
0x123: {  	[spmem:s9] =	stream.linear.scatter [tilespmem:s13], [sflag:$0x4], $0x800, $0x38;
	[tilespmem:$0x1EB80] =	vst v63  }
0x124: {  	_ =	swait.ge [sflag:s5], $0x800  }
0x125: {  	[sflag:s5] =	ssyncset.done $0x0  }
0x126: {  	s15 =	rddreg [dreg:$0xc];
	[sflag:s5] =	ssyncadd.s32 $0xFFFFF800  }
0x127: {  	[spmem:s15] =	stream.linear.scatter [tilespmem:s13], [sflag:$0x4], $0x800, $0x38;
	[tilespmem:$0x1EB80] =	vst v63  }
0x128: {  	_ =	swait.ge [sflag:s5], $0x800  }
0x129: {  	[sflag:s5] =	ssyncset.done $0x0  }
0x12a: {  	s21 =	rddreg [dreg:$0xd];
	[sflag:s5] =	ssyncadd.s32 $0xFFFFF800  }
0x12b: {  	[spmem:s21] =	stream.linear.scatter [tilespmem:s13], [sflag:$0x4], $0x800, $0x38;
	[tilespmem:$0x1EB80] =	vst v63  }
0x12c: {  	_ =	swait.ge [sflag:s5], $0x800  }
0x12d: {  	[sflag:s5] =	ssyncset.done $0x0  }
0x12e: {  	s9 =	rddreg [dreg:$0xe];
	[sflag:s5] =	ssyncadd.s32 $0xFFFFF800  }
0x12f: {  	[spmem:s9] =	stream.linear.scatter [tilespmem:s13], [sflag:$0x4], $0x800, $0x38;
	[tilespmem:$0x1EB80] =	vst v63  }
0x130: {  	_ =	swait.ge [sflag:s5], $0x800  }
0x131: {  	[sflag:s5] =	ssyncset.done $0x0  }
0x132: {  	s15 =	rddreg [dreg:$0xf];
	[sflag:s5] =	ssyncadd.s32 $0xFFFFF800  }
0x133: {  	[spmem:s15] =	stream.linear.scatter [tilespmem:s13], [sflag:$0x4], $0x800, $0x38;
	[tilespmem:$0x1EB80] =	vst v63  }
0x134: {  	_ =	swait.ge [sflag:s5], $0x800  }
0x135: {  	[sflag:s5] =	ssyncset.done $0x0  }
0x136: {  	s21 =	rddreg [dreg:$0x10];
	[sflag:s5] =	ssyncadd.s32 $0xFFFFF800  }
0x137: {  	[spmem:s21] =	stream.linear.scatter [tilespmem:s13], [sflag:$0x4], $0x800, $0x38;
	[tilespmem:$0x1EB80] =	vst v63  }
0x138: {  	_ =	swait.ge [sflag:s5], $0x800  }
0x139: {  	[sflag:s5] =	ssyncset.done $0x0  }
0x13a: {  	s9 =	rddreg [dreg:$0x11];
	[sflag:s5] =	ssyncadd.s32 $0xFFFFF800  }
0x13b: {  	[spmem:s9] =	stream.linear.scatter [tilespmem:s13], [sflag:$0x4], $0x800, $0x38;
	[tilespmem:$0x1EB80] =	vst v63  }
0x13c: {  	_ =	swait.ge [sflag:s5], $0x800  }
0x13d: {  	[sflag:s5] =	ssyncset.done $0x0  }
0x13e: {  	s15 =	rddreg [dreg:$0x12];
	[sflag:s5] =	ssyncadd.s32 $0xFFFFF800  }
0x13f: {  	[spmem:s15] =	stream.linear.scatter [tilespmem:s13], [sflag:$0x4], $0x800, $0x38;
	[tilespmem:$0x1EB80] =	vst v63  }
0x140: {  	_ =	swait.ge [sflag:s5], $0x800  }
0x141: {  	[sflag:s5] =	ssyncset.done $0x0  }
0x142: {  	s21 =	rddreg [dreg:$0x13];
	[sflag:s5] =	ssyncadd.s32 $0xFFFFF800  }
0x143: {  	[spmem:s21] =	stream.linear.scatter [tilespmem:s13], [sflag:$0x4], $0x800, $0x38;
	[tilespmem:$0x1EB80] =	vst v63  }
0x144: {  	_ =	swait.ge [sflag:s5], $0x800  }
0x145: {  	[sflag:s5] =	ssyncset.done $0x0  }
0x146: {  	s9 =	rddreg [dreg:$0x14];
	[sflag:s5] =	ssyncadd.s32 $0xFFFFF800  }
0x147: {  	[spmem:s9] =	stream.linear.scatter [tilespmem:s13], [sflag:$0x4], $0x800, $0x38;
	[tilespmem:$0x1EB80] =	vst v63  }
0x148: {  	_ =	swait.ge [sflag:s5], $0x800  }
0x149: {  	[sflag:s5] =	ssyncset.done $0x0  }
0x14a: {  	s15 =	rddreg [dreg:$0x15];
	[sflag:s5] =	ssyncadd.s32 $0xFFFFF800  }
0x14b: {  	[spmem:s15] =	stream.linear.scatter [tilespmem:s13], [sflag:$0x4], $0x800, $0x38;
	[tilespmem:$0x1EB80] =	vst v63  }
0x14c: {  	_ =	swait.ge [sflag:s5], $0x800  }
0x14d: {  	[sflag:s5] =	ssyncset.done $0x0  }
0x14e: {  	s21 =	rddreg [dreg:$0x16];
	[sflag:s5] =	ssyncadd.s32 $0xFFFFF800  }
0x14f: {  	[spmem:s21] =	stream.linear.scatter [tilespmem:s13], [sflag:$0x4], $0x800, $0x38;
	[tilespmem:$0x1EB80] =	vst v63  }
0x150: {  	_ =	swait.ge [sflag:s5], $0x800  }
0x151: {  	[sflag:s5] =	ssyncset.done $0x0  }
0x152: {  	s9 =	rddreg [dreg:$0x17];
	[sflag:s5] =	ssyncadd.s32 $0xFFFFF800  }
0x153: {  	[spmem:s9] =	stream.linear.scatter [tilespmem:s13], [sflag:$0x4], $0x800, $0x38;
	[tilespmem:$0x1EB80] =	vst v63  }
0x154: {  	_ =	swait.ge [sflag:s5], $0x800  }
0x155: {  	[sflag:s5] =	ssyncset.done $0x0  }
0x156: {  	s15 =	rddreg [dreg:$0x18];
	[sflag:s5] =	ssyncadd.s32 $0xFFFFF800  }
0x157: {  	[spmem:s15] =	stream.linear.scatter [tilespmem:s13], [sflag:$0x4], $0x800, $0x38;
	[tilespmem:$0x1EB80] =	vst v63  }
0x158: {  	_ =	swait.ge [sflag:s5], $0x800  }
0x159: {  	[sflag:s5] =	ssyncset.done $0x0  }
0x15a: {  	s21 =	rddreg [dreg:$0x19];
	[sflag:s5] =	ssyncadd.s32 $0xFFFFF800  }
0x15b: {  	[spmem:s21] =	stream.linear.scatter [tilespmem:s13], [sflag:$0x4], $0x800, $0x38;
	[tilespmem:$0x1EB80] =	vst v63  }
0x15c: {  	_ =	swait.ge [sflag:s5], $0x800  }
0x15d: {  	[sflag:s5] =	ssyncset.done $0x0  }
0x15e: {  	[sflag:s5] =	ssyncadd.s32 $0xFFFFF800  }
0x15f: {  	[spmem:s3] =	stream.linear.scatter [tilespmem:s13], [sflag:$0x4], $0x400, $0x38;
	[tilespmem:$0x1EB80] =	vst v63  }
0x160: {  	_ =	swait.ge [sflag:s5], $0x400  }
0x161: {  	[sflag:s5] =	ssyncset.done $0x0  }
0x162: {  	s0 =	simm.s32 @!p0 $0x14700;
	[sflag:s5] =	ssyncadd.s32 $0xFFFFFC00  }
0x163: {  	[spmem:s30] =	stream.linear.scatter @!p0 [tilespmem:s0], [sflag:$0x4], $0x800, $0x38;
	[tilespmem:$0x1EB80] =	vst v63  }
0x164: {  	_ =	swait.ge @!p0 [sflag:s8], $0x800  }
0x165: {  	[sflag:s8] =	ssyncset.done @!p0 $0x0  }
0x166: {  	[sflag:s8] =	ssyncadd.s32 @!p0 $0xFFFFF800  }
0x167: {  	s0 =	simm.s32 @!p1 $0x7700;
	[bflag:$0x0] =	sbarrier.arrive $0xFFFF  }
0x168: {  	[tilespmem:s17], [sflag:$0x1] =	stream.indirect.gather @!p1 [hbm4b:s4+s16], $0x80, s0, s16, $0xb8;
	[tilespmem:$0x1EB80] =	vst v63  }
0x169: {  	_ =	swait.ge @!p1 [sflag:s18], $0x4000  }
0x16a: {  	[sflag:s18] =	ssyncset.done @!p1 $0x0  }
0x16b: {  	s0 =	simm.s32 @!p1 $0x9F00;
	[sflag:s18] =	ssyncadd.s32 @!p1 $0xFFFFC000  }
0x16c: {  	[spmem:s1] =	stream.indirect.scatter.add.f32 @!p1 [tilespmem:s17], [sflag:$0x2], $0x80, s0, s16, $0xb8;
	[tilespmem:$0x1EB80] =	vst v63  }
0x16d: {  	s0 =	simm.s32 @!p2 $0x7780  }
0x16e: {  	[tilespmem:s20], [sflag:$0x1] =	stream.indirect.gather @!p2 [hbm4b:s4+s19], $0x80, s0, s19, $0xb8;
	[tilespmem:$0x1EB80] =	vst v63  }
.Ltmp9:
0x16f: {  	_ = 	snop;
	(pc) =	sbr.rel @p1 .LBB2_15-.Ltmp9, $4  }
0x170: {  	_ =	swait.ge @!p2 [sflag:s22], $0x4000  }
0x171: {  	[sflag:s22] =	ssyncset.done @!p2 $0x0  }
0x172: {  	s28 =	smov.u32 s3;
	[sflag:s22] =	ssyncadd.s32 @!p2 $0xFFFFC000  }
0x173: {  	[spmem:s1] =	stream.indirect.scatter.add.f32 @!p2 [tilespmem:s20], [sflag:$0x3], $0x80, s24, s19, $0xb8;
	[tilespmem:$0x1EB80] =	vst v63  }
.Ltmp10:
0x174: {  	(pc) =	sbr.rel .LBB2_12-.Ltmp10, $2  }
0x175: {  	_ =	sdelay $0x2  }
0x176: {  	s8 =	simm.s32 $0x7800;
	s15 =	simm.s32 $0xA000;
	s16 =	simm.s32 $0x0  }
.LBB2_14:
0x177: {  	s16 =	sadd.s32 $0x1, s16  }
0x178: {  	p1 =	sne.s32 s14, s16  }
.Ltmp11:
0x179: {  	_ = 	snop;
	(pc) =	sbr.rel @!p1 .LBB2_15-.Ltmp11, $2  }
0x17a: {  	_ =	sdelay $0x2  }
0x17b: {  	s8 =	sadd.s32 $0x80, s8;
	s15 =	sadd.s32 $0x80, s15  }
.LBB2_12:
0x17c: {  	s17 =	sadd.s32 $0x2, s16  }
0x17d: {  	s0 =	sand.u32 $0x1, s17  }
0x17e: {  	p1 =	seq.s32 s0, $0x1  }
0x17f: {  	s18 =	simm.s32 @!p1 $0x2;
	p2 =	sge.u32 @!p1 s17, s14  }
0x180: {  	_ =	swait.ge @!p1 [sflag:s18], $0x4000;
	p2 =	por p2, p1  }
0x181: {  	[sflag:s18] =	ssyncset.done @!p1 $0x0;
	s19 =	simm.s32 @!p2 $0xC700  }
0x182: {  	s20 =	simm.s32 @!p2 $0x1;
	[sflag:s18] =	ssyncadd.s32 @!p1 $0xFFFFC000;
	s18 =	simm.s32 @!p2 $0x80  }
0x183: {  	[tilespmem:s19], [sflag:$0x1] =	stream.indirect.gather @!p2 [hbm4b:s4+s18], $0x80, s8, s18, $0xb8;
	[tilespmem:$0x1EB80] =	vst v63  }
0x184: {  	_ =	swait.ge @!p2 [sflag:s20], $0x4000  }
0x185: {  	[sflag:s20] =	ssyncset.done @!p2 $0x0  }
0x186: {  	[sflag:s20] =	ssyncadd.s32 @!p2 $0xFFFFC000  }
0x187: {  	[spmem:s1] =	stream.indirect.scatter.add.f32 @!p2 [tilespmem:s19], [sflag:$0x2], $0x80, s15, s18, $0xb8;
	[tilespmem:$0x1EB80] =	vst v63  }
0x188: {  	p2 =	seq.s32 @!p1 s0, $0x0  }
0x189: {  	p1 =	por p1, !p2  }
.Ltmp12:
0x18a: {  	_ = 	snop;
	(pc) =	sbr.rel @!p1 .LBB2_14-.Ltmp12, $1  }
0x18b: {  	_ =	sdelay $0x3  }
0x18c: {  	_ =	swait.ge [sflag:s10], $0x4000  }
0x18d: {  	p1 =	sge.u32 s17, s14;
	[sflag:s10] =	ssyncset.done $0x0  }
0x18e: {  	s0 =	simm.s32 @!p1 $0x80;
	s17 =	simm.s32 @!p1 $0x10700;
	[sflag:s10] =	ssyncadd.s32 $0xFFFFC000  }
0x18f: {  	[tilespmem:s17], [sflag:$0x1] =	stream.indirect.gather @!p1 [hbm4b:s4+s0], $0x80, s8, s0, $0xb8;
	[tilespmem:$0x1EB80] =	vst v63  }
.Ltmp13:
0x190: {  	s18 =	simm.s32 @!p1 $0x1;
	(pc) =	sbr.rel .LBB2_14-.Ltmp13, $4  }
0x191: {  	_ =	swait.ge @!p1 [sflag:s18], $0x4000  }
0x192: {  	[sflag:s18] =	ssyncset.done @!p1 $0x0  }
0x193: {  	[sflag:s18] =	ssyncadd.s32 @!p1 $0xFFFFC000  }
0x194: {  	[spmem:s1] =	stream.indirect.scatter.add.f32 @!p1 [tilespmem:s17], [sflag:$0x3], $0x80, s15, s0, $0xb8;
	[tilespmem:$0x1EB80] =	vst v63  }
.LBB2_16:
0x195: {  	_ =	sfence.sel $0x180000  }
0x196: {  	[bflag:$0x0] =	sbarrier.arrive $0xFFFF  }
0x197: {  	_ =	strace $0x9000004D  }
0x198: {  	[bflag:$0x2] =	sbarrier.arrive $0xFFFF  }
0x199: {  	s0 =	rddreg [dreg:$0x2]  }
0x19a: {  	s0 =	sadd.s32 @!p0 $0x100000, s0  }
0x19b: {  	[sflag:s0] =	ssyncadd.tile.s32 @!p0 $0x1;
	_ =	shalt  }
.Lfunc_end2:
_tile_overlayer_lowered:
.L_overlay_start_2:
0x19c: {  	(tag) =	ssettag $0x2  }
0x19d: {  	s0 =	rddreg [dreg:$0x0];
	s2 =	stileid.u32  }
0x19e: {  	s1 =	rddreg [dreg:$0x1];
	p0 =	sne.s32 s2, $0x0  }
0x19f: {  	s3 =	rddreg [dreg:$0x2];
	[bflag:$0x3] =	sbarrier.arrive $0xFFFF;
	s2 =	simm.s32 @!p0 $0x1C04  }
0x1a0: {  	[timem:s3], [sflag:s2] =	dma.local @!p0 [hbm:s0], s1  }
0x1a1: {  	s0 =	simm.s32 @!p0 $0x4  }
0x1a2: {  	_ =	swait.ge @!p0 [sflag:s0], s1  }
0x1a3: {  	s1 =	ssub.s32 @!p0 $0x0, s1;
	[sflag:s0] =	ssyncset.done @!p0 $0x0  }
0x1a4: {  	[sflag:s0] =	ssyncadd.s32 @!p0 s1  }
0x1a5: {  	[bflag:$0x3] =	sbarrier.arrive $0xFFFF  }
0x1a6: {  	_ =	shalt  }

// kernel: kernel.9.cloned.1.call-start
scs
__scs_entry_jumppad:
0x0: {  	(pc) =	sbr.rel $0x88, $3  }
0x1: {  	(tag) =	ssettag $0x0;
	lr =	simm.s32 $0x1  }
0x2: {  	[smem:$0x3F9D] =	sst lr;
	_ =	strace $0xD0000000  }
0x3: {  	_ = 	snop  }
0x4: {  	_ = 	snop  }
0x5: {  	_ = 	snop  }
0x6: {  	_ = 	snop  }
0x7: {  	_ = 	snop  }
__scs_overlays_trampoline_lowered:
0x8: {  	[smem:$0x3FAC] =	sst s0  }
0x9: {  	[smem:$0x3FAD] =	sst s1  }
0xa: {  	[smem:$0x3FAE] =	sst s2  }
0xb: {  	[smem:$0x3FAF] =	sst s3  }
0xc: {  	[smem:$0x3FB0] =	sst s4  }
0xd: {  	[smem:$0x3FB1] =	sst s5  }
0xe: {  	[smem:$0x3FB2] =	sst s6  }
0xf: {  	[smem:$0x3FB3] =	sst s7  }
0x10: {  	[smem:$0x3FB4] =	sst s8  }
0x11: {  	[smem:$0x3FB5] =	sst s9;
	s0 =	simm.s32 @!p0 $0x0  }
0x12: {  	s1 =	sld [smem:$0x3F9B];
	s0 =	simm.s32 @p0 $0x1  }
0x13: {  	[smem:$0x3FB6] =	sst s0;
	s0 =	simm.s32 @!p1 $0x0  }
0x14: {  	s2 =	sld [smem:$0x3F9A];
	s0 =	simm.s32 @p1 $0x1  }
0x15: {  	[smem:$0x3FB7] =	sst s0;
	s0 =	simm.s32 @!p2 $0x0  }
0x16: {  	s3 =	sld [smem:$0x3FDB];
	s0 =	simm.s32 @p2 $0x1  }
0x17: {  	s4 =	simm.s32 $0x1BF5;
	[smem:$0x3FB9] =	sst s0  }
0x18: {  	s0 =	sld [smem:$0x3F9C];
	_ =	swait.ge [sflag:s4], $0x0  }
0x19: {  	s7 =	sld [smem:$0x3F9D]  }
0x1a: {  	s8 =	sadd.s32 $0xFFFFE003, lr  }
0x1b: {  	s9 =	sadd.s32 $0xFFFFFEF7, lr;
	s5 =	simm.s32 $0xFFFFFFFF;
	p2 =	slt.u32 s8, $0xFFFFF086  }
0x1c: {  	p1 =	slt.u32 s9, $0xF7A;
	s5 =	simm.s32 @!p2 $0x0  }
0x1d: {  	s5 =	simm.s32 @p1 $0x1;
	p0 =	seq.s32 s7, s2  }
0x1e: {  	s7 =	smul.u32 @!p0 $0xF7A, s2;
	p2 =	seq.s32 @!p0 s5, $0x0  }
0x1f: {  	s9 =	smul.u32 $0xF7A, s1;
	s8 =	simm.s32 @!p0 $0x1BF5;
	p2 =	por !p2, p0  }
0x20: {  	[sflag:s8] =	ssyncset.s32 @!p0 $0xFFFFF086;
	s6 =	sadd.s32 @!p0 s3, s7;
	s7 =	simm.s32 @!p0 $0x108  }
0x21: {  	s3 =	sadd.s32 s3, s9;
	s6 =	sadd.s32 @!p0 $0x88, s6;
	s7 =	simm.s32 @p2 $0x1082  }
0x22: {  	[simem:s7], [sflag:s8] =	dma.local @!p0 [hbm:s6], $0xF7A  }
0x23: {  	s9 =	sor.u32 $0xD0000000, s2;
	s6 =	simm.s32 $0x108;
	_ =	swait.ge @!p0 [sflag:s8], $0x0  }
0x24: {  	s3 =	sadd.s32 $0x88, s3;
	s6 =	simm.s32 @!p1 $0x1082;
	[sflag:s4] =	ssyncset.s32 $0xFFFFF086  }
0x25: {  	[simem:s6], [sflag:s4] =	dma.local [hbm:s3], $0xF7A  }
0x26: {  	[smem:$0x3F9D] =	sst s1;
	(tag) =	ssettag s2;
	_ =	strace s9  }
0x27: {  	s1 =	sld [smem:$0x3FAD]  }
0x28: {  	s2 =	sld [smem:$0x3FAE]  }
0x29: {  	s4 =	sld [smem:$0x3FB0]  }
0x2a: {  	p0 =	seq.s32 s5, $0x0;
	s5 =	sld [smem:$0x3FB1]  }
0x2b: {  	s6 =	sld [smem:$0x3FB2]  }
0x2c: {  	s7 =	sld [smem:$0x3FB3]  }
0x2d: {  	s3 =	simm.s32 $0x108;
	s8 =	sld [smem:$0x3FB4]  }
0x2e: {  	s3 =	simm.s32 @!p0 $0x1082;
	s9 =	sld [smem:$0x3FB5]  }
0x2f: {  	lr =	sadd.s32 s0, s3;
	s0 =	sld [smem:$0x3FAC]  }
0x30: {  	s3 =	sld [smem:$0x3FAF]  }
0x31: {  	[smem:$0x3FB8] =	sst s10  }
0x32: {  	s10 =	sld [smem:$0x3FB6];
	_ =	sdelay $0x3  }
0x33: {  	p0 =	seq.s32 s10, $0x1;
	s10 =	sld [smem:$0x3FB8];
	_ =	sdelay $0x3  }
0x34: {  	[smem:$0x3FB8] =	sst s10  }
0x35: {  	s10 =	sld [smem:$0x3FB7];
	_ =	sdelay $0x3  }
0x36: {  	p1 =	seq.s32 s10, $0x1;
	s10 =	sld [smem:$0x3FB8];
	_ =	sdelay $0x3  }
0x37: {  	[smem:$0x3FB8] =	sst s10  }
0x38: {  	s10 =	sld [smem:$0x3FB9]  }
0x39: {  	_ = 	snop;
	(pc) =	sbr.ind lr, $3  }
0x3a: {  	_ = 	snop  }
0x3b: {  	_ = 	snop  }
0x3c: {  	p2 =	seq.s32 s10, $0x1;
	s10 =	sld [smem:$0x3FB8]  }
0x3d: {  	_ =	shalt  }
0x3e: {  	_ =	shalt  }
0x3f: {  	_ =	shalt  }
0x40: {  	_ =	shalt  }
0x41: {  	_ =	shalt  }
0x42: {  	_ =	shalt  }
0x43: {  	_ =	shalt  }
0x44: {  	_ =	shalt  }
0x45: {  	_ =	shalt  }
0x46: {  	_ =	shalt  }
0x47: {  	_ =	shalt  }
0x48: {  	_ =	shalt  }
0x49: {  	_ =	shalt  }
0x4a: {  	_ =	shalt  }
0x4b: {  	_ =	shalt  }
0x4c: {  	_ =	shalt  }
0x4d: {  	_ =	shalt  }
0x4e: {  	_ =	shalt  }
0x4f: {  	_ =	shalt  }
0x50: {  	_ =	shalt  }
0x51: {  	_ =	shalt  }
0x52: {  	_ =	shalt  }
0x53: {  	_ =	shalt  }
0x54: {  	_ =	shalt  }
0x55: {  	_ =	shalt  }
0x56: {  	_ =	shalt  }
0x57: {  	_ =	shalt  }
0x58: {  	_ =	shalt  }
0x59: {  	_ =	shalt  }
0x5a: {  	_ =	shalt  }
0x5b: {  	_ =	shalt  }
0x5c: {  	_ =	shalt  }
0x5d: {  	_ =	shalt  }
0x5e: {  	_ =	shalt  }
0x5f: {  	_ =	shalt  }
0x60: {  	_ =	shalt  }
0x61: {  	_ =	shalt  }
0x62: {  	_ =	shalt  }
0x63: {  	_ =	shalt  }
0x64: {  	_ =	shalt  }
0x65: {  	_ =	shalt  }
0x66: {  	_ =	shalt  }
0x67: {  	_ =	shalt  }
0x68: {  	_ =	shalt  }
0x69: {  	_ =	shalt  }
0x6a: {  	_ =	shalt  }
0x6b: {  	_ =	shalt  }
0x6c: {  	_ =	shalt  }
0x6d: {  	_ =	shalt  }
0x6e: {  	_ =	shalt  }
0x6f: {  	_ =	shalt  }
0x70: {  	_ =	shalt  }
0x71: {  	_ =	shalt  }
0x72: {  	_ =	shalt  }
0x73: {  	_ =	shalt  }
0x74: {  	_ =	shalt  }
0x75: {  	_ =	shalt  }
0x76: {  	_ =	shalt  }
0x77: {  	_ =	shalt  }
0x78: {  	_ =	shalt  }
0x79: {  	_ =	shalt  }
0x7a: {  	_ =	shalt  }
0x7b: {  	_ =	shalt  }
0x7c: {  	_ =	shalt  }
0x7d: {  	_ =	shalt  }
0x7e: {  	_ =	shalt  }
0x7f: {  	_ =	shalt  }
0x80: {  	_ =	shalt  }
0x81: {  	_ =	shalt  }
0x82: {  	_ =	shalt  }
0x83: {  	_ =	shalt  }
0x84: {  	_ =	shalt  }
0x85: {  	_ =	shalt  }
0x86: {  	_ =	shalt  }
0x87: {  	_ =	shalt  }
.Lfunc_end0:
.L_simem_size_0:
called_computation_lowered:
.L_overlay_start_0:
0x88: {  	s2 =	sld [smem:$0x3FD9]  }
0x89: {  	s3 =	sld [smem:$0x3FFE];
	_ =	sdelay $0x1  }
0x8a: {  	s1 =	srdreg.scid  }
0x8b: {  	s0 =	sand.u32 $0x1, s1  }
0x8c: {  	s16 =	sshll.u32 s0, $0xA;
	s2 =	sadd.s32 s3, s2  }
0x8d: {  	s2 =	sadd.s32 s2, s16  }
0x8e: {  	[smem:$0x3FC4] =	sst s2  }
0x8f: {  	_ = 	snop  }
0x90: {  	(tm) =	ssettm $0x1  }
0x91: {  	s17 =	sld [smem:$0x3FFB];
	_ =	sdelay $0x3  }
0x92: {  	_ =	strace s17  }
0x93: {  	s2 =	sld [smem:$0x3FFC];
	_ =	sdelay $0x3  }
0x94: {  	_ =	strace s2  }
0x95: {  	s2 =	sld [smem:$0x3FFD];
	_ =	sdelay $0x3  }
0x96: {  	_ =	strace s2  }
0x97: {  	_ =	strace $0x8FFFFFFF  }
0x98: {  	s18 =	sld [smem:$0x3FDB];
	_ =	sdelay $0x1  }
0x99: {  	s19 =	simm.s32 $_scs_section_size  }
0x9a: {  	s4 =	simm.s32 $_size__tile_overlayer_lowered;
	s5 =	simm.s32 $_tile_overlayer_lowered  }
0x9b: {  	s22 =	simm.s32 $0x1BFF;
	s21 =	sshll.u32 s5, $0x1;
	s2 =	sadd.s32 s19, s18  }
0x9c: {  	s6 =	simm.s32 $0x0;
	s20 =	sshll.u32 s4, $0x1;
	s4 =	sadd.s32 s21, s2  }
0x9d: {  	[timem:s6], [sflag:s22] =	dma.local [hbm:s4], s20  }
0x9e: {  	_ =	swait.ge [sflag:s22], s20  }
0x9f: {  	s3 =	ssub.s32 $0x0, s20;
	[sflag:s22] =	ssyncset.done $0x0  }
0xa0: {  	[sflag:s22] =	ssyncadd.s32 s3;
	_ =	sdelay $0x1  }
0xa1: {  	s23 =	simm.s32 $0x1B8B  }
0xa2: {  	_ =	swait.ge [sflag:s23], $0x1  }
0xa3: {  	[sflag:s23] =	ssyncset.done $0x0  }
0xa4: {  	s25 =	simm.s32 $0x1B8E;
	s24 =	sld [smem:$0x3FFE];
	[sflag:s23] =	ssyncadd.s32 $0xFFFFFFFF  }
0xa5: {  	s26 =	simm.s32 $execute0_lowered;
	[smem:$0x3FD2] =	sst s25  }
0xa6: {  	s4 =	sshll.u32 s26, $0x1;
	_ =	strace $0x80000046;
	[dreg:$0x1] =	wrdreg $0xFFFFFFFF  }
0xa7: {  	s28 =	simm.s32 $_size_execute0_lowered;
	s2 =	sadd.s32 s2, s4;
	[dreg:$0x0] =	wrdreg $0x0  }
0xa8: {  	s4 =	sshll.u32 s28, $0x1;
	[dreg:$0x2] =	wrdreg s2  }
0xa9: {  	[dreg:$0x3] =	wrdreg s4  }
0xaa: {  	[dreg:$0x4] =	wrdreg $0xC0  }
0xab: {  	_ =	task [dreg:s6], $0x5FFFF  }
0xac: {  	[dreg:$0x1] =	wrdreg $0xFFFFFFFF  }
0xad: {  	[dreg:$0x0] =	wrdreg $0x60  }
0xae: {  	[dreg:$0x2] =	wrdreg s24  }
0xaf: {  	[dreg:$0x3] =	wrdreg $0x44000  }
0xb0: {  	[dreg:$0x4] =	wrdreg $0x9  }
0xb1: {  	_ =	task.clear_ibuf [dreg:s6], $0x5FFFF;
	_ =	strace $0x90000046  }
0xb2: {  	s29 =	simm.s32 $0x9;
	_ =	strace $0x80000048  }
0xb3: {  	_ =	swait.ge [sflag:s29], $0x1  }
0xb4: {  	[sflag:s29] =	ssyncadd.s32 $0xFFFFFFFF  }
0xb5: {  	_ =	strace $0x90000048  }
0xb6: {  	_ =	sfence  }
0xb7: {  	s30 =	sld [smem:$0x0];
	_ =	sdelay $0x2  }
0xb8: {  	s31 =	sshll.u32 s1, $0xD;
	s1 =	sshrl.u32 s1, $0x2  }
0xb9: {  	s3 =	sand.u32 $0x4000, s31;
	s1 =	sadd.s32 s1, s30  }
0xba: {  	s0 =	sor.u32 s3, s0;
	s1 =	sshll.u32 s1, $0x11  }
0xbb: {  	s0 =	sor.u32 s1, s0  }
0xbc: {  	s0 =	sadd.s32 $0x8F2B, s0  }
0xbd: {  	[sflag:s0] =	ssyncadd.remote.s32 $0x1  }
0xbe: {  	_ =	sfence.sel $0xFFFF  }
0xbf: {  	[dreg:$0x0] =	wrdreg $0xFFFFFFFF;
	(pc) =	sbr.abs _section_cstart, $3  }
0xc0: {  	[dreg:$0x1] =	wrdreg $0xFFFFFFFF  }
0xc1: {  	_ =	task.clear_ibuf [dreg:s6], $0x2FFFF;
	_ =	strace $0x9FFFFFFF  }
0xc2: {  	(tm) =	ssettm $0x7FFFFFFF  }
0xc3: {  	_ =	shalt  }
tec
execute0_lowered:
.L_overlay_start_1:
0x0: {  	(tag) =	ssettag $0x1  }
0x1: {  	s0 =	srdreg.scid;
	s4 =	rddreg [dreg:$0x0];
	v1 =	vimm.s32 $0xEDCBA987  }
0x2: {  	s1 =	rddreg [dreg:$0x1];
	s8 =	stileid.u32;
	v3 =	vimm.s32 $0x65432100;
	v2 =	vlaneseq.u32;
	v7 =	vimm.s32 $0xFFEDCBA9  }
0x3: {  	s2 =	simm.s32 $0x0;
	v8 =	vimm.s32 $0x87654321;
	vm0 =	vcmask $0x300;
	v9 =	vimm.s32 $0x10;
	s9 =	simm.s32 $0x2780;
	s10 =	simm.s32 $0x28  }
0x4: {  	s11 =	simm.s32 $0x4380;
	s3 =	sand.u32 $0x1, s0;
	v5 =	vunpack.c.l.s4.s8 v1;
	s5 =	smul.u32 $0x4E2, s8;
	v1 =	vimm.f32 $0.0e+00;
	v6 =	vunpack.c.l.s4.s8 v3  }
0x5: {  	[smem:$0x7FF] =	sst s2;
	v3 =	vor.u32 $0x10, v2;
	v7 =	vunpack.c.l.s4.s8 v7;
	v8 =	vunpack.c.l.s4.s8 v8;
	p0 =	sne.s32 s8, $0x0;
	s0 =	smul.u32 $0xFFFFEC78, s3  }
0x6: {  	v4 =	vadd.s32 $0x18, v2;
	v11 =	vmul.u32 $0xFFFFFFFF, v2;
	s8 =	simm.s32 $0x1;
	s6 =	smul.u32 $0x280, s3;
	s3 =	ssub.s32 $0x2, s3;
	v5 =	vunpack.c.0.s8.s32 v5  }
0x7: {  	s12 =	sshrl.u32 @!p0 s1, $0x3;
	v6 =	vunpack.c.0.s8.s32 v6;
	s5 =	sadd.s32 s5, s4;
	s31 =	sshrl.u32 s3, $0x1;
	v10 =	vunpack.c.0.s8.s32 v7;
	v8 =	vunpack.c.0.s8.s32 v8  }
0x8: {  	v7 =	vsel vm0, $0x0, v9;
	vm0 =	vmmov $0x1;
	v0 =	vmov s0;
	s0 =	rddreg [dreg:$0x2];
	_ =	strace $0x80000047;
	s6 =	sadd.s32 s6, s4  }
0x9: {  	v9 =	vadd.s32 $0xF, v11;
	s7 =	ssub.s32 s3, s31;
	s3 =	sadd.s32 $0x800, s1;
	s4 =	sadd.s32 $0x1000, s1;
	v5 =	vand.u32 $0xF, v5;
	v8 =	vcombine.low v8, v10  }
0xa: {  	s5 =	sadd.s32 $0x1E00, s5;
	s6 =	sadd.s32 $0xBE00, s6;
	s7 =	smax.u32 s7, $0x1;
	v10 =	vadd.s32 $0x1F, v11;
	v5 =	vcombine.low v6, v5;
	v6 =	vadd.s32 $0x1388, v2  }
.LBB2_1:
0xb: {  	s13 =	simm.s32 $0x0;
	s14 =	simm.s32 $0x200  }
.LBB2_2:
0xc: {  	p1 =	sne.s32 s14, $0x1E00;
	[tilespmem:s13+$0x3BF0] =	vst v1  }
0xd: {  	[tilespmem:s13+$0x3B80] =	vst v1  }
0xe: {  	[tilespmem:s13+$0x3B90] =	vst v1  }
.Ltmp0:
0xf: {  	[tilespmem:s13+$0x3BA0] =	vst v1;
	(pc) =	sbr.rel @p1 .LBB2_2-.Ltmp0, $4  }
0x10: {  	[tilespmem:s13+$0x3BB0] =	vst v1  }
0x11: {  	[tilespmem:s13+$0x3BC0] =	vst v1  }
0x12: {  	[tilespmem:s13+$0x3BD0] =	vst v1  }
0x13: {  	[tilespmem:s13+$0x3BE0] =	vst v1;
	s13 =	sshra.s32 s14, $0x2;
	s14 =	sadd.s32 $0x200, s14  }
0x14: {  	[tilespmem:s13+$0x3BF0] =	vst v1  }
0x15: {  	[tilespmem:s13+$0x3B80] =	vst v1  }
0x16: {  	[tilespmem:s13+$0x3B90] =	vst v1  }
0x17: {  	[tilespmem:s13+$0x3BA0] =	vst v1  }
0x18: {  	[tilespmem:s13+$0x3BB0] =	vst v1  }
0x19: {  	[tilespmem:s13+$0x3BC0] =	vst v1  }
0x1a: {  	[tilespmem:s13+$0x3BD0] =	vst v1  }
0x1b: {  	[tilespmem:s13+$0x3BE0] =	vst v1;
	s13 =	simm.s32 $0x70;
	s14 =	simm.s32 $0x3C0  }
.LBB2_4:
0x1c: {  	p1 =	sne.s32 s14, $0x4FC0;
	[tilespmem:s13+$0x2780] =	vst v1  }
0x1d: {  	[tilespmem:s13+$0x2710] =	vst v1  }
0x1e: {  	[tilespmem:s13+$0x2720] =	vst v1  }
.Ltmp1:
0x1f: {  	[tilespmem:s13+$0x2730] =	vst v1;
	(pc) =	sbr.rel @p1 .LBB2_4-.Ltmp1, $4  }
0x20: {  	[tilespmem:s13+$0x2740] =	vst v1  }
0x21: {  	[tilespmem:s13+$0x2750] =	vst v1  }
0x22: {  	[tilespmem:s13+$0x2760] =	vst v1  }
0x23: {  	[tilespmem:s13+$0x2770] =	vst v1;
	s13 =	sshra.s32 s14, $0x2;
	s14 =	sadd.s32 $0x200, s14  }
0x24: {  	[tilespmem:s13+$0x2780] =	vst v1  }
0x25: {  	[tilespmem:s13+$0x2710] =	vst v1  }
0x26: {  	[tilespmem:s13+$0x2720] =	vst v1  }
0x27: {  	[tilespmem:s13+$0x2730] =	vst v1  }
0x28: {  	[tilespmem:s13+$0x2740] =	vst v1  }
0x29: {  	[tilespmem:s13+$0x2750] =	vst v1  }
0x2a: {  	[tilespmem:s13+$0x2760] =	vst v1  }
0x2b: {  	[tilespmem:s13+$0x2770] =	vst v1  }
0x2c: {  	[tilespmem:$0x4380] =	vst v2  }
0x2d: {  	[tilespmem:$0x4390] =	vst v3  }
0x2e: {  	s13 =	simm.s32 @!p0 $0x3B80;
	s14 =	simm.s32 @!p0 $0x1;
	[tilespmem:$0x4398] =	vst v4  }
0x2f: {  	[spmem:s1] =	stream.linear.scatter @!p0 [tilespmem:s13], [sflag:$0x1], $0x800, $0x38;
	[tilespmem:$0x4540] =	vst v63  }
0x30: {  	_ =	swait.ge @!p0 [sflag:s14], $0x800  }
0x31: {  	[sflag:s14] =	ssyncset.done @!p0 $0x0  }
0x32: {  	[sflag:s14] =	ssyncadd.s32 @!p0 $0xFFFFF800  }
0x33: {  	[spmem:s3] =	stream.linear.scatter @!p0 [tilespmem:s13], [sflag:$0x1], $0x800, $0x38;
	[tilespmem:$0x4540] =	vst v63  }
0x34: {  	_ =	swait.ge @!p0 [sflag:s14], $0x800  }
0x35: {  	[sflag:s14] =	ssyncset.done @!p0 $0x0  }
0x36: {  	[sflag:s14] =	ssyncadd.s32 @!p0 $0xFFFFF800  }
0x37: {  	[spmem:s4] =	stream.linear.scatter @!p0 [tilespmem:s13], [sflag:$0x1], $0x400, $0x38;
	[tilespmem:$0x4540] =	vst v63  }
0x38: {  	_ =	swait.ge @!p0 [sflag:s14], $0x400  }
0x39: {  	[sflag:s14] =	ssyncset.done @!p0 $0x0  }
0x3a: {  	s31 =	simm.s32 $0x0;
	[sflag:s14] =	ssyncadd.s32 @!p0 $0xFFFFFC00  }
0x3b: {  	[tilespmem:s31], [sflag:$0x1] =	stream.linear.gather [hbm4b:s5+s31], $0x2710, $0x38;
	[tilespmem:$0x4540] =	vst v63  }
0x3c: {  	_ =	swait.ge [sflag:s8], $0x2710  }
0x3d: {  	[sflag:s8] =	ssyncset.done $0x0  }
0x3e: {  	s13 =	simm.s32 $0x40;
	s14 =	simm.s32 $0x0;
	[sflag:s8] =	ssyncadd.s32 $0xFFFFD8F0  }
.LBB2_6:
0x3f: {  	p1 =	sne.s32 s13, $0x9C00;
	v11 =	vld [tilespmem:s14+$0x0];
	_ =	sdelay $0x4  }
0x40: {  	v11 =	vadd.s32 v0, v11  }
0x41: {  	vm1 =	vlt.u32 v11, $0x1388  }
0x42: {  	v11 =	vsel vm1, v11, v6  }
0x43: {  	v12 =	vxor.u32 $0x80000000, v11  }
0x44: {  	(xrf1) =	vsort.ascd.msk.u32 $0xffff, v12, v11;
	_ =	sdelay $0xd  }
0x45: {  	v11, _, _ =	vpop (xrf1)  }
0x46: {  	v11 =	vxor.u32 $0x80000000, v11  }
0x47: {  	v12 =	vperm.xlane v11, v5;
	_ =	sdelay $0x1  }
0x48: {  	vm2 =	vne.s32 v11, v12  }
0x49: {  	v12 =	vsel vm2, v2, v7  }
0x4a: {  	v12 =	vperm.xlane v12, v8  }
0x4b: {  	vm1 =	veq.s32 v2, $0xF  }
0x4c: {  	v12 =	vsel vm1, $0x10, v12  }
0x4d: {  	v12 =	vsub.s32 $0x1F, v12  }
0x4e: {  	v12 =	vperm.xlane v12, v9;
	_ =	sdelay $0x1  }
0x4f: {  	v12 =	vxor.u32 $0x80000000, v12  }
0x50: {  	(xrf0) =	vmax.scan.msk.u32 $0xffff, v12;
	_ =	sdelay $0x5  }
0x51: {  	v12, _, _ =	vpop (xrf0)  }
0x52: {  	vm2 =	vmor vm2, vm0;
	v12 =	vxor.u32 $0x80000000, v12  }
0x53: {  	v12 =	vperm.xlane v12, v9  }
.Ltmp2:
0x54: {  	(pc) =	sbr.rel @p1 .LBB2_6-.Ltmp2, $3  }
0x55: {  	v12 =	vsub.s32 v10, v12  }
0x56: {  	v12 =	vcvt.s32.f32 v12;
	_ =	sdelay $0x1  }
0x57: {  	s14 =	sshra.s32 s13, $0x2;
	s13 =	sadd.s32 $0x40, s13;
	[tilespmem:v11+s9+$0x0] =	vst.idx.add.f32.msk vm2, v12  }
0x58: {  	v11 =	vld [tilespmem:s14+$0x0];
	_ =	sdelay $0x4  }
0x59: {  	v11 =	vadd.s32 v0, v11  }
0x5a: {  	vm2 =	vlt.u32 v11, $0x1388  }
0x5b: {  	v11 =	vsel vm2, v11, v6  }
0x5c: {  	v12 =	vxor.u32 $0x80000000, v11  }
0x5d: {  	(xrf1) =	vsort.ascd.msk.u32 $0xffff, v12, v11;
	_ =	sdelay $0xd  }
0x5e: {  	v11, _, _ =	vpop (xrf1)  }
0x5f: {  	v11 =	vxor.u32 $0x80000000, v11  }
0x60: {  	v63 =	vperm.xlane v11, v5;
	_ =	sdelay $0x1  }
0x61: {  	vm2 =	vne.s32 v11, v63  }
0x62: {  	v12 =	vsel vm2, v2, v7  }
0x63: {  	v12 =	vperm.xlane v12, v8;
	_ =	sdelay $0x1  }
0x64: {  	v12 =	vsel vm1, $0x10, v12  }
0x65: {  	v12 =	vsub.s32 $0x1F, v12  }
0x66: {  	v12 =	vperm.xlane v12, v9;
	_ =	sdelay $0x1  }
0x67: {  	v12 =	vxor.u32 $0x80000000, v12  }
0x68: {  	(xrf0) =	vmax.scan.msk.u32 $0xffff, v12;
	_ =	sdelay $0x5  }
0x69: {  	v12, _, _ =	vpop (xrf0)  }
0x6a: {  	vm1 =	vmor vm2, vm0;
	v12 =	vxor.u32 $0x80000000, v12  }
0x6b: {  	v12 =	vperm.xlane v12, v9;
	_ =	sdelay $0x1  }
0x6c: {  	v12 =	vsub.s32 v10, v12  }
0x6d: {  	v12 =	vcvt.s32.f32 v12;
	_ =	sdelay $0x1  }
0x6e: {  	[tilespmem:v11+s9+$0x0] =	vst.idx.add.f32.msk vm1, v12  }
0x6f: {  	[bflag:$0x0] =	sbarrier.arrive $0xFFFF  }
0x70: {  	[spmem:s1] =	stream.indirect.scatter.add.f32 [tilespmem:s9], [sflag:$0x1], $0x80, s11, s10, $0xb8;
	[tilespmem:$0x4540] =	vst v63  }
0x71: {  	_ =	swait.ge [sflag:s8], $0x1400  }
0x72: {  	[sflag:s8] =	ssyncset.done $0x0  }
0x73: {  	s2 =	sadd.s32 $0x1, s2;
	[sflag:s8] =	ssyncadd.s32 $0xFFFFEC00  }
0x74: {  	s13 =	simm.s32 @!p0 $0x1C01;
	p1 =	sne.s32 s2, s7;
	[bflag:$0x0] =	sbarrier.arrive $0xFFFF  }
0x75: {  	[hbm:s6], [sflag:s13] =	dma.local @!p0 [spmem:s12], $0x280  }
.Ltmp3:
0x76: {  	_ = 	snop;
	(pc) =	sbr.rel @p1 .LBB2_1-.Ltmp3, $4  }
0x77: {  	s13 =	simm.s32 @!p0 $0x1  }
0x78: {  	_ =	swait.ge @!p0 [sflag:s13], $0x280  }
0x79: {  	[sflag:s13] =	ssyncset.done @!p0 $0x0  }
0x7a: {  	[sflag:s13] =	ssyncadd.s32 @!p0 $0xFFFFFD80  }
0x7b: {  	_ =	sfence.sel $0x180000  }
0x7c: {  	[bflag:$0x0] =	sbarrier.arrive $0xFFFF  }
0x7d: {  	_ =	strace $0x90000047  }
0x7e: {  	s0 =	sadd.s32 @!p0 $0x100000, s0;
	[bflag:$0x2] =	sbarrier.arrive $0xFFFF  }
0x7f: {  	[sflag:s0] =	ssyncadd.tile.s32 @!p0 $0x1;
	_ =	shalt  }
.Lfunc_end2:
_tile_overlayer_lowered:
.L_overlay_start_2:
0x80: {  	(tag) =	ssettag $0x2  }
0x81: {  	s0 =	rddreg [dreg:$0x0];
	s2 =	stileid.u32  }
0x82: {  	s1 =	rddreg [dreg:$0x1];
	p0 =	sne.s32 s2, $0x0  }
0x83: {  	s3 =	rddreg [dreg:$0x2];
	[bflag:$0x3] =	sbarrier.arrive $0xFFFF;
	s2 =	simm.s32 @!p0 $0x1C01  }
0x84: {  	[timem:s3], [sflag:s2] =	dma.local @!p0 [hbm:s0], s1  }
0x85: {  	s0 =	simm.s32 @!p0 $0x1  }
0x86: {  	_ =	swait.ge @!p0 [sflag:s0], s1  }
0x87: {  	s1 =	ssub.s32 @!p0 $0x0, s1;
	[sflag:s0] =	ssyncset.done @!p0 $0x0  }
0x88: {  	[sflag:s0] =	ssyncadd.s32 @!p0 s1  }
0x89: {  	[bflag:$0x3] =	sbarrier.arrive $0xFFFF  }
0x8a: {  	_ =	shalt  }

</sc_bundles>
